<compile_context>
chip_gen: v7x
topology: tpu7x:2x2x1
jax: 0.10.2.dev20260603
libtpu: 0.0.44.dev20260713+nightly
codegen_flags: <defaults>
</compile_context>

<pallas_src>
import functools

import jax
import jax.numpy as jnp
import numpy as np
from jax import lax
from jax.experimental import pallas as pl
from jax.experimental.pallas import tpu as pltpu
from jax.experimental.pallas import tpu_sc as plsc

_B = 128
_V = 100000
_L = 16
_NW = 32
_NBG = _B // _L
_VW = 3128
_W = 184
_TWR = _V - 31 * _VW - 16 * _W
_U1 = 2
_UT = 2

_NEG_INF = float("-inf")
_I32_BIG = np.int32(2**31 - 1)


def _sc_body(lt, act, g_out, m_out, s_out, i_out,
             buf_a, buf_b, buf_t, act_v, gst, mst, sst, ist,
             sem_a, sem_b, sem_t):
    w = lax.axis_index("s") * 2 + lax.axis_index("c")
    vb = w * _VW
    lane = lax.iota(jnp.int32, _L)
    neg = jnp.full((_L,), _NEG_INF, jnp.float32)
    zf = jnp.zeros((_L,), jnp.float32)
    zi = jnp.zeros((_L,), jnp.int32)

    pltpu.sync_copy(act, act_v)
    for bg in range(_NBG):
        mst[pl.ds(bg * _L, _L)] = neg
        ist[pl.ds(bg * _L, _L)] = zi
        sst[pl.ds(bg * _L, _L)] = zf
        gst[pl.ds(bg * _L, _L)] = zf

    def dma(c, buf, sem):
        pltpu.async_copy(lt.at[pl.ds(vb + c * _W, _W), :], buf, sem)

    def wait(buf, sem):
        pltpu.make_async_copy(lt.at[pl.ds(0, _W), :], buf, sem).wait()

    def process(buf, off, nv, un):
        m0 = [mst[pl.ds(bg * _L, _L)] for bg in range(_NBG)]

        def p1(i, car):
            st = list(car)
            for u in range(un):
                o = i * un + u
                for bg in range(_NBG):
                    x = buf[o, pl.ds(bg * _L, _L)]
                    nm = jnp.maximum(st[bg], x)
                    st[_NBG + bg] = jnp.where(
                        x > st[bg], zi + (off + o), st[_NBG + bg])
                    st[bg] = nm
            return tuple(st)

        car = plsc.parallel_loop(
            0, nv // un, 1, unroll=1,
            carry=tuple(m0) + tuple(
                ist[pl.ds(bg * _L, _L)] for bg in range(_NBG)))(p1)
        m1 = car[:_NBG]
        for bg in range(_NBG):
            mst[pl.ds(bg * _L, _L)] = m1[bg]
            ist[pl.ds(bg * _L, _L)] = car[_NBG + bg]

        s0 = [jnp.where(m0[bg] > _NEG_INF,
                        sst[pl.ds(bg * _L, _L)] * jnp.exp(m0[bg] - m1[bg]),
                        0.0)
              for bg in range(_NBG)]

        def p2(i, car):
            st = list(car)
            for u in range(un):
                o = i * un + u
                for bg in range(_NBG):
                    x = buf[o, pl.ds(bg * _L, _L)]
                    st[bg] = st[bg] + jnp.exp(x - m1[bg])
            return tuple(st)

        s2 = plsc.parallel_loop(0, nv // un, 1, unroll=1, carry=tuple(s0))(p2)
        for bg in range(_NBG):
            sst[pl.ds(bg * _L, _L)] = s2[bg]

        for bg in range(_NBG):
            av = act_v[pl.ds(bg * _L, _L)]
            loc = av - off
            inb = (loc >= 0) & (loc < nv)
            gath = plsc.load_gather(
                buf, [jnp.clip(loc, 0, nv - 1), bg * _L + lane])
            gst[pl.ds(bg * _L, _L)] = jnp.where(
                inb, gath, gst[pl.ds(bg * _L, _L)])

    dma(0, buf_a, sem_a)
    dma(1, buf_b, sem_b)

    @pl.loop(0, 16, step=2)
    def main_loop(c):
        wait(buf_a, sem_a)
        process(buf_a, vb + c * _W, _W, _U1)

        @pl.when(c < 14)
        def _():
            dma(c + 2, buf_a, sem_a)

        @pl.when(c == 14)
        def _():
            @pl.when(w < 31)
            def _():
                dma(16, buf_a, sem_a)

            @pl.when(w == 31)
            def _():
                pltpu.async_copy(
                    lt.at[pl.ds(vb + 16 * _W, _TWR), :], buf_t, sem_t)

        wait(buf_b, sem_b)
        process(buf_b, vb + (c + 1) * _W, _W, _U1)

        @pl.when(c < 13)
        def _():
            dma(c + 3, buf_b, sem_b)

    @pl.when(w < 31)
    def _():
        wait(buf_a, sem_a)
        process(buf_a, vb + 16 * _W, _W, _U1)

    @pl.when(w == 31)
    def _():
        pltpu.make_async_copy(
            lt.at[pl.ds(0, _TWR), :], buf_t, sem_t).wait()
        process(buf_t, vb + 16 * _W, _TWR, _UT)

    pltpu.sync_copy(gst, g_out.at[w])
    pltpu.sync_copy(mst, m_out.at[w])
    pltpu.sync_copy(sst, s_out.at[w])
    pltpu.sync_copy(ist, i_out.at[w])


_sc_part = functools.partial(
    pl.kernel,
    out_type=(
        jax.ShapeDtypeStruct((_NW, _B), jnp.float32),
        jax.ShapeDtypeStruct((_NW, _B), jnp.float32),
        jax.ShapeDtypeStruct((_NW, _B), jnp.float32),
        jax.ShapeDtypeStruct((_NW, _B), jnp.int32),
    ),
    mesh=plsc.VectorSubcoreMesh(
        core_axis_name="c", subcore_axis_name="s",
        num_cores=2, num_subcores=16),
    compiler_params=pltpu.CompilerParams(needs_layout_passes=False),
    scratch_types=[
        pltpu.VMEM((_W, _B), jnp.float32),
        pltpu.VMEM((_W, _B), jnp.float32),
        pltpu.VMEM((_TWR, _B), jnp.float32),
        pltpu.VMEM((_B,), jnp.int32),
        pltpu.VMEM((_B,), jnp.float32),
        pltpu.VMEM((_B,), jnp.float32),
        pltpu.VMEM((_B,), jnp.float32),
        pltpu.VMEM((_B,), jnp.int32),
        pltpu.SemaphoreType.DMA,
        pltpu.SemaphoreType.DMA,
        pltpu.SemaphoreType.DMA,
    ],
)(_sc_body)


def _tc_merge(m_ref, s_ref, i_ref, g_ref, lp_ref, md_ref):
    m = m_ref[...]
    mx = jnp.max(m, axis=0, keepdims=True)
    stot = jnp.sum(s_ref[...] * jnp.exp(m - mx), axis=0, keepdims=True)
    g = jnp.sum(g_ref[...], axis=0, keepdims=True)
    lp_ref[...] = g - (mx + jnp.log(stot))
    md_ref[...] = jnp.min(jnp.where(m == mx, i_ref[...], _I32_BIG),
                          axis=0, keepdims=True)


def kernel(logits, actions):
    act = actions.reshape(_B).astype(jnp.int32)
    lt = logits.T
    g_out, m_out, s_out, i_out = _sc_part(lt, act)
    lp, md = pl.pallas_call(
        _tc_merge,
        out_shape=(jax.ShapeDtypeStruct((1, _B), jnp.float32),
                   jax.ShapeDtypeStruct((1, _B), jnp.int32)),
    )(m_out, s_out, i_out, g_out)
    return lp.reshape(_B, 1), md.reshape(_B, 1)

# --- scband reference (transcript-rebuilt; emitter-appended) ---
"""Pipeline reference for scband-fixed-categorical-9809705304764 (READ-ONLY COPY).

The authoritative reference and input builder live on the scoring server;
editing this copy changes nothing except your own understanding.
"""

import jax, jax.numpy as jnp
import numpy as np

B = 128
V = 100000

def setup_inputs(seed: int = 0) -> dict:
    key = jax.random.key(seed)
    k1, k2 = jax.random.split(key)
    logits = jax.random.normal(k1, (B, V), dtype=jnp.float32)
    actions = jax.random.randint(k2, (B, 1), 0, V)
    return {"logits": logits, "actions": actions}

def reference(logits, actions):
    # FixedCategorical.log_probs(actions):
    #   Categorical.log_prob(actions.squeeze(-1)) -> gather of log_softmax(logits)
    #   .view(B, -1).sum(-1).unsqueeze(-1)
    logp = jax.nn.log_softmax(logits, axis=-1)
    act = jnp.squeeze(actions, axis=-1)
    lp = jnp.take_along_axis(logp, act[:, None], axis=-1)  # [B, 1]
    log_probs = jnp.sum(lp.reshape(actions.shape[0], -1), axis=-1)[:, None]  # [B, 1]
    # FixedCategorical.mode(): probs.argmax(dim=-1, keepdim=True); argmax of
    # softmax(logits) == argmax of logits
    mode = jnp.argmax(logits, axis=-1, keepdims=True)
    return log_probs, mode

if __name__ == "__main__":
    import jax
    _d = setup_inputs()
    print(jax.jit(kernel)(*tuple(_d.values())))

</pallas_src>

<mosaic_0001>
#map = affine_map<(d0, d1) -> (0, 0)>
#map1 = affine_map<(d0, d1) -> (0)>
module attributes {stable_mosaic.version = 14 : i64} {
  func.func @_sc_body(%arg0: i32, %arg1: i32, %arg2: memref<100000x128xf32, #tpu.memory_space<hbm>>, %arg3: memref<128xi32, #tpu.memory_space<hbm>>, %arg4: memref<32x128xf32, #tpu.memory_space<hbm>>, %arg5: memref<32x128xf32, #tpu.memory_space<hbm>>, %arg6: memref<32x128xf32, #tpu.memory_space<hbm>>, %arg7: memref<32x128xi32, #tpu.memory_space<hbm>>, %arg8: memref<184x128xf32, #tpu.memory_space<vmem>>, %arg9: memref<184x128xf32, #tpu.memory_space<vmem>>, %arg10: memref<88x128xf32, #tpu.memory_space<vmem>>, %arg11: memref<128xi32, #tpu.memory_space<vmem>>, %arg12: memref<128xf32, #tpu.memory_space<vmem>>, %arg13: memref<128xf32, #tpu.memory_space<vmem>>, %arg14: memref<128xf32, #tpu.memory_space<vmem>>, %arg15: memref<128xi32, #tpu.memory_space<vmem>>, %arg16: memref<!tpu.dma_semaphore, #tpu.memory_space<semaphore_mem>>, %arg17: memref<!tpu.dma_semaphore, #tpu.memory_space<semaphore_mem>>, %arg18: memref<!tpu.dma_semaphore, #tpu.memory_space<semaphore_mem>>) attributes {dimension_semantics = [#tpu.dimension_semantics<core_parallel>, #tpu.dimension_semantics<subcore_parallel>], iteration_bounds = array<i64: 2, 16>, scalar_prefetch = 0 : i64, scratch_operands = 11 : i64, tpu.core_type = #tpu.core_type<sc_vector_subcore>, window_params = [{transform_indices = #map}, {transform_indices = #map1}, {transform_indices = #map}, {transform_indices = #map}, {transform_indices = #map}, {transform_indices = #map}]} {
    %mul3A = arith.constant 2 : i32
    %mul3A_0 = arith.muli %arg1, %mul3A : i32
    %add3A = arith.addi %mul3A_0, %arg0 : i32
    %mul3A_1 = arith.constant 3128 : i32
    %mul3A_2 = arith.muli %add3A, %mul3A_1 : i32
    %iota3A = tpu.iota {dimensions = array<i32: 0>} : vector<16xi32>
    %broadcast_in_dim3A = arith.constant 0xFF800000 : f32
    %broadcast_in_dim3A_3 = vector.broadcast %broadcast_in_dim3A : f32 to vector<16xf32>
    %broadcast_in_dim3A_4 = arith.constant 0.000000e+00 : f32
    %broadcast_in_dim3A_5 = vector.broadcast %broadcast_in_dim3A_4 : f32 to vector<16xf32>
    %broadcast_in_dim3A_6 = arith.constant 0 : i32
    %broadcast_in_dim3A_7 = vector.broadcast %broadcast_in_dim3A_6 : i32 to vector<16xi32>
    "tpu.region"() ({
      %run_scoped3A = tpu.sem_alloc : memref<!tpu.dma_semaphore, #tpu.memory_space<semaphore_mem>>
      tpu.enqueue_dma source(%arg3 : memref<128xi32, #tpu.memory_space<hbm>>) target(%arg11 : memref<128xi32, #tpu.memory_space<vmem>>) target_semaphore(%run_scoped3A : memref<!tpu.dma_semaphore, #tpu.memory_space<semaphore_mem>>)
      tpu.wait_dma2 semaphore(%run_scoped3A : memref<!tpu.dma_semaphore, #tpu.memory_space<semaphore_mem>>) src(%arg3 : memref<128xi32, #tpu.memory_space<hbm>>) dst(%arg11 : memref<128xi32, #tpu.memory_space<vmem>>)
      tpu.yield
    }) : () -> ()
    %swap3A = arith.constant 0 : index
    %swap3A_8 = tpu.vector_load %arg13[%swap3A] {strides = array<i32>} : memref<128xf32, #tpu.memory_space<vmem>>, vector<16xf32>,
    tpu.vector_store %arg13[%swap3A], %broadcast_in_dim3A_3 {strides = array<i32>} : memref<128xf32, #tpu.memory_space<vmem>>, vector<16xf32>,
    %swap3A_9 = arith.constant 0 : index
    %swap3A_10 = tpu.vector_load %arg15[%swap3A_9] {strides = array<i32>} : memref<128xi32, #tpu.memory_space<vmem>>, vector<16xi32>,
    tpu.vector_store %arg15[%swap3A_9], %broadcast_in_dim3A_7 {strides = array<i32>} : memref<128xi32, #tpu.memory_space<vmem>>, vector<16xi32>,
    %swap3A_11 = arith.constant 0 : index
    %swap3A_12 = tpu.vector_load %arg14[%swap3A_11] {strides = array<i32>} : memref<128xf32, #tpu.memory_space<vmem>>, vector<16xf32>,
    tpu.vector_store %arg14[%swap3A_11], %broadcast_in_dim3A_5 {strides = array<i32>} : memref<128xf32, #tpu.memory_space<vmem>>, vector<16xf32>,
    %swap3A_13 = arith.constant 0 : index
    %swap3A_14 = tpu.vector_load %arg12[%swap3A_13] {strides = array<i32>} : memref<128xf32, #tpu.memory_space<vmem>>, vector<16xf32>,
    tpu.vector_store %arg12[%swap3A_13], %broadcast_in_dim3A_5 {strides = array<i32>} : memref<128xf32, #tpu.memory_space<vmem>>, vector<16xf32>,
    %swap3A_15 = arith.constant 16 : index
    %swap3A_16 = tpu.vector_load %arg13[%swap3A_15] {strides = array<i32>} : memref<128xf32, #tpu.memory_space<vmem>>, vector<16xf32>,
    tpu.vector_store %arg13[%swap3A_15], %broadcast_in_dim3A_3 {strides = array<i32>} : memref<128xf32, #tpu.memory_space<vmem>>, vector<16xf32>,
    %swap3A_17 = arith.constant 16 : index
    %swap3A_18 = tpu.vector_load %arg15[%swap3A_17] {strides = array<i32>} : memref<128xi32, #tpu.memory_space<vmem>>, vector<16xi32>,
    tpu.vector_store %arg15[%swap3A_17], %broadcast_in_dim3A_7 {strides = array<i32>} : memref<128xi32, #tpu.memory_space<vmem>>, vector<16xi32>,
    %swap3A_19 = arith.constant 16 : index
    %swap3A_20 = tpu.vector_load %arg14[%swap3A_19] {strides = array<i32>} : memref<128xf32, #tpu.memory_space<vmem>>, vector<16xf32>,
    tpu.vector_store %arg14[%swap3A_19], %broadcast_in_dim3A_5 {strides = array<i32>} : memref<128xf32, #tpu.memory_space<vmem>>, vector<16xf32>,
    %swap3A_21 = arith.constant 16 : index
    %swap3A_22 = tpu.vector_load %arg12[%swap3A_21] {strides = array<i32>} : memref<128xf32, #tpu.memory_space<vmem>>, vector<16xf32>,
    tpu.vector_store %arg12[%swap3A_21], %broadcast_in_dim3A_5 {strides = array<i32>} : memref<128xf32, #tpu.memory_space<vmem>>, vector<16xf32>,
    %swap3A_23 = arith.constant 32 : index
    %swap3A_24 = tpu.vector_load %arg13[%swap3A_23] {strides = array<i32>} : memref<128xf32, #tpu.memory_space<vmem>>, vector<16xf32>,
    tpu.vector_store %arg13[%swap3A_23], %broadcast_in_dim3A_3 {strides = array<i32>} : memref<128xf32, #tpu.memory_space<vmem>>, vector<16xf32>,
    %swap3A_25 = arith.constant 32 : index
    %swap3A_26 = tpu.vector_load %arg15[%swap3A_25] {strides = array<i32>} : memref<128xi32, #tpu.memory_space<vmem>>, vector<16xi32>,
    tpu.vector_store %arg15[%swap3A_25], %broadcast_in_dim3A_7 {strides = array<i32>} : memref<128xi32, #tpu.memory_space<vmem>>, vector<16xi32>,
    %swap3A_27 = arith.constant 32 : index
    %swap3A_28 = tpu.vector_load %arg14[%swap3A_27] {strides = array<i32>} : memref<128xf32, #tpu.memory_space<vmem>>, vector<16xf32>,
    tpu.vector_store %arg14[%swap3A_27], %broadcast_in_dim3A_5 {strides = array<i32>} : memref<128xf32, #tpu.memory_space<vmem>>, vector<16xf32>,
    %swap3A_29 = arith.constant 32 : index
    %swap3A_30 = tpu.vector_load %arg12[%swap3A_29] {strides = array<i32>} : memref<128xf32, #tpu.memory_space<vmem>>, vector<16xf32>,
    tpu.vector_store %arg12[%swap3A_29], %broadcast_in_dim3A_5 {strides = array<i32>} : memref<128xf32, #tpu.memory_space<vmem>>, vector<16xf32>,
    %swap3A_31 = arith.constant 48 : index
    %swap3A_32 = tpu.vector_load %arg13[%swap3A_31] {strides = array<i32>} : memref<128xf32, #tpu.memory_space<vmem>>, vector<16xf32>,
    tpu.vector_store %arg13[%swap3A_31], %broadcast_in_dim3A_3 {strides = array<i32>} : memref<128xf32, #tpu.memory_space<vmem>>, vector<16xf32>,
    %swap3A_33 = arith.constant 48 : index
    %swap3A_34 = tpu.vector_load %arg15[%swap3A_33] {strides = array<i32>} : memref<128xi32, #tpu.memory_space<vmem>>, vector<16xi32>,
    tpu.vector_store %arg15[%swap3A_33], %broadcast_in_dim3A_7 {strides = array<i32>} : memref<128xi32, #tpu.memory_space<vmem>>, vector<16xi32>,
    %swap3A_35 = arith.constant 48 : index
    %swap3A_36 = tpu.vector_load %arg14[%swap3A_35] {strides = array<i32>} : memref<128xf32, #tpu.memory_space<vmem>>, vector<16xf32>,
    tpu.vector_store %arg14[%swap3A_35], %broadcast_in_dim3A_5 {strides = array<i32>} : memref<128xf32, #tpu.memory_space<vmem>>, vector<16xf32>,
    %swap3A_37 = arith.constant 48 : index
    %swap3A_38 = tpu.vector_load %arg12[%swap3A_37] {strides = array<i32>} : memref<128xf32, #tpu.memory_space<vmem>>, vector<16xf32>,
    tpu.vector_store %arg12[%swap3A_37], %broadcast_in_dim3A_5 {strides = array<i32>} : memref<128xf32, #tpu.memory_space<vmem>>, vector<16xf32>,
    %swap3A_39 = arith.constant 64 : index
    %swap3A_40 = tpu.vector_load %arg13[%swap3A_39] {strides = array<i32>} : memref<128xf32, #tpu.memory_space<vmem>>, vector<16xf32>,
    tpu.vector_store %arg13[%swap3A_39], %broadcast_in_dim3A_3 {strides = array<i32>} : memref<128xf32, #tpu.memory_space<vmem>>, vector<16xf32>,
    %swap3A_41 = arith.constant 64 : index
    %swap3A_42 = tpu.vector_load %arg15[%swap3A_41] {strides = array<i32>} : memref<128xi32, #tpu.memory_space<vmem>>, vector<16xi32>,
    tpu.vector_store %arg15[%swap3A_41], %broadcast_in_dim3A_7 {strides = array<i32>} : memref<128xi32, #tpu.memory_space<vmem>>, vector<16xi32>,
    %swap3A_43 = arith.constant 64 : index
    %swap3A_44 = tpu.vector_load %arg14[%swap3A_43] {strides = array<i32>} : memref<128xf32, #tpu.memory_space<vmem>>, vector<16xf32>,
    tpu.vector_store %arg14[%swap3A_43], %broadcast_in_dim3A_5 {strides = array<i32>} : memref<128xf32, #tpu.memory_space<vmem>>, vector<16xf32>,
    %swap3A_45 = arith.constant 64 : index
    %swap3A_46 = tpu.vector_load %arg12[%swap3A_45] {strides = array<i32>} : memref<128xf32, #tpu.memory_space<vmem>>, vector<16xf32>,
    tpu.vector_store %arg12[%swap3A_45], %broadcast_in_dim3A_5 {strides = array<i32>} : memref<128xf32, #tpu.memory_space<vmem>>, vector<16xf32>,
    %swap3A_47 = arith.constant 80 : index
    %swap3A_48 = tpu.vector_load %arg13[%swap3A_47] {strides = array<i32>} : memref<128xf32, #tpu.memory_space<vmem>>, vector<16xf32>,
    tpu.vector_store %arg13[%swap3A_47], %broadcast_in_dim3A_3 {strides = array<i32>} : memref<128xf32, #tpu.memory_space<vmem>>, vector<16xf32>,
    %swap3A_49 = arith.constant 80 : index
    %swap3A_50 = tpu.vector_load %arg15[%swap3A_49] {strides = array<i32>} : memref<128xi32, #tpu.memory_space<vmem>>, vector<16xi32>,
    tpu.vector_store %arg15[%swap3A_49], %broadcast_in_dim3A_7 {strides = array<i32>} : memref<128xi32, #tpu.memory_space<vmem>>, vector<16xi32>,
    %swap3A_51 = arith.constant 80 : index
    %swap3A_52 = tpu.vector_load %arg14[%swap3A_51] {strides = array<i32>} : memref<128xf32, #tpu.memory_space<vmem>>, vector<16xf32>,
    tpu.vector_store %arg14[%swap3A_51], %broadcast_in_dim3A_5 {strides = array<i32>} : memref<128xf32, #tpu.memory_space<vmem>>, vector<16xf32>,
    %swap3A_53 = arith.constant 80 : index
    %swap3A_54 = tpu.vector_load %arg12[%swap3A_53] {strides = array<i32>} : memref<128xf32, #tpu.memory_space<vmem>>, vector<16xf32>,
    tpu.vector_store %arg12[%swap3A_53], %broadcast_in_dim3A_5 {strides = array<i32>} : memref<128xf32, #tpu.memory_space<vmem>>, vector<16xf32>,
    %swap3A_55 = arith.constant 96 : index
    %swap3A_56 = tpu.vector_load %arg13[%swap3A_55] {strides = array<i32>} : memref<128xf32, #tpu.memory_space<vmem>>, vector<16xf32>,
    tpu.vector_store %arg13[%swap3A_55], %broadcast_in_dim3A_3 {strides = array<i32>} : memref<128xf32, #tpu.memory_space<vmem>>, vector<16xf32>,
    %swap3A_57 = arith.constant 96 : index
    %swap3A_58 = tpu.vector_load %arg15[%swap3A_57] {strides = array<i32>} : memref<128xi32, #tpu.memory_space<vmem>>, vector<16xi32>,
    tpu.vector_store %arg15[%swap3A_57], %broadcast_in_dim3A_7 {strides = array<i32>} : memref<128xi32, #tpu.memory_space<vmem>>, vector<16xi32>,
    %swap3A_59 = arith.constant 96 : index
    %swap3A_60 = tpu.vector_load %arg14[%swap3A_59] {strides = array<i32>} : memref<128xf32, #tpu.memory_space<vmem>>, vector<16xf32>,
    tpu.vector_store %arg14[%swap3A_59], %broadcast_in_dim3A_5 {strides = array<i32>} : memref<128xf32, #tpu.memory_space<vmem>>, vector<16xf32>,
    %swap3A_61 = arith.constant 96 : index
    %swap3A_62 = tpu.vector_load %arg12[%swap3A_61] {strides = array<i32>} : memref<128xf32, #tpu.memory_space<vmem>>, vector<16xf32>,
    tpu.vector_store %arg12[%swap3A_61], %broadcast_in_dim3A_5 {strides = array<i32>} : memref<128xf32, #tpu.memory_space<vmem>>, vector<16xf32>,
    %swap3A_63 = arith.constant 112 : index
    %swap3A_64 = tpu.vector_load %arg13[%swap3A_63] {strides = array<i32>} : memref<128xf32, #tpu.memory_space<vmem>>, vector<16xf32>,
    tpu.vector_store %arg13[%swap3A_63], %broadcast_in_dim3A_3 {strides = array<i32>} : memref<128xf32, #tpu.memory_space<vmem>>, vector<16xf32>,
    %swap3A_65 = arith.constant 112 : index
    %swap3A_66 = tpu.vector_load %arg15[%swap3A_65] {strides = array<i32>} : memref<128xi32, #tpu.memory_space<vmem>>, vector<16xi32>,
    tpu.vector_store %arg15[%swap3A_65], %broadcast_in_dim3A_7 {strides = array<i32>} : memref<128xi32, #tpu.memory_space<vmem>>, vector<16xi32>,
    %swap3A_67 = arith.constant 112 : index
    %swap3A_68 = tpu.vector_load %arg14[%swap3A_67] {strides = array<i32>} : memref<128xf32, #tpu.memory_space<vmem>>, vector<16xf32>,
    tpu.vector_store %arg14[%swap3A_67], %broadcast_in_dim3A_5 {strides = array<i32>} : memref<128xf32, #tpu.memory_space<vmem>>, vector<16xf32>,
    %swap3A_69 = arith.constant 112 : index
    %swap3A_70 = tpu.vector_load %arg12[%swap3A_69] {strides = array<i32>} : memref<128xf32, #tpu.memory_space<vmem>>, vector<16xf32>,
    tpu.vector_store %arg12[%swap3A_69], %broadcast_in_dim3A_5 {strides = array<i32>} : memref<128xf32, #tpu.memory_space<vmem>>, vector<16xf32>,
    %add3A_71 = arith.constant 0 : i32
    %add3A_72 = arith.addi %mul3A_2, %add3A_71 : i32
    %dma_start3A = arith.constant 0 : i32
    %dma_start3A_73 = tpu.memref_slice %arg2[%add3A_72, %dma_start3A] : memref<100000x128xf32, #tpu.memory_space<hbm>> -> memref<184x128xf32, #tpu.memory_space<hbm>>
    %dma_start3A_74 = arith.constant 0 : i32
    %dma_start3A_75 = tpu.memref_slice %arg2[%add3A_72, %dma_start3A_74] : memref<100000x128xf32, #tpu.memory_space<hbm>> -> memref<184x128xf32, #tpu.memory_space<hbm>>
    tpu.enqueue_dma source(%dma_start3A_75 : memref<184x128xf32, #tpu.memory_space<hbm>>) target(%arg8 : memref<184x128xf32, #tpu.memory_space<vmem>>) target_semaphore(%arg16 : memref<!tpu.dma_semaphore, #tpu.memory_space<semaphore_mem>>)
    %add3A_76 = arith.constant 184 : i32
    %add3A_77 = arith.addi %mul3A_2, %add3A_76 : i32
    %dma_start3A_78 = arith.constant 0 : i32
    %dma_start3A_79 = tpu.memref_slice %arg2[%add3A_77, %dma_start3A_78] : memref<100000x128xf32, #tpu.memory_space<hbm>> -> memref<184x128xf32, #tpu.memory_space<hbm>>
    %dma_start3A_80 = arith.constant 0 : i32
    %dma_start3A_81 = tpu.memref_slice %arg2[%add3A_77, %dma_start3A_80] : memref<100000x128xf32, #tpu.memory_space<hbm>> -> memref<184x128xf32, #tpu.memory_space<hbm>>
    tpu.enqueue_dma source(%dma_start3A_81 : memref<184x128xf32, #tpu.memory_space<hbm>>) target(%arg9 : memref<184x128xf32, #tpu.memory_space<vmem>>) target_semaphore(%arg17 : memref<!tpu.dma_semaphore, #tpu.memory_space<semaphore_mem>>)
    %scan3A = arith.constant 0 : i32
    %scan3A_82 = arith.constant 8 : i32
    %scan3A_83 = arith.addi %scan3A, %scan3A_82 : i32
    %scan3A_84 = arith.constant 1 : i32
    scf.for %scan3A_92 = %scan3A to %scan3A_83 step %scan3A_84  : i32 {
      %mul3A_93 = arith.constant 2 : i32
      %mul3A_94 = arith.muli %scan3A_92, %mul3A_93 : i32
      %add3A_95 = arith.constant 0 : i32
      %add3A_96 = arith.addi %add3A_95, %mul3A_94 : i32
      %dma_wait3A = arith.constant 0 : i32
      %dma_wait3A_97 = arith.constant 0 : i32
      %dma_wait3A_98 = tpu.memref_slice %arg2[%dma_wait3A, %dma_wait3A_97] : memref<100000x128xf32, #tpu.memory_space<hbm>> -> memref<184x128xf32, #tpu.memory_space<hbm>>
      %dma_wait3A_99 = arith.constant 0 : i32
      %dma_wait3A_100 = arith.constant 0 : i32
      %dma_wait3A_101 = tpu.memref_slice %arg2[%dma_wait3A_99, %dma_wait3A_100] : memref<100000x128xf32, #tpu.memory_space<hbm>> -> memref<184x128xf32, #tpu.memory_space<hbm>>
      tpu.wait_dma2 semaphore(%arg16 : memref<!tpu.dma_semaphore, #tpu.memory_space<semaphore_mem>>) src(%dma_wait3A_101 : memref<184x128xf32, #tpu.memory_space<hbm>>) dst(%arg8 : memref<184x128xf32, #tpu.memory_space<vmem>>)
      %mul3A_102 = arith.constant 184 : i32
      %mul3A_103 = arith.muli %add3A_96, %mul3A_102 : i32
      %add3A_104 = arith.addi %mul3A_2, %mul3A_103 : i32
      %get3A = arith.constant 0 : index
      %get3A_105 = tpu.vector_load %arg13[%get3A] {strides = array<i32>} : memref<128xf32, #tpu.memory_space<vmem>>, vector<16xf32>,
      %get3A_106 = arith.constant 16 : index
      %get3A_107 = tpu.vector_load %arg13[%get3A_106] {strides = array<i32>} : memref<128xf32, #tpu.memory_space<vmem>>, vector<16xf32>,
      %get3A_108 = arith.constant 32 : index
      %get3A_109 = tpu.vector_load %arg13[%get3A_108] {strides = array<i32>} : memref<128xf32, #tpu.memory_space<vmem>>, vector<16xf32>,
      %get3A_110 = arith.constant 48 : index
      %get3A_111 = tpu.vector_load %arg13[%get3A_110] {strides = array<i32>} : memref<128xf32, #tpu.memory_space<vmem>>, vector<16xf32>,
      %get3A_112 = arith.constant 64 : index
      %get3A_113 = tpu.vector_load %arg13[%get3A_112] {strides = array<i32>} : memref<128xf32, #tpu.memory_space<vmem>>, vector<16xf32>,
      %get3A_114 = arith.constant 80 : index
      %get3A_115 = tpu.vector_load %arg13[%get3A_114] {strides = array<i32>} : memref<128xf32, #tpu.memory_space<vmem>>, vector<16xf32>,
      %get3A_116 = arith.constant 96 : index
      %get3A_117 = tpu.vector_load %arg13[%get3A_116] {strides = array<i32>} : memref<128xf32, #tpu.memory_space<vmem>>, vector<16xf32>,
      %get3A_118 = arith.constant 112 : index
      %get3A_119 = tpu.vector_load %arg13[%get3A_118] {strides = array<i32>} : memref<128xf32, #tpu.memory_space<vmem>>, vector<16xf32>,
      %get3A_120 = arith.constant 0 : index
      %get3A_121 = tpu.vector_load %arg15[%get3A_120] {strides = array<i32>} : memref<128xi32, #tpu.memory_space<vmem>>, vector<16xi32>,
      %get3A_122 = arith.constant 16 : index
      %get3A_123 = tpu.vector_load %arg15[%get3A_122] {strides = array<i32>} : memref<128xi32, #tpu.memory_space<vmem>>, vector<16xi32>,
      %get3A_124 = arith.constant 32 : index
      %get3A_125 = tpu.vector_load %arg15[%get3A_124] {strides = array<i32>} : memref<128xi32, #tpu.memory_space<vmem>>, vector<16xi32>,
      %get3A_126 = arith.constant 48 : index
      %get3A_127 = tpu.vector_load %arg15[%get3A_126] {strides = array<i32>} : memref<128xi32, #tpu.memory_space<vmem>>, vector<16xi32>,
      %get3A_128 = arith.constant 64 : index
      %get3A_129 = tpu.vector_load %arg15[%get3A_128] {strides = array<i32>} : memref<128xi32, #tpu.memory_space<vmem>>, vector<16xi32>,
      %get3A_130 = arith.constant 80 : index
      %get3A_131 = tpu.vector_load %arg15[%get3A_130] {strides = array<i32>} : memref<128xi32, #tpu.memory_space<vmem>>, vector<16xi32>,
      %get3A_132 = arith.constant 96 : index
      %get3A_133 = tpu.vector_load %arg15[%get3A_132] {strides = array<i32>} : memref<128xi32, #tpu.memory_space<vmem>>, vector<16xi32>,
      %get3A_134 = arith.constant 112 : index
      %get3A_135 = tpu.vector_load %arg15[%get3A_134] {strides = array<i32>} : memref<128xi32, #tpu.memory_space<vmem>>, vector<16xi32>,
      %parallel_loop3A = arith.constant 0 : i32
      %parallel_loop3A_136 = arith.constant 92 : i32
      %parallel_loop3A_137 = arith.constant 1 : i32
      %parallel_loop3A_138:16 = scf.for %parallel_loop3A_887 = %parallel_loop3A to %parallel_loop3A_136 step %parallel_loop3A_137 iter_args(%parallel_loop3A_888 = %get3A_105, %parallel_loop3A_889 = %get3A_107, %parallel_loop3A_890 = %get3A_109, %parallel_loop3A_891 = %get3A_111, %parallel_loop3A_892 = %get3A_113, %parallel_loop3A_893 = %get3A_115, %parallel_loop3A_894 = %get3A_117, %parallel_loop3A_895 = %get3A_119, %parallel_loop3A_896 = %get3A_121, %parallel_loop3A_897 = %get3A_123, %parallel_loop3A_898 = %get3A_125, %parallel_loop3A_899 = %get3A_127, %parallel_loop3A_900 = %get3A_129, %parallel_loop3A_901 = %get3A_131, %parallel_loop3A_902 = %get3A_133, %parallel_loop3A_903 = %get3A_135) -> (vector<16xf32>, vector<16xf32>, vector<16xf32>, vector<16xf32>, vector<16xf32>, vector<16xf32>, vector<16xf32>, vector<16xf32>, vector<16xi32>, vector<16xi32>, vector<16xi32>, vector<16xi32>, vector<16xi32>, vector<16xi32>, vector<16xi32>, vector<16xi32>)  : i32 {
        %parallel_loop3A_904 = arith.constant 2 : i32
        %parallel_loop3A_905 = arith.muli %parallel_loop3A_887, %parallel_loop3A_904 : i32
        %parallel_loop3A_906 = arith.constant 0 : i32
        %parallel_loop3A_907 = arith.addi %parallel_loop3A_905, %parallel_loop3A_906 : i32
        %parallel_loop3A_908 = arith.index_cast %parallel_loop3A_907 : i32 to index
        %parallel_loop3A_909 = arith.constant 0 : index
        %parallel_loop3A_910 = tpu.vector_load %arg8[%parallel_loop3A_908, %parallel_loop3A_909] {strides = array<i32>} : memref<184x128xf32, #tpu.memory_space<vmem>>, vector<16xf32>,
        %parallel_loop3A_911 = arith.maximumf %parallel_loop3A_888, %parallel_loop3A_910 : vector<16xf32>
        %parallel_loop3A_912 = arith.cmpf ogt, %parallel_loop3A_910, %parallel_loop3A_888 : vector<16xf32>
        %parallel_loop3A_913 = arith.addi %add3A_104, %parallel_loop3A_907 : i32
        %parallel_loop3A_914 = vector.broadcast %parallel_loop3A_913 : i32 to vector<16xi32>
        %parallel_loop3A_915 = arith.addi %broadcast_in_dim3A_7, %parallel_loop3A_914 : vector<16xi32>
        %parallel_loop3A_916 = arith.select %parallel_loop3A_912, %parallel_loop3A_915, %parallel_loop3A_896 : vector<16xi1>, vector<16xi32>
        %parallel_loop3A_917 = arith.index_cast %parallel_loop3A_907 : i32 to index
        %parallel_loop3A_918 = arith.constant 16 : index
        %parallel_loop3A_919 = tpu.vector_load %arg8[%parallel_loop3A_917, %parallel_loop3A_918] {strides = array<i32>} : memref<184x128xf32, #tpu.memory_space<vmem>>, vector<16xf32>,
        %parallel_loop3A_920 = arith.maximumf %parallel_loop3A_889, %parallel_loop3A_919 : vector<16xf32>
        %parallel_loop3A_921 = arith.cmpf ogt, %parallel_loop3A_919, %parallel_loop3A_889 : vector<16xf32>
        %parallel_loop3A_922 = arith.addi %add3A_104, %parallel_loop3A_907 : i32
        %parallel_loop3A_923 = vector.broadcast %parallel_loop3A_922 : i32 to vector<16xi32>
        %parallel_loop3A_924 = arith.addi %broadcast_in_dim3A_7, %parallel_loop3A_923 : vector<16xi32>
        %parallel_loop3A_925 = arith.select %parallel_loop3A_921, %parallel_loop3A_924, %parallel_loop3A_897 : vector<16xi1>, vector<16xi32>
        %parallel_loop3A_926 = arith.index_cast %parallel_loop3A_907 : i32 to index
        %parallel_loop3A_927 = arith.constant 32 : index
        %parallel_loop3A_928 = tpu.vector_load %arg8[%parallel_loop3A_926, %parallel_loop3A_927] {strides = array<i32>} : memref<184x128xf32, #tpu.memory_space<vmem>>, vector<16xf32>,
        %parallel_loop3A_929 = arith.maximumf %parallel_loop3A_890, %parallel_loop3A_928 : vector<16xf32>
        %parallel_loop3A_930 = arith.cmpf ogt, %parallel_loop3A_928, %parallel_loop3A_890 : vector<16xf32>
        %parallel_loop3A_931 = arith.addi %add3A_104, %parallel_loop3A_907 : i32
        %parallel_loop3A_932 = vector.broadcast %parallel_loop3A_931 : i32 to vector<16xi32>
        %parallel_loop3A_933 = arith.addi %broadcast_in_dim3A_7, %parallel_loop3A_932 : vector<16xi32>
        %parallel_loop3A_934 = arith.select %parallel_loop3A_930, %parallel_loop3A_933, %parallel_loop3A_898 : vector<16xi1>, vector<16xi32>
        %parallel_loop3A_935 = arith.index_cast %parallel_loop3A_907 : i32 to index
        %parallel_loop3A_936 = arith.constant 48 : index
        %parallel_loop3A_937 = tpu.vector_load %arg8[%parallel_loop3A_935, %parallel_loop3A_936] {strides = array<i32>} : memref<184x128xf32, #tpu.memory_space<vmem>>, vector<16xf32>,
        %parallel_loop3A_938 = arith.maximumf %parallel_loop3A_891, %parallel_loop3A_937 : vector<16xf32>
        %parallel_loop3A_939 = arith.cmpf ogt, %parallel_loop3A_937, %parallel_loop3A_891 : vector<16xf32>
        %parallel_loop3A_940 = arith.addi %add3A_104, %parallel_loop3A_907 : i32
        %parallel_loop3A_941 = vector.broadcast %parallel_loop3A_940 : i32 to vector<16xi32>
        %parallel_loop3A_942 = arith.addi %broadcast_in_dim3A_7, %parallel_loop3A_941 : vector<16xi32>
        %parallel_loop3A_943 = arith.select %parallel_loop3A_939, %parallel_loop3A_942, %parallel_loop3A_899 : vector<16xi1>, vector<16xi32>
        %parallel_loop3A_944 = arith.index_cast %parallel_loop3A_907 : i32 to index
        %parallel_loop3A_945 = arith.constant 64 : index
        %parallel_loop3A_946 = tpu.vector_load %arg8[%parallel_loop3A_944, %parallel_loop3A_945] {strides = array<i32>} : memref<184x128xf32, #tpu.memory_space<vmem>>, vector<16xf32>,
        %parallel_loop3A_947 = arith.maximumf %parallel_loop3A_892, %parallel_loop3A_946 : vector<16xf32>
        %parallel_loop3A_948 = arith.cmpf ogt, %parallel_loop3A_946, %parallel_loop3A_892 : vector<16xf32>
        %parallel_loop3A_949 = arith.addi %add3A_104, %parallel_loop3A_907 : i32
        %parallel_loop3A_950 = vector.broadcast %parallel_loop3A_949 : i32 to vector<16xi32>
        %parallel_loop3A_951 = arith.addi %broadcast_in_dim3A_7, %parallel_loop3A_950 : vector<16xi32>
        %parallel_loop3A_952 = arith.select %parallel_loop3A_948, %parallel_loop3A_951, %parallel_loop3A_900 : vector<16xi1>, vector<16xi32>
        %parallel_loop3A_953 = arith.index_cast %parallel_loop3A_907 : i32 to index
        %parallel_loop3A_954 = arith.constant 80 : index
        %parallel_loop3A_955 = tpu.vector_load %arg8[%parallel_loop3A_953, %parallel_loop3A_954] {strides = array<i32>} : memref<184x128xf32, #tpu.memory_space<vmem>>, vector<16xf32>,
        %parallel_loop3A_956 = arith.maximumf %parallel_loop3A_893, %parallel_loop3A_955 : vector<16xf32>
        %parallel_loop3A_957 = arith.cmpf ogt, %parallel_loop3A_955, %parallel_loop3A_893 : vector<16xf32>
        %parallel_loop3A_958 = arith.addi %add3A_104, %parallel_loop3A_907 : i32
        %parallel_loop3A_959 = vector.broadcast %parallel_loop3A_958 : i32 to vector<16xi32>
        %parallel_loop3A_960 = arith.addi %broadcast_in_dim3A_7, %parallel_loop3A_959 : vector<16xi32>
        %parallel_loop3A_961 = arith.select %parallel_loop3A_957, %parallel_loop3A_960, %parallel_loop3A_901 : vector<16xi1>, vector<16xi32>
        %parallel_loop3A_962 = arith.index_cast %parallel_loop3A_907 : i32 to index
        %parallel_loop3A_963 = arith.constant 96 : index
        %parallel_loop3A_964 = tpu.vector_load %arg8[%parallel_loop3A_962, %parallel_loop3A_963] {strides = array<i32>} : memref<184x128xf32, #tpu.memory_space<vmem>>, vector<16xf32>,
        %parallel_loop3A_965 = arith.maximumf %parallel_loop3A_894, %parallel_loop3A_964 : vector<16xf32>
        %parallel_loop3A_966 = arith.cmpf ogt, %parallel_loop3A_964, %parallel_loop3A_894 : vector<16xf32>
        %parallel_loop3A_967 = arith.addi %add3A_104, %parallel_loop3A_907 : i32
        %parallel_loop3A_968 = vector.broadcast %parallel_loop3A_967 : i32 to vector<16xi32>
        %parallel_loop3A_969 = arith.addi %broadcast_in_dim3A_7, %parallel_loop3A_968 : vector<16xi32>
        %parallel_loop3A_970 = arith.select %parallel_loop3A_966, %parallel_loop3A_969, %parallel_loop3A_902 : vector<16xi1>, vector<16xi32>
        %parallel_loop3A_971 = arith.index_cast %parallel_loop3A_907 : i32 to index
        %parallel_loop3A_972 = arith.constant 112 : index
        %parallel_loop3A_973 = tpu.vector_load %arg8[%parallel_loop3A_971, %parallel_loop3A_972] {strides = array<i32>} : memref<184x128xf32, #tpu.memory_space<vmem>>, vector<16xf32>,
        %parallel_loop3A_974 = arith.maximumf %parallel_loop3A_895, %parallel_loop3A_973 : vector<16xf32>
        %parallel_loop3A_975 = arith.cmpf ogt, %parallel_loop3A_973, %parallel_loop3A_895 : vector<16xf32>
        %parallel_loop3A_976 = arith.addi %add3A_104, %parallel_loop3A_907 : i32
        %parallel_loop3A_977 = vector.broadcast %parallel_loop3A_976 : i32 to vector<16xi32>
        %parallel_loop3A_978 = arith.addi %broadcast_in_dim3A_7, %parallel_loop3A_977 : vector<16xi32>
        %parallel_loop3A_979 = arith.select %parallel_loop3A_975, %parallel_loop3A_978, %parallel_loop3A_903 : vector<16xi1>, vector<16xi32>
        %parallel_loop3A_980 = arith.constant 2 : i32
        %parallel_loop3A_981 = arith.muli %parallel_loop3A_887, %parallel_loop3A_980 : i32
        %parallel_loop3A_982 = arith.constant 1 : i32
        %parallel_loop3A_983 = arith.addi %parallel_loop3A_981, %parallel_loop3A_982 : i32
        %parallel_loop3A_984 = arith.index_cast %parallel_loop3A_983 : i32 to index
        %parallel_loop3A_985 = arith.constant 0 : index
        %parallel_loop3A_986 = tpu.vector_load %arg8[%parallel_loop3A_984, %parallel_loop3A_985] {strides = array<i32>} : memref<184x128xf32, #tpu.memory_space<vmem>>, vector<16xf32>,
        %parallel_loop3A_987 = arith.maximumf %parallel_loop3A_911, %parallel_loop3A_986 : vector<16xf32>
        %parallel_loop3A_988 = arith.cmpf ogt, %parallel_loop3A_986, %parallel_loop3A_911 : vector<16xf32>
        %parallel_loop3A_989 = arith.addi %add3A_104, %parallel_loop3A_983 : i32
        %parallel_loop3A_990 = vector.broadcast %parallel_loop3A_989 : i32 to vector<16xi32>
        %parallel_loop3A_991 = arith.addi %broadcast_in_dim3A_7, %parallel_loop3A_990 : vector<16xi32>
        %parallel_loop3A_992 = arith.select %parallel_loop3A_988, %parallel_loop3A_991, %parallel_loop3A_916 : vector<16xi1>, vector<16xi32>
        %parallel_loop3A_993 = arith.index_cast %parallel_loop3A_983 : i32 to index
        %parallel_loop3A_994 = arith.constant 16 : index
        %parallel_loop3A_995 = tpu.vector_load %arg8[%parallel_loop3A_993, %parallel_loop3A_994] {strides = array<i32>} : memref<184x128xf32, #tpu.memory_space<vmem>>, vector<16xf32>,
        %parallel_loop3A_996 = arith.maximumf %parallel_loop3A_920, %parallel_loop3A_995 : vector<16xf32>
        %parallel_loop3A_997 = arith.cmpf ogt, %parallel_loop3A_995, %parallel_loop3A_920 : vector<16xf32>
        %parallel_loop3A_998 = arith.addi %add3A_104, %parallel_loop3A_983 : i32
        %parallel_loop3A_999 = vector.broadcast %parallel_loop3A_998 : i32 to vector<16xi32>
        %parallel_loop3A_1000 = arith.addi %broadcast_in_dim3A_7, %parallel_loop3A_999 : vector<16xi32>
        %parallel_loop3A_1001 = arith.select %parallel_loop3A_997, %parallel_loop3A_1000, %parallel_loop3A_925 : vector<16xi1>, vector<16xi32>
        %parallel_loop3A_1002 = arith.index_cast %parallel_loop3A_983 : i32 to index
        %parallel_loop3A_1003 = arith.constant 32 : index
        %parallel_loop3A_1004 = tpu.vector_load %arg8[%parallel_loop3A_1002, %parallel_loop3A_1003] {strides = array<i32>} : memref<184x128xf32, #tpu.memory_space<vmem>>, vector<16xf32>,
        %parallel_loop3A_1005 = arith.maximumf %parallel_loop3A_929, %parallel_loop3A_1004 : vector<16xf32>
        %parallel_loop3A_1006 = arith.cmpf ogt, %parallel_loop3A_1004, %parallel_loop3A_929 : vector<16xf32>
        %parallel_loop3A_1007 = arith.addi %add3A_104, %parallel_loop3A_983 : i32
        %parallel_loop3A_1008 = vector.broadcast %parallel_loop3A_1007 : i32 to vector<16xi32>
        %parallel_loop3A_1009 = arith.addi %broadcast_in_dim3A_7, %parallel_loop3A_1008 : vector<16xi32>
        %parallel_loop3A_1010 = arith.select %parallel_loop3A_1006, %parallel_loop3A_1009, %parallel_loop3A_934 : vector<16xi1>, vector<16xi32>
        %parallel_loop3A_1011 = arith.index_cast %parallel_loop3A_983 : i32 to index
        %parallel_loop3A_1012 = arith.constant 48 : index
        %parallel_loop3A_1013 = tpu.vector_load %arg8[%parallel_loop3A_1011, %parallel_loop3A_1012] {strides = array<i32>} : memref<184x128xf32, #tpu.memory_space<vmem>>, vector<16xf32>,
        %parallel_loop3A_1014 = arith.maximumf %parallel_loop3A_938, %parallel_loop3A_1013 : vector<16xf32>
        %parallel_loop3A_1015 = arith.cmpf ogt, %parallel_loop3A_1013, %parallel_loop3A_938 : vector<16xf32>
        %parallel_loop3A_1016 = arith.addi %add3A_104, %parallel_loop3A_983 : i32
        %parallel_loop3A_1017 = vector.broadcast %parallel_loop3A_1016 : i32 to vector<16xi32>
        %parallel_loop3A_1018 = arith.addi %broadcast_in_dim3A_7, %parallel_loop3A_1017 : vector<16xi32>
        %parallel_loop3A_1019 = arith.select %parallel_loop3A_1015, %parallel_loop3A_1018, %parallel_loop3A_943 : vector<16xi1>, vector<16xi32>
        %parallel_loop3A_1020 = arith.index_cast %parallel_loop3A_983 : i32 to index
        %parallel_loop3A_1021 = arith.constant 64 : index
        %parallel_loop3A_1022 = tpu.vector_load %arg8[%parallel_loop3A_1020, %parallel_loop3A_1021] {strides = array<i32>} : memref<184x128xf32, #tpu.memory_space<vmem>>, vector<16xf32>,
        %parallel_loop3A_1023 = arith.maximumf %parallel_loop3A_947, %parallel_loop3A_1022 : vector<16xf32>
        %parallel_loop3A_1024 = arith.cmpf ogt, %parallel_loop3A_1022, %parallel_loop3A_947 : vector<16xf32>
        %parallel_loop3A_1025 = arith.addi %add3A_104, %parallel_loop3A_983 : i32
        %parallel_loop3A_1026 = vector.broadcast %parallel_loop3A_1025 : i32 to vector<16xi32>
        %parallel_loop3A_1027 = arith.addi %broadcast_in_dim3A_7, %parallel_loop3A_1026 : vector<16xi32>
        %parallel_loop3A_1028 = arith.select %parallel_loop3A_1024, %parallel_loop3A_1027, %parallel_loop3A_952 : vector<16xi1>, vector<16xi32>
        %parallel_loop3A_1029 = arith.index_cast %parallel_loop3A_983 : i32 to index
        %parallel_loop3A_1030 = arith.constant 80 : index
        %parallel_loop3A_1031 = tpu.vector_load %arg8[%parallel_loop3A_1029, %parallel_loop3A_1030] {strides = array<i32>} : memref<184x128xf32, #tpu.memory_space<vmem>>, vector<16xf32>,
        %parallel_loop3A_1032 = arith.maximumf %parallel_loop3A_956, %parallel_loop3A_1031 : vector<16xf32>
        %parallel_loop3A_1033 = arith.cmpf ogt, %parallel_loop3A_1031, %parallel_loop3A_956 : vector<16xf32>
        %parallel_loop3A_1034 = arith.addi %add3A_104, %parallel_loop3A_983 : i32
        %parallel_loop3A_1035 = vector.broadcast %parallel_loop3A_1034 : i32 to vector<16xi32>
        %parallel_loop3A_1036 = arith.addi %broadcast_in_dim3A_7, %parallel_loop3A_1035 : vector<16xi32>
        %parallel_loop3A_1037 = arith.select %parallel_loop3A_1033, %parallel_loop3A_1036, %parallel_loop3A_961 : vector<16xi1>, vector<16xi32>
        %parallel_loop3A_1038 = arith.index_cast %parallel_loop3A_983 : i32 to index
        %parallel_loop3A_1039 = arith.constant 96 : index
        %parallel_loop3A_1040 = tpu.vector_load %arg8[%parallel_loop3A_1038, %parallel_loop3A_1039] {strides = array<i32>} : memref<184x128xf32, #tpu.memory_space<vmem>>, vector<16xf32>,
        %parallel_loop3A_1041 = arith.maximumf %parallel_loop3A_965, %parallel_loop3A_1040 : vector<16xf32>
        %parallel_loop3A_1042 = arith.cmpf ogt, %parallel_loop3A_1040, %parallel_loop3A_965 : vector<16xf32>
        %parallel_loop3A_1043 = arith.addi %add3A_104, %parallel_loop3A_983 : i32
        %parallel_loop3A_1044 = vector.broadcast %parallel_loop3A_1043 : i32 to vector<16xi32>
        %parallel_loop3A_1045 = arith.addi %broadcast_in_dim3A_7, %parallel_loop3A_1044 : vector<16xi32>
        %parallel_loop3A_1046 = arith.select %parallel_loop3A_1042, %parallel_loop3A_1045, %parallel_loop3A_970 : vector<16xi1>, vector<16xi32>
        %parallel_loop3A_1047 = arith.index_cast %parallel_loop3A_983 : i32 to index
        %parallel_loop3A_1048 = arith.constant 112 : index
        %parallel_loop3A_1049 = tpu.vector_load %arg8[%parallel_loop3A_1047, %parallel_loop3A_1048] {strides = array<i32>} : memref<184x128xf32, #tpu.memory_space<vmem>>, vector<16xf32>,
        %parallel_loop3A_1050 = arith.maximumf %parallel_loop3A_974, %parallel_loop3A_1049 : vector<16xf32>
        %parallel_loop3A_1051 = arith.cmpf ogt, %parallel_loop3A_1049, %parallel_loop3A_974 : vector<16xf32>
        %parallel_loop3A_1052 = arith.addi %add3A_104, %parallel_loop3A_983 : i32
        %parallel_loop3A_1053 = vector.broadcast %parallel_loop3A_1052 : i32 to vector<16xi32>
        %parallel_loop3A_1054 = arith.addi %broadcast_in_dim3A_7, %parallel_loop3A_1053 : vector<16xi32>
        %parallel_loop3A_1055 = arith.select %parallel_loop3A_1051, %parallel_loop3A_1054, %parallel_loop3A_979 : vector<16xi1>, vector<16xi32>
        scf.yield %parallel_loop3A_987, %parallel_loop3A_996, %parallel_loop3A_1005, %parallel_loop3A_1014, %parallel_loop3A_1023, %parallel_loop3A_1032, %parallel_loop3A_1041, %parallel_loop3A_1050, %parallel_loop3A_992, %parallel_loop3A_1001, %parallel_loop3A_1010, %parallel_loop3A_1019, %parallel_loop3A_1028, %parallel_loop3A_1037, %parallel_loop3A_1046, %parallel_loop3A_1055 : vector<16xf32>, vector<16xf32>, vector<16xf32>, vector<16xf32>, vector<16xf32>, vector<16xf32>, vector<16xf32>, vector<16xf32>, vector<16xi32>, vector<16xi32>, vector<16xi32>, vector<16xi32>, vector<16xi32>, vector<16xi32>, vector<16xi32>, vector<16xi32>
      } {sc.loop_unroll_factor = 1 : i64, sc.parallel_access}
      %swap3A_139 = arith.constant 0 : index
      %swap3A_140 = tpu.vector_load %arg13[%swap3A_139] {strides = array<i32>} : memref<128xf32, #tpu.memory_space<vmem>>, vector<16xf32>,
      tpu.vector_store %arg13[%swap3A_139], %parallel_loop3A_138#0 {strides = array<i32>} : memref<128xf32, #tpu.memory_space<vmem>>, vector<16xf32>,
      %swap3A_141 = arith.constant 0 : index
      %swap3A_142 = tpu.vector_load %arg15[%swap3A_141] {strides = array<i32>} : memref<128xi32, #tpu.memory_space<vmem>>, vector<16xi32>,
      tpu.vector_store %arg15[%swap3A_141], %parallel_loop3A_138#8 {strides = array<i32>} : memref<128xi32, #tpu.memory_space<vmem>>, vector<16xi32>,
      %swap3A_143 = arith.constant 16 : index
      %swap3A_144 = tpu.vector_load %arg13[%swap3A_143] {strides = array<i32>} : memref<128xf32, #tpu.memory_space<vmem>>, vector<16xf32>,
      tpu.vector_store %arg13[%swap3A_143], %parallel_loop3A_138#1 {strides = array<i32>} : memref<128xf32, #tpu.memory_space<vmem>>, vector<16xf32>,
      %swap3A_145 = arith.constant 16 : index
      %swap3A_146 = tpu.vector_load %arg15[%swap3A_145] {strides = array<i32>} : memref<128xi32, #tpu.memory_space<vmem>>, vector<16xi32>,
      tpu.vector_store %arg15[%swap3A_145], %parallel_loop3A_138#9 {strides = array<i32>} : memref<128xi32, #tpu.memory_space<vmem>>, vector<16xi32>,
      %swap3A_147 = arith.constant 32 : index
      %swap3A_148 = tpu.vector_load %arg13[%swap3A_147] {strides = array<i32>} : memref<128xf32, #tpu.memory_space<vmem>>, vector<16xf32>,
      tpu.vector_store %arg13[%swap3A_147], %parallel_loop3A_138#2 {strides = array<i32>} : memref<128xf32, #tpu.memory_space<vmem>>, vector<16xf32>,
      %swap3A_149 = arith.constant 32 : index
      %swap3A_150 = tpu.vector_load %arg15[%swap3A_149] {strides = array<i32>} : memref<128xi32, #tpu.memory_space<vmem>>, vector<16xi32>,
      tpu.vector_store %arg15[%swap3A_149], %parallel_loop3A_138#10 {strides = array<i32>} : memref<128xi32, #tpu.memory_space<vmem>>, vector<16xi32>,
      %swap3A_151 = arith.constant 48 : index
      %swap3A_152 = tpu.vector_load %arg13[%swap3A_151] {strides = array<i32>} : memref<128xf32, #tpu.memory_space<vmem>>, vector<16xf32>,
      tpu.vector_store %arg13[%swap3A_151], %parallel_loop3A_138#3 {strides = array<i32>} : memref<128xf32, #tpu.memory_space<vmem>>, vector<16xf32>,
      %swap3A_153 = arith.constant 48 : index
      %swap3A_154 = tpu.vector_load %arg15[%swap3A_153] {strides = array<i32>} : memref<128xi32, #tpu.memory_space<vmem>>, vector<16xi32>,
      tpu.vector_store %arg15[%swap3A_153], %parallel_loop3A_138#11 {strides = array<i32>} : memref<128xi32, #tpu.memory_space<vmem>>, vector<16xi32>,
      %swap3A_155 = arith.constant 64 : index
      %swap3A_156 = tpu.vector_load %arg13[%swap3A_155] {strides = array<i32>} : memref<128xf32, #tpu.memory_space<vmem>>, vector<16xf32>,
      tpu.vector_store %arg13[%swap3A_155], %parallel_loop3A_138#4 {strides = array<i32>} : memref<128xf32, #tpu.memory_space<vmem>>, vector<16xf32>,
      %swap3A_157 = arith.constant 64 : index
      %swap3A_158 = tpu.vector_load %arg15[%swap3A_157] {strides = array<i32>} : memref<128xi32, #tpu.memory_space<vmem>>, vector<16xi32>,
      tpu.vector_store %arg15[%swap3A_157], %parallel_loop3A_138#12 {strides = array<i32>} : memref<128xi32, #tpu.memory_space<vmem>>, vector<16xi32>,
      %swap3A_159 = arith.constant 80 : index
      %swap3A_160 = tpu.vector_load %arg13[%swap3A_159] {strides = array<i32>} : memref<128xf32, #tpu.memory_space<vmem>>, vector<16xf32>,
      tpu.vector_store %arg13[%swap3A_159], %parallel_loop3A_138#5 {strides = array<i32>} : memref<128xf32, #tpu.memory_space<vmem>>, vector<16xf32>,
      %swap3A_161 = arith.constant 80 : index
      %swap3A_162 = tpu.vector_load %arg15[%swap3A_161] {strides = array<i32>} : memref<128xi32, #tpu.memory_space<vmem>>, vector<16xi32>,
      tpu.vector_store %arg15[%swap3A_161], %parallel_loop3A_138#13 {strides = array<i32>} : memref<128xi32, #tpu.memory_space<vmem>>, vector<16xi32>,
      %swap3A_163 = arith.constant 96 : index
      %swap3A_164 = tpu.vector_load %arg13[%swap3A_163] {strides = array<i32>} : memref<128xf32, #tpu.memory_space<vmem>>, vector<16xf32>,
      tpu.vector_store %arg13[%swap3A_163], %parallel_loop3A_138#6 {strides = array<i32>} : memref<128xf32, #tpu.memory_space<vmem>>, vector<16xf32>,
      %swap3A_165 = arith.constant 96 : index
      %swap3A_166 = tpu.vector_load %arg15[%swap3A_165] {strides = array<i32>} : memref<128xi32, #tpu.memory_space<vmem>>, vector<16xi32>,
      tpu.vector_store %arg15[%swap3A_165], %parallel_loop3A_138#14 {strides = array<i32>} : memref<128xi32, #tpu.memory_space<vmem>>, vector<16xi32>,
      %swap3A_167 = arith.constant 112 : index
      %swap3A_168 = tpu.vector_load %arg13[%swap3A_167] {strides = array<i32>} : memref<128xf32, #tpu.memory_space<vmem>>, vector<16xf32>,
      tpu.vector_store %arg13[%swap3A_167], %parallel_loop3A_138#7 {strides = array<i32>} : memref<128xf32, #tpu.memory_space<vmem>>, vector<16xf32>,
      %swap3A_169 = arith.constant 112 : index
      %swap3A_170 = tpu.vector_load %arg15[%swap3A_169] {strides = array<i32>} : memref<128xi32, #tpu.memory_space<vmem>>, vector<16xi32>,
      tpu.vector_store %arg15[%swap3A_169], %parallel_loop3A_138#15 {strides = array<i32>} : memref<128xi32, #tpu.memory_space<vmem>>, vector<16xi32>,
      %gt3A = arith.constant 0xFF800000 : f32
      %gt3A_171 = vector.broadcast %gt3A : f32 to vector<16xf32>
      %gt3A_172 = arith.cmpf ogt, %get3A_105, %gt3A_171 : vector<16xf32>
      %get3A_173 = arith.constant 0 : index
      %get3A_174 = tpu.vector_load %arg14[%get3A_173] {strides = array<i32>} : memref<128xf32, #tpu.memory_space<vmem>>, vector<16xf32>,
      %sub3A = arith.subf %get3A_105, %parallel_loop3A_138#0 : vector<16xf32>
      %exp3A = math.exp %sub3A : vector<16xf32>
      %mul3A_175 = arith.mulf %get3A_174, %exp3A : vector<16xf32>
      %jit3A = arith.constant 0.000000e+00 : f32
      %broadcast_in_dim3A_176 = vector.broadcast %jit3A : f32 to vector<16xf32>
      %select_n3A = arith.select %gt3A_172, %mul3A_175, %broadcast_in_dim3A_176 : vector<16xi1>, vector<16xf32>
      %gt3A_177 = arith.constant 0xFF800000 : f32
      %gt3A_178 = vector.broadcast %gt3A_177 : f32 to vector<16xf32>
      %gt3A_179 = arith.cmpf ogt, %get3A_107, %gt3A_178 : vector<16xf32>
      %get3A_180 = arith.constant 16 : index
      %get3A_181 = tpu.vector_load %arg14[%get3A_180] {strides = array<i32>} : memref<128xf32, #tpu.memory_space<vmem>>, vector<16xf32>,
      %sub3A_182 = arith.subf %get3A_107, %parallel_loop3A_138#1 : vector<16xf32>
      %exp3A_183 = math.exp %sub3A_182 : vector<16xf32>
      %mul3A_184 = arith.mulf %get3A_181, %exp3A_183 : vector<16xf32>
      %jit3A_185 = arith.constant 0.000000e+00 : f32
      %broadcast_in_dim3A_186 = vector.broadcast %jit3A_185 : f32 to vector<16xf32>
      %select_n3A_187 = arith.select %gt3A_179, %mul3A_184, %broadcast_in_dim3A_186 : vector<16xi1>, vector<16xf32>
      %gt3A_188 = arith.constant 0xFF800000 : f32
      %gt3A_189 = vector.broadcast %gt3A_188 : f32 to vector<16xf32>
      %gt3A_190 = arith.cmpf ogt, %get3A_109, %gt3A_189 : vector<16xf32>
      %get3A_191 = arith.constant 32 : index
      %get3A_192 = tpu.vector_load %arg14[%get3A_191] {strides = array<i32>} : memref<128xf32, #tpu.memory_space<vmem>>, vector<16xf32>,
      %sub3A_193 = arith.subf %get3A_109, %parallel_loop3A_138#2 : vector<16xf32>
      %exp3A_194 = math.exp %sub3A_193 : vector<16xf32>
      %mul3A_195 = arith.mulf %get3A_192, %exp3A_194 : vector<16xf32>
      %jit3A_196 = arith.constant 0.000000e+00 : f32
      %broadcast_in_dim3A_197 = vector.broadcast %jit3A_196 : f32 to vector<16xf32>
      %select_n3A_198 = arith.select %gt3A_190, %mul3A_195, %broadcast_in_dim3A_197 : vector<16xi1>, vector<16xf32>
      %gt3A_199 = arith.constant 0xFF800000 : f32
      %gt3A_200 = vector.broadcast %gt3A_199 : f32 to vector<16xf32>
      %gt3A_201 = arith.cmpf ogt, %get3A_111, %gt3A_200 : vector<16xf32>
      %get3A_202 = arith.constant 48 : index
      %get3A_203 = tpu.vector_load %arg14[%get3A_202] {strides = array<i32>} : memref<128xf32, #tpu.memory_space<vmem>>, vector<16xf32>,
      %sub3A_204 = arith.subf %get3A_111, %parallel_loop3A_138#3 : vector<16xf32>
      %exp3A_205 = math.exp %sub3A_204 : vector<16xf32>
      %mul3A_206 = arith.mulf %get3A_203, %exp3A_205 : vector<16xf32>
      %jit3A_207 = arith.constant 0.000000e+00 : f32
      %broadcast_in_dim3A_208 = vector.broadcast %jit3A_207 : f32 to vector<16xf32>
      %select_n3A_209 = arith.select %gt3A_201, %mul3A_206, %broadcast_in_dim3A_208 : vector<16xi1>, vector<16xf32>
      %gt3A_210 = arith.constant 0xFF800000 : f32
      %gt3A_211 = vector.broadcast %gt3A_210 : f32 to vector<16xf32>
      %gt3A_212 = arith.cmpf ogt, %get3A_113, %gt3A_211 : vector<16xf32>
      %get3A_213 = arith.constant 64 : index
      %get3A_214 = tpu.vector_load %arg14[%get3A_213] {strides = array<i32>} : memref<128xf32, #tpu.memory_space<vmem>>, vector<16xf32>,
      %sub3A_215 = arith.subf %get3A_113, %parallel_loop3A_138#4 : vector<16xf32>
      %exp3A_216 = math.exp %sub3A_215 : vector<16xf32>
      %mul3A_217 = arith.mulf %get3A_214, %exp3A_216 : vector<16xf32>
      %jit3A_218 = arith.constant 0.000000e+00 : f32
      %broadcast_in_dim3A_219 = vector.broadcast %jit3A_218 : f32 to vector<16xf32>
      %select_n3A_220 = arith.select %gt3A_212, %mul3A_217, %broadcast_in_dim3A_219 : vector<16xi1>, vector<16xf32>
      %gt3A_221 = arith.constant 0xFF800000 : f32
      %gt3A_222 = vector.broadcast %gt3A_221 : f32 to vector<16xf32>
      %gt3A_223 = arith.cmpf ogt, %get3A_115, %gt3A_222 : vector<16xf32>
      %get3A_224 = arith.constant 80 : index
      %get3A_225 = tpu.vector_load %arg14[%get3A_224] {strides = array<i32>} : memref<128xf32, #tpu.memory_space<vmem>>, vector<16xf32>,
      %sub3A_226 = arith.subf %get3A_115, %parallel_loop3A_138#5 : vector<16xf32>
      %exp3A_227 = math.exp %sub3A_226 : vector<16xf32>
      %mul3A_228 = arith.mulf %get3A_225, %exp3A_227 : vector<16xf32>
      %jit3A_229 = arith.constant 0.000000e+00 : f32
      %broadcast_in_dim3A_230 = vector.broadcast %jit3A_229 : f32 to vector<16xf32>
      %select_n3A_231 = arith.select %gt3A_223, %mul3A_228, %broadcast_in_dim3A_230 : vector<16xi1>, vector<16xf32>
      %gt3A_232 = arith.constant 0xFF800000 : f32
      %gt3A_233 = vector.broadcast %gt3A_232 : f32 to vector<16xf32>
      %gt3A_234 = arith.cmpf ogt, %get3A_117, %gt3A_233 : vector<16xf32>
      %get3A_235 = arith.constant 96 : index
      %get3A_236 = tpu.vector_load %arg14[%get3A_235] {strides = array<i32>} : memref<128xf32, #tpu.memory_space<vmem>>, vector<16xf32>,
      %sub3A_237 = arith.subf %get3A_117, %parallel_loop3A_138#6 : vector<16xf32>
      %exp3A_238 = math.exp %sub3A_237 : vector<16xf32>
      %mul3A_239 = arith.mulf %get3A_236, %exp3A_238 : vector<16xf32>
      %jit3A_240 = arith.constant 0.000000e+00 : f32
      %broadcast_in_dim3A_241 = vector.broadcast %jit3A_240 : f32 to vector<16xf32>
      %select_n3A_242 = arith.select %gt3A_234, %mul3A_239, %broadcast_in_dim3A_241 : vector<16xi1>, vector<16xf32>
      %gt3A_243 = arith.constant 0xFF800000 : f32
      %gt3A_244 = vector.broadcast %gt3A_243 : f32 to vector<16xf32>
      %gt3A_245 = arith.cmpf ogt, %get3A_119, %gt3A_244 : vector<16xf32>
      %get3A_246 = arith.constant 112 : index
      %get3A_247 = tpu.vector_load %arg14[%get3A_246] {strides = array<i32>} : memref<128xf32, #tpu.memory_space<vmem>>, vector<16xf32>,
      %sub3A_248 = arith.subf %get3A_119, %parallel_loop3A_138#7 : vector<16xf32>
      %exp3A_249 = math.exp %sub3A_248 : vector<16xf32>
      %mul3A_250 = arith.mulf %get3A_247, %exp3A_249 : vector<16xf32>
      %jit3A_251 = arith.constant 0.000000e+00 : f32
      %broadcast_in_dim3A_252 = vector.broadcast %jit3A_251 : f32 to vector<16xf32>
      %select_n3A_253 = arith.select %gt3A_245, %mul3A_250, %broadcast_in_dim3A_252 : vector<16xi1>, vector<16xf32>
      %parallel_loop3A_254 = arith.constant 0 : i32
      %parallel_loop3A_255 = arith.constant 92 : i32
      %parallel_loop3A_256 = arith.constant 1 : i32
      %parallel_loop3A_257:8 = scf.for %parallel_loop3A_887 = %parallel_loop3A_254 to %parallel_loop3A_255 step %parallel_loop3A_256 iter_args(%parallel_loop3A_888 = %select_n3A, %parallel_loop3A_889 = %select_n3A_187, %parallel_loop3A_890 = %select_n3A_198, %parallel_loop3A_891 = %select_n3A_209, %parallel_loop3A_892 = %select_n3A_220, %parallel_loop3A_893 = %select_n3A_231, %parallel_loop3A_894 = %select_n3A_242, %parallel_loop3A_895 = %select_n3A_253) -> (vector<16xf32>, vector<16xf32>, vector<16xf32>, vector<16xf32>, vector<16xf32>, vector<16xf32>, vector<16xf32>, vector<16xf32>)  : i32 {
        %parallel_loop3A_896 = arith.constant 2 : i32
        %parallel_loop3A_897 = arith.muli %parallel_loop3A_887, %parallel_loop3A_896 : i32
        %parallel_loop3A_898 = arith.constant 0 : i32
        %parallel_loop3A_899 = arith.addi %parallel_loop3A_897, %parallel_loop3A_898 : i32
        %parallel_loop3A_900 = arith.index_cast %parallel_loop3A_899 : i32 to index
        %parallel_loop3A_901 = arith.constant 0 : index
        %parallel_loop3A_902 = tpu.vector_load %arg8[%parallel_loop3A_900, %parallel_loop3A_901] {strides = array<i32>} : memref<184x128xf32, #tpu.memory_space<vmem>>, vector<16xf32>,
        %parallel_loop3A_903 = arith.subf %parallel_loop3A_902, %parallel_loop3A_138#0 : vector<16xf32>
        %parallel_loop3A_904 = math.exp %parallel_loop3A_903 : vector<16xf32>
        %parallel_loop3A_905 = arith.addf %parallel_loop3A_888, %parallel_loop3A_904 : vector<16xf32>
        %parallel_loop3A_906 = arith.index_cast %parallel_loop3A_899 : i32 to index
        %parallel_loop3A_907 = arith.constant 16 : index
        %parallel_loop3A_908 = tpu.vector_load %arg8[%parallel_loop3A_906, %parallel_loop3A_907] {strides = array<i32>} : memref<184x128xf32, #tpu.memory_space<vmem>>, vector<16xf32>,
        %parallel_loop3A_909 = arith.subf %parallel_loop3A_908, %parallel_loop3A_138#1 : vector<16xf32>
        %parallel_loop3A_910 = math.exp %parallel_loop3A_909 : vector<16xf32>
        %parallel_loop3A_911 = arith.addf %parallel_loop3A_889, %parallel_loop3A_910 : vector<16xf32>
        %parallel_loop3A_912 = arith.index_cast %parallel_loop3A_899 : i32 to index
        %parallel_loop3A_913 = arith.constant 32 : index
        %parallel_loop3A_914 = tpu.vector_load %arg8[%parallel_loop3A_912, %parallel_loop3A_913] {strides = array<i32>} : memref<184x128xf32, #tpu.memory_space<vmem>>, vector<16xf32>,
        %parallel_loop3A_915 = arith.subf %parallel_loop3A_914, %parallel_loop3A_138#2 : vector<16xf32>
        %parallel_loop3A_916 = math.exp %parallel_loop3A_915 : vector<16xf32>
        %parallel_loop3A_917 = arith.addf %parallel_loop3A_890, %parallel_loop3A_916 : vector<16xf32>
        %parallel_loop3A_918 = arith.index_cast %parallel_loop3A_899 : i32 to index
        %parallel_loop3A_919 = arith.constant 48 : index
        %parallel_loop3A_920 = tpu.vector_load %arg8[%parallel_loop3A_918, %parallel_loop3A_919] {strides = array<i32>} : memref<184x128xf32, #tpu.memory_space<vmem>>, vector<16xf32>,
        %parallel_loop3A_921 = arith.subf %parallel_loop3A_920, %parallel_loop3A_138#3 : vector<16xf32>
        %parallel_loop3A_922 = math.exp %parallel_loop3A_921 : vector<16xf32>
        %parallel_loop3A_923 = arith.addf %parallel_loop3A_891, %parallel_loop3A_922 : vector<16xf32>
        %parallel_loop3A_924 = arith.index_cast %parallel_loop3A_899 : i32 to index
        %parallel_loop3A_925 = arith.constant 64 : index
        %parallel_loop3A_926 = tpu.vector_load %arg8[%parallel_loop3A_924, %parallel_loop3A_925] {strides = array<i32>} : memref<184x128xf32, #tpu.memory_space<vmem>>, vector<16xf32>,
        %parallel_loop3A_927 = arith.subf %parallel_loop3A_926, %parallel_loop3A_138#4 : vector<16xf32>
        %parallel_loop3A_928 = math.exp %parallel_loop3A_927 : vector<16xf32>
        %parallel_loop3A_929 = arith.addf %parallel_loop3A_892, %parallel_loop3A_928 : vector<16xf32>
        %parallel_loop3A_930 = arith.index_cast %parallel_loop3A_899 : i32 to index
        %parallel_loop3A_931 = arith.constant 80 : index
        %parallel_loop3A_932 = tpu.vector_load %arg8[%parallel_loop3A_930, %parallel_loop3A_931] {strides = array<i32>} : memref<184x128xf32, #tpu.memory_space<vmem>>, vector<16xf32>,
        %parallel_loop3A_933 = arith.subf %parallel_loop3A_932, %parallel_loop3A_138#5 : vector<16xf32>
        %parallel_loop3A_934 = math.exp %parallel_loop3A_933 : vector<16xf32>
        %parallel_loop3A_935 = arith.addf %parallel_loop3A_893, %parallel_loop3A_934 : vector<16xf32>
        %parallel_loop3A_936 = arith.index_cast %parallel_loop3A_899 : i32 to index
        %parallel_loop3A_937 = arith.constant 96 : index
        %parallel_loop3A_938 = tpu.vector_load %arg8[%parallel_loop3A_936, %parallel_loop3A_937] {strides = array<i32>} : memref<184x128xf32, #tpu.memory_space<vmem>>, vector<16xf32>,
        %parallel_loop3A_939 = arith.subf %parallel_loop3A_938, %parallel_loop3A_138#6 : vector<16xf32>
        %parallel_loop3A_940 = math.exp %parallel_loop3A_939 : vector<16xf32>
        %parallel_loop3A_941 = arith.addf %parallel_loop3A_894, %parallel_loop3A_940 : vector<16xf32>
        %parallel_loop3A_942 = arith.index_cast %parallel_loop3A_899 : i32 to index
        %parallel_loop3A_943 = arith.constant 112 : index
        %parallel_loop3A_944 = tpu.vector_load %arg8[%parallel_loop3A_942, %parallel_loop3A_943] {strides = array<i32>} : memref<184x128xf32, #tpu.memory_space<vmem>>, vector<16xf32>,
        %parallel_loop3A_945 = arith.subf %parallel_loop3A_944, %parallel_loop3A_138#7 : vector<16xf32>
        %parallel_loop3A_946 = math.exp %parallel_loop3A_945 : vector<16xf32>
        %parallel_loop3A_947 = arith.addf %parallel_loop3A_895, %parallel_loop3A_946 : vector<16xf32>
        %parallel_loop3A_948 = arith.constant 2 : i32
        %parallel_loop3A_949 = arith.muli %parallel_loop3A_887, %parallel_loop3A_948 : i32
        %parallel_loop3A_950 = arith.constant 1 : i32
        %parallel_loop3A_951 = arith.addi %parallel_loop3A_949, %parallel_loop3A_950 : i32
        %parallel_loop3A_952 = arith.index_cast %parallel_loop3A_951 : i32 to index
        %parallel_loop3A_953 = arith.constant 0 : index
        %parallel_loop3A_954 = tpu.vector_load %arg8[%parallel_loop3A_952, %parallel_loop3A_953] {strides = array<i32>} : memref<184x128xf32, #tpu.memory_space<vmem>>, vector<16xf32>,
        %parallel_loop3A_955 = arith.subf %parallel_loop3A_954, %parallel_loop3A_138#0 : vector<16xf32>
        %parallel_loop3A_956 = math.exp %parallel_loop3A_955 : vector<16xf32>
        %parallel_loop3A_957 = arith.addf %parallel_loop3A_905, %parallel_loop3A_956 : vector<16xf32>
        %parallel_loop3A_958 = arith.index_cast %parallel_loop3A_951 : i32 to index
        %parallel_loop3A_959 = arith.constant 16 : index
        %parallel_loop3A_960 = tpu.vector_load %arg8[%parallel_loop3A_958, %parallel_loop3A_959] {strides = array<i32>} : memref<184x128xf32, #tpu.memory_space<vmem>>, vector<16xf32>,
        %parallel_loop3A_961 = arith.subf %parallel_loop3A_960, %parallel_loop3A_138#1 : vector<16xf32>
        %parallel_loop3A_962 = math.exp %parallel_loop3A_961 : vector<16xf32>
        %parallel_loop3A_963 = arith.addf %parallel_loop3A_911, %parallel_loop3A_962 : vector<16xf32>
        %parallel_loop3A_964 = arith.index_cast %parallel_loop3A_951 : i32 to index
        %parallel_loop3A_965 = arith.constant 32 : index
        %parallel_loop3A_966 = tpu.vector_load %arg8[%parallel_loop3A_964, %parallel_loop3A_965] {strides = array<i32>} : memref<184x128xf32, #tpu.memory_space<vmem>>, vector<16xf32>,
        %parallel_loop3A_967 = arith.subf %parallel_loop3A_966, %parallel_loop3A_138#2 : vector<16xf32>
        %parallel_loop3A_968 = math.exp %parallel_loop3A_967 : vector<16xf32>
        %parallel_loop3A_969 = arith.addf %parallel_loop3A_917, %parallel_loop3A_968 : vector<16xf32>
        %parallel_loop3A_970 = arith.index_cast %parallel_loop3A_951 : i32 to index
        %parallel_loop3A_971 = arith.constant 48 : index
        %parallel_loop3A_972 = tpu.vector_load %arg8[%parallel_loop3A_970, %parallel_loop3A_971] {strides = array<i32>} : memref<184x128xf32, #tpu.memory_space<vmem>>, vector<16xf32>,
        %parallel_loop3A_973 = arith.subf %parallel_loop3A_972, %parallel_loop3A_138#3 : vector<16xf32>
        %parallel_loop3A_974 = math.exp %parallel_loop3A_973 : vector<16xf32>
        %parallel_loop3A_975 = arith.addf %parallel_loop3A_923, %parallel_loop3A_974 : vector<16xf32>
        %parallel_loop3A_976 = arith.index_cast %parallel_loop3A_951 : i32 to index
        %parallel_loop3A_977 = arith.constant 64 : index
        %parallel_loop3A_978 = tpu.vector_load %arg8[%parallel_loop3A_976, %parallel_loop3A_977] {strides = array<i32>} : memref<184x128xf32, #tpu.memory_space<vmem>>, vector<16xf32>,
        %parallel_loop3A_979 = arith.subf %parallel_loop3A_978, %parallel_loop3A_138#4 : vector<16xf32>
        %parallel_loop3A_980 = math.exp %parallel_loop3A_979 : vector<16xf32>
        %parallel_loop3A_981 = arith.addf %parallel_loop3A_929, %parallel_loop3A_980 : vector<16xf32>
        %parallel_loop3A_982 = arith.index_cast %parallel_loop3A_951 : i32 to index
        %parallel_loop3A_983 = arith.constant 80 : index
        %parallel_loop3A_984 = tpu.vector_load %arg8[%parallel_loop3A_982, %parallel_loop3A_983] {strides = array<i32>} : memref<184x128xf32, #tpu.memory_space<vmem>>, vector<16xf32>,
        %parallel_loop3A_985 = arith.subf %parallel_loop3A_984, %parallel_loop3A_138#5 : vector<16xf32>
        %parallel_loop3A_986 = math.exp %parallel_loop3A_985 : vector<16xf32>
        %parallel_loop3A_987 = arith.addf %parallel_loop3A_935, %parallel_loop3A_986 : vector<16xf32>
        %parallel_loop3A_988 = arith.index_cast %parallel_loop3A_951 : i32 to index
        %parallel_loop3A_989 = arith.constant 96 : index
        %parallel_loop3A_990 = tpu.vector_load %arg8[%parallel_loop3A_988, %parallel_loop3A_989] {strides = array<i32>} : memref<184x128xf32, #tpu.memory_space<vmem>>, vector<16xf32>,
        %parallel_loop3A_991 = arith.subf %parallel_loop3A_990, %parallel_loop3A_138#6 : vector<16xf32>
        %parallel_loop3A_992 = math.exp %parallel_loop3A_991 : vector<16xf32>
        %parallel_loop3A_993 = arith.addf %parallel_loop3A_941, %parallel_loop3A_992 : vector<16xf32>
        %parallel_loop3A_994 = arith.index_cast %parallel_loop3A_951 : i32 to index
        %parallel_loop3A_995 = arith.constant 112 : index
        %parallel_loop3A_996 = tpu.vector_load %arg8[%parallel_loop3A_994, %parallel_loop3A_995] {strides = array<i32>} : memref<184x128xf32, #tpu.memory_space<vmem>>, vector<16xf32>,
        %parallel_loop3A_997 = arith.subf %parallel_loop3A_996, %parallel_loop3A_138#7 : vector<16xf32>
        %parallel_loop3A_998 = math.exp %parallel_loop3A_997 : vector<16xf32>
        %parallel_loop3A_999 = arith.addf %parallel_loop3A_947, %parallel_loop3A_998 : vector<16xf32>
        scf.yield %parallel_loop3A_957, %parallel_loop3A_963, %parallel_loop3A_969, %parallel_loop3A_975, %parallel_loop3A_981, %parallel_loop3A_987, %parallel_loop3A_993, %parallel_loop3A_999 : vector<16xf32>, vector<16xf32>, vector<16xf32>, vector<16xf32>, vector<16xf32>, vector<16xf32>, vector<16xf32>, vector<16xf32>
      } {sc.loop_unroll_factor = 1 : i64, sc.parallel_access}
      %swap3A_258 = arith.constant 0 : index
      %swap3A_259 = tpu.vector_load %arg14[%swap3A_258] {strides = array<i32>} : memref<128xf32, #tpu.memory_space<vmem>>, vector<16xf32>,
      tpu.vector_store %arg14[%swap3A_258], %parallel_loop3A_257#0 {strides = array<i32>} : memref<128xf32, #tpu.memory_space<vmem>>, vector<16xf32>,
      %swap3A_260 = arith.constant 16 : index
      %swap3A_261 = tpu.vector_load %arg14[%swap3A_260] {strides = array<i32>} : memref<128xf32, #tpu.memory_space<vmem>>, vector<16xf32>,
      tpu.vector_store %arg14[%swap3A_260], %parallel_loop3A_257#1 {strides = array<i32>} : memref<128xf32, #tpu.memory_space<vmem>>, vector<16xf32>,
      %swap3A_262 = arith.constant 32 : index
      %swap3A_263 = tpu.vector_load %arg14[%swap3A_262] {strides = array<i32>} : memref<128xf32, #tpu.memory_space<vmem>>, vector<16xf32>,
      tpu.vector_store %arg14[%swap3A_262], %parallel_loop3A_257#2 {strides = array<i32>} : memref<128xf32, #tpu.memory_space<vmem>>, vector<16xf32>,
      %swap3A_264 = arith.constant 48 : index
      %swap3A_265 = tpu.vector_load %arg14[%swap3A_264] {strides = array<i32>} : memref<128xf32, #tpu.memory_space<vmem>>, vector<16xf32>,
      tpu.vector_store %arg14[%swap3A_264], %parallel_loop3A_257#3 {strides = array<i32>} : memref<128xf32, #tpu.memory_space<vmem>>, vector<16xf32>,
      %swap3A_266 = arith.constant 64 : index
      %swap3A_267 = tpu.vector_load %arg14[%swap3A_266] {strides = array<i32>} : memref<128xf32, #tpu.memory_space<vmem>>, vector<16xf32>,
      tpu.vector_store %arg14[%swap3A_266], %parallel_loop3A_257#4 {strides = array<i32>} : memref<128xf32, #tpu.memory_space<vmem>>, vector<16xf32>,
      %swap3A_268 = arith.constant 80 : index
      %swap3A_269 = tpu.vector_load %arg14[%swap3A_268] {strides = array<i32>} : memref<128xf32, #tpu.memory_space<vmem>>, vector<16xf32>,
      tpu.vector_store %arg14[%swap3A_268], %parallel_loop3A_257#5 {strides = array<i32>} : memref<128xf32, #tpu.memory_space<vmem>>, vector<16xf32>,
      %swap3A_270 = arith.constant 96 : index
      %swap3A_271 = tpu.vector_load %arg14[%swap3A_270] {strides = array<i32>} : memref<128xf32, #tpu.memory_space<vmem>>, vector<16xf32>,
      tpu.vector_store %arg14[%swap3A_270], %parallel_loop3A_257#6 {strides = array<i32>} : memref<128xf32, #tpu.memory_space<vmem>>, vector<16xf32>,
      %swap3A_272 = arith.constant 112 : index
      %swap3A_273 = tpu.vector_load %arg14[%swap3A_272] {strides = array<i32>} : memref<128xf32, #tpu.memory_space<vmem>>, vector<16xf32>,
      tpu.vector_store %arg14[%swap3A_272], %parallel_loop3A_257#7 {strides = array<i32>} : memref<128xf32, #tpu.memory_space<vmem>>, vector<16xf32>,
      %get3A_274 = arith.constant 0 : index
      %get3A_275 = tpu.vector_load %arg11[%get3A_274] {strides = array<i32>} : memref<128xi32, #tpu.memory_space<vmem>>, vector<16xi32>,
      %sub3A_276 = vector.broadcast %add3A_104 : i32 to vector<16xi32>
      %sub3A_277 = arith.subi %get3A_275, %sub3A_276 : vector<16xi32>
      %ge3A = arith.constant 0 : i32
      %ge3A_278 = vector.broadcast %ge3A : i32 to vector<16xi32>
      %ge3A_279 = arith.cmpi sge, %sub3A_277, %ge3A_278 : vector<16xi32>
      %lt3A_280 = arith.constant 184 : i32
      %lt3A_281 = vector.broadcast %lt3A_280 : i32 to vector<16xi32>
      %lt3A_282 = arith.cmpi slt, %sub3A_277, %lt3A_281 : vector<16xi32>
      %and3A = arith.andi %ge3A_279, %lt3A_282 : vector<16xi1>
      %jit3A_283 = arith.constant 0 : i32
      %jit3A_284 = arith.constant 183 : i32
      %max3A = vector.broadcast %jit3A_283 : i32 to vector<16xi32>
      %max3A_285 = arith.maxsi %max3A, %sub3A_277 : vector<16xi32>
      %min3A = vector.broadcast %jit3A_284 : i32 to vector<16xi32>
      %min3A_286 = arith.minsi %min3A, %max3A_285 : vector<16xi32>
      %add3A_287 = arith.constant 0 : i32
      %add3A_288 = vector.broadcast %add3A_287 : i32 to vector<16xi32>
      %add3A_289 = arith.addi %add3A_288, %iota3A : vector<16xi32>
      %gather3A = tpu.vector_load_idx %arg8[%min3A_286, %add3A_289] : memref<184x128xf32, #tpu.memory_space<vmem>>[vector<16xi32>, vector<16xi32>], vector<16xf32>,
      %get3A_290 = arith.constant 0 : index
      %get3A_291 = tpu.vector_load %arg12[%get3A_290] {strides = array<i32>} : memref<128xf32, #tpu.memory_space<vmem>>, vector<16xf32>,
      %select_n3A_292 = arith.select %and3A, %gather3A, %get3A_291 : vector<16xi1>, vector<16xf32>
      %swap3A_293 = arith.constant 0 : index
      %swap3A_294 = tpu.vector_load %arg12[%swap3A_293] {strides = array<i32>} : memref<128xf32, #tpu.memory_space<vmem>>, vector<16xf32>,
      tpu.vector_store %arg12[%swap3A_293], %select_n3A_292 {strides = array<i32>} : memref<128xf32, #tpu.memory_space<vmem>>, vector<16xf32>,
      %get3A_295 = arith.constant 16 : index
      %get3A_296 = tpu.vector_load %arg11[%get3A_295] {strides = array<i32>} : memref<128xi32, #tpu.memory_space<vmem>>, vector<16xi32>,
      %sub3A_297 = vector.broadcast %add3A_104 : i32 to vector<16xi32>
      %sub3A_298 = arith.subi %get3A_296, %sub3A_297 : vector<16xi32>
      %ge3A_299 = arith.constant 0 : i32
      %ge3A_300 = vector.broadcast %ge3A_299 : i32 to vector<16xi32>
      %ge3A_301 = arith.cmpi sge, %sub3A_298, %ge3A_300 : vector<16xi32>
      %lt3A_302 = arith.constant 184 : i32
      %lt3A_303 = vector.broadcast %lt3A_302 : i32 to vector<16xi32>
      %lt3A_304 = arith.cmpi slt, %sub3A_298, %lt3A_303 : vector<16xi32>
      %and3A_305 = arith.andi %ge3A_301, %lt3A_304 : vector<16xi1>
      %jit3A_306 = arith.constant 0 : i32
      %jit3A_307 = arith.constant 183 : i32
      %max3A_308 = vector.broadcast %jit3A_306 : i32 to vector<16xi32>
      %max3A_309 = arith.maxsi %max3A_308, %sub3A_298 : vector<16xi32>
      %min3A_310 = vector.broadcast %jit3A_307 : i32 to vector<16xi32>
      %min3A_311 = arith.minsi %min3A_310, %max3A_309 : vector<16xi32>
      %add3A_312 = arith.constant 16 : i32
      %add3A_313 = vector.broadcast %add3A_312 : i32 to vector<16xi32>
      %add3A_314 = arith.addi %add3A_313, %iota3A : vector<16xi32>
      %gather3A_315 = tpu.vector_load_idx %arg8[%min3A_311, %add3A_314] : memref<184x128xf32, #tpu.memory_space<vmem>>[vector<16xi32>, vector<16xi32>], vector<16xf32>,
      %get3A_316 = arith.constant 16 : index
      %get3A_317 = tpu.vector_load %arg12[%get3A_316] {strides = array<i32>} : memref<128xf32, #tpu.memory_space<vmem>>, vector<16xf32>,
      %select_n3A_318 = arith.select %and3A_305, %gather3A_315, %get3A_317 : vector<16xi1>, vector<16xf32>
      %swap3A_319 = arith.constant 16 : index
      %swap3A_320 = tpu.vector_load %arg12[%swap3A_319] {strides = array<i32>} : memref<128xf32, #tpu.memory_space<vmem>>, vector<16xf32>,
      tpu.vector_store %arg12[%swap3A_319], %select_n3A_318 {strides = array<i32>} : memref<128xf32, #tpu.memory_space<vmem>>, vector<16xf32>,
      %get3A_321 = arith.constant 32 : index
      %get3A_322 = tpu.vector_load %arg11[%get3A_321] {strides = array<i32>} : memref<128xi32, #tpu.memory_space<vmem>>, vector<16xi32>,
      %sub3A_323 = vector.broadcast %add3A_104 : i32 to vector<16xi32>
      %sub3A_324 = arith.subi %get3A_322, %sub3A_323 : vector<16xi32>
      %ge3A_325 = arith.constant 0 : i32
      %ge3A_326 = vector.broadcast %ge3A_325 : i32 to vector<16xi32>
      %ge3A_327 = arith.cmpi sge, %sub3A_324, %ge3A_326 : vector<16xi32>
      %lt3A_328 = arith.constant 184 : i32
      %lt3A_329 = vector.broadcast %lt3A_328 : i32 to vector<16xi32>
      %lt3A_330 = arith.cmpi slt, %sub3A_324, %lt3A_329 : vector<16xi32>
      %and3A_331 = arith.andi %ge3A_327, %lt3A_330 : vector<16xi1>
      %jit3A_332 = arith.constant 0 : i32
      %jit3A_333 = arith.constant 183 : i32
      %max3A_334 = vector.broadcast %jit3A_332 : i32 to vector<16xi32>
      %max3A_335 = arith.maxsi %max3A_334, %sub3A_324 : vector<16xi32>
      %min3A_336 = vector.broadcast %jit3A_333 : i32 to vector<16xi32>
      %min3A_337 = arith.minsi %min3A_336, %max3A_335 : vector<16xi32>
      %add3A_338 = arith.constant 32 : i32
      %add3A_339 = vector.broadcast %add3A_338 : i32 to vector<16xi32>
      %add3A_340 = arith.addi %add3A_339, %iota3A : vector<16xi32>
      %gather3A_341 = tpu.vector_load_idx %arg8[%min3A_337, %add3A_340] : memref<184x128xf32, #tpu.memory_space<vmem>>[vector<16xi32>, vector<16xi32>], vector<16xf32>,
      %get3A_342 = arith.constant 32 : index
      %get3A_343 = tpu.vector_load %arg12[%get3A_342] {strides = array<i32>} : memref<128xf32, #tpu.memory_space<vmem>>, vector<16xf32>,
      %select_n3A_344 = arith.select %and3A_331, %gather3A_341, %get3A_343 : vector<16xi1>, vector<16xf32>
      %swap3A_345 = arith.constant 32 : index
      %swap3A_346 = tpu.vector_load %arg12[%swap3A_345] {strides = array<i32>} : memref<128xf32, #tpu.memory_space<vmem>>, vector<16xf32>,
      tpu.vector_store %arg12[%swap3A_345], %select_n3A_344 {strides = array<i32>} : memref<128xf32, #tpu.memory_space<vmem>>, vector<16xf32>,
      %get3A_347 = arith.constant 48 : index
      %get3A_348 = tpu.vector_load %arg11[%get3A_347] {strides = array<i32>} : memref<128xi32, #tpu.memory_space<vmem>>, vector<16xi32>,
      %sub3A_349 = vector.broadcast %add3A_104 : i32 to vector<16xi32>
      %sub3A_350 = arith.subi %get3A_348, %sub3A_349 : vector<16xi32>
      %ge3A_351 = arith.constant 0 : i32
      %ge3A_352 = vector.broadcast %ge3A_351 : i32 to vector<16xi32>
      %ge3A_353 = arith.cmpi sge, %sub3A_350, %ge3A_352 : vector<16xi32>
      %lt3A_354 = arith.constant 184 : i32
      %lt3A_355 = vector.broadcast %lt3A_354 : i32 to vector<16xi32>
      %lt3A_356 = arith.cmpi slt, %sub3A_350, %lt3A_355 : vector<16xi32>
      %and3A_357 = arith.andi %ge3A_353, %lt3A_356 : vector<16xi1>
      %jit3A_358 = arith.constant 0 : i32
      %jit3A_359 = arith.constant 183 : i32
      %max3A_360 = vector.broadcast %jit3A_358 : i32 to vector<16xi32>
      %max3A_361 = arith.maxsi %max3A_360, %sub3A_350 : vector<16xi32>
      %min3A_362 = vector.broadcast %jit3A_359 : i32 to vector<16xi32>
      %min3A_363 = arith.minsi %min3A_362, %max3A_361 : vector<16xi32>
      %add3A_364 = arith.constant 48 : i32
      %add3A_365 = vector.broadcast %add3A_364 : i32 to vector<16xi32>
      %add3A_366 = arith.addi %add3A_365, %iota3A : vector<16xi32>
      %gather3A_367 = tpu.vector_load_idx %arg8[%min3A_363, %add3A_366] : memref<184x128xf32, #tpu.memory_space<vmem>>[vector<16xi32>, vector<16xi32>], vector<16xf32>,
      %get3A_368 = arith.constant 48 : index
      %get3A_369 = tpu.vector_load %arg12[%get3A_368] {strides = array<i32>} : memref<128xf32, #tpu.memory_space<vmem>>, vector<16xf32>,
      %select_n3A_370 = arith.select %and3A_357, %gather3A_367, %get3A_369 : vector<16xi1>, vector<16xf32>
      %swap3A_371 = arith.constant 48 : index
      %swap3A_372 = tpu.vector_load %arg12[%swap3A_371] {strides = array<i32>} : memref<128xf32, #tpu.memory_space<vmem>>, vector<16xf32>,
      tpu.vector_store %arg12[%swap3A_371], %select_n3A_370 {strides = array<i32>} : memref<128xf32, #tpu.memory_space<vmem>>, vector<16xf32>,
      %get3A_373 = arith.constant 64 : index
      %get3A_374 = tpu.vector_load %arg11[%get3A_373] {strides = array<i32>} : memref<128xi32, #tpu.memory_space<vmem>>, vector<16xi32>,
      %sub3A_375 = vector.broadcast %add3A_104 : i32 to vector<16xi32>
      %sub3A_376 = arith.subi %get3A_374, %sub3A_375 : vector<16xi32>
      %ge3A_377 = arith.constant 0 : i32
      %ge3A_378 = vector.broadcast %ge3A_377 : i32 to vector<16xi32>
      %ge3A_379 = arith.cmpi sge, %sub3A_376, %ge3A_378 : vector<16xi32>
      %lt3A_380 = arith.constant 184 : i32
      %lt3A_381 = vector.broadcast %lt3A_380 : i32 to vector<16xi32>
      %lt3A_382 = arith.cmpi slt, %sub3A_376, %lt3A_381 : vector<16xi32>
      %and3A_383 = arith.andi %ge3A_379, %lt3A_382 : vector<16xi1>
      %jit3A_384 = arith.constant 0 : i32
      %jit3A_385 = arith.constant 183 : i32
      %max3A_386 = vector.broadcast %jit3A_384 : i32 to vector<16xi32>
      %max3A_387 = arith.maxsi %max3A_386, %sub3A_376 : vector<16xi32>
      %min3A_388 = vector.broadcast %jit3A_385 : i32 to vector<16xi32>
      %min3A_389 = arith.minsi %min3A_388, %max3A_387 : vector<16xi32>
      %add3A_390 = arith.constant 64 : i32
      %add3A_391 = vector.broadcast %add3A_390 : i32 to vector<16xi32>
      %add3A_392 = arith.addi %add3A_391, %iota3A : vector<16xi32>
      %gather3A_393 = tpu.vector_load_idx %arg8[%min3A_389, %add3A_392] : memref<184x128xf32, #tpu.memory_space<vmem>>[vector<16xi32>, vector<16xi32>], vector<16xf32>,
      %get3A_394 = arith.constant 64 : index
      %get3A_395 = tpu.vector_load %arg12[%get3A_394] {strides = array<i32>} : memref<128xf32, #tpu.memory_space<vmem>>, vector<16xf32>,
      %select_n3A_396 = arith.select %and3A_383, %gather3A_393, %get3A_395 : vector<16xi1>, vector<16xf32>
      %swap3A_397 = arith.constant 64 : index
      %swap3A_398 = tpu.vector_load %arg12[%swap3A_397] {strides = array<i32>} : memref<128xf32, #tpu.memory_space<vmem>>, vector<16xf32>,
      tpu.vector_store %arg12[%swap3A_397], %select_n3A_396 {strides = array<i32>} : memref<128xf32, #tpu.memory_space<vmem>>, vector<16xf32>,
      %get3A_399 = arith.constant 80 : index
      %get3A_400 = tpu.vector_load %arg11[%get3A_399] {strides = array<i32>} : memref<128xi32, #tpu.memory_space<vmem>>, vector<16xi32>,
      %sub3A_401 = vector.broadcast %add3A_104 : i32 to vector<16xi32>
      %sub3A_402 = arith.subi %get3A_400, %sub3A_401 : vector<16xi32>
      %ge3A_403 = arith.constant 0 : i32
      %ge3A_404 = vector.broadcast %ge3A_403 : i32 to vector<16xi32>
      %ge3A_405 = arith.cmpi sge, %sub3A_402, %ge3A_404 : vector<16xi32>
      %lt3A_406 = arith.constant 184 : i32
      %lt3A_407 = vector.broadcast %lt3A_406 : i32 to vector<16xi32>
      %lt3A_408 = arith.cmpi slt, %sub3A_402, %lt3A_407 : vector<16xi32>
      %and3A_409 = arith.andi %ge3A_405, %lt3A_408 : vector<16xi1>
      %jit3A_410 = arith.constant 0 : i32
      %jit3A_411 = arith.constant 183 : i32
      %max3A_412 = vector.broadcast %jit3A_410 : i32 to vector<16xi32>
      %max3A_413 = arith.maxsi %max3A_412, %sub3A_402 : vector<16xi32>
      %min3A_414 = vector.broadcast %jit3A_411 : i32 to vector<16xi32>
      %min3A_415 = arith.minsi %min3A_414, %max3A_413 : vector<16xi32>
      %add3A_416 = arith.constant 80 : i32
      %add3A_417 = vector.broadcast %add3A_416 : i32 to vector<16xi32>
      %add3A_418 = arith.addi %add3A_417, %iota3A : vector<16xi32>
      %gather3A_419 = tpu.vector_load_idx %arg8[%min3A_415, %add3A_418] : memref<184x128xf32, #tpu.memory_space<vmem>>[vector<16xi32>, vector<16xi32>], vector<16xf32>,
      %get3A_420 = arith.constant 80 : index
      %get3A_421 = tpu.vector_load %arg12[%get3A_420] {strides = array<i32>} : memref<128xf32, #tpu.memory_space<vmem>>, vector<16xf32>,
      %select_n3A_422 = arith.select %and3A_409, %gather3A_419, %get3A_421 : vector<16xi1>, vector<16xf32>
      %swap3A_423 = arith.constant 80 : index
      %swap3A_424 = tpu.vector_load %arg12[%swap3A_423] {strides = array<i32>} : memref<128xf32, #tpu.memory_space<vmem>>, vector<16xf32>,
      tpu.vector_store %arg12[%swap3A_423], %select_n3A_422 {strides = array<i32>} : memref<128xf32, #tpu.memory_space<vmem>>, vector<16xf32>,
      %get3A_425 = arith.constant 96 : index
      %get3A_426 = tpu.vector_load %arg11[%get3A_425] {strides = array<i32>} : memref<128xi32, #tpu.memory_space<vmem>>, vector<16xi32>,
      %sub3A_427 = vector.broadcast %add3A_104 : i32 to vector<16xi32>
      %sub3A_428 = arith.subi %get3A_426, %sub3A_427 : vector<16xi32>
      %ge3A_429 = arith.constant 0 : i32
      %ge3A_430 = vector.broadcast %ge3A_429 : i32 to vector<16xi32>
      %ge3A_431 = arith.cmpi sge, %sub3A_428, %ge3A_430 : vector<16xi32>
      %lt3A_432 = arith.constant 184 : i32
      %lt3A_433 = vector.broadcast %lt3A_432 : i32 to vector<16xi32>
      %lt3A_434 = arith.cmpi slt, %sub3A_428, %lt3A_433 : vector<16xi32>
      %and3A_435 = arith.andi %ge3A_431, %lt3A_434 : vector<16xi1>
      %jit3A_436 = arith.constant 0 : i32
      %jit3A_437 = arith.constant 183 : i32
      %max3A_438 = vector.broadcast %jit3A_436 : i32 to vector<16xi32>
      %max3A_439 = arith.maxsi %max3A_438, %sub3A_428 : vector<16xi32>
      %min3A_440 = vector.broadcast %jit3A_437 : i32 to vector<16xi32>
      %min3A_441 = arith.minsi %min3A_440, %max3A_439 : vector<16xi32>
      %add3A_442 = arith.constant 96 : i32
      %add3A_443 = vector.broadcast %add3A_442 : i32 to vector<16xi32>
      %add3A_444 = arith.addi %add3A_443, %iota3A : vector<16xi32>
      %gather3A_445 = tpu.vector_load_idx %arg8[%min3A_441, %add3A_444] : memref<184x128xf32, #tpu.memory_space<vmem>>[vector<16xi32>, vector<16xi32>], vector<16xf32>,
      %get3A_446 = arith.constant 96 : index
      %get3A_447 = tpu.vector_load %arg12[%get3A_446] {strides = array<i32>} : memref<128xf32, #tpu.memory_space<vmem>>, vector<16xf32>,
      %select_n3A_448 = arith.select %and3A_435, %gather3A_445, %get3A_447 : vector<16xi1>, vector<16xf32>
      %swap3A_449 = arith.constant 96 : index
      %swap3A_450 = tpu.vector_load %arg12[%swap3A_449] {strides = array<i32>} : memref<128xf32, #tpu.memory_space<vmem>>, vector<16xf32>,
      tpu.vector_store %arg12[%swap3A_449], %select_n3A_448 {strides = array<i32>} : memref<128xf32, #tpu.memory_space<vmem>>, vector<16xf32>,
      %get3A_451 = arith.constant 112 : index
      %get3A_452 = tpu.vector_load %arg11[%get3A_451] {strides = array<i32>} : memref<128xi32, #tpu.memory_space<vmem>>, vector<16xi32>,
      %sub3A_453 = vector.broadcast %add3A_104 : i32 to vector<16xi32>
      %sub3A_454 = arith.subi %get3A_452, %sub3A_453 : vector<16xi32>
      %ge3A_455 = arith.constant 0 : i32
      %ge3A_456 = vector.broadcast %ge3A_455 : i32 to vector<16xi32>
      %ge3A_457 = arith.cmpi sge, %sub3A_454, %ge3A_456 : vector<16xi32>
      %lt3A_458 = arith.constant 184 : i32
      %lt3A_459 = vector.broadcast %lt3A_458 : i32 to vector<16xi32>
      %lt3A_460 = arith.cmpi slt, %sub3A_454, %lt3A_459 : vector<16xi32>
      %and3A_461 = arith.andi %ge3A_457, %lt3A_460 : vector<16xi1>
      %jit3A_462 = arith.constant 0 : i32
      %jit3A_463 = arith.constant 183 : i32
      %max3A_464 = vector.broadcast %jit3A_462 : i32 to vector<16xi32>
      %max3A_465 = arith.maxsi %max3A_464, %sub3A_454 : vector<16xi32>
      %min3A_466 = vector.broadcast %jit3A_463 : i32 to vector<16xi32>
      %min3A_467 = arith.minsi %min3A_466, %max3A_465 : vector<16xi32>
      %add3A_468 = arith.constant 112 : i32
      %add3A_469 = vector.broadcast %add3A_468 : i32 to vector<16xi32>
      %add3A_470 = arith.addi %add3A_469, %iota3A : vector<16xi32>
      %gather3A_471 = tpu.vector_load_idx %arg8[%min3A_467, %add3A_470] : memref<184x128xf32, #tpu.memory_space<vmem>>[vector<16xi32>, vector<16xi32>], vector<16xf32>,
      %get3A_472 = arith.constant 112 : index
      %get3A_473 = tpu.vector_load %arg12[%get3A_472] {strides = array<i32>} : memref<128xf32, #tpu.memory_space<vmem>>, vector<16xf32>,
      %select_n3A_474 = arith.select %and3A_461, %gather3A_471, %get3A_473 : vector<16xi1>, vector<16xf32>
      %swap3A_475 = arith.constant 112 : index
      %swap3A_476 = tpu.vector_load %arg12[%swap3A_475] {strides = array<i32>} : memref<128xf32, #tpu.memory_space<vmem>>, vector<16xf32>,
      tpu.vector_store %arg12[%swap3A_475], %select_n3A_474 {strides = array<i32>} : memref<128xf32, #tpu.memory_space<vmem>>, vector<16xf32>,
      %lt3A_477 = arith.constant 14 : i32
      %lt3A_478 = arith.cmpi slt, %add3A_96, %lt3A_477 : i32
      %convert_element_type3A_479 = arith.extui %lt3A_478 : i1 to i32
      %cond3A_480 = arith.constant 0 : i32
      %cond3A_481 = arith.cmpi ne, %convert_element_type3A_479, %cond3A_480 : i32
      scf.if %cond3A_481 {
        %add3A_887 = arith.constant 2 : i32
        %add3A_888 = arith.addi %add3A_96, %add3A_887 : i32
        %mul3A_889 = arith.constant 184 : i32
        %mul3A_890 = arith.muli %add3A_888, %mul3A_889 : i32
        %add3A_891 = arith.addi %mul3A_2, %mul3A_890 : i32
        %dma_start3A_892 = arith.constant 0 : i32
        %dma_start3A_893 = tpu.memref_slice %arg2[%add3A_891, %dma_start3A_892] : memref<100000x128xf32, #tpu.memory_space<hbm>> -> memref<184x128xf32, #tpu.memory_space<hbm>>
        %dma_start3A_894 = arith.constant 0 : i32
        %dma_start3A_895 = tpu.memref_slice %arg2[%add3A_891, %dma_start3A_894] : memref<100000x128xf32, #tpu.memory_space<hbm>> -> memref<184x128xf32, #tpu.memory_space<hbm>>
        tpu.enqueue_dma source(%dma_start3A_895 : memref<184x128xf32, #tpu.memory_space<hbm>>) target(%arg8 : memref<184x128xf32, #tpu.memory_space<vmem>>) target_semaphore(%arg16 : memref<!tpu.dma_semaphore, #tpu.memory_space<semaphore_mem>>)
      } else {
      }
      %eq3A_482 = arith.constant 14 : i32
      %eq3A_483 = arith.cmpi eq, %add3A_96, %eq3A_482 : i32
      %convert_element_type3A_484 = arith.extui %eq3A_483 : i1 to i32
      %cond3A_485 = arith.constant 0 : i32
      %cond3A_486 = arith.cmpi ne, %convert_element_type3A_484, %cond3A_485 : i32
      scf.if %cond3A_486 {
        %lt3A_887 = arith.constant 31 : i32
        %lt3A_888 = arith.cmpi slt, %add3A, %lt3A_887 : i32
        %convert_element_type3A_889 = arith.extui %lt3A_888 : i1 to i32
        %cond3A_890 = arith.constant 0 : i32
        %cond3A_891 = arith.cmpi ne, %convert_element_type3A_889, %cond3A_890 : i32
        scf.if %cond3A_891 {
          %add3A_897 = arith.constant 2944 : i32
          %add3A_898 = arith.addi %mul3A_2, %add3A_897 : i32
          %dma_start3A_899 = arith.constant 0 : i32
          %dma_start3A_900 = tpu.memref_slice %arg2[%add3A_898, %dma_start3A_899] : memref<100000x128xf32, #tpu.memory_space<hbm>> -> memref<184x128xf32, #tpu.memory_space<hbm>>
          %dma_start3A_901 = arith.constant 0 : i32
          %dma_start3A_902 = tpu.memref_slice %arg2[%add3A_898, %dma_start3A_901] : memref<100000x128xf32, #tpu.memory_space<hbm>> -> memref<184x128xf32, #tpu.memory_space<hbm>>
          tpu.enqueue_dma source(%dma_start3A_902 : memref<184x128xf32, #tpu.memory_space<hbm>>) target(%arg8 : memref<184x128xf32, #tpu.memory_space<vmem>>) target_semaphore(%arg16 : memref<!tpu.dma_semaphore, #tpu.memory_space<semaphore_mem>>)
        } else {
        }
        %eq3A_892 = arith.constant 31 : i32
        %eq3A_893 = arith.cmpi eq, %add3A, %eq3A_892 : i32
        %convert_element_type3A_894 = arith.extui %eq3A_893 : i1 to i32
        %cond3A_895 = arith.constant 0 : i32
        %cond3A_896 = arith.cmpi ne, %convert_element_type3A_894, %cond3A_895 : i32
        scf.if %cond3A_896 {
          %add3A_897 = arith.constant 2944 : i32
          %add3A_898 = arith.addi %mul3A_2, %add3A_897 : i32
          %dma_start3A_899 = arith.constant 0 : i32
          %dma_start3A_900 = tpu.memref_slice %arg2[%add3A_898, %dma_start3A_899] : memref<100000x128xf32, #tpu.memory_space<hbm>> -> memref<88x128xf32, #tpu.memory_space<hbm>>
          %dma_start3A_901 = arith.constant 0 : i32
          %dma_start3A_902 = tpu.memref_slice %arg2[%add3A_898, %dma_start3A_901] : memref<100000x128xf32, #tpu.memory_space<hbm>> -> memref<88x128xf32, #tpu.memory_space<hbm>>
          tpu.enqueue_dma source(%dma_start3A_902 : memref<88x128xf32, #tpu.memory_space<hbm>>) target(%arg10 : memref<88x128xf32, #tpu.memory_space<vmem>>) target_semaphore(%arg18 : memref<!tpu.dma_semaphore, #tpu.memory_space<semaphore_mem>>)
        } else {
        }
      } else {
      }
      %dma_wait3A_487 = arith.constant 0 : i32
      %dma_wait3A_488 = arith.constant 0 : i32
      %dma_wait3A_489 = tpu.memref_slice %arg2[%dma_wait3A_487, %dma_wait3A_488] : memref<100000x128xf32, #tpu.memory_space<hbm>> -> memref<184x128xf32, #tpu.memory_space<hbm>>
      %dma_wait3A_490 = arith.constant 0 : i32
      %dma_wait3A_491 = arith.constant 0 : i32
      %dma_wait3A_492 = tpu.memref_slice %arg2[%dma_wait3A_490, %dma_wait3A_491] : memref<100000x128xf32, #tpu.memory_space<hbm>> -> memref<184x128xf32, #tpu.memory_space<hbm>>
      tpu.wait_dma2 semaphore(%arg17 : memref<!tpu.dma_semaphore, #tpu.memory_space<semaphore_mem>>) src(%dma_wait3A_492 : memref<184x128xf32, #tpu.memory_space<hbm>>) dst(%arg9 : memref<184x128xf32, #tpu.memory_space<vmem>>)
      %add3A_493 = arith.constant 1 : i32
      %add3A_494 = arith.addi %add3A_96, %add3A_493 : i32
      %mul3A_495 = arith.constant 184 : i32
      %mul3A_496 = arith.muli %add3A_494, %mul3A_495 : i32
      %add3A_497 = arith.addi %mul3A_2, %mul3A_496 : i32
      %get3A_498 = arith.constant 0 : index
      %get3A_499 = tpu.vector_load %arg13[%get3A_498] {strides = array<i32>} : memref<128xf32, #tpu.memory_space<vmem>>, vector<16xf32>,
      %get3A_500 = arith.constant 16 : index
      %get3A_501 = tpu.vector_load %arg13[%get3A_500] {strides = array<i32>} : memref<128xf32, #tpu.memory_space<vmem>>, vector<16xf32>,
      %get3A_502 = arith.constant 32 : index
      %get3A_503 = tpu.vector_load %arg13[%get3A_502] {strides = array<i32>} : memref<128xf32, #tpu.memory_space<vmem>>, vector<16xf32>,
      %get3A_504 = arith.constant 48 : index
      %get3A_505 = tpu.vector_load %arg13[%get3A_504] {strides = array<i32>} : memref<128xf32, #tpu.memory_space<vmem>>, vector<16xf32>,
      %get3A_506 = arith.constant 64 : index
      %get3A_507 = tpu.vector_load %arg13[%get3A_506] {strides = array<i32>} : memref<128xf32, #tpu.memory_space<vmem>>, vector<16xf32>,
      %get3A_508 = arith.constant 80 : index
      %get3A_509 = tpu.vector_load %arg13[%get3A_508] {strides = array<i32>} : memref<128xf32, #tpu.memory_space<vmem>>, vector<16xf32>,
      %get3A_510 = arith.constant 96 : index
      %get3A_511 = tpu.vector_load %arg13[%get3A_510] {strides = array<i32>} : memref<128xf32, #tpu.memory_space<vmem>>, vector<16xf32>,
      %get3A_512 = arith.constant 112 : index
      %get3A_513 = tpu.vector_load %arg13[%get3A_512] {strides = array<i32>} : memref<128xf32, #tpu.memory_space<vmem>>, vector<16xf32>,
      %get3A_514 = arith.constant 0 : index
      %get3A_515 = tpu.vector_load %arg15[%get3A_514] {strides = array<i32>} : memref<128xi32, #tpu.memory_space<vmem>>, vector<16xi32>,
      %get3A_516 = arith.constant 16 : index
      %get3A_517 = tpu.vector_load %arg15[%get3A_516] {strides = array<i32>} : memref<128xi32, #tpu.memory_space<vmem>>, vector<16xi32>,
      %get3A_518 = arith.constant 32 : index
      %get3A_519 = tpu.vector_load %arg15[%get3A_518] {strides = array<i32>} : memref<128xi32, #tpu.memory_space<vmem>>, vector<16xi32>,
      %get3A_520 = arith.constant 48 : index
      %get3A_521 = tpu.vector_load %arg15[%get3A_520] {strides = array<i32>} : memref<128xi32, #tpu.memory_space<vmem>>, vector<16xi32>,
      %get3A_522 = arith.constant 64 : index
      %get3A_523 = tpu.vector_load %arg15[%get3A_522] {strides = array<i32>} : memref<128xi32, #tpu.memory_space<vmem>>, vector<16xi32>,
      %get3A_524 = arith.constant 80 : index
      %get3A_525 = tpu.vector_load %arg15[%get3A_524] {strides = array<i32>} : memref<128xi32, #tpu.memory_space<vmem>>, vector<16xi32>,
      %get3A_526 = arith.constant 96 : index
      %get3A_527 = tpu.vector_load %arg15[%get3A_526] {strides = array<i32>} : memref<128xi32, #tpu.memory_space<vmem>>, vector<16xi32>,
      %get3A_528 = arith.constant 112 : index
      %get3A_529 = tpu.vector_load %arg15[%get3A_528] {strides = array<i32>} : memref<128xi32, #tpu.memory_space<vmem>>, vector<16xi32>,
      %parallel_loop3A_530 = arith.constant 0 : i32
      %parallel_loop3A_531 = arith.constant 92 : i32
      %parallel_loop3A_532 = arith.constant 1 : i32
      %parallel_loop3A_533:16 = scf.for %parallel_loop3A_887 = %parallel_loop3A_530 to %parallel_loop3A_531 step %parallel_loop3A_532 iter_args(%parallel_loop3A_888 = %get3A_499, %parallel_loop3A_889 = %get3A_501, %parallel_loop3A_890 = %get3A_503, %parallel_loop3A_891 = %get3A_505, %parallel_loop3A_892 = %get3A_507, %parallel_loop3A_893 = %get3A_509, %parallel_loop3A_894 = %get3A_511, %parallel_loop3A_895 = %get3A_513, %parallel_loop3A_896 = %get3A_515, %parallel_loop3A_897 = %get3A_517, %parallel_loop3A_898 = %get3A_519, %parallel_loop3A_899 = %get3A_521, %parallel_loop3A_900 = %get3A_523, %parallel_loop3A_901 = %get3A_525, %parallel_loop3A_902 = %get3A_527, %parallel_loop3A_903 = %get3A_529) -> (vector<16xf32>, vector<16xf32>, vector<16xf32>, vector<16xf32>, vector<16xf32>, vector<16xf32>, vector<16xf32>, vector<16xf32>, vector<16xi32>, vector<16xi32>, vector<16xi32>, vector<16xi32>, vector<16xi32>, vector<16xi32>, vector<16xi32>, vector<16xi32>)  : i32 {
        %parallel_loop3A_904 = arith.constant 2 : i32
        %parallel_loop3A_905 = arith.muli %parallel_loop3A_887, %parallel_loop3A_904 : i32
        %parallel_loop3A_906 = arith.constant 0 : i32
        %parallel_loop3A_907 = arith.addi %parallel_loop3A_905, %parallel_loop3A_906 : i32
        %parallel_loop3A_908 = arith.index_cast %parallel_loop3A_907 : i32 to index
        %parallel_loop3A_909 = arith.constant 0 : index
        %parallel_loop3A_910 = tpu.vector_load %arg9[%parallel_loop3A_908, %parallel_loop3A_909] {strides = array<i32>} : memref<184x128xf32, #tpu.memory_space<vmem>>, vector<16xf32>,
        %parallel_loop3A_911 = arith.maximumf %parallel_loop3A_888, %parallel_loop3A_910 : vector<16xf32>
        %parallel_loop3A_912 = arith.cmpf ogt, %parallel_loop3A_910, %parallel_loop3A_888 : vector<16xf32>
        %parallel_loop3A_913 = arith.addi %add3A_497, %parallel_loop3A_907 : i32
        %parallel_loop3A_914 = vector.broadcast %parallel_loop3A_913 : i32 to vector<16xi32>
        %parallel_loop3A_915 = arith.addi %broadcast_in_dim3A_7, %parallel_loop3A_914 : vector<16xi32>
        %parallel_loop3A_916 = arith.select %parallel_loop3A_912, %parallel_loop3A_915, %parallel_loop3A_896 : vector<16xi1>, vector<16xi32>
        %parallel_loop3A_917 = arith.index_cast %parallel_loop3A_907 : i32 to index
        %parallel_loop3A_918 = arith.constant 16 : index
        %parallel_loop3A_919 = tpu.vector_load %arg9[%parallel_loop3A_917, %parallel_loop3A_918] {strides = array<i32>} : memref<184x128xf32, #tpu.memory_space<vmem>>, vector<16xf32>,
        %parallel_loop3A_920 = arith.maximumf %parallel_loop3A_889, %parallel_loop3A_919 : vector<16xf32>
        %parallel_loop3A_921 = arith.cmpf ogt, %parallel_loop3A_919, %parallel_loop3A_889 : vector<16xf32>
        %parallel_loop3A_922 = arith.addi %add3A_497, %parallel_loop3A_907 : i32
        %parallel_loop3A_923 = vector.broadcast %parallel_loop3A_922 : i32 to vector<16xi32>
        %parallel_loop3A_924 = arith.addi %broadcast_in_dim3A_7, %parallel_loop3A_923 : vector<16xi32>
        %parallel_loop3A_925 = arith.select %parallel_loop3A_921, %parallel_loop3A_924, %parallel_loop3A_897 : vector<16xi1>, vector<16xi32>
        %parallel_loop3A_926 = arith.index_cast %parallel_loop3A_907 : i32 to index
        %parallel_loop3A_927 = arith.constant 32 : index
        %parallel_loop3A_928 = tpu.vector_load %arg9[%parallel_loop3A_926, %parallel_loop3A_927] {strides = array<i32>} : memref<184x128xf32, #tpu.memory_space<vmem>>, vector<16xf32>,
        %parallel_loop3A_929 = arith.maximumf %parallel_loop3A_890, %parallel_loop3A_928 : vector<16xf32>
        %parallel_loop3A_930 = arith.cmpf ogt, %parallel_loop3A_928, %parallel_loop3A_890 : vector<16xf32>
        %parallel_loop3A_931 = arith.addi %add3A_497, %parallel_loop3A_907 : i32
        %parallel_loop3A_932 = vector.broadcast %parallel_loop3A_931 : i32 to vector<16xi32>
        %parallel_loop3A_933 = arith.addi %broadcast_in_dim3A_7, %parallel_loop3A_932 : vector<16xi32>
        %parallel_loop3A_934 = arith.select %parallel_loop3A_930, %parallel_loop3A_933, %parallel_loop3A_898 : vector<16xi1>, vector<16xi32>
        %parallel_loop3A_935 = arith.index_cast %parallel_loop3A_907 : i32 to index
        %parallel_loop3A_936 = arith.constant 48 : index
        %parallel_loop3A_937 = tpu.vector_load %arg9[%parallel_loop3A_935, %parallel_loop3A_936] {strides = array<i32>} : memref<184x128xf32, #tpu.memory_space<vmem>>, vector<16xf32>,
        %parallel_loop3A_938 = arith.maximumf %parallel_loop3A_891, %parallel_loop3A_937 : vector<16xf32>
        %parallel_loop3A_939 = arith.cmpf ogt, %parallel_loop3A_937, %parallel_loop3A_891 : vector<16xf32>
        %parallel_loop3A_940 = arith.addi %add3A_497, %parallel_loop3A_907 : i32
        %parallel_loop3A_941 = vector.broadcast %parallel_loop3A_940 : i32 to vector<16xi32>
        %parallel_loop3A_942 = arith.addi %broadcast_in_dim3A_7, %parallel_loop3A_941 : vector<16xi32>
        %parallel_loop3A_943 = arith.select %parallel_loop3A_939, %parallel_loop3A_942, %parallel_loop3A_899 : vector<16xi1>, vector<16xi32>
        %parallel_loop3A_944 = arith.index_cast %parallel_loop3A_907 : i32 to index
        %parallel_loop3A_945 = arith.constant 64 : index
        %parallel_loop3A_946 = tpu.vector_load %arg9[%parallel_loop3A_944, %parallel_loop3A_945] {strides = array<i32>} : memref<184x128xf32, #tpu.memory_space<vmem>>, vector<16xf32>,
        %parallel_loop3A_947 = arith.maximumf %parallel_loop3A_892, %parallel_loop3A_946 : vector<16xf32>
        %parallel_loop3A_948 = arith.cmpf ogt, %parallel_loop3A_946, %parallel_loop3A_892 : vector<16xf32>
        %parallel_loop3A_949 = arith.addi %add3A_497, %parallel_loop3A_907 : i32
        %parallel_loop3A_950 = vector.broadcast %parallel_loop3A_949 : i32 to vector<16xi32>
        %parallel_loop3A_951 = arith.addi %broadcast_in_dim3A_7, %parallel_loop3A_950 : vector<16xi32>
        %parallel_loop3A_952 = arith.select %parallel_loop3A_948, %parallel_loop3A_951, %parallel_loop3A_900 : vector<16xi1>, vector<16xi32>
        %parallel_loop3A_953 = arith.index_cast %parallel_loop3A_907 : i32 to index
        %parallel_loop3A_954 = arith.constant 80 : index
        %parallel_loop3A_955 = tpu.vector_load %arg9[%parallel_loop3A_953, %parallel_loop3A_954] {strides = array<i32>} : memref<184x128xf32, #tpu.memory_space<vmem>>, vector<16xf32>,
        %parallel_loop3A_956 = arith.maximumf %parallel_loop3A_893, %parallel_loop3A_955 : vector<16xf32>
        %parallel_loop3A_957 = arith.cmpf ogt, %parallel_loop3A_955, %parallel_loop3A_893 : vector<16xf32>
        %parallel_loop3A_958 = arith.addi %add3A_497, %parallel_loop3A_907 : i32
        %parallel_loop3A_959 = vector.broadcast %parallel_loop3A_958 : i32 to vector<16xi32>
        %parallel_loop3A_960 = arith.addi %broadcast_in_dim3A_7, %parallel_loop3A_959 : vector<16xi32>
        %parallel_loop3A_961 = arith.select %parallel_loop3A_957, %parallel_loop3A_960, %parallel_loop3A_901 : vector<16xi1>, vector<16xi32>
        %parallel_loop3A_962 = arith.index_cast %parallel_loop3A_907 : i32 to index
        %parallel_loop3A_963 = arith.constant 96 : index
        %parallel_loop3A_964 = tpu.vector_load %arg9[%parallel_loop3A_962, %parallel_loop3A_963] {strides = array<i32>} : memref<184x128xf32, #tpu.memory_space<vmem>>, vector<16xf32>,
        %parallel_loop3A_965 = arith.maximumf %parallel_loop3A_894, %parallel_loop3A_964 : vector<16xf32>
        %parallel_loop3A_966 = arith.cmpf ogt, %parallel_loop3A_964, %parallel_loop3A_894 : vector<16xf32>
        %parallel_loop3A_967 = arith.addi %add3A_497, %parallel_loop3A_907 : i32
        %parallel_loop3A_968 = vector.broadcast %parallel_loop3A_967 : i32 to vector<16xi32>
        %parallel_loop3A_969 = arith.addi %broadcast_in_dim3A_7, %parallel_loop3A_968 : vector<16xi32>
        %parallel_loop3A_970 = arith.select %parallel_loop3A_966, %parallel_loop3A_969, %parallel_loop3A_902 : vector<16xi1>, vector<16xi32>
        %parallel_loop3A_971 = arith.index_cast %parallel_loop3A_907 : i32 to index
        %parallel_loop3A_972 = arith.constant 112 : index
        %parallel_loop3A_973 = tpu.vector_load %arg9[%parallel_loop3A_971, %parallel_loop3A_972] {strides = array<i32>} : memref<184x128xf32, #tpu.memory_space<vmem>>, vector<16xf32>,
        %parallel_loop3A_974 = arith.maximumf %parallel_loop3A_895, %parallel_loop3A_973 : vector<16xf32>
        %parallel_loop3A_975 = arith.cmpf ogt, %parallel_loop3A_973, %parallel_loop3A_895 : vector<16xf32>
        %parallel_loop3A_976 = arith.addi %add3A_497, %parallel_loop3A_907 : i32
        %parallel_loop3A_977 = vector.broadcast %parallel_loop3A_976 : i32 to vector<16xi32>
        %parallel_loop3A_978 = arith.addi %broadcast_in_dim3A_7, %parallel_loop3A_977 : vector<16xi32>
        %parallel_loop3A_979 = arith.select %parallel_loop3A_975, %parallel_loop3A_978, %parallel_loop3A_903 : vector<16xi1>, vector<16xi32>
        %parallel_loop3A_980 = arith.constant 2 : i32
        %parallel_loop3A_981 = arith.muli %parallel_loop3A_887, %parallel_loop3A_980 : i32
        %parallel_loop3A_982 = arith.constant 1 : i32
        %parallel_loop3A_983 = arith.addi %parallel_loop3A_981, %parallel_loop3A_982 : i32
        %parallel_loop3A_984 = arith.index_cast %parallel_loop3A_983 : i32 to index
        %parallel_loop3A_985 = arith.constant 0 : index
        %parallel_loop3A_986 = tpu.vector_load %arg9[%parallel_loop3A_984, %parallel_loop3A_985] {strides = array<i32>} : memref<184x128xf32, #tpu.memory_space<vmem>>, vector<16xf32>,
        %parallel_loop3A_987 = arith.maximumf %parallel_loop3A_911, %parallel_loop3A_986 : vector<16xf32>
        %parallel_loop3A_988 = arith.cmpf ogt, %parallel_loop3A_986, %parallel_loop3A_911 : vector<16xf32>
        %parallel_loop3A_989 = arith.addi %add3A_497, %parallel_loop3A_983 : i32
        %parallel_loop3A_990 = vector.broadcast %parallel_loop3A_989 : i32 to vector<16xi32>
        %parallel_loop3A_991 = arith.addi %broadcast_in_dim3A_7, %parallel_loop3A_990 : vector<16xi32>
        %parallel_loop3A_992 = arith.select %parallel_loop3A_988, %parallel_loop3A_991, %parallel_loop3A_916 : vector<16xi1>, vector<16xi32>
        %parallel_loop3A_993 = arith.index_cast %parallel_loop3A_983 : i32 to index
        %parallel_loop3A_994 = arith.constant 16 : index
        %parallel_loop3A_995 = tpu.vector_load %arg9[%parallel_loop3A_993, %parallel_loop3A_994] {strides = array<i32>} : memref<184x128xf32, #tpu.memory_space<vmem>>, vector<16xf32>,
        %parallel_loop3A_996 = arith.maximumf %parallel_loop3A_920, %parallel_loop3A_995 : vector<16xf32>
        %parallel_loop3A_997 = arith.cmpf ogt, %parallel_loop3A_995, %parallel_loop3A_920 : vector<16xf32>
        %parallel_loop3A_998 = arith.addi %add3A_497, %parallel_loop3A_983 : i32
        %parallel_loop3A_999 = vector.broadcast %parallel_loop3A_998 : i32 to vector<16xi32>
        %parallel_loop3A_1000 = arith.addi %broadcast_in_dim3A_7, %parallel_loop3A_999 : vector<16xi32>
        %parallel_loop3A_1001 = arith.select %parallel_loop3A_997, %parallel_loop3A_1000, %parallel_loop3A_925 : vector<16xi1>, vector<16xi32>
        %parallel_loop3A_1002 = arith.index_cast %parallel_loop3A_983 : i32 to index
        %parallel_loop3A_1003 = arith.constant 32 : index
        %parallel_loop3A_1004 = tpu.vector_load %arg9[%parallel_loop3A_1002, %parallel_loop3A_1003] {strides = array<i32>} : memref<184x128xf32, #tpu.memory_space<vmem>>, vector<16xf32>,
        %parallel_loop3A_1005 = arith.maximumf %parallel_loop3A_929, %parallel_loop3A_1004 : vector<16xf32>
        %parallel_loop3A_1006 = arith.cmpf ogt, %parallel_loop3A_1004, %parallel_loop3A_929 : vector<16xf32>
        %parallel_loop3A_1007 = arith.addi %add3A_497, %parallel_loop3A_983 : i32
        %parallel_loop3A_1008 = vector.broadcast %parallel_loop3A_1007 : i32 to vector<16xi32>
        %parallel_loop3A_1009 = arith.addi %broadcast_in_dim3A_7, %parallel_loop3A_1008 : vector<16xi32>
        %parallel_loop3A_1010 = arith.select %parallel_loop3A_1006, %parallel_loop3A_1009, %parallel_loop3A_934 : vector<16xi1>, vector<16xi32>
        %parallel_loop3A_1011 = arith.index_cast %parallel_loop3A_983 : i32 to index
        %parallel_loop3A_1012 = arith.constant 48 : index
        %parallel_loop3A_1013 = tpu.vector_load %arg9[%parallel_loop3A_1011, %parallel_loop3A_1012] {strides = array<i32>} : memref<184x128xf32, #tpu.memory_space<vmem>>, vector<16xf32>,
        %parallel_loop3A_1014 = arith.maximumf %parallel_loop3A_938, %parallel_loop3A_1013 : vector<16xf32>
        %parallel_loop3A_1015 = arith.cmpf ogt, %parallel_loop3A_1013, %parallel_loop3A_938 : vector<16xf32>
        %parallel_loop3A_1016 = arith.addi %add3A_497, %parallel_loop3A_983 : i32
        %parallel_loop3A_1017 = vector.broadcast %parallel_loop3A_1016 : i32 to vector<16xi32>
        %parallel_loop3A_1018 = arith.addi %broadcast_in_dim3A_7, %parallel_loop3A_1017 : vector<16xi32>
        %parallel_loop3A_1019 = arith.select %parallel_loop3A_1015, %parallel_loop3A_1018, %parallel_loop3A_943 : vector<16xi1>, vector<16xi32>
        %parallel_loop3A_1020 = arith.index_cast %parallel_loop3A_983 : i32 to index
        %parallel_loop3A_1021 = arith.constant 64 : index
        %parallel_loop3A_1022 = tpu.vector_load %arg9[%parallel_loop3A_1020, %parallel_loop3A_1021] {strides = array<i32>} : memref<184x128xf32, #tpu.memory_space<vmem>>, vector<16xf32>,
        %parallel_loop3A_1023 = arith.maximumf %parallel_loop3A_947, %parallel_loop3A_1022 : vector<16xf32>
        %parallel_loop3A_1024 = arith.cmpf ogt, %parallel_loop3A_1022, %parallel_loop3A_947 : vector<16xf32>
        %parallel_loop3A_1025 = arith.addi %add3A_497, %parallel_loop3A_983 : i32
        %parallel_loop3A_1026 = vector.broadcast %parallel_loop3A_1025 : i32 to vector<16xi32>
        %parallel_loop3A_1027 = arith.addi %broadcast_in_dim3A_7, %parallel_loop3A_1026 : vector<16xi32>
        %parallel_loop3A_1028 = arith.select %parallel_loop3A_1024, %parallel_loop3A_1027, %parallel_loop3A_952 : vector<16xi1>, vector<16xi32>
        %parallel_loop3A_1029 = arith.index_cast %parallel_loop3A_983 : i32 to index
        %parallel_loop3A_1030 = arith.constant 80 : index
        %parallel_loop3A_1031 = tpu.vector_load %arg9[%parallel_loop3A_1029, %parallel_loop3A_1030] {strides = array<i32>} : memref<184x128xf32, #tpu.memory_space<vmem>>, vector<16xf32>,
        %parallel_loop3A_1032 = arith.maximumf %parallel_loop3A_956, %parallel_loop3A_1031 : vector<16xf32>
        %parallel_loop3A_1033 = arith.cmpf ogt, %parallel_loop3A_1031, %parallel_loop3A_956 : vector<16xf32>
        %parallel_loop3A_1034 = arith.addi %add3A_497, %parallel_loop3A_983 : i32
        %parallel_loop3A_1035 = vector.broadcast %parallel_loop3A_1034 : i32 to vector<16xi32>
        %parallel_loop3A_1036 = arith.addi %broadcast_in_dim3A_7, %parallel_loop3A_1035 : vector<16xi32>
        %parallel_loop3A_1037 = arith.select %parallel_loop3A_1033, %parallel_loop3A_1036, %parallel_loop3A_961 : vector<16xi1>, vector<16xi32>
        %parallel_loop3A_1038 = arith.index_cast %parallel_loop3A_983 : i32 to index
        %parallel_loop3A_1039 = arith.constant 96 : index
        %parallel_loop3A_1040 = tpu.vector_load %arg9[%parallel_loop3A_1038, %parallel_loop3A_1039] {strides = array<i32>} : memref<184x128xf32, #tpu.memory_space<vmem>>, vector<16xf32>,
        %parallel_loop3A_1041 = arith.maximumf %parallel_loop3A_965, %parallel_loop3A_1040 : vector<16xf32>
        %parallel_loop3A_1042 = arith.cmpf ogt, %parallel_loop3A_1040, %parallel_loop3A_965 : vector<16xf32>
        %parallel_loop3A_1043 = arith.addi %add3A_497, %parallel_loop3A_983 : i32
        %parallel_loop3A_1044 = vector.broadcast %parallel_loop3A_1043 : i32 to vector<16xi32>
        %parallel_loop3A_1045 = arith.addi %broadcast_in_dim3A_7, %parallel_loop3A_1044 : vector<16xi32>
        %parallel_loop3A_1046 = arith.select %parallel_loop3A_1042, %parallel_loop3A_1045, %parallel_loop3A_970 : vector<16xi1>, vector<16xi32>
        %parallel_loop3A_1047 = arith.index_cast %parallel_loop3A_983 : i32 to index
        %parallel_loop3A_1048 = arith.constant 112 : index
        %parallel_loop3A_1049 = tpu.vector_load %arg9[%parallel_loop3A_1047, %parallel_loop3A_1048] {strides = array<i32>} : memref<184x128xf32, #tpu.memory_space<vmem>>, vector<16xf32>,
        %parallel_loop3A_1050 = arith.maximumf %parallel_loop3A_974, %parallel_loop3A_1049 : vector<16xf32>
        %parallel_loop3A_1051 = arith.cmpf ogt, %parallel_loop3A_1049, %parallel_loop3A_974 : vector<16xf32>
        %parallel_loop3A_1052 = arith.addi %add3A_497, %parallel_loop3A_983 : i32
        %parallel_loop3A_1053 = vector.broadcast %parallel_loop3A_1052 : i32 to vector<16xi32>
        %parallel_loop3A_1054 = arith.addi %broadcast_in_dim3A_7, %parallel_loop3A_1053 : vector<16xi32>
        %parallel_loop3A_1055 = arith.select %parallel_loop3A_1051, %parallel_loop3A_1054, %parallel_loop3A_979 : vector<16xi1>, vector<16xi32>
        scf.yield %parallel_loop3A_987, %parallel_loop3A_996, %parallel_loop3A_1005, %parallel_loop3A_1014, %parallel_loop3A_1023, %parallel_loop3A_1032, %parallel_loop3A_1041, %parallel_loop3A_1050, %parallel_loop3A_992, %parallel_loop3A_1001, %parallel_loop3A_1010, %parallel_loop3A_1019, %parallel_loop3A_1028, %parallel_loop3A_1037, %parallel_loop3A_1046, %parallel_loop3A_1055 : vector<16xf32>, vector<16xf32>, vector<16xf32>, vector<16xf32>, vector<16xf32>, vector<16xf32>, vector<16xf32>, vector<16xf32>, vector<16xi32>, vector<16xi32>, vector<16xi32>, vector<16xi32>, vector<16xi32>, vector<16xi32>, vector<16xi32>, vector<16xi32>
      } {sc.loop_unroll_factor = 1 : i64, sc.parallel_access}
      %swap3A_534 = arith.constant 0 : index
      %swap3A_535 = tpu.vector_load %arg13[%swap3A_534] {strides = array<i32>} : memref<128xf32, #tpu.memory_space<vmem>>, vector<16xf32>,
      tpu.vector_store %arg13[%swap3A_534], %parallel_loop3A_533#0 {strides = array<i32>} : memref<128xf32, #tpu.memory_space<vmem>>, vector<16xf32>,
      %swap3A_536 = arith.constant 0 : index
      %swap3A_537 = tpu.vector_load %arg15[%swap3A_536] {strides = array<i32>} : memref<128xi32, #tpu.memory_space<vmem>>, vector<16xi32>,
      tpu.vector_store %arg15[%swap3A_536], %parallel_loop3A_533#8 {strides = array<i32>} : memref<128xi32, #tpu.memory_space<vmem>>, vector<16xi32>,
      %swap3A_538 = arith.constant 16 : index
      %swap3A_539 = tpu.vector_load %arg13[%swap3A_538] {strides = array<i32>} : memref<128xf32, #tpu.memory_space<vmem>>, vector<16xf32>,
      tpu.vector_store %arg13[%swap3A_538], %parallel_loop3A_533#1 {strides = array<i32>} : memref<128xf32, #tpu.memory_space<vmem>>, vector<16xf32>,
      %swap3A_540 = arith.constant 16 : index
      %swap3A_541 = tpu.vector_load %arg15[%swap3A_540] {strides = array<i32>} : memref<128xi32, #tpu.memory_space<vmem>>, vector<16xi32>,
      tpu.vector_store %arg15[%swap3A_540], %parallel_loop3A_533#9 {strides = array<i32>} : memref<128xi32, #tpu.memory_space<vmem>>, vector<16xi32>,
      %swap3A_542 = arith.constant 32 : index
      %swap3A_543 = tpu.vector_load %arg13[%swap3A_542] {strides = array<i32>} : memref<128xf32, #tpu.memory_space<vmem>>, vector<16xf32>,
      tpu.vector_store %arg13[%swap3A_542], %parallel_loop3A_533#2 {strides = array<i32>} : memref<128xf32, #tpu.memory_space<vmem>>, vector<16xf32>,
      %swap3A_544 = arith.constant 32 : index
      %swap3A_545 = tpu.vector_load %arg15[%swap3A_544] {strides = array<i32>} : memref<128xi32, #tpu.memory_space<vmem>>, vector<16xi32>,
      tpu.vector_store %arg15[%swap3A_544], %parallel_loop3A_533#10 {strides = array<i32>} : memref<128xi32, #tpu.memory_space<vmem>>, vector<16xi32>,
      %swap3A_546 = arith.constant 48 : index
      %swap3A_547 = tpu.vector_load %arg13[%swap3A_546] {strides = array<i32>} : memref<128xf32, #tpu.memory_space<vmem>>, vector<16xf32>,
      tpu.vector_store %arg13[%swap3A_546], %parallel_loop3A_533#3 {strides = array<i32>} : memref<128xf32, #tpu.memory_space<vmem>>, vector<16xf32>,
      %swap3A_548 = arith.constant 48 : index
      %swap3A_549 = tpu.vector_load %arg15[%swap3A_548] {strides = array<i32>} : memref<128xi32, #tpu.memory_space<vmem>>, vector<16xi32>,
      tpu.vector_store %arg15[%swap3A_548], %parallel_loop3A_533#11 {strides = array<i32>} : memref<128xi32, #tpu.memory_space<vmem>>, vector<16xi32>,
      %swap3A_550 = arith.constant 64 : index
      %swap3A_551 = tpu.vector_load %arg13[%swap3A_550] {strides = array<i32>} : memref<128xf32, #tpu.memory_space<vmem>>, vector<16xf32>,
      tpu.vector_store %arg13[%swap3A_550], %parallel_loop3A_533#4 {strides = array<i32>} : memref<128xf32, #tpu.memory_space<vmem>>, vector<16xf32>,
      %swap3A_552 = arith.constant 64 : index
      %swap3A_553 = tpu.vector_load %arg15[%swap3A_552] {strides = array<i32>} : memref<128xi32, #tpu.memory_space<vmem>>, vector<16xi32>,
      tpu.vector_store %arg15[%swap3A_552], %parallel_loop3A_533#12 {strides = array<i32>} : memref<128xi32, #tpu.memory_space<vmem>>, vector<16xi32>,
      %swap3A_554 = arith.constant 80 : index
      %swap3A_555 = tpu.vector_load %arg13[%swap3A_554] {strides = array<i32>} : memref<128xf32, #tpu.memory_space<vmem>>, vector<16xf32>,
      tpu.vector_store %arg13[%swap3A_554], %parallel_loop3A_533#5 {strides = array<i32>} : memref<128xf32, #tpu.memory_space<vmem>>, vector<16xf32>,
      %swap3A_556 = arith.constant 80 : index
      %swap3A_557 = tpu.vector_load %arg15[%swap3A_556] {strides = array<i32>} : memref<128xi32, #tpu.memory_space<vmem>>, vector<16xi32>,
      tpu.vector_store %arg15[%swap3A_556], %parallel_loop3A_533#13 {strides = array<i32>} : memref<128xi32, #tpu.memory_space<vmem>>, vector<16xi32>,
      %swap3A_558 = arith.constant 96 : index
      %swap3A_559 = tpu.vector_load %arg13[%swap3A_558] {strides = array<i32>} : memref<128xf32, #tpu.memory_space<vmem>>, vector<16xf32>,
      tpu.vector_store %arg13[%swap3A_558], %parallel_loop3A_533#6 {strides = array<i32>} : memref<128xf32, #tpu.memory_space<vmem>>, vector<16xf32>,
      %swap3A_560 = arith.constant 96 : index
      %swap3A_561 = tpu.vector_load %arg15[%swap3A_560] {strides = array<i32>} : memref<128xi32, #tpu.memory_space<vmem>>, vector<16xi32>,
      tpu.vector_store %arg15[%swap3A_560], %parallel_loop3A_533#14 {strides = array<i32>} : memref<128xi32, #tpu.memory_space<vmem>>, vector<16xi32>,
      %swap3A_562 = arith.constant 112 : index
      %swap3A_563 = tpu.vector_load %arg13[%swap3A_562] {strides = array<i32>} : memref<128xf32, #tpu.memory_space<vmem>>, vector<16xf32>,
      tpu.vector_store %arg13[%swap3A_562], %parallel_loop3A_533#7 {strides = array<i32>} : memref<128xf32, #tpu.memory_space<vmem>>, vector<16xf32>,
      %swap3A_564 = arith.constant 112 : index
      %swap3A_565 = tpu.vector_load %arg15[%swap3A_564] {strides = array<i32>} : memref<128xi32, #tpu.memory_space<vmem>>, vector<16xi32>,
      tpu.vector_store %arg15[%swap3A_564], %parallel_loop3A_533#15 {strides = array<i32>} : memref<128xi32, #tpu.memory_space<vmem>>, vector<16xi32>,
      %gt3A_566 = arith.constant 0xFF800000 : f32
      %gt3A_567 = vector.broadcast %gt3A_566 : f32 to vector<16xf32>
      %gt3A_568 = arith.cmpf ogt, %get3A_499, %gt3A_567 : vector<16xf32>
      %get3A_569 = arith.constant 0 : index
      %get3A_570 = tpu.vector_load %arg14[%get3A_569] {strides = array<i32>} : memref<128xf32, #tpu.memory_space<vmem>>, vector<16xf32>,
      %sub3A_571 = arith.subf %get3A_499, %parallel_loop3A_533#0 : vector<16xf32>
      %exp3A_572 = math.exp %sub3A_571 : vector<16xf32>
      %mul3A_573 = arith.mulf %get3A_570, %exp3A_572 : vector<16xf32>
      %jit3A_574 = arith.constant 0.000000e+00 : f32
      %broadcast_in_dim3A_575 = vector.broadcast %jit3A_574 : f32 to vector<16xf32>
      %select_n3A_576 = arith.select %gt3A_568, %mul3A_573, %broadcast_in_dim3A_575 : vector<16xi1>, vector<16xf32>
      %gt3A_577 = arith.constant 0xFF800000 : f32
      %gt3A_578 = vector.broadcast %gt3A_577 : f32 to vector<16xf32>
      %gt3A_579 = arith.cmpf ogt, %get3A_501, %gt3A_578 : vector<16xf32>
      %get3A_580 = arith.constant 16 : index
      %get3A_581 = tpu.vector_load %arg14[%get3A_580] {strides = array<i32>} : memref<128xf32, #tpu.memory_space<vmem>>, vector<16xf32>,
      %sub3A_582 = arith.subf %get3A_501, %parallel_loop3A_533#1 : vector<16xf32>
      %exp3A_583 = math.exp %sub3A_582 : vector<16xf32>
      %mul3A_584 = arith.mulf %get3A_581, %exp3A_583 : vector<16xf32>
      %jit3A_585 = arith.constant 0.000000e+00 : f32
      %broadcast_in_dim3A_586 = vector.broadcast %jit3A_585 : f32 to vector<16xf32>
      %select_n3A_587 = arith.select %gt3A_579, %mul3A_584, %broadcast_in_dim3A_586 : vector<16xi1>, vector<16xf32>
      %gt3A_588 = arith.constant 0xFF800000 : f32
      %gt3A_589 = vector.broadcast %gt3A_588 : f32 to vector<16xf32>
      %gt3A_590 = arith.cmpf ogt, %get3A_503, %gt3A_589 : vector<16xf32>
      %get3A_591 = arith.constant 32 : index
      %get3A_592 = tpu.vector_load %arg14[%get3A_591] {strides = array<i32>} : memref<128xf32, #tpu.memory_space<vmem>>, vector<16xf32>,
      %sub3A_593 = arith.subf %get3A_503, %parallel_loop3A_533#2 : vector<16xf32>
      %exp3A_594 = math.exp %sub3A_593 : vector<16xf32>
      %mul3A_595 = arith.mulf %get3A_592, %exp3A_594 : vector<16xf32>
      %jit3A_596 = arith.constant 0.000000e+00 : f32
      %broadcast_in_dim3A_597 = vector.broadcast %jit3A_596 : f32 to vector<16xf32>
      %select_n3A_598 = arith.select %gt3A_590, %mul3A_595, %broadcast_in_dim3A_597 : vector<16xi1>, vector<16xf32>
      %gt3A_599 = arith.constant 0xFF800000 : f32
      %gt3A_600 = vector.broadcast %gt3A_599 : f32 to vector<16xf32>
      %gt3A_601 = arith.cmpf ogt, %get3A_505, %gt3A_600 : vector<16xf32>
      %get3A_602 = arith.constant 48 : index
      %get3A_603 = tpu.vector_load %arg14[%get3A_602] {strides = array<i32>} : memref<128xf32, #tpu.memory_space<vmem>>, vector<16xf32>,
      %sub3A_604 = arith.subf %get3A_505, %parallel_loop3A_533#3 : vector<16xf32>
      %exp3A_605 = math.exp %sub3A_604 : vector<16xf32>
      %mul3A_606 = arith.mulf %get3A_603, %exp3A_605 : vector<16xf32>
      %jit3A_607 = arith.constant 0.000000e+00 : f32
      %broadcast_in_dim3A_608 = vector.broadcast %jit3A_607 : f32 to vector<16xf32>
      %select_n3A_609 = arith.select %gt3A_601, %mul3A_606, %broadcast_in_dim3A_608 : vector<16xi1>, vector<16xf32>
      %gt3A_610 = arith.constant 0xFF800000 : f32
      %gt3A_611 = vector.broadcast %gt3A_610 : f32 to vector<16xf32>
      %gt3A_612 = arith.cmpf ogt, %get3A_507, %gt3A_611 : vector<16xf32>
      %get3A_613 = arith.constant 64 : index
      %get3A_614 = tpu.vector_load %arg14[%get3A_613] {strides = array<i32>} : memref<128xf32, #tpu.memory_space<vmem>>, vector<16xf32>,
      %sub3A_615 = arith.subf %get3A_507, %parallel_loop3A_533#4 : vector<16xf32>
      %exp3A_616 = math.exp %sub3A_615 : vector<16xf32>
      %mul3A_617 = arith.mulf %get3A_614, %exp3A_616 : vector<16xf32>
      %jit3A_618 = arith.constant 0.000000e+00 : f32
      %broadcast_in_dim3A_619 = vector.broadcast %jit3A_618 : f32 to vector<16xf32>
      %select_n3A_620 = arith.select %gt3A_612, %mul3A_617, %broadcast_in_dim3A_619 : vector<16xi1>, vector<16xf32>
      %gt3A_621 = arith.constant 0xFF800000 : f32
      %gt3A_622 = vector.broadcast %gt3A_621 : f32 to vector<16xf32>
      %gt3A_623 = arith.cmpf ogt, %get3A_509, %gt3A_622 : vector<16xf32>
      %get3A_624 = arith.constant 80 : index
      %get3A_625 = tpu.vector_load %arg14[%get3A_624] {strides = array<i32>} : memref<128xf32, #tpu.memory_space<vmem>>, vector<16xf32>,
      %sub3A_626 = arith.subf %get3A_509, %parallel_loop3A_533#5 : vector<16xf32>
      %exp3A_627 = math.exp %sub3A_626 : vector<16xf32>
      %mul3A_628 = arith.mulf %get3A_625, %exp3A_627 : vector<16xf32>
      %jit3A_629 = arith.constant 0.000000e+00 : f32
      %broadcast_in_dim3A_630 = vector.broadcast %jit3A_629 : f32 to vector<16xf32>
      %select_n3A_631 = arith.select %gt3A_623, %mul3A_628, %broadcast_in_dim3A_630 : vector<16xi1>, vector<16xf32>
      %gt3A_632 = arith.constant 0xFF800000 : f32
      %gt3A_633 = vector.broadcast %gt3A_632 : f32 to vector<16xf32>
      %gt3A_634 = arith.cmpf ogt, %get3A_511, %gt3A_633 : vector<16xf32>
      %get3A_635 = arith.constant 96 : index
      %get3A_636 = tpu.vector_load %arg14[%get3A_635] {strides = array<i32>} : memref<128xf32, #tpu.memory_space<vmem>>, vector<16xf32>,
      %sub3A_637 = arith.subf %get3A_511, %parallel_loop3A_533#6 : vector<16xf32>
      %exp3A_638 = math.exp %sub3A_637 : vector<16xf32>
      %mul3A_639 = arith.mulf %get3A_636, %exp3A_638 : vector<16xf32>
      %jit3A_640 = arith.constant 0.000000e+00 : f32
      %broadcast_in_dim3A_641 = vector.broadcast %jit3A_640 : f32 to vector<16xf32>
      %select_n3A_642 = arith.select %gt3A_634, %mul3A_639, %broadcast_in_dim3A_641 : vector<16xi1>, vector<16xf32>
      %gt3A_643 = arith.constant 0xFF800000 : f32
      %gt3A_644 = vector.broadcast %gt3A_643 : f32 to vector<16xf32>
      %gt3A_645 = arith.cmpf ogt, %get3A_513, %gt3A_644 : vector<16xf32>
      %get3A_646 = arith.constant 112 : index
      %get3A_647 = tpu.vector_load %arg14[%get3A_646] {strides = array<i32>} : memref<128xf32, #tpu.memory_space<vmem>>, vector<16xf32>,
      %sub3A_648 = arith.subf %get3A_513, %parallel_loop3A_533#7 : vector<16xf32>
      %exp3A_649 = math.exp %sub3A_648 : vector<16xf32>
      %mul3A_650 = arith.mulf %get3A_647, %exp3A_649 : vector<16xf32>
      %jit3A_651 = arith.constant 0.000000e+00 : f32
      %broadcast_in_dim3A_652 = vector.broadcast %jit3A_651 : f32 to vector<16xf32>
      %select_n3A_653 = arith.select %gt3A_645, %mul3A_650, %broadcast_in_dim3A_652 : vector<16xi1>, vector<16xf32>
      %parallel_loop3A_654 = arith.constant 0 : i32
      %parallel_loop3A_655 = arith.constant 92 : i32
      %parallel_loop3A_656 = arith.constant 1 : i32
      %parallel_loop3A_657:8 = scf.for %parallel_loop3A_887 = %parallel_loop3A_654 to %parallel_loop3A_655 step %parallel_loop3A_656 iter_args(%parallel_loop3A_888 = %select_n3A_576, %parallel_loop3A_889 = %select_n3A_587, %parallel_loop3A_890 = %select_n3A_598, %parallel_loop3A_891 = %select_n3A_609, %parallel_loop3A_892 = %select_n3A_620, %parallel_loop3A_893 = %select_n3A_631, %parallel_loop3A_894 = %select_n3A_642, %parallel_loop3A_895 = %select_n3A_653) -> (vector<16xf32>, vector<16xf32>, vector<16xf32>, vector<16xf32>, vector<16xf32>, vector<16xf32>, vector<16xf32>, vector<16xf32>)  : i32 {
        %parallel_loop3A_896 = arith.constant 2 : i32
        %parallel_loop3A_897 = arith.muli %parallel_loop3A_887, %parallel_loop3A_896 : i32
        %parallel_loop3A_898 = arith.constant 0 : i32
        %parallel_loop3A_899 = arith.addi %parallel_loop3A_897, %parallel_loop3A_898 : i32
        %parallel_loop3A_900 = arith.index_cast %parallel_loop3A_899 : i32 to index
        %parallel_loop3A_901 = arith.constant 0 : index
        %parallel_loop3A_902 = tpu.vector_load %arg9[%parallel_loop3A_900, %parallel_loop3A_901] {strides = array<i32>} : memref<184x128xf32, #tpu.memory_space<vmem>>, vector<16xf32>,
        %parallel_loop3A_903 = arith.subf %parallel_loop3A_902, %parallel_loop3A_533#0 : vector<16xf32>
        %parallel_loop3A_904 = math.exp %parallel_loop3A_903 : vector<16xf32>
        %parallel_loop3A_905 = arith.addf %parallel_loop3A_888, %parallel_loop3A_904 : vector<16xf32>
        %parallel_loop3A_906 = arith.index_cast %parallel_loop3A_899 : i32 to index
        %parallel_loop3A_907 = arith.constant 16 : index
        %parallel_loop3A_908 = tpu.vector_load %arg9[%parallel_loop3A_906, %parallel_loop3A_907] {strides = array<i32>} : memref<184x128xf32, #tpu.memory_space<vmem>>, vector<16xf32>,
        %parallel_loop3A_909 = arith.subf %parallel_loop3A_908, %parallel_loop3A_533#1 : vector<16xf32>
        %parallel_loop3A_910 = math.exp %parallel_loop3A_909 : vector<16xf32>
        %parallel_loop3A_911 = arith.addf %parallel_loop3A_889, %parallel_loop3A_910 : vector<16xf32>
        %parallel_loop3A_912 = arith.index_cast %parallel_loop3A_899 : i32 to index
        %parallel_loop3A_913 = arith.constant 32 : index
        %parallel_loop3A_914 = tpu.vector_load %arg9[%parallel_loop3A_912, %parallel_loop3A_913] {strides = array<i32>} : memref<184x128xf32, #tpu.memory_space<vmem>>, vector<16xf32>,
        %parallel_loop3A_915 = arith.subf %parallel_loop3A_914, %parallel_loop3A_533#2 : vector<16xf32>
        %parallel_loop3A_916 = math.exp %parallel_loop3A_915 : vector<16xf32>
        %parallel_loop3A_917 = arith.addf %parallel_loop3A_890, %parallel_loop3A_916 : vector<16xf32>
        %parallel_loop3A_918 = arith.index_cast %parallel_loop3A_899 : i32 to index
        %parallel_loop3A_919 = arith.constant 48 : index
        %parallel_loop3A_920 = tpu.vector_load %arg9[%parallel_loop3A_918, %parallel_loop3A_919] {strides = array<i32>} : memref<184x128xf32, #tpu.memory_space<vmem>>, vector<16xf32>,
        %parallel_loop3A_921 = arith.subf %parallel_loop3A_920, %parallel_loop3A_533#3 : vector<16xf32>
        %parallel_loop3A_922 = math.exp %parallel_loop3A_921 : vector<16xf32>
        %parallel_loop3A_923 = arith.addf %parallel_loop3A_891, %parallel_loop3A_922 : vector<16xf32>
        %parallel_loop3A_924 = arith.index_cast %parallel_loop3A_899 : i32 to index
        %parallel_loop3A_925 = arith.constant 64 : index
        %parallel_loop3A_926 = tpu.vector_load %arg9[%parallel_loop3A_924, %parallel_loop3A_925] {strides = array<i32>} : memref<184x128xf32, #tpu.memory_space<vmem>>, vector<16xf32>,
        %parallel_loop3A_927 = arith.subf %parallel_loop3A_926, %parallel_loop3A_533#4 : vector<16xf32>
        %parallel_loop3A_928 = math.exp %parallel_loop3A_927 : vector<16xf32>
        %parallel_loop3A_929 = arith.addf %parallel_loop3A_892, %parallel_loop3A_928 : vector<16xf32>
        %parallel_loop3A_930 = arith.index_cast %parallel_loop3A_899 : i32 to index
        %parallel_loop3A_931 = arith.constant 80 : index
        %parallel_loop3A_932 = tpu.vector_load %arg9[%parallel_loop3A_930, %parallel_loop3A_931] {strides = array<i32>} : memref<184x128xf32, #tpu.memory_space<vmem>>, vector<16xf32>,
        %parallel_loop3A_933 = arith.subf %parallel_loop3A_932, %parallel_loop3A_533#5 : vector<16xf32>
        %parallel_loop3A_934 = math.exp %parallel_loop3A_933 : vector<16xf32>
        %parallel_loop3A_935 = arith.addf %parallel_loop3A_893, %parallel_loop3A_934 : vector<16xf32>
        %parallel_loop3A_936 = arith.index_cast %parallel_loop3A_899 : i32 to index
        %parallel_loop3A_937 = arith.constant 96 : index
        %parallel_loop3A_938 = tpu.vector_load %arg9[%parallel_loop3A_936, %parallel_loop3A_937] {strides = array<i32>} : memref<184x128xf32, #tpu.memory_space<vmem>>, vector<16xf32>,
        %parallel_loop3A_939 = arith.subf %parallel_loop3A_938, %parallel_loop3A_533#6 : vector<16xf32>
        %parallel_loop3A_940 = math.exp %parallel_loop3A_939 : vector<16xf32>
        %parallel_loop3A_941 = arith.addf %parallel_loop3A_894, %parallel_loop3A_940 : vector<16xf32>
        %parallel_loop3A_942 = arith.index_cast %parallel_loop3A_899 : i32 to index
        %parallel_loop3A_943 = arith.constant 112 : index
        %parallel_loop3A_944 = tpu.vector_load %arg9[%parallel_loop3A_942, %parallel_loop3A_943] {strides = array<i32>} : memref<184x128xf32, #tpu.memory_space<vmem>>, vector<16xf32>,
        %parallel_loop3A_945 = arith.subf %parallel_loop3A_944, %parallel_loop3A_533#7 : vector<16xf32>
        %parallel_loop3A_946 = math.exp %parallel_loop3A_945 : vector<16xf32>
        %parallel_loop3A_947 = arith.addf %parallel_loop3A_895, %parallel_loop3A_946 : vector<16xf32>
        %parallel_loop3A_948 = arith.constant 2 : i32
        %parallel_loop3A_949 = arith.muli %parallel_loop3A_887, %parallel_loop3A_948 : i32
        %parallel_loop3A_950 = arith.constant 1 : i32
        %parallel_loop3A_951 = arith.addi %parallel_loop3A_949, %parallel_loop3A_950 : i32
        %parallel_loop3A_952 = arith.index_cast %parallel_loop3A_951 : i32 to index
        %parallel_loop3A_953 = arith.constant 0 : index
        %parallel_loop3A_954 = tpu.vector_load %arg9[%parallel_loop3A_952, %parallel_loop3A_953] {strides = array<i32>} : memref<184x128xf32, #tpu.memory_space<vmem>>, vector<16xf32>,
        %parallel_loop3A_955 = arith.subf %parallel_loop3A_954, %parallel_loop3A_533#0 : vector<16xf32>
        %parallel_loop3A_956 = math.exp %parallel_loop3A_955 : vector<16xf32>
        %parallel_loop3A_957 = arith.addf %parallel_loop3A_905, %parallel_loop3A_956 : vector<16xf32>
        %parallel_loop3A_958 = arith.index_cast %parallel_loop3A_951 : i32 to index
        %parallel_loop3A_959 = arith.constant 16 : index
        %parallel_loop3A_960 = tpu.vector_load %arg9[%parallel_loop3A_958, %parallel_loop3A_959] {strides = array<i32>} : memref<184x128xf32, #tpu.memory_space<vmem>>, vector<16xf32>,
        %parallel_loop3A_961 = arith.subf %parallel_loop3A_960, %parallel_loop3A_533#1 : vector<16xf32>
        %parallel_loop3A_962 = math.exp %parallel_loop3A_961 : vector<16xf32>
        %parallel_loop3A_963 = arith.addf %parallel_loop3A_911, %parallel_loop3A_962 : vector<16xf32>
        %parallel_loop3A_964 = arith.index_cast %parallel_loop3A_951 : i32 to index
        %parallel_loop3A_965 = arith.constant 32 : index
        %parallel_loop3A_966 = tpu.vector_load %arg9[%parallel_loop3A_964, %parallel_loop3A_965] {strides = array<i32>} : memref<184x128xf32, #tpu.memory_space<vmem>>, vector<16xf32>,
        %parallel_loop3A_967 = arith.subf %parallel_loop3A_966, %parallel_loop3A_533#2 : vector<16xf32>
        %parallel_loop3A_968 = math.exp %parallel_loop3A_967 : vector<16xf32>
        %parallel_loop3A_969 = arith.addf %parallel_loop3A_917, %parallel_loop3A_968 : vector<16xf32>
        %parallel_loop3A_970 = arith.index_cast %parallel_loop3A_951 : i32 to index
        %parallel_loop3A_971 = arith.constant 48 : index
        %parallel_loop3A_972 = tpu.vector_load %arg9[%parallel_loop3A_970, %parallel_loop3A_971] {strides = array<i32>} : memref<184x128xf32, #tpu.memory_space<vmem>>, vector<16xf32>,
        %parallel_loop3A_973 = arith.subf %parallel_loop3A_972, %parallel_loop3A_533#3 : vector<16xf32>
        %parallel_loop3A_974 = math.exp %parallel_loop3A_973 : vector<16xf32>
        %parallel_loop3A_975 = arith.addf %parallel_loop3A_923, %parallel_loop3A_974 : vector<16xf32>
        %parallel_loop3A_976 = arith.index_cast %parallel_loop3A_951 : i32 to index
        %parallel_loop3A_977 = arith.constant 64 : index
        %parallel_loop3A_978 = tpu.vector_load %arg9[%parallel_loop3A_976, %parallel_loop3A_977] {strides = array<i32>} : memref<184x128xf32, #tpu.memory_space<vmem>>, vector<16xf32>,
        %parallel_loop3A_979 = arith.subf %parallel_loop3A_978, %parallel_loop3A_533#4 : vector<16xf32>
        %parallel_loop3A_980 = math.exp %parallel_loop3A_979 : vector<16xf32>
        %parallel_loop3A_981 = arith.addf %parallel_loop3A_929, %parallel_loop3A_980 : vector<16xf32>
        %parallel_loop3A_982 = arith.index_cast %parallel_loop3A_951 : i32 to index
        %parallel_loop3A_983 = arith.constant 80 : index
        %parallel_loop3A_984 = tpu.vector_load %arg9[%parallel_loop3A_982, %parallel_loop3A_983] {strides = array<i32>} : memref<184x128xf32, #tpu.memory_space<vmem>>, vector<16xf32>,
        %parallel_loop3A_985 = arith.subf %parallel_loop3A_984, %parallel_loop3A_533#5 : vector<16xf32>
        %parallel_loop3A_986 = math.exp %parallel_loop3A_985 : vector<16xf32>
        %parallel_loop3A_987 = arith.addf %parallel_loop3A_935, %parallel_loop3A_986 : vector<16xf32>
        %parallel_loop3A_988 = arith.index_cast %parallel_loop3A_951 : i32 to index
        %parallel_loop3A_989 = arith.constant 96 : index
        %parallel_loop3A_990 = tpu.vector_load %arg9[%parallel_loop3A_988, %parallel_loop3A_989] {strides = array<i32>} : memref<184x128xf32, #tpu.memory_space<vmem>>, vector<16xf32>,
        %parallel_loop3A_991 = arith.subf %parallel_loop3A_990, %parallel_loop3A_533#6 : vector<16xf32>
        %parallel_loop3A_992 = math.exp %parallel_loop3A_991 : vector<16xf32>
        %parallel_loop3A_993 = arith.addf %parallel_loop3A_941, %parallel_loop3A_992 : vector<16xf32>
        %parallel_loop3A_994 = arith.index_cast %parallel_loop3A_951 : i32 to index
        %parallel_loop3A_995 = arith.constant 112 : index
        %parallel_loop3A_996 = tpu.vector_load %arg9[%parallel_loop3A_994, %parallel_loop3A_995] {strides = array<i32>} : memref<184x128xf32, #tpu.memory_space<vmem>>, vector<16xf32>,
        %parallel_loop3A_997 = arith.subf %parallel_loop3A_996, %parallel_loop3A_533#7 : vector<16xf32>
        %parallel_loop3A_998 = math.exp %parallel_loop3A_997 : vector<16xf32>
        %parallel_loop3A_999 = arith.addf %parallel_loop3A_947, %parallel_loop3A_998 : vector<16xf32>
        scf.yield %parallel_loop3A_957, %parallel_loop3A_963, %parallel_loop3A_969, %parallel_loop3A_975, %parallel_loop3A_981, %parallel_loop3A_987, %parallel_loop3A_993, %parallel_loop3A_999 : vector<16xf32>, vector<16xf32>, vector<16xf32>, vector<16xf32>, vector<16xf32>, vector<16xf32>, vector<16xf32>, vector<16xf32>
      } {sc.loop_unroll_factor = 1 : i64, sc.parallel_access}
      %swap3A_658 = arith.constant 0 : index
      %swap3A_659 = tpu.vector_load %arg14[%swap3A_658] {strides = array<i32>} : memref<128xf32, #tpu.memory_space<vmem>>, vector<16xf32>,
      tpu.vector_store %arg14[%swap3A_658], %parallel_loop3A_657#0 {strides = array<i32>} : memref<128xf32, #tpu.memory_space<vmem>>, vector<16xf32>,
      %swap3A_660 = arith.constant 16 : index
      %swap3A_661 = tpu.vector_load %arg14[%swap3A_660] {strides = array<i32>} : memref<128xf32, #tpu.memory_space<vmem>>, vector<16xf32>,
      tpu.vector_store %arg14[%swap3A_660], %parallel_loop3A_657#1 {strides = array<i32>} : memref<128xf32, #tpu.memory_space<vmem>>, vector<16xf32>,
      %swap3A_662 = arith.constant 32 : index
      %swap3A_663 = tpu.vector_load %arg14[%swap3A_662] {strides = array<i32>} : memref<128xf32, #tpu.memory_space<vmem>>, vector<16xf32>,
      tpu.vector_store %arg14[%swap3A_662], %parallel_loop3A_657#2 {strides = array<i32>} : memref<128xf32, #tpu.memory_space<vmem>>, vector<16xf32>,
      %swap3A_664 = arith.constant 48 : index
      %swap3A_665 = tpu.vector_load %arg14[%swap3A_664] {strides = array<i32>} : memref<128xf32, #tpu.memory_space<vmem>>, vector<16xf32>,
      tpu.vector_store %arg14[%swap3A_664], %parallel_loop3A_657#3 {strides = array<i32>} : memref<128xf32, #tpu.memory_space<vmem>>, vector<16xf32>,
      %swap3A_666 = arith.constant 64 : index
      %swap3A_667 = tpu.vector_load %arg14[%swap3A_666] {strides = array<i32>} : memref<128xf32, #tpu.memory_space<vmem>>, vector<16xf32>,
      tpu.vector_store %arg14[%swap3A_666], %parallel_loop3A_657#4 {strides = array<i32>} : memref<128xf32, #tpu.memory_space<vmem>>, vector<16xf32>,
      %swap3A_668 = arith.constant 80 : index
      %swap3A_669 = tpu.vector_load %arg14[%swap3A_668] {strides = array<i32>} : memref<128xf32, #tpu.memory_space<vmem>>, vector<16xf32>,
      tpu.vector_store %arg14[%swap3A_668], %parallel_loop3A_657#5 {strides = array<i32>} : memref<128xf32, #tpu.memory_space<vmem>>, vector<16xf32>,
      %swap3A_670 = arith.constant 96 : index
      %swap3A_671 = tpu.vector_load %arg14[%swap3A_670] {strides = array<i32>} : memref<128xf32, #tpu.memory_space<vmem>>, vector<16xf32>,
      tpu.vector_store %arg14[%swap3A_670], %parallel_loop3A_657#6 {strides = array<i32>} : memref<128xf32, #tpu.memory_space<vmem>>, vector<16xf32>,
      %swap3A_672 = arith.constant 112 : index
      %swap3A_673 = tpu.vector_load %arg14[%swap3A_672] {strides = array<i32>} : memref<128xf32, #tpu.memory_space<vmem>>, vector<16xf32>,
      tpu.vector_store %arg14[%swap3A_672], %parallel_loop3A_657#7 {strides = array<i32>} : memref<128xf32, #tpu.memory_space<vmem>>, vector<16xf32>,
      %get3A_674 = arith.constant 0 : index
      %get3A_675 = tpu.vector_load %arg11[%get3A_674] {strides = array<i32>} : memref<128xi32, #tpu.memory_space<vmem>>, vector<16xi32>,
      %sub3A_676 = vector.broadcast %add3A_497 : i32 to vector<16xi32>
      %sub3A_677 = arith.subi %get3A_675, %sub3A_676 : vector<16xi32>
      %ge3A_678 = arith.constant 0 : i32
      %ge3A_679 = vector.broadcast %ge3A_678 : i32 to vector<16xi32>
      %ge3A_680 = arith.cmpi sge, %sub3A_677, %ge3A_679 : vector<16xi32>
      %lt3A_681 = arith.constant 184 : i32
      %lt3A_682 = vector.broadcast %lt3A_681 : i32 to vector<16xi32>
      %lt3A_683 = arith.cmpi slt, %sub3A_677, %lt3A_682 : vector<16xi32>
      %and3A_684 = arith.andi %ge3A_680, %lt3A_683 : vector<16xi1>
      %jit3A_685 = arith.constant 0 : i32
      %jit3A_686 = arith.constant 183 : i32
      %max3A_687 = vector.broadcast %jit3A_685 : i32 to vector<16xi32>
      %max3A_688 = arith.maxsi %max3A_687, %sub3A_677 : vector<16xi32>
      %min3A_689 = vector.broadcast %jit3A_686 : i32 to vector<16xi32>
      %min3A_690 = arith.minsi %min3A_689, %max3A_688 : vector<16xi32>
      %add3A_691 = arith.constant 0 : i32
      %add3A_692 = vector.broadcast %add3A_691 : i32 to vector<16xi32>
      %add3A_693 = arith.addi %add3A_692, %iota3A : vector<16xi32>
      %gather3A_694 = tpu.vector_load_idx %arg9[%min3A_690, %add3A_693] : memref<184x128xf32, #tpu.memory_space<vmem>>[vector<16xi32>, vector<16xi32>], vector<16xf32>,
      %get3A_695 = arith.constant 0 : index
      %get3A_696 = tpu.vector_load %arg12[%get3A_695] {strides = array<i32>} : memref<128xf32, #tpu.memory_space<vmem>>, vector<16xf32>,
      %select_n3A_697 = arith.select %and3A_684, %gather3A_694, %get3A_696 : vector<16xi1>, vector<16xf32>
      %swap3A_698 = arith.constant 0 : index
      %swap3A_699 = tpu.vector_load %arg12[%swap3A_698] {strides = array<i32>} : memref<128xf32, #tpu.memory_space<vmem>>, vector<16xf32>,
      tpu.vector_store %arg12[%swap3A_698], %select_n3A_697 {strides = array<i32>} : memref<128xf32, #tpu.memory_space<vmem>>, vector<16xf32>,
      %get3A_700 = arith.constant 16 : index
      %get3A_701 = tpu.vector_load %arg11[%get3A_700] {strides = array<i32>} : memref<128xi32, #tpu.memory_space<vmem>>, vector<16xi32>,
      %sub3A_702 = vector.broadcast %add3A_497 : i32 to vector<16xi32>
      %sub3A_703 = arith.subi %get3A_701, %sub3A_702 : vector<16xi32>
      %ge3A_704 = arith.constant 0 : i32
      %ge3A_705 = vector.broadcast %ge3A_704 : i32 to vector<16xi32>
      %ge3A_706 = arith.cmpi sge, %sub3A_703, %ge3A_705 : vector<16xi32>
      %lt3A_707 = arith.constant 184 : i32
      %lt3A_708 = vector.broadcast %lt3A_707 : i32 to vector<16xi32>
      %lt3A_709 = arith.cmpi slt, %sub3A_703, %lt3A_708 : vector<16xi32>
      %and3A_710 = arith.andi %ge3A_706, %lt3A_709 : vector<16xi1>
      %jit3A_711 = arith.constant 0 : i32
      %jit3A_712 = arith.constant 183 : i32
      %max3A_713 = vector.broadcast %jit3A_711 : i32 to vector<16xi32>
      %max3A_714 = arith.maxsi %max3A_713, %sub3A_703 : vector<16xi32>
      %min3A_715 = vector.broadcast %jit3A_712 : i32 to vector<16xi32>
      %min3A_716 = arith.minsi %min3A_715, %max3A_714 : vector<16xi32>
      %add3A_717 = arith.constant 16 : i32
      %add3A_718 = vector.broadcast %add3A_717 : i32 to vector<16xi32>
      %add3A_719 = arith.addi %add3A_718, %iota3A : vector<16xi32>
      %gather3A_720 = tpu.vector_load_idx %arg9[%min3A_716, %add3A_719] : memref<184x128xf32, #tpu.memory_space<vmem>>[vector<16xi32>, vector<16xi32>], vector<16xf32>,
      %get3A_721 = arith.constant 16 : index
      %get3A_722 = tpu.vector_load %arg12[%get3A_721] {strides = array<i32>} : memref<128xf32, #tpu.memory_space<vmem>>, vector<16xf32>,
      %select_n3A_723 = arith.select %and3A_710, %gather3A_720, %get3A_722 : vector<16xi1>, vector<16xf32>
      %swap3A_724 = arith.constant 16 : index
      %swap3A_725 = tpu.vector_load %arg12[%swap3A_724] {strides = array<i32>} : memref<128xf32, #tpu.memory_space<vmem>>, vector<16xf32>,
      tpu.vector_store %arg12[%swap3A_724], %select_n3A_723 {strides = array<i32>} : memref<128xf32, #tpu.memory_space<vmem>>, vector<16xf32>,
      %get3A_726 = arith.constant 32 : index
      %get3A_727 = tpu.vector_load %arg11[%get3A_726] {strides = array<i32>} : memref<128xi32, #tpu.memory_space<vmem>>, vector<16xi32>,
      %sub3A_728 = vector.broadcast %add3A_497 : i32 to vector<16xi32>
      %sub3A_729 = arith.subi %get3A_727, %sub3A_728 : vector<16xi32>
      %ge3A_730 = arith.constant 0 : i32
      %ge3A_731 = vector.broadcast %ge3A_730 : i32 to vector<16xi32>
      %ge3A_732 = arith.cmpi sge, %sub3A_729, %ge3A_731 : vector<16xi32>
      %lt3A_733 = arith.constant 184 : i32
      %lt3A_734 = vector.broadcast %lt3A_733 : i32 to vector<16xi32>
      %lt3A_735 = arith.cmpi slt, %sub3A_729, %lt3A_734 : vector<16xi32>
      %and3A_736 = arith.andi %ge3A_732, %lt3A_735 : vector<16xi1>
      %jit3A_737 = arith.constant 0 : i32
      %jit3A_738 = arith.constant 183 : i32
      %max3A_739 = vector.broadcast %jit3A_737 : i32 to vector<16xi32>
      %max3A_740 = arith.maxsi %max3A_739, %sub3A_729 : vector<16xi32>
      %min3A_741 = vector.broadcast %jit3A_738 : i32 to vector<16xi32>
      %min3A_742 = arith.minsi %min3A_741, %max3A_740 : vector<16xi32>
      %add3A_743 = arith.constant 32 : i32
      %add3A_744 = vector.broadcast %add3A_743 : i32 to vector<16xi32>
      %add3A_745 = arith.addi %add3A_744, %iota3A : vector<16xi32>
      %gather3A_746 = tpu.vector_load_idx %arg9[%min3A_742, %add3A_745] : memref<184x128xf32, #tpu.memory_space<vmem>>[vector<16xi32>, vector<16xi32>], vector<16xf32>,
      %get3A_747 = arith.constant 32 : index
      %get3A_748 = tpu.vector_load %arg12[%get3A_747] {strides = array<i32>} : memref<128xf32, #tpu.memory_space<vmem>>, vector<16xf32>,
      %select_n3A_749 = arith.select %and3A_736, %gather3A_746, %get3A_748 : vector<16xi1>, vector<16xf32>
      %swap3A_750 = arith.constant 32 : index
      %swap3A_751 = tpu.vector_load %arg12[%swap3A_750] {strides = array<i32>} : memref<128xf32, #tpu.memory_space<vmem>>, vector<16xf32>,
      tpu.vector_store %arg12[%swap3A_750], %select_n3A_749 {strides = array<i32>} : memref<128xf32, #tpu.memory_space<vmem>>, vector<16xf32>,
      %get3A_752 = arith.constant 48 : index
      %get3A_753 = tpu.vector_load %arg11[%get3A_752] {strides = array<i32>} : memref<128xi32, #tpu.memory_space<vmem>>, vector<16xi32>,
      %sub3A_754 = vector.broadcast %add3A_497 : i32 to vector<16xi32>
      %sub3A_755 = arith.subi %get3A_753, %sub3A_754 : vector<16xi32>
      %ge3A_756 = arith.constant 0 : i32
      %ge3A_757 = vector.broadcast %ge3A_756 : i32 to vector<16xi32>
      %ge3A_758 = arith.cmpi sge, %sub3A_755, %ge3A_757 : vector<16xi32>
      %lt3A_759 = arith.constant 184 : i32
      %lt3A_760 = vector.broadcast %lt3A_759 : i32 to vector<16xi32>
      %lt3A_761 = arith.cmpi slt, %sub3A_755, %lt3A_760 : vector<16xi32>
      %and3A_762 = arith.andi %ge3A_758, %lt3A_761 : vector<16xi1>
      %jit3A_763 = arith.constant 0 : i32
      %jit3A_764 = arith.constant 183 : i32
      %max3A_765 = vector.broadcast %jit3A_763 : i32 to vector<16xi32>
      %max3A_766 = arith.maxsi %max3A_765, %sub3A_755 : vector<16xi32>
      %min3A_767 = vector.broadcast %jit3A_764 : i32 to vector<16xi32>
      %min3A_768 = arith.minsi %min3A_767, %max3A_766 : vector<16xi32>
      %add3A_769 = arith.constant 48 : i32
      %add3A_770 = vector.broadcast %add3A_769 : i32 to vector<16xi32>
      %add3A_771 = arith.addi %add3A_770, %iota3A : vector<16xi32>
      %gather3A_772 = tpu.vector_load_idx %arg9[%min3A_768, %add3A_771] : memref<184x128xf32, #tpu.memory_space<vmem>>[vector<16xi32>, vector<16xi32>], vector<16xf32>,
      %get3A_773 = arith.constant 48 : index
      %get3A_774 = tpu.vector_load %arg12[%get3A_773] {strides = array<i32>} : memref<128xf32, #tpu.memory_space<vmem>>, vector<16xf32>,
      %select_n3A_775 = arith.select %and3A_762, %gather3A_772, %get3A_774 : vector<16xi1>, vector<16xf32>
      %swap3A_776 = arith.constant 48 : index
      %swap3A_777 = tpu.vector_load %arg12[%swap3A_776] {strides = array<i32>} : memref<128xf32, #tpu.memory_space<vmem>>, vector<16xf32>,
      tpu.vector_store %arg12[%swap3A_776], %select_n3A_775 {strides = array<i32>} : memref<128xf32, #tpu.memory_space<vmem>>, vector<16xf32>,
      %get3A_778 = arith.constant 64 : index
      %get3A_779 = tpu.vector_load %arg11[%get3A_778] {strides = array<i32>} : memref<128xi32, #tpu.memory_space<vmem>>, vector<16xi32>,
      %sub3A_780 = vector.broadcast %add3A_497 : i32 to vector<16xi32>
      %sub3A_781 = arith.subi %get3A_779, %sub3A_780 : vector<16xi32>
      %ge3A_782 = arith.constant 0 : i32
      %ge3A_783 = vector.broadcast %ge3A_782 : i32 to vector<16xi32>
      %ge3A_784 = arith.cmpi sge, %sub3A_781, %ge3A_783 : vector<16xi32>
      %lt3A_785 = arith.constant 184 : i32
      %lt3A_786 = vector.broadcast %lt3A_785 : i32 to vector<16xi32>
      %lt3A_787 = arith.cmpi slt, %sub3A_781, %lt3A_786 : vector<16xi32>
      %and3A_788 = arith.andi %ge3A_784, %lt3A_787 : vector<16xi1>
      %jit3A_789 = arith.constant 0 : i32
      %jit3A_790 = arith.constant 183 : i32
      %max3A_791 = vector.broadcast %jit3A_789 : i32 to vector<16xi32>
      %max3A_792 = arith.maxsi %max3A_791, %sub3A_781 : vector<16xi32>
      %min3A_793 = vector.broadcast %jit3A_790 : i32 to vector<16xi32>
      %min3A_794 = arith.minsi %min3A_793, %max3A_792 : vector<16xi32>
      %add3A_795 = arith.constant 64 : i32
      %add3A_796 = vector.broadcast %add3A_795 : i32 to vector<16xi32>
      %add3A_797 = arith.addi %add3A_796, %iota3A : vector<16xi32>
      %gather3A_798 = tpu.vector_load_idx %arg9[%min3A_794, %add3A_797] : memref<184x128xf32, #tpu.memory_space<vmem>>[vector<16xi32>, vector<16xi32>], vector<16xf32>,
      %get3A_799 = arith.constant 64 : index
      %get3A_800 = tpu.vector_load %arg12[%get3A_799] {strides = array<i32>} : memref<128xf32, #tpu.memory_space<vmem>>, vector<16xf32>,
      %select_n3A_801 = arith.select %and3A_788, %gather3A_798, %get3A_800 : vector<16xi1>, vector<16xf32>
      %swap3A_802 = arith.constant 64 : index
      %swap3A_803 = tpu.vector_load %arg12[%swap3A_802] {strides = array<i32>} : memref<128xf32, #tpu.memory_space<vmem>>, vector<16xf32>,
      tpu.vector_store %arg12[%swap3A_802], %select_n3A_801 {strides = array<i32>} : memref<128xf32, #tpu.memory_space<vmem>>, vector<16xf32>,
      %get3A_804 = arith.constant 80 : index
      %get3A_805 = tpu.vector_load %arg11[%get3A_804] {strides = array<i32>} : memref<128xi32, #tpu.memory_space<vmem>>, vector<16xi32>,
      %sub3A_806 = vector.broadcast %add3A_497 : i32 to vector<16xi32>
      %sub3A_807 = arith.subi %get3A_805, %sub3A_806 : vector<16xi32>
      %ge3A_808 = arith.constant 0 : i32
      %ge3A_809 = vector.broadcast %ge3A_808 : i32 to vector<16xi32>
      %ge3A_810 = arith.cmpi sge, %sub3A_807, %ge3A_809 : vector<16xi32>
      %lt3A_811 = arith.constant 184 : i32
      %lt3A_812 = vector.broadcast %lt3A_811 : i32 to vector<16xi32>
      %lt3A_813 = arith.cmpi slt, %sub3A_807, %lt3A_812 : vector<16xi32>
      %and3A_814 = arith.andi %ge3A_810, %lt3A_813 : vector<16xi1>
      %jit3A_815 = arith.constant 0 : i32
      %jit3A_816 = arith.constant 183 : i32
      %max3A_817 = vector.broadcast %jit3A_815 : i32 to vector<16xi32>
      %max3A_818 = arith.maxsi %max3A_817, %sub3A_807 : vector<16xi32>
      %min3A_819 = vector.broadcast %jit3A_816 : i32 to vector<16xi32>
      %min3A_820 = arith.minsi %min3A_819, %max3A_818 : vector<16xi32>
      %add3A_821 = arith.constant 80 : i32
      %add3A_822 = vector.broadcast %add3A_821 : i32 to vector<16xi32>
      %add3A_823 = arith.addi %add3A_822, %iota3A : vector<16xi32>
      %gather3A_824 = tpu.vector_load_idx %arg9[%min3A_820, %add3A_823] : memref<184x128xf32, #tpu.memory_space<vmem>>[vector<16xi32>, vector<16xi32>], vector<16xf32>,
      %get3A_825 = arith.constant 80 : index
      %get3A_826 = tpu.vector_load %arg12[%get3A_825] {strides = array<i32>} : memref<128xf32, #tpu.memory_space<vmem>>, vector<16xf32>,
      %select_n3A_827 = arith.select %and3A_814, %gather3A_824, %get3A_826 : vector<16xi1>, vector<16xf32>
      %swap3A_828 = arith.constant 80 : index
      %swap3A_829 = tpu.vector_load %arg12[%swap3A_828] {strides = array<i32>} : memref<128xf32, #tpu.memory_space<vmem>>, vector<16xf32>,
      tpu.vector_store %arg12[%swap3A_828], %select_n3A_827 {strides = array<i32>} : memref<128xf32, #tpu.memory_space<vmem>>, vector<16xf32>,
      %get3A_830 = arith.constant 96 : index
      %get3A_831 = tpu.vector_load %arg11[%get3A_830] {strides = array<i32>} : memref<128xi32, #tpu.memory_space<vmem>>, vector<16xi32>,
      %sub3A_832 = vector.broadcast %add3A_497 : i32 to vector<16xi32>
      %sub3A_833 = arith.subi %get3A_831, %sub3A_832 : vector<16xi32>
      %ge3A_834 = arith.constant 0 : i32
      %ge3A_835 = vector.broadcast %ge3A_834 : i32 to vector<16xi32>
      %ge3A_836 = arith.cmpi sge, %sub3A_833, %ge3A_835 : vector<16xi32>
      %lt3A_837 = arith.constant 184 : i32
      %lt3A_838 = vector.broadcast %lt3A_837 : i32 to vector<16xi32>
      %lt3A_839 = arith.cmpi slt, %sub3A_833, %lt3A_838 : vector<16xi32>
      %and3A_840 = arith.andi %ge3A_836, %lt3A_839 : vector<16xi1>
      %jit3A_841 = arith.constant 0 : i32
      %jit3A_842 = arith.constant 183 : i32
      %max3A_843 = vector.broadcast %jit3A_841 : i32 to vector<16xi32>
      %max3A_844 = arith.maxsi %max3A_843, %sub3A_833 : vector<16xi32>
      %min3A_845 = vector.broadcast %jit3A_842 : i32 to vector<16xi32>
      %min3A_846 = arith.minsi %min3A_845, %max3A_844 : vector<16xi32>
      %add3A_847 = arith.constant 96 : i32
      %add3A_848 = vector.broadcast %add3A_847 : i32 to vector<16xi32>
      %add3A_849 = arith.addi %add3A_848, %iota3A : vector<16xi32>
      %gather3A_850 = tpu.vector_load_idx %arg9[%min3A_846, %add3A_849] : memref<184x128xf32, #tpu.memory_space<vmem>>[vector<16xi32>, vector<16xi32>], vector<16xf32>,
      %get3A_851 = arith.constant 96 : index
      %get3A_852 = tpu.vector_load %arg12[%get3A_851] {strides = array<i32>} : memref<128xf32, #tpu.memory_space<vmem>>, vector<16xf32>,
      %select_n3A_853 = arith.select %and3A_840, %gather3A_850, %get3A_852 : vector<16xi1>, vector<16xf32>
      %swap3A_854 = arith.constant 96 : index
      %swap3A_855 = tpu.vector_load %arg12[%swap3A_854] {strides = array<i32>} : memref<128xf32, #tpu.memory_space<vmem>>, vector<16xf32>,
      tpu.vector_store %arg12[%swap3A_854], %select_n3A_853 {strides = array<i32>} : memref<128xf32, #tpu.memory_space<vmem>>, vector<16xf32>,
      %get3A_856 = arith.constant 112 : index
      %get3A_857 = tpu.vector_load %arg11[%get3A_856] {strides = array<i32>} : memref<128xi32, #tpu.memory_space<vmem>>, vector<16xi32>,
      %sub3A_858 = vector.broadcast %add3A_497 : i32 to vector<16xi32>
      %sub3A_859 = arith.subi %get3A_857, %sub3A_858 : vector<16xi32>
      %ge3A_860 = arith.constant 0 : i32
      %ge3A_861 = vector.broadcast %ge3A_860 : i32 to vector<16xi32>
      %ge3A_862 = arith.cmpi sge, %sub3A_859, %ge3A_861 : vector<16xi32>
      %lt3A_863 = arith.constant 184 : i32
      %lt3A_864 = vector.broadcast %lt3A_863 : i32 to vector<16xi32>
      %lt3A_865 = arith.cmpi slt, %sub3A_859, %lt3A_864 : vector<16xi32>
      %and3A_866 = arith.andi %ge3A_862, %lt3A_865 : vector<16xi1>
      %jit3A_867 = arith.constant 0 : i32
      %jit3A_868 = arith.constant 183 : i32
      %max3A_869 = vector.broadcast %jit3A_867 : i32 to vector<16xi32>
      %max3A_870 = arith.maxsi %max3A_869, %sub3A_859 : vector<16xi32>
      %min3A_871 = vector.broadcast %jit3A_868 : i32 to vector<16xi32>
      %min3A_872 = arith.minsi %min3A_871, %max3A_870 : vector<16xi32>
      %add3A_873 = arith.constant 112 : i32
      %add3A_874 = vector.broadcast %add3A_873 : i32 to vector<16xi32>
      %add3A_875 = arith.addi %add3A_874, %iota3A : vector<16xi32>
      %gather3A_876 = tpu.vector_load_idx %arg9[%min3A_872, %add3A_875] : memref<184x128xf32, #tpu.memory_space<vmem>>[vector<16xi32>, vector<16xi32>], vector<16xf32>,
      %get3A_877 = arith.constant 112 : index
      %get3A_878 = tpu.vector_load %arg12[%get3A_877] {strides = array<i32>} : memref<128xf32, #tpu.memory_space<vmem>>, vector<16xf32>,
      %select_n3A_879 = arith.select %and3A_866, %gather3A_876, %get3A_878 : vector<16xi1>, vector<16xf32>
      %swap3A_880 = arith.constant 112 : index
      %swap3A_881 = tpu.vector_load %arg12[%swap3A_880] {strides = array<i32>} : memref<128xf32, #tpu.memory_space<vmem>>, vector<16xf32>,
      tpu.vector_store %arg12[%swap3A_880], %select_n3A_879 {strides = array<i32>} : memref<128xf32, #tpu.memory_space<vmem>>, vector<16xf32>,
      %lt3A_882 = arith.constant 13 : i32
      %lt3A_883 = arith.cmpi slt, %add3A_96, %lt3A_882 : i32
      %convert_element_type3A_884 = arith.extui %lt3A_883 : i1 to i32
      %cond3A_885 = arith.constant 0 : i32
      %cond3A_886 = arith.cmpi ne, %convert_element_type3A_884, %cond3A_885 : i32
      scf.if %cond3A_886 {
        %add3A_887 = arith.constant 3 : i32
        %add3A_888 = arith.addi %add3A_96, %add3A_887 : i32
        %mul3A_889 = arith.constant 184 : i32
        %mul3A_890 = arith.muli %add3A_888, %mul3A_889 : i32
        %add3A_891 = arith.addi %mul3A_2, %mul3A_890 : i32
        %dma_start3A_892 = arith.constant 0 : i32
        %dma_start3A_893 = tpu.memref_slice %arg2[%add3A_891, %dma_start3A_892] : memref<100000x128xf32, #tpu.memory_space<hbm>> -> memref<184x128xf32, #tpu.memory_space<hbm>>
        %dma_start3A_894 = arith.constant 0 : i32
        %dma_start3A_895 = tpu.memref_slice %arg2[%add3A_891, %dma_start3A_894] : memref<100000x128xf32, #tpu.memory_space<hbm>> -> memref<184x128xf32, #tpu.memory_space<hbm>>
        tpu.enqueue_dma source(%dma_start3A_895 : memref<184x128xf32, #tpu.memory_space<hbm>>) target(%arg9 : memref<184x128xf32, #tpu.memory_space<vmem>>) target_semaphore(%arg17 : memref<!tpu.dma_semaphore, #tpu.memory_space<semaphore_mem>>)
      } else {
      }
    }
    %scan3A_85 = arith.constant 8 : i32
    %lt3A = arith.constant 31 : i32
    %lt3A_86 = arith.cmpi slt, %add3A, %lt3A : i32
    %convert_element_type3A = arith.extui %lt3A_86 : i1 to i32
    %cond3A = arith.constant 0 : i32
    %cond3A_87 = arith.cmpi ne, %convert_element_type3A, %cond3A : i32
    scf.if %cond3A_87 {
      %dma_wait3A = arith.constant 0 : i32
      %dma_wait3A_92 = arith.constant 0 : i32
      %dma_wait3A_93 = tpu.memref_slice %arg2[%dma_wait3A, %dma_wait3A_92] : memref<100000x128xf32, #tpu.memory_space<hbm>> -> memref<184x128xf32, #tpu.memory_space<hbm>>
      %dma_wait3A_94 = arith.constant 0 : i32
      %dma_wait3A_95 = arith.constant 0 : i32
      %dma_wait3A_96 = tpu.memref_slice %arg2[%dma_wait3A_94, %dma_wait3A_95] : memref<100000x128xf32, #tpu.memory_space<hbm>> -> memref<184x128xf32, #tpu.memory_space<hbm>>
      tpu.wait_dma2 semaphore(%arg16 : memref<!tpu.dma_semaphore, #tpu.memory_space<semaphore_mem>>) src(%dma_wait3A_96 : memref<184x128xf32, #tpu.memory_space<hbm>>) dst(%arg8 : memref<184x128xf32, #tpu.memory_space<vmem>>)
      %add3A_97 = arith.constant 2944 : i32
      %add3A_98 = arith.addi %mul3A_2, %add3A_97 : i32
      %get3A = arith.constant 0 : index
      %get3A_99 = tpu.vector_load %arg13[%get3A] {strides = array<i32>} : memref<128xf32, #tpu.memory_space<vmem>>, vector<16xf32>,
      %get3A_100 = arith.constant 16 : index
      %get3A_101 = tpu.vector_load %arg13[%get3A_100] {strides = array<i32>} : memref<128xf32, #tpu.memory_space<vmem>>, vector<16xf32>,
      %get3A_102 = arith.constant 32 : index
      %get3A_103 = tpu.vector_load %arg13[%get3A_102] {strides = array<i32>} : memref<128xf32, #tpu.memory_space<vmem>>, vector<16xf32>,
      %get3A_104 = arith.constant 48 : index
      %get3A_105 = tpu.vector_load %arg13[%get3A_104] {strides = array<i32>} : memref<128xf32, #tpu.memory_space<vmem>>, vector<16xf32>,
      %get3A_106 = arith.constant 64 : index
      %get3A_107 = tpu.vector_load %arg13[%get3A_106] {strides = array<i32>} : memref<128xf32, #tpu.memory_space<vmem>>, vector<16xf32>,
      %get3A_108 = arith.constant 80 : index
      %get3A_109 = tpu.vector_load %arg13[%get3A_108] {strides = array<i32>} : memref<128xf32, #tpu.memory_space<vmem>>, vector<16xf32>,
      %get3A_110 = arith.constant 96 : index
      %get3A_111 = tpu.vector_load %arg13[%get3A_110] {strides = array<i32>} : memref<128xf32, #tpu.memory_space<vmem>>, vector<16xf32>,
      %get3A_112 = arith.constant 112 : index
      %get3A_113 = tpu.vector_load %arg13[%get3A_112] {strides = array<i32>} : memref<128xf32, #tpu.memory_space<vmem>>, vector<16xf32>,
      %get3A_114 = arith.constant 0 : index
      %get3A_115 = tpu.vector_load %arg15[%get3A_114] {strides = array<i32>} : memref<128xi32, #tpu.memory_space<vmem>>, vector<16xi32>,
      %get3A_116 = arith.constant 16 : index
      %get3A_117 = tpu.vector_load %arg15[%get3A_116] {strides = array<i32>} : memref<128xi32, #tpu.memory_space<vmem>>, vector<16xi32>,
      %get3A_118 = arith.constant 32 : index
      %get3A_119 = tpu.vector_load %arg15[%get3A_118] {strides = array<i32>} : memref<128xi32, #tpu.memory_space<vmem>>, vector<16xi32>,
      %get3A_120 = arith.constant 48 : index
      %get3A_121 = tpu.vector_load %arg15[%get3A_120] {strides = array<i32>} : memref<128xi32, #tpu.memory_space<vmem>>, vector<16xi32>,
      %get3A_122 = arith.constant 64 : index
      %get3A_123 = tpu.vector_load %arg15[%get3A_122] {strides = array<i32>} : memref<128xi32, #tpu.memory_space<vmem>>, vector<16xi32>,
      %get3A_124 = arith.constant 80 : index
      %get3A_125 = tpu.vector_load %arg15[%get3A_124] {strides = array<i32>} : memref<128xi32, #tpu.memory_space<vmem>>, vector<16xi32>,
      %get3A_126 = arith.constant 96 : index
      %get3A_127 = tpu.vector_load %arg15[%get3A_126] {strides = array<i32>} : memref<128xi32, #tpu.memory_space<vmem>>, vector<16xi32>,
      %get3A_128 = arith.constant 112 : index
      %get3A_129 = tpu.vector_load %arg15[%get3A_128] {strides = array<i32>} : memref<128xi32, #tpu.memory_space<vmem>>, vector<16xi32>,
      %parallel_loop3A = arith.constant 0 : i32
      %parallel_loop3A_130 = arith.constant 92 : i32
      %parallel_loop3A_131 = arith.constant 1 : i32
      %parallel_loop3A_132:16 = scf.for %parallel_loop3A_471 = %parallel_loop3A to %parallel_loop3A_130 step %parallel_loop3A_131 iter_args(%parallel_loop3A_472 = %get3A_99, %parallel_loop3A_473 = %get3A_101, %parallel_loop3A_474 = %get3A_103, %parallel_loop3A_475 = %get3A_105, %parallel_loop3A_476 = %get3A_107, %parallel_loop3A_477 = %get3A_109, %parallel_loop3A_478 = %get3A_111, %parallel_loop3A_479 = %get3A_113, %parallel_loop3A_480 = %get3A_115, %parallel_loop3A_481 = %get3A_117, %parallel_loop3A_482 = %get3A_119, %parallel_loop3A_483 = %get3A_121, %parallel_loop3A_484 = %get3A_123, %parallel_loop3A_485 = %get3A_125, %parallel_loop3A_486 = %get3A_127, %parallel_loop3A_487 = %get3A_129) -> (vector<16xf32>, vector<16xf32>, vector<16xf32>, vector<16xf32>, vector<16xf32>, vector<16xf32>, vector<16xf32>, vector<16xf32>, vector<16xi32>, vector<16xi32>, vector<16xi32>, vector<16xi32>, vector<16xi32>, vector<16xi32>, vector<16xi32>, vector<16xi32>)  : i32 {
        %parallel_loop3A_488 = arith.constant 2 : i32
        %parallel_loop3A_489 = arith.muli %parallel_loop3A_471, %parallel_loop3A_488 : i32
        %parallel_loop3A_490 = arith.constant 0 : i32
        %parallel_loop3A_491 = arith.addi %parallel_loop3A_489, %parallel_loop3A_490 : i32
        %parallel_loop3A_492 = arith.index_cast %parallel_loop3A_491 : i32 to index
        %parallel_loop3A_493 = arith.constant 0 : index
        %parallel_loop3A_494 = tpu.vector_load %arg8[%parallel_loop3A_492, %parallel_loop3A_493] {strides = array<i32>} : memref<184x128xf32, #tpu.memory_space<vmem>>, vector<16xf32>,
        %parallel_loop3A_495 = arith.maximumf %parallel_loop3A_472, %parallel_loop3A_494 : vector<16xf32>
        %parallel_loop3A_496 = arith.cmpf ogt, %parallel_loop3A_494, %parallel_loop3A_472 : vector<16xf32>
        %parallel_loop3A_497 = arith.addi %add3A_98, %parallel_loop3A_491 : i32
        %parallel_loop3A_498 = vector.broadcast %parallel_loop3A_497 : i32 to vector<16xi32>
        %parallel_loop3A_499 = arith.addi %broadcast_in_dim3A_7, %parallel_loop3A_498 : vector<16xi32>
        %parallel_loop3A_500 = arith.select %parallel_loop3A_496, %parallel_loop3A_499, %parallel_loop3A_480 : vector<16xi1>, vector<16xi32>
        %parallel_loop3A_501 = arith.index_cast %parallel_loop3A_491 : i32 to index
        %parallel_loop3A_502 = arith.constant 16 : index
        %parallel_loop3A_503 = tpu.vector_load %arg8[%parallel_loop3A_501, %parallel_loop3A_502] {strides = array<i32>} : memref<184x128xf32, #tpu.memory_space<vmem>>, vector<16xf32>,
        %parallel_loop3A_504 = arith.maximumf %parallel_loop3A_473, %parallel_loop3A_503 : vector<16xf32>
        %parallel_loop3A_505 = arith.cmpf ogt, %parallel_loop3A_503, %parallel_loop3A_473 : vector<16xf32>
        %parallel_loop3A_506 = arith.addi %add3A_98, %parallel_loop3A_491 : i32
        %parallel_loop3A_507 = vector.broadcast %parallel_loop3A_506 : i32 to vector<16xi32>
        %parallel_loop3A_508 = arith.addi %broadcast_in_dim3A_7, %parallel_loop3A_507 : vector<16xi32>
        %parallel_loop3A_509 = arith.select %parallel_loop3A_505, %parallel_loop3A_508, %parallel_loop3A_481 : vector<16xi1>, vector<16xi32>
        %parallel_loop3A_510 = arith.index_cast %parallel_loop3A_491 : i32 to index
        %parallel_loop3A_511 = arith.constant 32 : index
        %parallel_loop3A_512 = tpu.vector_load %arg8[%parallel_loop3A_510, %parallel_loop3A_511] {strides = array<i32>} : memref<184x128xf32, #tpu.memory_space<vmem>>, vector<16xf32>,
        %parallel_loop3A_513 = arith.maximumf %parallel_loop3A_474, %parallel_loop3A_512 : vector<16xf32>
        %parallel_loop3A_514 = arith.cmpf ogt, %parallel_loop3A_512, %parallel_loop3A_474 : vector<16xf32>
        %parallel_loop3A_515 = arith.addi %add3A_98, %parallel_loop3A_491 : i32
        %parallel_loop3A_516 = vector.broadcast %parallel_loop3A_515 : i32 to vector<16xi32>
        %parallel_loop3A_517 = arith.addi %broadcast_in_dim3A_7, %parallel_loop3A_516 : vector<16xi32>
        %parallel_loop3A_518 = arith.select %parallel_loop3A_514, %parallel_loop3A_517, %parallel_loop3A_482 : vector<16xi1>, vector<16xi32>
        %parallel_loop3A_519 = arith.index_cast %parallel_loop3A_491 : i32 to index
        %parallel_loop3A_520 = arith.constant 48 : index
        %parallel_loop3A_521 = tpu.vector_load %arg8[%parallel_loop3A_519, %parallel_loop3A_520] {strides = array<i32>} : memref<184x128xf32, #tpu.memory_space<vmem>>, vector<16xf32>,
        %parallel_loop3A_522 = arith.maximumf %parallel_loop3A_475, %parallel_loop3A_521 : vector<16xf32>
        %parallel_loop3A_523 = arith.cmpf ogt, %parallel_loop3A_521, %parallel_loop3A_475 : vector<16xf32>
        %parallel_loop3A_524 = arith.addi %add3A_98, %parallel_loop3A_491 : i32
        %parallel_loop3A_525 = vector.broadcast %parallel_loop3A_524 : i32 to vector<16xi32>
        %parallel_loop3A_526 = arith.addi %broadcast_in_dim3A_7, %parallel_loop3A_525 : vector<16xi32>
        %parallel_loop3A_527 = arith.select %parallel_loop3A_523, %parallel_loop3A_526, %parallel_loop3A_483 : vector<16xi1>, vector<16xi32>
        %parallel_loop3A_528 = arith.index_cast %parallel_loop3A_491 : i32 to index
        %parallel_loop3A_529 = arith.constant 64 : index
        %parallel_loop3A_530 = tpu.vector_load %arg8[%parallel_loop3A_528, %parallel_loop3A_529] {strides = array<i32>} : memref<184x128xf32, #tpu.memory_space<vmem>>, vector<16xf32>,
        %parallel_loop3A_531 = arith.maximumf %parallel_loop3A_476, %parallel_loop3A_530 : vector<16xf32>
        %parallel_loop3A_532 = arith.cmpf ogt, %parallel_loop3A_530, %parallel_loop3A_476 : vector<16xf32>
        %parallel_loop3A_533 = arith.addi %add3A_98, %parallel_loop3A_491 : i32
        %parallel_loop3A_534 = vector.broadcast %parallel_loop3A_533 : i32 to vector<16xi32>
        %parallel_loop3A_535 = arith.addi %broadcast_in_dim3A_7, %parallel_loop3A_534 : vector<16xi32>
        %parallel_loop3A_536 = arith.select %parallel_loop3A_532, %parallel_loop3A_535, %parallel_loop3A_484 : vector<16xi1>, vector<16xi32>
        %parallel_loop3A_537 = arith.index_cast %parallel_loop3A_491 : i32 to index
        %parallel_loop3A_538 = arith.constant 80 : index
        %parallel_loop3A_539 = tpu.vector_load %arg8[%parallel_loop3A_537, %parallel_loop3A_538] {strides = array<i32>} : memref<184x128xf32, #tpu.memory_space<vmem>>, vector<16xf32>,
        %parallel_loop3A_540 = arith.maximumf %parallel_loop3A_477, %parallel_loop3A_539 : vector<16xf32>
        %parallel_loop3A_541 = arith.cmpf ogt, %parallel_loop3A_539, %parallel_loop3A_477 : vector<16xf32>
        %parallel_loop3A_542 = arith.addi %add3A_98, %parallel_loop3A_491 : i32
        %parallel_loop3A_543 = vector.broadcast %parallel_loop3A_542 : i32 to vector<16xi32>
        %parallel_loop3A_544 = arith.addi %broadcast_in_dim3A_7, %parallel_loop3A_543 : vector<16xi32>
        %parallel_loop3A_545 = arith.select %parallel_loop3A_541, %parallel_loop3A_544, %parallel_loop3A_485 : vector<16xi1>, vector<16xi32>
        %parallel_loop3A_546 = arith.index_cast %parallel_loop3A_491 : i32 to index
        %parallel_loop3A_547 = arith.constant 96 : index
        %parallel_loop3A_548 = tpu.vector_load %arg8[%parallel_loop3A_546, %parallel_loop3A_547] {strides = array<i32>} : memref<184x128xf32, #tpu.memory_space<vmem>>, vector<16xf32>,
        %parallel_loop3A_549 = arith.maximumf %parallel_loop3A_478, %parallel_loop3A_548 : vector<16xf32>
        %parallel_loop3A_550 = arith.cmpf ogt, %parallel_loop3A_548, %parallel_loop3A_478 : vector<16xf32>
        %parallel_loop3A_551 = arith.addi %add3A_98, %parallel_loop3A_491 : i32
        %parallel_loop3A_552 = vector.broadcast %parallel_loop3A_551 : i32 to vector<16xi32>
        %parallel_loop3A_553 = arith.addi %broadcast_in_dim3A_7, %parallel_loop3A_552 : vector<16xi32>
        %parallel_loop3A_554 = arith.select %parallel_loop3A_550, %parallel_loop3A_553, %parallel_loop3A_486 : vector<16xi1>, vector<16xi32>
        %parallel_loop3A_555 = arith.index_cast %parallel_loop3A_491 : i32 to index
        %parallel_loop3A_556 = arith.constant 112 : index
        %parallel_loop3A_557 = tpu.vector_load %arg8[%parallel_loop3A_555, %parallel_loop3A_556] {strides = array<i32>} : memref<184x128xf32, #tpu.memory_space<vmem>>, vector<16xf32>,
        %parallel_loop3A_558 = arith.maximumf %parallel_loop3A_479, %parallel_loop3A_557 : vector<16xf32>
        %parallel_loop3A_559 = arith.cmpf ogt, %parallel_loop3A_557, %parallel_loop3A_479 : vector<16xf32>
        %parallel_loop3A_560 = arith.addi %add3A_98, %parallel_loop3A_491 : i32
        %parallel_loop3A_561 = vector.broadcast %parallel_loop3A_560 : i32 to vector<16xi32>
        %parallel_loop3A_562 = arith.addi %broadcast_in_dim3A_7, %parallel_loop3A_561 : vector<16xi32>
        %parallel_loop3A_563 = arith.select %parallel_loop3A_559, %parallel_loop3A_562, %parallel_loop3A_487 : vector<16xi1>, vector<16xi32>
        %parallel_loop3A_564 = arith.constant 2 : i32
        %parallel_loop3A_565 = arith.muli %parallel_loop3A_471, %parallel_loop3A_564 : i32
        %parallel_loop3A_566 = arith.constant 1 : i32
        %parallel_loop3A_567 = arith.addi %parallel_loop3A_565, %parallel_loop3A_566 : i32
        %parallel_loop3A_568 = arith.index_cast %parallel_loop3A_567 : i32 to index
        %parallel_loop3A_569 = arith.constant 0 : index
        %parallel_loop3A_570 = tpu.vector_load %arg8[%parallel_loop3A_568, %parallel_loop3A_569] {strides = array<i32>} : memref<184x128xf32, #tpu.memory_space<vmem>>, vector<16xf32>,
        %parallel_loop3A_571 = arith.maximumf %parallel_loop3A_495, %parallel_loop3A_570 : vector<16xf32>
        %parallel_loop3A_572 = arith.cmpf ogt, %parallel_loop3A_570, %parallel_loop3A_495 : vector<16xf32>
        %parallel_loop3A_573 = arith.addi %add3A_98, %parallel_loop3A_567 : i32
        %parallel_loop3A_574 = vector.broadcast %parallel_loop3A_573 : i32 to vector<16xi32>
        %parallel_loop3A_575 = arith.addi %broadcast_in_dim3A_7, %parallel_loop3A_574 : vector<16xi32>
        %parallel_loop3A_576 = arith.select %parallel_loop3A_572, %parallel_loop3A_575, %parallel_loop3A_500 : vector<16xi1>, vector<16xi32>
        %parallel_loop3A_577 = arith.index_cast %parallel_loop3A_567 : i32 to index
        %parallel_loop3A_578 = arith.constant 16 : index
        %parallel_loop3A_579 = tpu.vector_load %arg8[%parallel_loop3A_577, %parallel_loop3A_578] {strides = array<i32>} : memref<184x128xf32, #tpu.memory_space<vmem>>, vector<16xf32>,
        %parallel_loop3A_580 = arith.maximumf %parallel_loop3A_504, %parallel_loop3A_579 : vector<16xf32>
        %parallel_loop3A_581 = arith.cmpf ogt, %parallel_loop3A_579, %parallel_loop3A_504 : vector<16xf32>
        %parallel_loop3A_582 = arith.addi %add3A_98, %parallel_loop3A_567 : i32
        %parallel_loop3A_583 = vector.broadcast %parallel_loop3A_582 : i32 to vector<16xi32>
        %parallel_loop3A_584 = arith.addi %broadcast_in_dim3A_7, %parallel_loop3A_583 : vector<16xi32>
        %parallel_loop3A_585 = arith.select %parallel_loop3A_581, %parallel_loop3A_584, %parallel_loop3A_509 : vector<16xi1>, vector<16xi32>
        %parallel_loop3A_586 = arith.index_cast %parallel_loop3A_567 : i32 to index
        %parallel_loop3A_587 = arith.constant 32 : index
        %parallel_loop3A_588 = tpu.vector_load %arg8[%parallel_loop3A_586, %parallel_loop3A_587] {strides = array<i32>} : memref<184x128xf32, #tpu.memory_space<vmem>>, vector<16xf32>,
        %parallel_loop3A_589 = arith.maximumf %parallel_loop3A_513, %parallel_loop3A_588 : vector<16xf32>
        %parallel_loop3A_590 = arith.cmpf ogt, %parallel_loop3A_588, %parallel_loop3A_513 : vector<16xf32>
        %parallel_loop3A_591 = arith.addi %add3A_98, %parallel_loop3A_567 : i32
        %parallel_loop3A_592 = vector.broadcast %parallel_loop3A_591 : i32 to vector<16xi32>
        %parallel_loop3A_593 = arith.addi %broadcast_in_dim3A_7, %parallel_loop3A_592 : vector<16xi32>
        %parallel_loop3A_594 = arith.select %parallel_loop3A_590, %parallel_loop3A_593, %parallel_loop3A_518 : vector<16xi1>, vector<16xi32>
        %parallel_loop3A_595 = arith.index_cast %parallel_loop3A_567 : i32 to index
        %parallel_loop3A_596 = arith.constant 48 : index
        %parallel_loop3A_597 = tpu.vector_load %arg8[%parallel_loop3A_595, %parallel_loop3A_596] {strides = array<i32>} : memref<184x128xf32, #tpu.memory_space<vmem>>, vector<16xf32>,
        %parallel_loop3A_598 = arith.maximumf %parallel_loop3A_522, %parallel_loop3A_597 : vector<16xf32>
        %parallel_loop3A_599 = arith.cmpf ogt, %parallel_loop3A_597, %parallel_loop3A_522 : vector<16xf32>
        %parallel_loop3A_600 = arith.addi %add3A_98, %parallel_loop3A_567 : i32
        %parallel_loop3A_601 = vector.broadcast %parallel_loop3A_600 : i32 to vector<16xi32>
        %parallel_loop3A_602 = arith.addi %broadcast_in_dim3A_7, %parallel_loop3A_601 : vector<16xi32>
        %parallel_loop3A_603 = arith.select %parallel_loop3A_599, %parallel_loop3A_602, %parallel_loop3A_527 : vector<16xi1>, vector<16xi32>
        %parallel_loop3A_604 = arith.index_cast %parallel_loop3A_567 : i32 to index
        %parallel_loop3A_605 = arith.constant 64 : index
        %parallel_loop3A_606 = tpu.vector_load %arg8[%parallel_loop3A_604, %parallel_loop3A_605] {strides = array<i32>} : memref<184x128xf32, #tpu.memory_space<vmem>>, vector<16xf32>,
        %parallel_loop3A_607 = arith.maximumf %parallel_loop3A_531, %parallel_loop3A_606 : vector<16xf32>
        %parallel_loop3A_608 = arith.cmpf ogt, %parallel_loop3A_606, %parallel_loop3A_531 : vector<16xf32>
        %parallel_loop3A_609 = arith.addi %add3A_98, %parallel_loop3A_567 : i32
        %parallel_loop3A_610 = vector.broadcast %parallel_loop3A_609 : i32 to vector<16xi32>
        %parallel_loop3A_611 = arith.addi %broadcast_in_dim3A_7, %parallel_loop3A_610 : vector<16xi32>
        %parallel_loop3A_612 = arith.select %parallel_loop3A_608, %parallel_loop3A_611, %parallel_loop3A_536 : vector<16xi1>, vector<16xi32>
        %parallel_loop3A_613 = arith.index_cast %parallel_loop3A_567 : i32 to index
        %parallel_loop3A_614 = arith.constant 80 : index
        %parallel_loop3A_615 = tpu.vector_load %arg8[%parallel_loop3A_613, %parallel_loop3A_614] {strides = array<i32>} : memref<184x128xf32, #tpu.memory_space<vmem>>, vector<16xf32>,
        %parallel_loop3A_616 = arith.maximumf %parallel_loop3A_540, %parallel_loop3A_615 : vector<16xf32>
        %parallel_loop3A_617 = arith.cmpf ogt, %parallel_loop3A_615, %parallel_loop3A_540 : vector<16xf32>
        %parallel_loop3A_618 = arith.addi %add3A_98, %parallel_loop3A_567 : i32
        %parallel_loop3A_619 = vector.broadcast %parallel_loop3A_618 : i32 to vector<16xi32>
        %parallel_loop3A_620 = arith.addi %broadcast_in_dim3A_7, %parallel_loop3A_619 : vector<16xi32>
        %parallel_loop3A_621 = arith.select %parallel_loop3A_617, %parallel_loop3A_620, %parallel_loop3A_545 : vector<16xi1>, vector<16xi32>
        %parallel_loop3A_622 = arith.index_cast %parallel_loop3A_567 : i32 to index
        %parallel_loop3A_623 = arith.constant 96 : index
        %parallel_loop3A_624 = tpu.vector_load %arg8[%parallel_loop3A_622, %parallel_loop3A_623] {strides = array<i32>} : memref<184x128xf32, #tpu.memory_space<vmem>>, vector<16xf32>,
        %parallel_loop3A_625 = arith.maximumf %parallel_loop3A_549, %parallel_loop3A_624 : vector<16xf32>
        %parallel_loop3A_626 = arith.cmpf ogt, %parallel_loop3A_624, %parallel_loop3A_549 : vector<16xf32>
        %parallel_loop3A_627 = arith.addi %add3A_98, %parallel_loop3A_567 : i32
        %parallel_loop3A_628 = vector.broadcast %parallel_loop3A_627 : i32 to vector<16xi32>
        %parallel_loop3A_629 = arith.addi %broadcast_in_dim3A_7, %parallel_loop3A_628 : vector<16xi32>
        %parallel_loop3A_630 = arith.select %parallel_loop3A_626, %parallel_loop3A_629, %parallel_loop3A_554 : vector<16xi1>, vector<16xi32>
        %parallel_loop3A_631 = arith.index_cast %parallel_loop3A_567 : i32 to index
        %parallel_loop3A_632 = arith.constant 112 : index
        %parallel_loop3A_633 = tpu.vector_load %arg8[%parallel_loop3A_631, %parallel_loop3A_632] {strides = array<i32>} : memref<184x128xf32, #tpu.memory_space<vmem>>, vector<16xf32>,
        %parallel_loop3A_634 = arith.maximumf %parallel_loop3A_558, %parallel_loop3A_633 : vector<16xf32>
        %parallel_loop3A_635 = arith.cmpf ogt, %parallel_loop3A_633, %parallel_loop3A_558 : vector<16xf32>
        %parallel_loop3A_636 = arith.addi %add3A_98, %parallel_loop3A_567 : i32
        %parallel_loop3A_637 = vector.broadcast %parallel_loop3A_636 : i32 to vector<16xi32>
        %parallel_loop3A_638 = arith.addi %broadcast_in_dim3A_7, %parallel_loop3A_637 : vector<16xi32>
        %parallel_loop3A_639 = arith.select %parallel_loop3A_635, %parallel_loop3A_638, %parallel_loop3A_563 : vector<16xi1>, vector<16xi32>
        scf.yield %parallel_loop3A_571, %parallel_loop3A_580, %parallel_loop3A_589, %parallel_loop3A_598, %parallel_loop3A_607, %parallel_loop3A_616, %parallel_loop3A_625, %parallel_loop3A_634, %parallel_loop3A_576, %parallel_loop3A_585, %parallel_loop3A_594, %parallel_loop3A_603, %parallel_loop3A_612, %parallel_loop3A_621, %parallel_loop3A_630, %parallel_loop3A_639 : vector<16xf32>, vector<16xf32>, vector<16xf32>, vector<16xf32>, vector<16xf32>, vector<16xf32>, vector<16xf32>, vector<16xf32>, vector<16xi32>, vector<16xi32>, vector<16xi32>, vector<16xi32>, vector<16xi32>, vector<16xi32>, vector<16xi32>, vector<16xi32>
      } {sc.loop_unroll_factor = 1 : i64, sc.parallel_access}
      %swap3A_133 = arith.constant 0 : index
      %swap3A_134 = tpu.vector_load %arg13[%swap3A_133] {strides = array<i32>} : memref<128xf32, #tpu.memory_space<vmem>>, vector<16xf32>,
      tpu.vector_store %arg13[%swap3A_133], %parallel_loop3A_132#0 {strides = array<i32>} : memref<128xf32, #tpu.memory_space<vmem>>, vector<16xf32>,
      %swap3A_135 = arith.constant 0 : index
      %swap3A_136 = tpu.vector_load %arg15[%swap3A_135] {strides = array<i32>} : memref<128xi32, #tpu.memory_space<vmem>>, vector<16xi32>,
      tpu.vector_store %arg15[%swap3A_135], %parallel_loop3A_132#8 {strides = array<i32>} : memref<128xi32, #tpu.memory_space<vmem>>, vector<16xi32>,
      %swap3A_137 = arith.constant 16 : index
      %swap3A_138 = tpu.vector_load %arg13[%swap3A_137] {strides = array<i32>} : memref<128xf32, #tpu.memory_space<vmem>>, vector<16xf32>,
      tpu.vector_store %arg13[%swap3A_137], %parallel_loop3A_132#1 {strides = array<i32>} : memref<128xf32, #tpu.memory_space<vmem>>, vector<16xf32>,
      %swap3A_139 = arith.constant 16 : index
      %swap3A_140 = tpu.vector_load %arg15[%swap3A_139] {strides = array<i32>} : memref<128xi32, #tpu.memory_space<vmem>>, vector<16xi32>,
      tpu.vector_store %arg15[%swap3A_139], %parallel_loop3A_132#9 {strides = array<i32>} : memref<128xi32, #tpu.memory_space<vmem>>, vector<16xi32>,
      %swap3A_141 = arith.constant 32 : index
      %swap3A_142 = tpu.vector_load %arg13[%swap3A_141] {strides = array<i32>} : memref<128xf32, #tpu.memory_space<vmem>>, vector<16xf32>,
      tpu.vector_store %arg13[%swap3A_141], %parallel_loop3A_132#2 {strides = array<i32>} : memref<128xf32, #tpu.memory_space<vmem>>, vector<16xf32>,
      %swap3A_143 = arith.constant 32 : index
      %swap3A_144 = tpu.vector_load %arg15[%swap3A_143] {strides = array<i32>} : memref<128xi32, #tpu.memory_space<vmem>>, vector<16xi32>,
      tpu.vector_store %arg15[%swap3A_143], %parallel_loop3A_132#10 {strides = array<i32>} : memref<128xi32, #tpu.memory_space<vmem>>, vector<16xi32>,
      %swap3A_145 = arith.constant 48 : index
      %swap3A_146 = tpu.vector_load %arg13[%swap3A_145] {strides = array<i32>} : memref<128xf32, #tpu.memory_space<vmem>>, vector<16xf32>,
      tpu.vector_store %arg13[%swap3A_145], %parallel_loop3A_132#3 {strides = array<i32>} : memref<128xf32, #tpu.memory_space<vmem>>, vector<16xf32>,
      %swap3A_147 = arith.constant 48 : index
      %swap3A_148 = tpu.vector_load %arg15[%swap3A_147] {strides = array<i32>} : memref<128xi32, #tpu.memory_space<vmem>>, vector<16xi32>,
      tpu.vector_store %arg15[%swap3A_147], %parallel_loop3A_132#11 {strides = array<i32>} : memref<128xi32, #tpu.memory_space<vmem>>, vector<16xi32>,
      %swap3A_149 = arith.constant 64 : index
      %swap3A_150 = tpu.vector_load %arg13[%swap3A_149] {strides = array<i32>} : memref<128xf32, #tpu.memory_space<vmem>>, vector<16xf32>,
      tpu.vector_store %arg13[%swap3A_149], %parallel_loop3A_132#4 {strides = array<i32>} : memref<128xf32, #tpu.memory_space<vmem>>, vector<16xf32>,
      %swap3A_151 = arith.constant 64 : index
      %swap3A_152 = tpu.vector_load %arg15[%swap3A_151] {strides = array<i32>} : memref<128xi32, #tpu.memory_space<vmem>>, vector<16xi32>,
      tpu.vector_store %arg15[%swap3A_151], %parallel_loop3A_132#12 {strides = array<i32>} : memref<128xi32, #tpu.memory_space<vmem>>, vector<16xi32>,
      %swap3A_153 = arith.constant 80 : index
      %swap3A_154 = tpu.vector_load %arg13[%swap3A_153] {strides = array<i32>} : memref<128xf32, #tpu.memory_space<vmem>>, vector<16xf32>,
      tpu.vector_store %arg13[%swap3A_153], %parallel_loop3A_132#5 {strides = array<i32>} : memref<128xf32, #tpu.memory_space<vmem>>, vector<16xf32>,
      %swap3A_155 = arith.constant 80 : index
      %swap3A_156 = tpu.vector_load %arg15[%swap3A_155] {strides = array<i32>} : memref<128xi32, #tpu.memory_space<vmem>>, vector<16xi32>,
      tpu.vector_store %arg15[%swap3A_155], %parallel_loop3A_132#13 {strides = array<i32>} : memref<128xi32, #tpu.memory_space<vmem>>, vector<16xi32>,
      %swap3A_157 = arith.constant 96 : index
      %swap3A_158 = tpu.vector_load %arg13[%swap3A_157] {strides = array<i32>} : memref<128xf32, #tpu.memory_space<vmem>>, vector<16xf32>,
      tpu.vector_store %arg13[%swap3A_157], %parallel_loop3A_132#6 {strides = array<i32>} : memref<128xf32, #tpu.memory_space<vmem>>, vector<16xf32>,
      %swap3A_159 = arith.constant 96 : index
      %swap3A_160 = tpu.vector_load %arg15[%swap3A_159] {strides = array<i32>} : memref<128xi32, #tpu.memory_space<vmem>>, vector<16xi32>,
      tpu.vector_store %arg15[%swap3A_159], %parallel_loop3A_132#14 {strides = array<i32>} : memref<128xi32, #tpu.memory_space<vmem>>, vector<16xi32>,
      %swap3A_161 = arith.constant 112 : index
      %swap3A_162 = tpu.vector_load %arg13[%swap3A_161] {strides = array<i32>} : memref<128xf32, #tpu.memory_space<vmem>>, vector<16xf32>,
      tpu.vector_store %arg13[%swap3A_161], %parallel_loop3A_132#7 {strides = array<i32>} : memref<128xf32, #tpu.memory_space<vmem>>, vector<16xf32>,
      %swap3A_163 = arith.constant 112 : index
      %swap3A_164 = tpu.vector_load %arg15[%swap3A_163] {strides = array<i32>} : memref<128xi32, #tpu.memory_space<vmem>>, vector<16xi32>,
      tpu.vector_store %arg15[%swap3A_163], %parallel_loop3A_132#15 {strides = array<i32>} : memref<128xi32, #tpu.memory_space<vmem>>, vector<16xi32>,
      %gt3A = arith.constant 0xFF800000 : f32
      %gt3A_165 = vector.broadcast %gt3A : f32 to vector<16xf32>
      %gt3A_166 = arith.cmpf ogt, %get3A_99, %gt3A_165 : vector<16xf32>
      %get3A_167 = arith.constant 0 : index
      %get3A_168 = tpu.vector_load %arg14[%get3A_167] {strides = array<i32>} : memref<128xf32, #tpu.memory_space<vmem>>, vector<16xf32>,
      %sub3A = arith.subf %get3A_99, %parallel_loop3A_132#0 : vector<16xf32>
      %exp3A = math.exp %sub3A : vector<16xf32>
      %mul3A_169 = arith.mulf %get3A_168, %exp3A : vector<16xf32>
      %jit3A = arith.constant 0.000000e+00 : f32
      %broadcast_in_dim3A_170 = vector.broadcast %jit3A : f32 to vector<16xf32>
      %select_n3A = arith.select %gt3A_166, %mul3A_169, %broadcast_in_dim3A_170 : vector<16xi1>, vector<16xf32>
      %gt3A_171 = arith.constant 0xFF800000 : f32
      %gt3A_172 = vector.broadcast %gt3A_171 : f32 to vector<16xf32>
      %gt3A_173 = arith.cmpf ogt, %get3A_101, %gt3A_172 : vector<16xf32>
      %get3A_174 = arith.constant 16 : index
      %get3A_175 = tpu.vector_load %arg14[%get3A_174] {strides = array<i32>} : memref<128xf32, #tpu.memory_space<vmem>>, vector<16xf32>,
      %sub3A_176 = arith.subf %get3A_101, %parallel_loop3A_132#1 : vector<16xf32>
      %exp3A_177 = math.exp %sub3A_176 : vector<16xf32>
      %mul3A_178 = arith.mulf %get3A_175, %exp3A_177 : vector<16xf32>
      %jit3A_179 = arith.constant 0.000000e+00 : f32
      %broadcast_in_dim3A_180 = vector.broadcast %jit3A_179 : f32 to vector<16xf32>
      %select_n3A_181 = arith.select %gt3A_173, %mul3A_178, %broadcast_in_dim3A_180 : vector<16xi1>, vector<16xf32>
      %gt3A_182 = arith.constant 0xFF800000 : f32
      %gt3A_183 = vector.broadcast %gt3A_182 : f32 to vector<16xf32>
      %gt3A_184 = arith.cmpf ogt, %get3A_103, %gt3A_183 : vector<16xf32>
      %get3A_185 = arith.constant 32 : index
      %get3A_186 = tpu.vector_load %arg14[%get3A_185] {strides = array<i32>} : memref<128xf32, #tpu.memory_space<vmem>>, vector<16xf32>,
      %sub3A_187 = arith.subf %get3A_103, %parallel_loop3A_132#2 : vector<16xf32>
      %exp3A_188 = math.exp %sub3A_187 : vector<16xf32>
      %mul3A_189 = arith.mulf %get3A_186, %exp3A_188 : vector<16xf32>
      %jit3A_190 = arith.constant 0.000000e+00 : f32
      %broadcast_in_dim3A_191 = vector.broadcast %jit3A_190 : f32 to vector<16xf32>
      %select_n3A_192 = arith.select %gt3A_184, %mul3A_189, %broadcast_in_dim3A_191 : vector<16xi1>, vector<16xf32>
      %gt3A_193 = arith.constant 0xFF800000 : f32
      %gt3A_194 = vector.broadcast %gt3A_193 : f32 to vector<16xf32>
      %gt3A_195 = arith.cmpf ogt, %get3A_105, %gt3A_194 : vector<16xf32>
      %get3A_196 = arith.constant 48 : index
      %get3A_197 = tpu.vector_load %arg14[%get3A_196] {strides = array<i32>} : memref<128xf32, #tpu.memory_space<vmem>>, vector<16xf32>,
      %sub3A_198 = arith.subf %get3A_105, %parallel_loop3A_132#3 : vector<16xf32>
      %exp3A_199 = math.exp %sub3A_198 : vector<16xf32>
      %mul3A_200 = arith.mulf %get3A_197, %exp3A_199 : vector<16xf32>
      %jit3A_201 = arith.constant 0.000000e+00 : f32
      %broadcast_in_dim3A_202 = vector.broadcast %jit3A_201 : f32 to vector<16xf32>
      %select_n3A_203 = arith.select %gt3A_195, %mul3A_200, %broadcast_in_dim3A_202 : vector<16xi1>, vector<16xf32>
      %gt3A_204 = arith.constant 0xFF800000 : f32
      %gt3A_205 = vector.broadcast %gt3A_204 : f32 to vector<16xf32>
      %gt3A_206 = arith.cmpf ogt, %get3A_107, %gt3A_205 : vector<16xf32>
      %get3A_207 = arith.constant 64 : index
      %get3A_208 = tpu.vector_load %arg14[%get3A_207] {strides = array<i32>} : memref<128xf32, #tpu.memory_space<vmem>>, vector<16xf32>,
      %sub3A_209 = arith.subf %get3A_107, %parallel_loop3A_132#4 : vector<16xf32>
      %exp3A_210 = math.exp %sub3A_209 : vector<16xf32>
      %mul3A_211 = arith.mulf %get3A_208, %exp3A_210 : vector<16xf32>
      %jit3A_212 = arith.constant 0.000000e+00 : f32
      %broadcast_in_dim3A_213 = vector.broadcast %jit3A_212 : f32 to vector<16xf32>
      %select_n3A_214 = arith.select %gt3A_206, %mul3A_211, %broadcast_in_dim3A_213 : vector<16xi1>, vector<16xf32>
      %gt3A_215 = arith.constant 0xFF800000 : f32
      %gt3A_216 = vector.broadcast %gt3A_215 : f32 to vector<16xf32>
      %gt3A_217 = arith.cmpf ogt, %get3A_109, %gt3A_216 : vector<16xf32>
      %get3A_218 = arith.constant 80 : index
      %get3A_219 = tpu.vector_load %arg14[%get3A_218] {strides = array<i32>} : memref<128xf32, #tpu.memory_space<vmem>>, vector<16xf32>,
      %sub3A_220 = arith.subf %get3A_109, %parallel_loop3A_132#5 : vector<16xf32>
      %exp3A_221 = math.exp %sub3A_220 : vector<16xf32>
      %mul3A_222 = arith.mulf %get3A_219, %exp3A_221 : vector<16xf32>
      %jit3A_223 = arith.constant 0.000000e+00 : f32
      %broadcast_in_dim3A_224 = vector.broadcast %jit3A_223 : f32 to vector<16xf32>
      %select_n3A_225 = arith.select %gt3A_217, %mul3A_222, %broadcast_in_dim3A_224 : vector<16xi1>, vector<16xf32>
      %gt3A_226 = arith.constant 0xFF800000 : f32
      %gt3A_227 = vector.broadcast %gt3A_226 : f32 to vector<16xf32>
      %gt3A_228 = arith.cmpf ogt, %get3A_111, %gt3A_227 : vector<16xf32>
      %get3A_229 = arith.constant 96 : index
      %get3A_230 = tpu.vector_load %arg14[%get3A_229] {strides = array<i32>} : memref<128xf32, #tpu.memory_space<vmem>>, vector<16xf32>,
      %sub3A_231 = arith.subf %get3A_111, %parallel_loop3A_132#6 : vector<16xf32>
      %exp3A_232 = math.exp %sub3A_231 : vector<16xf32>
      %mul3A_233 = arith.mulf %get3A_230, %exp3A_232 : vector<16xf32>
      %jit3A_234 = arith.constant 0.000000e+00 : f32
      %broadcast_in_dim3A_235 = vector.broadcast %jit3A_234 : f32 to vector<16xf32>
      %select_n3A_236 = arith.select %gt3A_228, %mul3A_233, %broadcast_in_dim3A_235 : vector<16xi1>, vector<16xf32>
      %gt3A_237 = arith.constant 0xFF800000 : f32
      %gt3A_238 = vector.broadcast %gt3A_237 : f32 to vector<16xf32>
      %gt3A_239 = arith.cmpf ogt, %get3A_113, %gt3A_238 : vector<16xf32>
      %get3A_240 = arith.constant 112 : index
      %get3A_241 = tpu.vector_load %arg14[%get3A_240] {strides = array<i32>} : memref<128xf32, #tpu.memory_space<vmem>>, vector<16xf32>,
      %sub3A_242 = arith.subf %get3A_113, %parallel_loop3A_132#7 : vector<16xf32>
      %exp3A_243 = math.exp %sub3A_242 : vector<16xf32>
      %mul3A_244 = arith.mulf %get3A_241, %exp3A_243 : vector<16xf32>
      %jit3A_245 = arith.constant 0.000000e+00 : f32
      %broadcast_in_dim3A_246 = vector.broadcast %jit3A_245 : f32 to vector<16xf32>
      %select_n3A_247 = arith.select %gt3A_239, %mul3A_244, %broadcast_in_dim3A_246 : vector<16xi1>, vector<16xf32>
      %parallel_loop3A_248 = arith.constant 0 : i32
      %parallel_loop3A_249 = arith.constant 92 : i32
      %parallel_loop3A_250 = arith.constant 1 : i32
      %parallel_loop3A_251:8 = scf.for %parallel_loop3A_471 = %parallel_loop3A_248 to %parallel_loop3A_249 step %parallel_loop3A_250 iter_args(%parallel_loop3A_472 = %select_n3A, %parallel_loop3A_473 = %select_n3A_181, %parallel_loop3A_474 = %select_n3A_192, %parallel_loop3A_475 = %select_n3A_203, %parallel_loop3A_476 = %select_n3A_214, %parallel_loop3A_477 = %select_n3A_225, %parallel_loop3A_478 = %select_n3A_236, %parallel_loop3A_479 = %select_n3A_247) -> (vector<16xf32>, vector<16xf32>, vector<16xf32>, vector<16xf32>, vector<16xf32>, vector<16xf32>, vector<16xf32>, vector<16xf32>)  : i32 {
        %parallel_loop3A_480 = arith.constant 2 : i32
        %parallel_loop3A_481 = arith.muli %parallel_loop3A_471, %parallel_loop3A_480 : i32
        %parallel_loop3A_482 = arith.constant 0 : i32
        %parallel_loop3A_483 = arith.addi %parallel_loop3A_481, %parallel_loop3A_482 : i32
        %parallel_loop3A_484 = arith.index_cast %parallel_loop3A_483 : i32 to index
        %parallel_loop3A_485 = arith.constant 0 : index
        %parallel_loop3A_486 = tpu.vector_load %arg8[%parallel_loop3A_484, %parallel_loop3A_485] {strides = array<i32>} : memref<184x128xf32, #tpu.memory_space<vmem>>, vector<16xf32>,
        %parallel_loop3A_487 = arith.subf %parallel_loop3A_486, %parallel_loop3A_132#0 : vector<16xf32>
        %parallel_loop3A_488 = math.exp %parallel_loop3A_487 : vector<16xf32>
        %parallel_loop3A_489 = arith.addf %parallel_loop3A_472, %parallel_loop3A_488 : vector<16xf32>
        %parallel_loop3A_490 = arith.index_cast %parallel_loop3A_483 : i32 to index
        %parallel_loop3A_491 = arith.constant 16 : index
        %parallel_loop3A_492 = tpu.vector_load %arg8[%parallel_loop3A_490, %parallel_loop3A_491] {strides = array<i32>} : memref<184x128xf32, #tpu.memory_space<vmem>>, vector<16xf32>,
        %parallel_loop3A_493 = arith.subf %parallel_loop3A_492, %parallel_loop3A_132#1 : vector<16xf32>
        %parallel_loop3A_494 = math.exp %parallel_loop3A_493 : vector<16xf32>
        %parallel_loop3A_495 = arith.addf %parallel_loop3A_473, %parallel_loop3A_494 : vector<16xf32>
        %parallel_loop3A_496 = arith.index_cast %parallel_loop3A_483 : i32 to index
        %parallel_loop3A_497 = arith.constant 32 : index
        %parallel_loop3A_498 = tpu.vector_load %arg8[%parallel_loop3A_496, %parallel_loop3A_497] {strides = array<i32>} : memref<184x128xf32, #tpu.memory_space<vmem>>, vector<16xf32>,
        %parallel_loop3A_499 = arith.subf %parallel_loop3A_498, %parallel_loop3A_132#2 : vector<16xf32>
        %parallel_loop3A_500 = math.exp %parallel_loop3A_499 : vector<16xf32>
        %parallel_loop3A_501 = arith.addf %parallel_loop3A_474, %parallel_loop3A_500 : vector<16xf32>
        %parallel_loop3A_502 = arith.index_cast %parallel_loop3A_483 : i32 to index
        %parallel_loop3A_503 = arith.constant 48 : index
        %parallel_loop3A_504 = tpu.vector_load %arg8[%parallel_loop3A_502, %parallel_loop3A_503] {strides = array<i32>} : memref<184x128xf32, #tpu.memory_space<vmem>>, vector<16xf32>,
        %parallel_loop3A_505 = arith.subf %parallel_loop3A_504, %parallel_loop3A_132#3 : vector<16xf32>
        %parallel_loop3A_506 = math.exp %parallel_loop3A_505 : vector<16xf32>
        %parallel_loop3A_507 = arith.addf %parallel_loop3A_475, %parallel_loop3A_506 : vector<16xf32>
        %parallel_loop3A_508 = arith.index_cast %parallel_loop3A_483 : i32 to index
        %parallel_loop3A_509 = arith.constant 64 : index
        %parallel_loop3A_510 = tpu.vector_load %arg8[%parallel_loop3A_508, %parallel_loop3A_509] {strides = array<i32>} : memref<184x128xf32, #tpu.memory_space<vmem>>, vector<16xf32>,
        %parallel_loop3A_511 = arith.subf %parallel_loop3A_510, %parallel_loop3A_132#4 : vector<16xf32>
        %parallel_loop3A_512 = math.exp %parallel_loop3A_511 : vector<16xf32>
        %parallel_loop3A_513 = arith.addf %parallel_loop3A_476, %parallel_loop3A_512 : vector<16xf32>
        %parallel_loop3A_514 = arith.index_cast %parallel_loop3A_483 : i32 to index
        %parallel_loop3A_515 = arith.constant 80 : index
        %parallel_loop3A_516 = tpu.vector_load %arg8[%parallel_loop3A_514, %parallel_loop3A_515] {strides = array<i32>} : memref<184x128xf32, #tpu.memory_space<vmem>>, vector<16xf32>,
        %parallel_loop3A_517 = arith.subf %parallel_loop3A_516, %parallel_loop3A_132#5 : vector<16xf32>
        %parallel_loop3A_518 = math.exp %parallel_loop3A_517 : vector<16xf32>
        %parallel_loop3A_519 = arith.addf %parallel_loop3A_477, %parallel_loop3A_518 : vector<16xf32>
        %parallel_loop3A_520 = arith.index_cast %parallel_loop3A_483 : i32 to index
        %parallel_loop3A_521 = arith.constant 96 : index
        %parallel_loop3A_522 = tpu.vector_load %arg8[%parallel_loop3A_520, %parallel_loop3A_521] {strides = array<i32>} : memref<184x128xf32, #tpu.memory_space<vmem>>, vector<16xf32>,
        %parallel_loop3A_523 = arith.subf %parallel_loop3A_522, %parallel_loop3A_132#6 : vector<16xf32>
        %parallel_loop3A_524 = math.exp %parallel_loop3A_523 : vector<16xf32>
        %parallel_loop3A_525 = arith.addf %parallel_loop3A_478, %parallel_loop3A_524 : vector<16xf32>
        %parallel_loop3A_526 = arith.index_cast %parallel_loop3A_483 : i32 to index
        %parallel_loop3A_527 = arith.constant 112 : index
        %parallel_loop3A_528 = tpu.vector_load %arg8[%parallel_loop3A_526, %parallel_loop3A_527] {strides = array<i32>} : memref<184x128xf32, #tpu.memory_space<vmem>>, vector<16xf32>,
        %parallel_loop3A_529 = arith.subf %parallel_loop3A_528, %parallel_loop3A_132#7 : vector<16xf32>
        %parallel_loop3A_530 = math.exp %parallel_loop3A_529 : vector<16xf32>
        %parallel_loop3A_531 = arith.addf %parallel_loop3A_479, %parallel_loop3A_530 : vector<16xf32>
        %parallel_loop3A_532 = arith.constant 2 : i32
        %parallel_loop3A_533 = arith.muli %parallel_loop3A_471, %parallel_loop3A_532 : i32
        %parallel_loop3A_534 = arith.constant 1 : i32
        %parallel_loop3A_535 = arith.addi %parallel_loop3A_533, %parallel_loop3A_534 : i32
        %parallel_loop3A_536 = arith.index_cast %parallel_loop3A_535 : i32 to index
        %parallel_loop3A_537 = arith.constant 0 : index
        %parallel_loop3A_538 = tpu.vector_load %arg8[%parallel_loop3A_536, %parallel_loop3A_537] {strides = array<i32>} : memref<184x128xf32, #tpu.memory_space<vmem>>, vector<16xf32>,
        %parallel_loop3A_539 = arith.subf %parallel_loop3A_538, %parallel_loop3A_132#0 : vector<16xf32>
        %parallel_loop3A_540 = math.exp %parallel_loop3A_539 : vector<16xf32>
        %parallel_loop3A_541 = arith.addf %parallel_loop3A_489, %parallel_loop3A_540 : vector<16xf32>
        %parallel_loop3A_542 = arith.index_cast %parallel_loop3A_535 : i32 to index
        %parallel_loop3A_543 = arith.constant 16 : index
        %parallel_loop3A_544 = tpu.vector_load %arg8[%parallel_loop3A_542, %parallel_loop3A_543] {strides = array<i32>} : memref<184x128xf32, #tpu.memory_space<vmem>>, vector<16xf32>,
        %parallel_loop3A_545 = arith.subf %parallel_loop3A_544, %parallel_loop3A_132#1 : vector<16xf32>
        %parallel_loop3A_546 = math.exp %parallel_loop3A_545 : vector<16xf32>
        %parallel_loop3A_547 = arith.addf %parallel_loop3A_495, %parallel_loop3A_546 : vector<16xf32>
        %parallel_loop3A_548 = arith.index_cast %parallel_loop3A_535 : i32 to index
        %parallel_loop3A_549 = arith.constant 32 : index
        %parallel_loop3A_550 = tpu.vector_load %arg8[%parallel_loop3A_548, %parallel_loop3A_549] {strides = array<i32>} : memref<184x128xf32, #tpu.memory_space<vmem>>, vector<16xf32>,
        %parallel_loop3A_551 = arith.subf %parallel_loop3A_550, %parallel_loop3A_132#2 : vector<16xf32>
        %parallel_loop3A_552 = math.exp %parallel_loop3A_551 : vector<16xf32>
        %parallel_loop3A_553 = arith.addf %parallel_loop3A_501, %parallel_loop3A_552 : vector<16xf32>
        %parallel_loop3A_554 = arith.index_cast %parallel_loop3A_535 : i32 to index
        %parallel_loop3A_555 = arith.constant 48 : index
        %parallel_loop3A_556 = tpu.vector_load %arg8[%parallel_loop3A_554, %parallel_loop3A_555] {strides = array<i32>} : memref<184x128xf32, #tpu.memory_space<vmem>>, vector<16xf32>,
        %parallel_loop3A_557 = arith.subf %parallel_loop3A_556, %parallel_loop3A_132#3 : vector<16xf32>
        %parallel_loop3A_558 = math.exp %parallel_loop3A_557 : vector<16xf32>
        %parallel_loop3A_559 = arith.addf %parallel_loop3A_507, %parallel_loop3A_558 : vector<16xf32>
        %parallel_loop3A_560 = arith.index_cast %parallel_loop3A_535 : i32 to index
        %parallel_loop3A_561 = arith.constant 64 : index
        %parallel_loop3A_562 = tpu.vector_load %arg8[%parallel_loop3A_560, %parallel_loop3A_561] {strides = array<i32>} : memref<184x128xf32, #tpu.memory_space<vmem>>, vector<16xf32>,
        %parallel_loop3A_563 = arith.subf %parallel_loop3A_562, %parallel_loop3A_132#4 : vector<16xf32>
        %parallel_loop3A_564 = math.exp %parallel_loop3A_563 : vector<16xf32>
        %parallel_loop3A_565 = arith.addf %parallel_loop3A_513, %parallel_loop3A_564 : vector<16xf32>
        %parallel_loop3A_566 = arith.index_cast %parallel_loop3A_535 : i32 to index
        %parallel_loop3A_567 = arith.constant 80 : index
        %parallel_loop3A_568 = tpu.vector_load %arg8[%parallel_loop3A_566, %parallel_loop3A_567] {strides = array<i32>} : memref<184x128xf32, #tpu.memory_space<vmem>>, vector<16xf32>,
        %parallel_loop3A_569 = arith.subf %parallel_loop3A_568, %parallel_loop3A_132#5 : vector<16xf32>
        %parallel_loop3A_570 = math.exp %parallel_loop3A_569 : vector<16xf32>
        %parallel_loop3A_571 = arith.addf %parallel_loop3A_519, %parallel_loop3A_570 : vector<16xf32>
        %parallel_loop3A_572 = arith.index_cast %parallel_loop3A_535 : i32 to index
        %parallel_loop3A_573 = arith.constant 96 : index
        %parallel_loop3A_574 = tpu.vector_load %arg8[%parallel_loop3A_572, %parallel_loop3A_573] {strides = array<i32>} : memref<184x128xf32, #tpu.memory_space<vmem>>, vector<16xf32>,
        %parallel_loop3A_575 = arith.subf %parallel_loop3A_574, %parallel_loop3A_132#6 : vector<16xf32>
        %parallel_loop3A_576 = math.exp %parallel_loop3A_575 : vector<16xf32>
        %parallel_loop3A_577 = arith.addf %parallel_loop3A_525, %parallel_loop3A_576 : vector<16xf32>
        %parallel_loop3A_578 = arith.index_cast %parallel_loop3A_535 : i32 to index
        %parallel_loop3A_579 = arith.constant 112 : index
        %parallel_loop3A_580 = tpu.vector_load %arg8[%parallel_loop3A_578, %parallel_loop3A_579] {strides = array<i32>} : memref<184x128xf32, #tpu.memory_space<vmem>>, vector<16xf32>,
        %parallel_loop3A_581 = arith.subf %parallel_loop3A_580, %parallel_loop3A_132#7 : vector<16xf32>
        %parallel_loop3A_582 = math.exp %parallel_loop3A_581 : vector<16xf32>
        %parallel_loop3A_583 = arith.addf %parallel_loop3A_531, %parallel_loop3A_582 : vector<16xf32>
        scf.yield %parallel_loop3A_541, %parallel_loop3A_547, %parallel_loop3A_553, %parallel_loop3A_559, %parallel_loop3A_565, %parallel_loop3A_571, %parallel_loop3A_577, %parallel_loop3A_583 : vector<16xf32>, vector<16xf32>, vector<16xf32>, vector<16xf32>, vector<16xf32>, vector<16xf32>, vector<16xf32>, vector<16xf32>
      } {sc.loop_unroll_factor = 1 : i64, sc.parallel_access}
      %swap3A_252 = arith.constant 0 : index
      %swap3A_253 = tpu.vector_load %arg14[%swap3A_252] {strides = array<i32>} : memref<128xf32, #tpu.memory_space<vmem>>, vector<16xf32>,
      tpu.vector_store %arg14[%swap3A_252], %parallel_loop3A_251#0 {strides = array<i32>} : memref<128xf32, #tpu.memory_space<vmem>>, vector<16xf32>,
      %swap3A_254 = arith.constant 16 : index
      %swap3A_255 = tpu.vector_load %arg14[%swap3A_254] {strides = array<i32>} : memref<128xf32, #tpu.memory_space<vmem>>, vector<16xf32>,
      tpu.vector_store %arg14[%swap3A_254], %parallel_loop3A_251#1 {strides = array<i32>} : memref<128xf32, #tpu.memory_space<vmem>>, vector<16xf32>,
      %swap3A_256 = arith.constant 32 : index
      %swap3A_257 = tpu.vector_load %arg14[%swap3A_256] {strides = array<i32>} : memref<128xf32, #tpu.memory_space<vmem>>, vector<16xf32>,
      tpu.vector_store %arg14[%swap3A_256], %parallel_loop3A_251#2 {strides = array<i32>} : memref<128xf32, #tpu.memory_space<vmem>>, vector<16xf32>,
      %swap3A_258 = arith.constant 48 : index
      %swap3A_259 = tpu.vector_load %arg14[%swap3A_258] {strides = array<i32>} : memref<128xf32, #tpu.memory_space<vmem>>, vector<16xf32>,
      tpu.vector_store %arg14[%swap3A_258], %parallel_loop3A_251#3 {strides = array<i32>} : memref<128xf32, #tpu.memory_space<vmem>>, vector<16xf32>,
      %swap3A_260 = arith.constant 64 : index
      %swap3A_261 = tpu.vector_load %arg14[%swap3A_260] {strides = array<i32>} : memref<128xf32, #tpu.memory_space<vmem>>, vector<16xf32>,
      tpu.vector_store %arg14[%swap3A_260], %parallel_loop3A_251#4 {strides = array<i32>} : memref<128xf32, #tpu.memory_space<vmem>>, vector<16xf32>,
      %swap3A_262 = arith.constant 80 : index
      %swap3A_263 = tpu.vector_load %arg14[%swap3A_262] {strides = array<i32>} : memref<128xf32, #tpu.memory_space<vmem>>, vector<16xf32>,
      tpu.vector_store %arg14[%swap3A_262], %parallel_loop3A_251#5 {strides = array<i32>} : memref<128xf32, #tpu.memory_space<vmem>>, vector<16xf32>,
      %swap3A_264 = arith.constant 96 : index
      %swap3A_265 = tpu.vector_load %arg14[%swap3A_264] {strides = array<i32>} : memref<128xf32, #tpu.memory_space<vmem>>, vector<16xf32>,
      tpu.vector_store %arg14[%swap3A_264], %parallel_loop3A_251#6 {strides = array<i32>} : memref<128xf32, #tpu.memory_space<vmem>>, vector<16xf32>,
      %swap3A_266 = arith.constant 112 : index
      %swap3A_267 = tpu.vector_load %arg14[%swap3A_266] {strides = array<i32>} : memref<128xf32, #tpu.memory_space<vmem>>, vector<16xf32>,
      tpu.vector_store %arg14[%swap3A_266], %parallel_loop3A_251#7 {strides = array<i32>} : memref<128xf32, #tpu.memory_space<vmem>>, vector<16xf32>,
      %get3A_268 = arith.constant 0 : index
      %get3A_269 = tpu.vector_load %arg11[%get3A_268] {strides = array<i32>} : memref<128xi32, #tpu.memory_space<vmem>>, vector<16xi32>,
      %sub3A_270 = vector.broadcast %add3A_98 : i32 to vector<16xi32>
      %sub3A_271 = arith.subi %get3A_269, %sub3A_270 : vector<16xi32>
      %ge3A = arith.constant 0 : i32
      %ge3A_272 = vector.broadcast %ge3A : i32 to vector<16xi32>
      %ge3A_273 = arith.cmpi sge, %sub3A_271, %ge3A_272 : vector<16xi32>
      %lt3A_274 = arith.constant 184 : i32
      %lt3A_275 = vector.broadcast %lt3A_274 : i32 to vector<16xi32>
      %lt3A_276 = arith.cmpi slt, %sub3A_271, %lt3A_275 : vector<16xi32>
      %and3A = arith.andi %ge3A_273, %lt3A_276 : vector<16xi1>
      %jit3A_277 = arith.constant 0 : i32
      %jit3A_278 = arith.constant 183 : i32
      %max3A = vector.broadcast %jit3A_277 : i32 to vector<16xi32>
      %max3A_279 = arith.maxsi %max3A, %sub3A_271 : vector<16xi32>
      %min3A = vector.broadcast %jit3A_278 : i32 to vector<16xi32>
      %min3A_280 = arith.minsi %min3A, %max3A_279 : vector<16xi32>
      %add3A_281 = arith.constant 0 : i32
      %add3A_282 = vector.broadcast %add3A_281 : i32 to vector<16xi32>
      %add3A_283 = arith.addi %add3A_282, %iota3A : vector<16xi32>
      %gather3A = tpu.vector_load_idx %arg8[%min3A_280, %add3A_283] : memref<184x128xf32, #tpu.memory_space<vmem>>[vector<16xi32>, vector<16xi32>], vector<16xf32>,
      %get3A_284 = arith.constant 0 : index
      %get3A_285 = tpu.vector_load %arg12[%get3A_284] {strides = array<i32>} : memref<128xf32, #tpu.memory_space<vmem>>, vector<16xf32>,
      %select_n3A_286 = arith.select %and3A, %gather3A, %get3A_285 : vector<16xi1>, vector<16xf32>
      %swap3A_287 = arith.constant 0 : index
      %swap3A_288 = tpu.vector_load %arg12[%swap3A_287] {strides = array<i32>} : memref<128xf32, #tpu.memory_space<vmem>>, vector<16xf32>,
      tpu.vector_store %arg12[%swap3A_287], %select_n3A_286 {strides = array<i32>} : memref<128xf32, #tpu.memory_space<vmem>>, vector<16xf32>,
      %get3A_289 = arith.constant 16 : index
      %get3A_290 = tpu.vector_load %arg11[%get3A_289] {strides = array<i32>} : memref<128xi32, #tpu.memory_space<vmem>>, vector<16xi32>,
      %sub3A_291 = vector.broadcast %add3A_98 : i32 to vector<16xi32>
      %sub3A_292 = arith.subi %get3A_290, %sub3A_291 : vector<16xi32>
      %ge3A_293 = arith.constant 0 : i32
      %ge3A_294 = vector.broadcast %ge3A_293 : i32 to vector<16xi32>
      %ge3A_295 = arith.cmpi sge, %sub3A_292, %ge3A_294 : vector<16xi32>
      %lt3A_296 = arith.constant 184 : i32
      %lt3A_297 = vector.broadcast %lt3A_296 : i32 to vector<16xi32>
      %lt3A_298 = arith.cmpi slt, %sub3A_292, %lt3A_297 : vector<16xi32>
      %and3A_299 = arith.andi %ge3A_295, %lt3A_298 : vector<16xi1>
      %jit3A_300 = arith.constant 0 : i32
      %jit3A_301 = arith.constant 183 : i32
      %max3A_302 = vector.broadcast %jit3A_300 : i32 to vector<16xi32>
      %max3A_303 = arith.maxsi %max3A_302, %sub3A_292 : vector<16xi32>
      %min3A_304 = vector.broadcast %jit3A_301 : i32 to vector<16xi32>
      %min3A_305 = arith.minsi %min3A_304, %max3A_303 : vector<16xi32>
      %add3A_306 = arith.constant 16 : i32
      %add3A_307 = vector.broadcast %add3A_306 : i32 to vector<16xi32>
      %add3A_308 = arith.addi %add3A_307, %iota3A : vector<16xi32>
      %gather3A_309 = tpu.vector_load_idx %arg8[%min3A_305, %add3A_308] : memref<184x128xf32, #tpu.memory_space<vmem>>[vector<16xi32>, vector<16xi32>], vector<16xf32>,
      %get3A_310 = arith.constant 16 : index
      %get3A_311 = tpu.vector_load %arg12[%get3A_310] {strides = array<i32>} : memref<128xf32, #tpu.memory_space<vmem>>, vector<16xf32>,
      %select_n3A_312 = arith.select %and3A_299, %gather3A_309, %get3A_311 : vector<16xi1>, vector<16xf32>
      %swap3A_313 = arith.constant 16 : index
      %swap3A_314 = tpu.vector_load %arg12[%swap3A_313] {strides = array<i32>} : memref<128xf32, #tpu.memory_space<vmem>>, vector<16xf32>,
      tpu.vector_store %arg12[%swap3A_313], %select_n3A_312 {strides = array<i32>} : memref<128xf32, #tpu.memory_space<vmem>>, vector<16xf32>,
      %get3A_315 = arith.constant 32 : index
      %get3A_316 = tpu.vector_load %arg11[%get3A_315] {strides = array<i32>} : memref<128xi32, #tpu.memory_space<vmem>>, vector<16xi32>,
      %sub3A_317 = vector.broadcast %add3A_98 : i32 to vector<16xi32>
      %sub3A_318 = arith.subi %get3A_316, %sub3A_317 : vector<16xi32>
      %ge3A_319 = arith.constant 0 : i32
      %ge3A_320 = vector.broadcast %ge3A_319 : i32 to vector<16xi32>
      %ge3A_321 = arith.cmpi sge, %sub3A_318, %ge3A_320 : vector<16xi32>
      %lt3A_322 = arith.constant 184 : i32
      %lt3A_323 = vector.broadcast %lt3A_322 : i32 to vector<16xi32>
      %lt3A_324 = arith.cmpi slt, %sub3A_318, %lt3A_323 : vector<16xi32>
      %and3A_325 = arith.andi %ge3A_321, %lt3A_324 : vector<16xi1>
      %jit3A_326 = arith.constant 0 : i32
      %jit3A_327 = arith.constant 183 : i32
      %max3A_328 = vector.broadcast %jit3A_326 : i32 to vector<16xi32>
      %max3A_329 = arith.maxsi %max3A_328, %sub3A_318 : vector<16xi32>
      %min3A_330 = vector.broadcast %jit3A_327 : i32 to vector<16xi32>
      %min3A_331 = arith.minsi %min3A_330, %max3A_329 : vector<16xi32>
      %add3A_332 = arith.constant 32 : i32
      %add3A_333 = vector.broadcast %add3A_332 : i32 to vector<16xi32>
      %add3A_334 = arith.addi %add3A_333, %iota3A : vector<16xi32>
      %gather3A_335 = tpu.vector_load_idx %arg8[%min3A_331, %add3A_334] : memref<184x128xf32, #tpu.memory_space<vmem>>[vector<16xi32>, vector<16xi32>], vector<16xf32>,
      %get3A_336 = arith.constant 32 : index
      %get3A_337 = tpu.vector_load %arg12[%get3A_336] {strides = array<i32>} : memref<128xf32, #tpu.memory_space<vmem>>, vector<16xf32>,
      %select_n3A_338 = arith.select %and3A_325, %gather3A_335, %get3A_337 : vector<16xi1>, vector<16xf32>
      %swap3A_339 = arith.constant 32 : index
      %swap3A_340 = tpu.vector_load %arg12[%swap3A_339] {strides = array<i32>} : memref<128xf32, #tpu.memory_space<vmem>>, vector<16xf32>,
      tpu.vector_store %arg12[%swap3A_339], %select_n3A_338 {strides = array<i32>} : memref<128xf32, #tpu.memory_space<vmem>>, vector<16xf32>,
      %get3A_341 = arith.constant 48 : index
      %get3A_342 = tpu.vector_load %arg11[%get3A_341] {strides = array<i32>} : memref<128xi32, #tpu.memory_space<vmem>>, vector<16xi32>,
      %sub3A_343 = vector.broadcast %add3A_98 : i32 to vector<16xi32>
      %sub3A_344 = arith.subi %get3A_342, %sub3A_343 : vector<16xi32>
      %ge3A_345 = arith.constant 0 : i32
      %ge3A_346 = vector.broadcast %ge3A_345 : i32 to vector<16xi32>
      %ge3A_347 = arith.cmpi sge, %sub3A_344, %ge3A_346 : vector<16xi32>
      %lt3A_348 = arith.constant 184 : i32
      %lt3A_349 = vector.broadcast %lt3A_348 : i32 to vector<16xi32>
      %lt3A_350 = arith.cmpi slt, %sub3A_344, %lt3A_349 : vector<16xi32>
      %and3A_351 = arith.andi %ge3A_347, %lt3A_350 : vector<16xi1>
      %jit3A_352 = arith.constant 0 : i32
      %jit3A_353 = arith.constant 183 : i32
      %max3A_354 = vector.broadcast %jit3A_352 : i32 to vector<16xi32>
      %max3A_355 = arith.maxsi %max3A_354, %sub3A_344 : vector<16xi32>
      %min3A_356 = vector.broadcast %jit3A_353 : i32 to vector<16xi32>
      %min3A_357 = arith.minsi %min3A_356, %max3A_355 : vector<16xi32>
      %add3A_358 = arith.constant 48 : i32
      %add3A_359 = vector.broadcast %add3A_358 : i32 to vector<16xi32>
      %add3A_360 = arith.addi %add3A_359, %iota3A : vector<16xi32>
      %gather3A_361 = tpu.vector_load_idx %arg8[%min3A_357, %add3A_360] : memref<184x128xf32, #tpu.memory_space<vmem>>[vector<16xi32>, vector<16xi32>], vector<16xf32>,
      %get3A_362 = arith.constant 48 : index
      %get3A_363 = tpu.vector_load %arg12[%get3A_362] {strides = array<i32>} : memref<128xf32, #tpu.memory_space<vmem>>, vector<16xf32>,
      %select_n3A_364 = arith.select %and3A_351, %gather3A_361, %get3A_363 : vector<16xi1>, vector<16xf32>
      %swap3A_365 = arith.constant 48 : index
      %swap3A_366 = tpu.vector_load %arg12[%swap3A_365] {strides = array<i32>} : memref<128xf32, #tpu.memory_space<vmem>>, vector<16xf32>,
      tpu.vector_store %arg12[%swap3A_365], %select_n3A_364 {strides = array<i32>} : memref<128xf32, #tpu.memory_space<vmem>>, vector<16xf32>,
      %get3A_367 = arith.constant 64 : index
      %get3A_368 = tpu.vector_load %arg11[%get3A_367] {strides = array<i32>} : memref<128xi32, #tpu.memory_space<vmem>>, vector<16xi32>,
      %sub3A_369 = vector.broadcast %add3A_98 : i32 to vector<16xi32>
      %sub3A_370 = arith.subi %get3A_368, %sub3A_369 : vector<16xi32>
      %ge3A_371 = arith.constant 0 : i32
      %ge3A_372 = vector.broadcast %ge3A_371 : i32 to vector<16xi32>
      %ge3A_373 = arith.cmpi sge, %sub3A_370, %ge3A_372 : vector<16xi32>
      %lt3A_374 = arith.constant 184 : i32
      %lt3A_375 = vector.broadcast %lt3A_374 : i32 to vector<16xi32>
      %lt3A_376 = arith.cmpi slt, %sub3A_370, %lt3A_375 : vector<16xi32>
      %and3A_377 = arith.andi %ge3A_373, %lt3A_376 : vector<16xi1>
      %jit3A_378 = arith.constant 0 : i32
      %jit3A_379 = arith.constant 183 : i32
      %max3A_380 = vector.broadcast %jit3A_378 : i32 to vector<16xi32>
      %max3A_381 = arith.maxsi %max3A_380, %sub3A_370 : vector<16xi32>
      %min3A_382 = vector.broadcast %jit3A_379 : i32 to vector<16xi32>
      %min3A_383 = arith.minsi %min3A_382, %max3A_381 : vector<16xi32>
      %add3A_384 = arith.constant 64 : i32
      %add3A_385 = vector.broadcast %add3A_384 : i32 to vector<16xi32>
      %add3A_386 = arith.addi %add3A_385, %iota3A : vector<16xi32>
      %gather3A_387 = tpu.vector_load_idx %arg8[%min3A_383, %add3A_386] : memref<184x128xf32, #tpu.memory_space<vmem>>[vector<16xi32>, vector<16xi32>], vector<16xf32>,
      %get3A_388 = arith.constant 64 : index
      %get3A_389 = tpu.vector_load %arg12[%get3A_388] {strides = array<i32>} : memref<128xf32, #tpu.memory_space<vmem>>, vector<16xf32>,
      %select_n3A_390 = arith.select %and3A_377, %gather3A_387, %get3A_389 : vector<16xi1>, vector<16xf32>
      %swap3A_391 = arith.constant 64 : index
      %swap3A_392 = tpu.vector_load %arg12[%swap3A_391] {strides = array<i32>} : memref<128xf32, #tpu.memory_space<vmem>>, vector<16xf32>,
      tpu.vector_store %arg12[%swap3A_391], %select_n3A_390 {strides = array<i32>} : memref<128xf32, #tpu.memory_space<vmem>>, vector<16xf32>,
      %get3A_393 = arith.constant 80 : index
      %get3A_394 = tpu.vector_load %arg11[%get3A_393] {strides = array<i32>} : memref<128xi32, #tpu.memory_space<vmem>>, vector<16xi32>,
      %sub3A_395 = vector.broadcast %add3A_98 : i32 to vector<16xi32>
      %sub3A_396 = arith.subi %get3A_394, %sub3A_395 : vector<16xi32>
      %ge3A_397 = arith.constant 0 : i32
      %ge3A_398 = vector.broadcast %ge3A_397 : i32 to vector<16xi32>
      %ge3A_399 = arith.cmpi sge, %sub3A_396, %ge3A_398 : vector<16xi32>
      %lt3A_400 = arith.constant 184 : i32
      %lt3A_401 = vector.broadcast %lt3A_400 : i32 to vector<16xi32>
      %lt3A_402 = arith.cmpi slt, %sub3A_396, %lt3A_401 : vector<16xi32>
      %and3A_403 = arith.andi %ge3A_399, %lt3A_402 : vector<16xi1>
      %jit3A_404 = arith.constant 0 : i32
      %jit3A_405 = arith.constant 183 : i32
      %max3A_406 = vector.broadcast %jit3A_404 : i32 to vector<16xi32>
      %max3A_407 = arith.maxsi %max3A_406, %sub3A_396 : vector<16xi32>
      %min3A_408 = vector.broadcast %jit3A_405 : i32 to vector<16xi32>
      %min3A_409 = arith.minsi %min3A_408, %max3A_407 : vector<16xi32>
      %add3A_410 = arith.constant 80 : i32
      %add3A_411 = vector.broadcast %add3A_410 : i32 to vector<16xi32>
      %add3A_412 = arith.addi %add3A_411, %iota3A : vector<16xi32>
      %gather3A_413 = tpu.vector_load_idx %arg8[%min3A_409, %add3A_412] : memref<184x128xf32, #tpu.memory_space<vmem>>[vector<16xi32>, vector<16xi32>], vector<16xf32>,
      %get3A_414 = arith.constant 80 : index
      %get3A_415 = tpu.vector_load %arg12[%get3A_414] {strides = array<i32>} : memref<128xf32, #tpu.memory_space<vmem>>, vector<16xf32>,
      %select_n3A_416 = arith.select %and3A_403, %gather3A_413, %get3A_415 : vector<16xi1>, vector<16xf32>
      %swap3A_417 = arith.constant 80 : index
      %swap3A_418 = tpu.vector_load %arg12[%swap3A_417] {strides = array<i32>} : memref<128xf32, #tpu.memory_space<vmem>>, vector<16xf32>,
      tpu.vector_store %arg12[%swap3A_417], %select_n3A_416 {strides = array<i32>} : memref<128xf32, #tpu.memory_space<vmem>>, vector<16xf32>,
      %get3A_419 = arith.constant 96 : index
      %get3A_420 = tpu.vector_load %arg11[%get3A_419] {strides = array<i32>} : memref<128xi32, #tpu.memory_space<vmem>>, vector<16xi32>,
      %sub3A_421 = vector.broadcast %add3A_98 : i32 to vector<16xi32>
      %sub3A_422 = arith.subi %get3A_420, %sub3A_421 : vector<16xi32>
      %ge3A_423 = arith.constant 0 : i32
      %ge3A_424 = vector.broadcast %ge3A_423 : i32 to vector<16xi32>
      %ge3A_425 = arith.cmpi sge, %sub3A_422, %ge3A_424 : vector<16xi32>
      %lt3A_426 = arith.constant 184 : i32
      %lt3A_427 = vector.broadcast %lt3A_426 : i32 to vector<16xi32>
      %lt3A_428 = arith.cmpi slt, %sub3A_422, %lt3A_427 : vector<16xi32>
      %and3A_429 = arith.andi %ge3A_425, %lt3A_428 : vector<16xi1>
      %jit3A_430 = arith.constant 0 : i32
      %jit3A_431 = arith.constant 183 : i32
      %max3A_432 = vector.broadcast %jit3A_430 : i32 to vector<16xi32>
      %max3A_433 = arith.maxsi %max3A_432, %sub3A_422 : vector<16xi32>
      %min3A_434 = vector.broadcast %jit3A_431 : i32 to vector<16xi32>
      %min3A_435 = arith.minsi %min3A_434, %max3A_433 : vector<16xi32>
      %add3A_436 = arith.constant 96 : i32
      %add3A_437 = vector.broadcast %add3A_436 : i32 to vector<16xi32>
      %add3A_438 = arith.addi %add3A_437, %iota3A : vector<16xi32>
      %gather3A_439 = tpu.vector_load_idx %arg8[%min3A_435, %add3A_438] : memref<184x128xf32, #tpu.memory_space<vmem>>[vector<16xi32>, vector<16xi32>], vector<16xf32>,
      %get3A_440 = arith.constant 96 : index
      %get3A_441 = tpu.vector_load %arg12[%get3A_440] {strides = array<i32>} : memref<128xf32, #tpu.memory_space<vmem>>, vector<16xf32>,
      %select_n3A_442 = arith.select %and3A_429, %gather3A_439, %get3A_441 : vector<16xi1>, vector<16xf32>
      %swap3A_443 = arith.constant 96 : index
      %swap3A_444 = tpu.vector_load %arg12[%swap3A_443] {strides = array<i32>} : memref<128xf32, #tpu.memory_space<vmem>>, vector<16xf32>,
      tpu.vector_store %arg12[%swap3A_443], %select_n3A_442 {strides = array<i32>} : memref<128xf32, #tpu.memory_space<vmem>>, vector<16xf32>,
      %get3A_445 = arith.constant 112 : index
      %get3A_446 = tpu.vector_load %arg11[%get3A_445] {strides = array<i32>} : memref<128xi32, #tpu.memory_space<vmem>>, vector<16xi32>,
      %sub3A_447 = vector.broadcast %add3A_98 : i32 to vector<16xi32>
      %sub3A_448 = arith.subi %get3A_446, %sub3A_447 : vector<16xi32>
      %ge3A_449 = arith.constant 0 : i32
      %ge3A_450 = vector.broadcast %ge3A_449 : i32 to vector<16xi32>
      %ge3A_451 = arith.cmpi sge, %sub3A_448, %ge3A_450 : vector<16xi32>
      %lt3A_452 = arith.constant 184 : i32
      %lt3A_453 = vector.broadcast %lt3A_452 : i32 to vector<16xi32>
      %lt3A_454 = arith.cmpi slt, %sub3A_448, %lt3A_453 : vector<16xi32>
      %and3A_455 = arith.andi %ge3A_451, %lt3A_454 : vector<16xi1>
      %jit3A_456 = arith.constant 0 : i32
      %jit3A_457 = arith.constant 183 : i32
      %max3A_458 = vector.broadcast %jit3A_456 : i32 to vector<16xi32>
      %max3A_459 = arith.maxsi %max3A_458, %sub3A_448 : vector<16xi32>
      %min3A_460 = vector.broadcast %jit3A_457 : i32 to vector<16xi32>
      %min3A_461 = arith.minsi %min3A_460, %max3A_459 : vector<16xi32>
      %add3A_462 = arith.constant 112 : i32
      %add3A_463 = vector.broadcast %add3A_462 : i32 to vector<16xi32>
      %add3A_464 = arith.addi %add3A_463, %iota3A : vector<16xi32>
      %gather3A_465 = tpu.vector_load_idx %arg8[%min3A_461, %add3A_464] : memref<184x128xf32, #tpu.memory_space<vmem>>[vector<16xi32>, vector<16xi32>], vector<16xf32>,
      %get3A_466 = arith.constant 112 : index
      %get3A_467 = tpu.vector_load %arg12[%get3A_466] {strides = array<i32>} : memref<128xf32, #tpu.memory_space<vmem>>, vector<16xf32>,
      %select_n3A_468 = arith.select %and3A_455, %gather3A_465, %get3A_467 : vector<16xi1>, vector<16xf32>
      %swap3A_469 = arith.constant 112 : index
      %swap3A_470 = tpu.vector_load %arg12[%swap3A_469] {strides = array<i32>} : memref<128xf32, #tpu.memory_space<vmem>>, vector<16xf32>,
      tpu.vector_store %arg12[%swap3A_469], %select_n3A_468 {strides = array<i32>} : memref<128xf32, #tpu.memory_space<vmem>>, vector<16xf32>,
    } else {
    }
    %eq3A = arith.constant 31 : i32
    %eq3A_88 = arith.cmpi eq, %add3A, %eq3A : i32
    %convert_element_type3A_89 = arith.extui %eq3A_88 : i1 to i32
    %cond3A_90 = arith.constant 0 : i32
    %cond3A_91 = arith.cmpi ne, %convert_element_type3A_89, %cond3A_90 : i32
    scf.if %cond3A_91 {
      %dma_wait3A = arith.constant 0 : i32
      %dma_wait3A_92 = arith.constant 0 : i32
      %dma_wait3A_93 = tpu.memref_slice %arg2[%dma_wait3A, %dma_wait3A_92] : memref<100000x128xf32, #tpu.memory_space<hbm>> -> memref<88x128xf32, #tpu.memory_space<hbm>>
      %dma_wait3A_94 = arith.constant 0 : i32
      %dma_wait3A_95 = arith.constant 0 : i32
      %dma_wait3A_96 = tpu.memref_slice %arg2[%dma_wait3A_94, %dma_wait3A_95] : memref<100000x128xf32, #tpu.memory_space<hbm>> -> memref<88x128xf32, #tpu.memory_space<hbm>>
      tpu.wait_dma2 semaphore(%arg18 : memref<!tpu.dma_semaphore, #tpu.memory_space<semaphore_mem>>) src(%dma_wait3A_96 : memref<88x128xf32, #tpu.memory_space<hbm>>) dst(%arg10 : memref<88x128xf32, #tpu.memory_space<vmem>>)
      %add3A_97 = arith.constant 2944 : i32
      %add3A_98 = arith.addi %mul3A_2, %add3A_97 : i32
      %get3A = arith.constant 0 : index
      %get3A_99 = tpu.vector_load %arg13[%get3A] {strides = array<i32>} : memref<128xf32, #tpu.memory_space<vmem>>, vector<16xf32>,
      %get3A_100 = arith.constant 16 : index
      %get3A_101 = tpu.vector_load %arg13[%get3A_100] {strides = array<i32>} : memref<128xf32, #tpu.memory_space<vmem>>, vector<16xf32>,
      %get3A_102 = arith.constant 32 : index
      %get3A_103 = tpu.vector_load %arg13[%get3A_102] {strides = array<i32>} : memref<128xf32, #tpu.memory_space<vmem>>, vector<16xf32>,
      %get3A_104 = arith.constant 48 : index
      %get3A_105 = tpu.vector_load %arg13[%get3A_104] {strides = array<i32>} : memref<128xf32, #tpu.memory_space<vmem>>, vector<16xf32>,
      %get3A_106 = arith.constant 64 : index
      %get3A_107 = tpu.vector_load %arg13[%get3A_106] {strides = array<i32>} : memref<128xf32, #tpu.memory_space<vmem>>, vector<16xf32>,
      %get3A_108 = arith.constant 80 : index
      %get3A_109 = tpu.vector_load %arg13[%get3A_108] {strides = array<i32>} : memref<128xf32, #tpu.memory_space<vmem>>, vector<16xf32>,
      %get3A_110 = arith.constant 96 : index
      %get3A_111 = tpu.vector_load %arg13[%get3A_110] {strides = array<i32>} : memref<128xf32, #tpu.memory_space<vmem>>, vector<16xf32>,
      %get3A_112 = arith.constant 112 : index
      %get3A_113 = tpu.vector_load %arg13[%get3A_112] {strides = array<i32>} : memref<128xf32, #tpu.memory_space<vmem>>, vector<16xf32>,
      %get3A_114 = arith.constant 0 : index
      %get3A_115 = tpu.vector_load %arg15[%get3A_114] {strides = array<i32>} : memref<128xi32, #tpu.memory_space<vmem>>, vector<16xi32>,
      %get3A_116 = arith.constant 16 : index
      %get3A_117 = tpu.vector_load %arg15[%get3A_116] {strides = array<i32>} : memref<128xi32, #tpu.memory_space<vmem>>, vector<16xi32>,
      %get3A_118 = arith.constant 32 : index
      %get3A_119 = tpu.vector_load %arg15[%get3A_118] {strides = array<i32>} : memref<128xi32, #tpu.memory_space<vmem>>, vector<16xi32>,
      %get3A_120 = arith.constant 48 : index
      %get3A_121 = tpu.vector_load %arg15[%get3A_120] {strides = array<i32>} : memref<128xi32, #tpu.memory_space<vmem>>, vector<16xi32>,
      %get3A_122 = arith.constant 64 : index
      %get3A_123 = tpu.vector_load %arg15[%get3A_122] {strides = array<i32>} : memref<128xi32, #tpu.memory_space<vmem>>, vector<16xi32>,
      %get3A_124 = arith.constant 80 : index
      %get3A_125 = tpu.vector_load %arg15[%get3A_124] {strides = array<i32>} : memref<128xi32, #tpu.memory_space<vmem>>, vector<16xi32>,
      %get3A_126 = arith.constant 96 : index
      %get3A_127 = tpu.vector_load %arg15[%get3A_126] {strides = array<i32>} : memref<128xi32, #tpu.memory_space<vmem>>, vector<16xi32>,
      %get3A_128 = arith.constant 112 : index
      %get3A_129 = tpu.vector_load %arg15[%get3A_128] {strides = array<i32>} : memref<128xi32, #tpu.memory_space<vmem>>, vector<16xi32>,
      %parallel_loop3A = arith.constant 0 : i32
      %parallel_loop3A_130 = arith.constant 44 : i32
      %parallel_loop3A_131 = arith.constant 1 : i32
      %parallel_loop3A_132:16 = scf.for %parallel_loop3A_471 = %parallel_loop3A to %parallel_loop3A_130 step %parallel_loop3A_131 iter_args(%parallel_loop3A_472 = %get3A_99, %parallel_loop3A_473 = %get3A_101, %parallel_loop3A_474 = %get3A_103, %parallel_loop3A_475 = %get3A_105, %parallel_loop3A_476 = %get3A_107, %parallel_loop3A_477 = %get3A_109, %parallel_loop3A_478 = %get3A_111, %parallel_loop3A_479 = %get3A_113, %parallel_loop3A_480 = %get3A_115, %parallel_loop3A_481 = %get3A_117, %parallel_loop3A_482 = %get3A_119, %parallel_loop3A_483 = %get3A_121, %parallel_loop3A_484 = %get3A_123, %parallel_loop3A_485 = %get3A_125, %parallel_loop3A_486 = %get3A_127, %parallel_loop3A_487 = %get3A_129) -> (vector<16xf32>, vector<16xf32>, vector<16xf32>, vector<16xf32>, vector<16xf32>, vector<16xf32>, vector<16xf32>, vector<16xf32>, vector<16xi32>, vector<16xi32>, vector<16xi32>, vector<16xi32>, vector<16xi32>, vector<16xi32>, vector<16xi32>, vector<16xi32>)  : i32 {
        %parallel_loop3A_488 = arith.constant 2 : i32
        %parallel_loop3A_489 = arith.muli %parallel_loop3A_471, %parallel_loop3A_488 : i32
        %parallel_loop3A_490 = arith.constant 0 : i32
        %parallel_loop3A_491 = arith.addi %parallel_loop3A_489, %parallel_loop3A_490 : i32
        %parallel_loop3A_492 = arith.index_cast %parallel_loop3A_491 : i32 to index
        %parallel_loop3A_493 = arith.constant 0 : index
        %parallel_loop3A_494 = tpu.vector_load %arg10[%parallel_loop3A_492, %parallel_loop3A_493] {strides = array<i32>} : memref<88x128xf32, #tpu.memory_space<vmem>>, vector<16xf32>,
        %parallel_loop3A_495 = arith.maximumf %parallel_loop3A_472, %parallel_loop3A_494 : vector<16xf32>
        %parallel_loop3A_496 = arith.cmpf ogt, %parallel_loop3A_494, %parallel_loop3A_472 : vector<16xf32>
        %parallel_loop3A_497 = arith.addi %add3A_98, %parallel_loop3A_491 : i32
        %parallel_loop3A_498 = vector.broadcast %parallel_loop3A_497 : i32 to vector<16xi32>
        %parallel_loop3A_499 = arith.addi %broadcast_in_dim3A_7, %parallel_loop3A_498 : vector<16xi32>
        %parallel_loop3A_500 = arith.select %parallel_loop3A_496, %parallel_loop3A_499, %parallel_loop3A_480 : vector<16xi1>, vector<16xi32>
        %parallel_loop3A_501 = arith.index_cast %parallel_loop3A_491 : i32 to index
        %parallel_loop3A_502 = arith.constant 16 : index
        %parallel_loop3A_503 = tpu.vector_load %arg10[%parallel_loop3A_501, %parallel_loop3A_502] {strides = array<i32>} : memref<88x128xf32, #tpu.memory_space<vmem>>, vector<16xf32>,
        %parallel_loop3A_504 = arith.maximumf %parallel_loop3A_473, %parallel_loop3A_503 : vector<16xf32>
        %parallel_loop3A_505 = arith.cmpf ogt, %parallel_loop3A_503, %parallel_loop3A_473 : vector<16xf32>
        %parallel_loop3A_506 = arith.addi %add3A_98, %parallel_loop3A_491 : i32
        %parallel_loop3A_507 = vector.broadcast %parallel_loop3A_506 : i32 to vector<16xi32>
        %parallel_loop3A_508 = arith.addi %broadcast_in_dim3A_7, %parallel_loop3A_507 : vector<16xi32>
        %parallel_loop3A_509 = arith.select %parallel_loop3A_505, %parallel_loop3A_508, %parallel_loop3A_481 : vector<16xi1>, vector<16xi32>
        %parallel_loop3A_510 = arith.index_cast %parallel_loop3A_491 : i32 to index
        %parallel_loop3A_511 = arith.constant 32 : index
        %parallel_loop3A_512 = tpu.vector_load %arg10[%parallel_loop3A_510, %parallel_loop3A_511] {strides = array<i32>} : memref<88x128xf32, #tpu.memory_space<vmem>>, vector<16xf32>,
        %parallel_loop3A_513 = arith.maximumf %parallel_loop3A_474, %parallel_loop3A_512 : vector<16xf32>
        %parallel_loop3A_514 = arith.cmpf ogt, %parallel_loop3A_512, %parallel_loop3A_474 : vector<16xf32>
        %parallel_loop3A_515 = arith.addi %add3A_98, %parallel_loop3A_491 : i32
        %parallel_loop3A_516 = vector.broadcast %parallel_loop3A_515 : i32 to vector<16xi32>
        %parallel_loop3A_517 = arith.addi %broadcast_in_dim3A_7, %parallel_loop3A_516 : vector<16xi32>
        %parallel_loop3A_518 = arith.select %parallel_loop3A_514, %parallel_loop3A_517, %parallel_loop3A_482 : vector<16xi1>, vector<16xi32>
        %parallel_loop3A_519 = arith.index_cast %parallel_loop3A_491 : i32 to index
        %parallel_loop3A_520 = arith.constant 48 : index
        %parallel_loop3A_521 = tpu.vector_load %arg10[%parallel_loop3A_519, %parallel_loop3A_520] {strides = array<i32>} : memref<88x128xf32, #tpu.memory_space<vmem>>, vector<16xf32>,
        %parallel_loop3A_522 = arith.maximumf %parallel_loop3A_475, %parallel_loop3A_521 : vector<16xf32>
        %parallel_loop3A_523 = arith.cmpf ogt, %parallel_loop3A_521, %parallel_loop3A_475 : vector<16xf32>
        %parallel_loop3A_524 = arith.addi %add3A_98, %parallel_loop3A_491 : i32
        %parallel_loop3A_525 = vector.broadcast %parallel_loop3A_524 : i32 to vector<16xi32>
        %parallel_loop3A_526 = arith.addi %broadcast_in_dim3A_7, %parallel_loop3A_525 : vector<16xi32>
        %parallel_loop3A_527 = arith.select %parallel_loop3A_523, %parallel_loop3A_526, %parallel_loop3A_483 : vector<16xi1>, vector<16xi32>
        %parallel_loop3A_528 = arith.index_cast %parallel_loop3A_491 : i32 to index
        %parallel_loop3A_529 = arith.constant 64 : index
        %parallel_loop3A_530 = tpu.vector_load %arg10[%parallel_loop3A_528, %parallel_loop3A_529] {strides = array<i32>} : memref<88x128xf32, #tpu.memory_space<vmem>>, vector<16xf32>,
        %parallel_loop3A_531 = arith.maximumf %parallel_loop3A_476, %parallel_loop3A_530 : vector<16xf32>
        %parallel_loop3A_532 = arith.cmpf ogt, %parallel_loop3A_530, %parallel_loop3A_476 : vector<16xf32>
        %parallel_loop3A_533 = arith.addi %add3A_98, %parallel_loop3A_491 : i32
        %parallel_loop3A_534 = vector.broadcast %parallel_loop3A_533 : i32 to vector<16xi32>
        %parallel_loop3A_535 = arith.addi %broadcast_in_dim3A_7, %parallel_loop3A_534 : vector<16xi32>
        %parallel_loop3A_536 = arith.select %parallel_loop3A_532, %parallel_loop3A_535, %parallel_loop3A_484 : vector<16xi1>, vector<16xi32>
        %parallel_loop3A_537 = arith.index_cast %parallel_loop3A_491 : i32 to index
        %parallel_loop3A_538 = arith.constant 80 : index
        %parallel_loop3A_539 = tpu.vector_load %arg10[%parallel_loop3A_537, %parallel_loop3A_538] {strides = array<i32>} : memref<88x128xf32, #tpu.memory_space<vmem>>, vector<16xf32>,
        %parallel_loop3A_540 = arith.maximumf %parallel_loop3A_477, %parallel_loop3A_539 : vector<16xf32>
        %parallel_loop3A_541 = arith.cmpf ogt, %parallel_loop3A_539, %parallel_loop3A_477 : vector<16xf32>
        %parallel_loop3A_542 = arith.addi %add3A_98, %parallel_loop3A_491 : i32
        %parallel_loop3A_543 = vector.broadcast %parallel_loop3A_542 : i32 to vector<16xi32>
        %parallel_loop3A_544 = arith.addi %broadcast_in_dim3A_7, %parallel_loop3A_543 : vector<16xi32>
        %parallel_loop3A_545 = arith.select %parallel_loop3A_541, %parallel_loop3A_544, %parallel_loop3A_485 : vector<16xi1>, vector<16xi32>
        %parallel_loop3A_546 = arith.index_cast %parallel_loop3A_491 : i32 to index
        %parallel_loop3A_547 = arith.constant 96 : index
        %parallel_loop3A_548 = tpu.vector_load %arg10[%parallel_loop3A_546, %parallel_loop3A_547] {strides = array<i32>} : memref<88x128xf32, #tpu.memory_space<vmem>>, vector<16xf32>,
        %parallel_loop3A_549 = arith.maximumf %parallel_loop3A_478, %parallel_loop3A_548 : vector<16xf32>
        %parallel_loop3A_550 = arith.cmpf ogt, %parallel_loop3A_548, %parallel_loop3A_478 : vector<16xf32>
        %parallel_loop3A_551 = arith.addi %add3A_98, %parallel_loop3A_491 : i32
        %parallel_loop3A_552 = vector.broadcast %parallel_loop3A_551 : i32 to vector<16xi32>
        %parallel_loop3A_553 = arith.addi %broadcast_in_dim3A_7, %parallel_loop3A_552 : vector<16xi32>
        %parallel_loop3A_554 = arith.select %parallel_loop3A_550, %parallel_loop3A_553, %parallel_loop3A_486 : vector<16xi1>, vector<16xi32>
        %parallel_loop3A_555 = arith.index_cast %parallel_loop3A_491 : i32 to index
        %parallel_loop3A_556 = arith.constant 112 : index
        %parallel_loop3A_557 = tpu.vector_load %arg10[%parallel_loop3A_555, %parallel_loop3A_556] {strides = array<i32>} : memref<88x128xf32, #tpu.memory_space<vmem>>, vector<16xf32>,
        %parallel_loop3A_558 = arith.maximumf %parallel_loop3A_479, %parallel_loop3A_557 : vector<16xf32>
        %parallel_loop3A_559 = arith.cmpf ogt, %parallel_loop3A_557, %parallel_loop3A_479 : vector<16xf32>
        %parallel_loop3A_560 = arith.addi %add3A_98, %parallel_loop3A_491 : i32
        %parallel_loop3A_561 = vector.broadcast %parallel_loop3A_560 : i32 to vector<16xi32>
        %parallel_loop3A_562 = arith.addi %broadcast_in_dim3A_7, %parallel_loop3A_561 : vector<16xi32>
        %parallel_loop3A_563 = arith.select %parallel_loop3A_559, %parallel_loop3A_562, %parallel_loop3A_487 : vector<16xi1>, vector<16xi32>
        %parallel_loop3A_564 = arith.constant 2 : i32
        %parallel_loop3A_565 = arith.muli %parallel_loop3A_471, %parallel_loop3A_564 : i32
        %parallel_loop3A_566 = arith.constant 1 : i32
        %parallel_loop3A_567 = arith.addi %parallel_loop3A_565, %parallel_loop3A_566 : i32
        %parallel_loop3A_568 = arith.index_cast %parallel_loop3A_567 : i32 to index
        %parallel_loop3A_569 = arith.constant 0 : index
        %parallel_loop3A_570 = tpu.vector_load %arg10[%parallel_loop3A_568, %parallel_loop3A_569] {strides = array<i32>} : memref<88x128xf32, #tpu.memory_space<vmem>>, vector<16xf32>,
        %parallel_loop3A_571 = arith.maximumf %parallel_loop3A_495, %parallel_loop3A_570 : vector<16xf32>
        %parallel_loop3A_572 = arith.cmpf ogt, %parallel_loop3A_570, %parallel_loop3A_495 : vector<16xf32>
        %parallel_loop3A_573 = arith.addi %add3A_98, %parallel_loop3A_567 : i32
        %parallel_loop3A_574 = vector.broadcast %parallel_loop3A_573 : i32 to vector<16xi32>
        %parallel_loop3A_575 = arith.addi %broadcast_in_dim3A_7, %parallel_loop3A_574 : vector<16xi32>
        %parallel_loop3A_576 = arith.select %parallel_loop3A_572, %parallel_loop3A_575, %parallel_loop3A_500 : vector<16xi1>, vector<16xi32>
        %parallel_loop3A_577 = arith.index_cast %parallel_loop3A_567 : i32 to index
        %parallel_loop3A_578 = arith.constant 16 : index
        %parallel_loop3A_579 = tpu.vector_load %arg10[%parallel_loop3A_577, %parallel_loop3A_578] {strides = array<i32>} : memref<88x128xf32, #tpu.memory_space<vmem>>, vector<16xf32>,
        %parallel_loop3A_580 = arith.maximumf %parallel_loop3A_504, %parallel_loop3A_579 : vector<16xf32>
        %parallel_loop3A_581 = arith.cmpf ogt, %parallel_loop3A_579, %parallel_loop3A_504 : vector<16xf32>
        %parallel_loop3A_582 = arith.addi %add3A_98, %parallel_loop3A_567 : i32
        %parallel_loop3A_583 = vector.broadcast %parallel_loop3A_582 : i32 to vector<16xi32>
        %parallel_loop3A_584 = arith.addi %broadcast_in_dim3A_7, %parallel_loop3A_583 : vector<16xi32>
        %parallel_loop3A_585 = arith.select %parallel_loop3A_581, %parallel_loop3A_584, %parallel_loop3A_509 : vector<16xi1>, vector<16xi32>
        %parallel_loop3A_586 = arith.index_cast %parallel_loop3A_567 : i32 to index
        %parallel_loop3A_587 = arith.constant 32 : index
        %parallel_loop3A_588 = tpu.vector_load %arg10[%parallel_loop3A_586, %parallel_loop3A_587] {strides = array<i32>} : memref<88x128xf32, #tpu.memory_space<vmem>>, vector<16xf32>,
        %parallel_loop3A_589 = arith.maximumf %parallel_loop3A_513, %parallel_loop3A_588 : vector<16xf32>
        %parallel_loop3A_590 = arith.cmpf ogt, %parallel_loop3A_588, %parallel_loop3A_513 : vector<16xf32>
        %parallel_loop3A_591 = arith.addi %add3A_98, %parallel_loop3A_567 : i32
        %parallel_loop3A_592 = vector.broadcast %parallel_loop3A_591 : i32 to vector<16xi32>
        %parallel_loop3A_593 = arith.addi %broadcast_in_dim3A_7, %parallel_loop3A_592 : vector<16xi32>
        %parallel_loop3A_594 = arith.select %parallel_loop3A_590, %parallel_loop3A_593, %parallel_loop3A_518 : vector<16xi1>, vector<16xi32>
        %parallel_loop3A_595 = arith.index_cast %parallel_loop3A_567 : i32 to index
        %parallel_loop3A_596 = arith.constant 48 : index
        %parallel_loop3A_597 = tpu.vector_load %arg10[%parallel_loop3A_595, %parallel_loop3A_596] {strides = array<i32>} : memref<88x128xf32, #tpu.memory_space<vmem>>, vector<16xf32>,
        %parallel_loop3A_598 = arith.maximumf %parallel_loop3A_522, %parallel_loop3A_597 : vector<16xf32>
        %parallel_loop3A_599 = arith.cmpf ogt, %parallel_loop3A_597, %parallel_loop3A_522 : vector<16xf32>
        %parallel_loop3A_600 = arith.addi %add3A_98, %parallel_loop3A_567 : i32
        %parallel_loop3A_601 = vector.broadcast %parallel_loop3A_600 : i32 to vector<16xi32>
        %parallel_loop3A_602 = arith.addi %broadcast_in_dim3A_7, %parallel_loop3A_601 : vector<16xi32>
        %parallel_loop3A_603 = arith.select %parallel_loop3A_599, %parallel_loop3A_602, %parallel_loop3A_527 : vector<16xi1>, vector<16xi32>
        %parallel_loop3A_604 = arith.index_cast %parallel_loop3A_567 : i32 to index
        %parallel_loop3A_605 = arith.constant 64 : index
        %parallel_loop3A_606 = tpu.vector_load %arg10[%parallel_loop3A_604, %parallel_loop3A_605] {strides = array<i32>} : memref<88x128xf32, #tpu.memory_space<vmem>>, vector<16xf32>,
        %parallel_loop3A_607 = arith.maximumf %parallel_loop3A_531, %parallel_loop3A_606 : vector<16xf32>
        %parallel_loop3A_608 = arith.cmpf ogt, %parallel_loop3A_606, %parallel_loop3A_531 : vector<16xf32>
        %parallel_loop3A_609 = arith.addi %add3A_98, %parallel_loop3A_567 : i32
        %parallel_loop3A_610 = vector.broadcast %parallel_loop3A_609 : i32 to vector<16xi32>
        %parallel_loop3A_611 = arith.addi %broadcast_in_dim3A_7, %parallel_loop3A_610 : vector<16xi32>
        %parallel_loop3A_612 = arith.select %parallel_loop3A_608, %parallel_loop3A_611, %parallel_loop3A_536 : vector<16xi1>, vector<16xi32>
        %parallel_loop3A_613 = arith.index_cast %parallel_loop3A_567 : i32 to index
        %parallel_loop3A_614 = arith.constant 80 : index
        %parallel_loop3A_615 = tpu.vector_load %arg10[%parallel_loop3A_613, %parallel_loop3A_614] {strides = array<i32>} : memref<88x128xf32, #tpu.memory_space<vmem>>, vector<16xf32>,
        %parallel_loop3A_616 = arith.maximumf %parallel_loop3A_540, %parallel_loop3A_615 : vector<16xf32>
        %parallel_loop3A_617 = arith.cmpf ogt, %parallel_loop3A_615, %parallel_loop3A_540 : vector<16xf32>
        %parallel_loop3A_618 = arith.addi %add3A_98, %parallel_loop3A_567 : i32
        %parallel_loop3A_619 = vector.broadcast %parallel_loop3A_618 : i32 to vector<16xi32>
        %parallel_loop3A_620 = arith.addi %broadcast_in_dim3A_7, %parallel_loop3A_619 : vector<16xi32>
        %parallel_loop3A_621 = arith.select %parallel_loop3A_617, %parallel_loop3A_620, %parallel_loop3A_545 : vector<16xi1>, vector<16xi32>
        %parallel_loop3A_622 = arith.index_cast %parallel_loop3A_567 : i32 to index
        %parallel_loop3A_623 = arith.constant 96 : index
        %parallel_loop3A_624 = tpu.vector_load %arg10[%parallel_loop3A_622, %parallel_loop3A_623] {strides = array<i32>} : memref<88x128xf32, #tpu.memory_space<vmem>>, vector<16xf32>,
        %parallel_loop3A_625 = arith.maximumf %parallel_loop3A_549, %parallel_loop3A_624 : vector<16xf32>
        %parallel_loop3A_626 = arith.cmpf ogt, %parallel_loop3A_624, %parallel_loop3A_549 : vector<16xf32>
        %parallel_loop3A_627 = arith.addi %add3A_98, %parallel_loop3A_567 : i32
        %parallel_loop3A_628 = vector.broadcast %parallel_loop3A_627 : i32 to vector<16xi32>
        %parallel_loop3A_629 = arith.addi %broadcast_in_dim3A_7, %parallel_loop3A_628 : vector<16xi32>
        %parallel_loop3A_630 = arith.select %parallel_loop3A_626, %parallel_loop3A_629, %parallel_loop3A_554 : vector<16xi1>, vector<16xi32>
        %parallel_loop3A_631 = arith.index_cast %parallel_loop3A_567 : i32 to index
        %parallel_loop3A_632 = arith.constant 112 : index
        %parallel_loop3A_633 = tpu.vector_load %arg10[%parallel_loop3A_631, %parallel_loop3A_632] {strides = array<i32>} : memref<88x128xf32, #tpu.memory_space<vmem>>, vector<16xf32>,
        %parallel_loop3A_634 = arith.maximumf %parallel_loop3A_558, %parallel_loop3A_633 : vector<16xf32>
        %parallel_loop3A_635 = arith.cmpf ogt, %parallel_loop3A_633, %parallel_loop3A_558 : vector<16xf32>
        %parallel_loop3A_636 = arith.addi %add3A_98, %parallel_loop3A_567 : i32
        %parallel_loop3A_637 = vector.broadcast %parallel_loop3A_636 : i32 to vector<16xi32>
        %parallel_loop3A_638 = arith.addi %broadcast_in_dim3A_7, %parallel_loop3A_637 : vector<16xi32>
        %parallel_loop3A_639 = arith.select %parallel_loop3A_635, %parallel_loop3A_638, %parallel_loop3A_563 : vector<16xi1>, vector<16xi32>
        scf.yield %parallel_loop3A_571, %parallel_loop3A_580, %parallel_loop3A_589, %parallel_loop3A_598, %parallel_loop3A_607, %parallel_loop3A_616, %parallel_loop3A_625, %parallel_loop3A_634, %parallel_loop3A_576, %parallel_loop3A_585, %parallel_loop3A_594, %parallel_loop3A_603, %parallel_loop3A_612, %parallel_loop3A_621, %parallel_loop3A_630, %parallel_loop3A_639 : vector<16xf32>, vector<16xf32>, vector<16xf32>, vector<16xf32>, vector<16xf32>, vector<16xf32>, vector<16xf32>, vector<16xf32>, vector<16xi32>, vector<16xi32>, vector<16xi32>, vector<16xi32>, vector<16xi32>, vector<16xi32>, vector<16xi32>, vector<16xi32>
      } {sc.loop_unroll_factor = 1 : i64, sc.parallel_access}
      %swap3A_133 = arith.constant 0 : index
      %swap3A_134 = tpu.vector_load %arg13[%swap3A_133] {strides = array<i32>} : memref<128xf32, #tpu.memory_space<vmem>>, vector<16xf32>,
      tpu.vector_store %arg13[%swap3A_133], %parallel_loop3A_132#0 {strides = array<i32>} : memref<128xf32, #tpu.memory_space<vmem>>, vector<16xf32>,
      %swap3A_135 = arith.constant 0 : index
      %swap3A_136 = tpu.vector_load %arg15[%swap3A_135] {strides = array<i32>} : memref<128xi32, #tpu.memory_space<vmem>>, vector<16xi32>,
      tpu.vector_store %arg15[%swap3A_135], %parallel_loop3A_132#8 {strides = array<i32>} : memref<128xi32, #tpu.memory_space<vmem>>, vector<16xi32>,
      %swap3A_137 = arith.constant 16 : index
      %swap3A_138 = tpu.vector_load %arg13[%swap3A_137] {strides = array<i32>} : memref<128xf32, #tpu.memory_space<vmem>>, vector<16xf32>,
      tpu.vector_store %arg13[%swap3A_137], %parallel_loop3A_132#1 {strides = array<i32>} : memref<128xf32, #tpu.memory_space<vmem>>, vector<16xf32>,
      %swap3A_139 = arith.constant 16 : index
      %swap3A_140 = tpu.vector_load %arg15[%swap3A_139] {strides = array<i32>} : memref<128xi32, #tpu.memory_space<vmem>>, vector<16xi32>,
      tpu.vector_store %arg15[%swap3A_139], %parallel_loop3A_132#9 {strides = array<i32>} : memref<128xi32, #tpu.memory_space<vmem>>, vector<16xi32>,
      %swap3A_141 = arith.constant 32 : index
      %swap3A_142 = tpu.vector_load %arg13[%swap3A_141] {strides = array<i32>} : memref<128xf32, #tpu.memory_space<vmem>>, vector<16xf32>,
      tpu.vector_store %arg13[%swap3A_141], %parallel_loop3A_132#2 {strides = array<i32>} : memref<128xf32, #tpu.memory_space<vmem>>, vector<16xf32>,
      %swap3A_143 = arith.constant 32 : index
      %swap3A_144 = tpu.vector_load %arg15[%swap3A_143] {strides = array<i32>} : memref<128xi32, #tpu.memory_space<vmem>>, vector<16xi32>,
      tpu.vector_store %arg15[%swap3A_143], %parallel_loop3A_132#10 {strides = array<i32>} : memref<128xi32, #tpu.memory_space<vmem>>, vector<16xi32>,
      %swap3A_145 = arith.constant 48 : index
      %swap3A_146 = tpu.vector_load %arg13[%swap3A_145] {strides = array<i32>} : memref<128xf32, #tpu.memory_space<vmem>>, vector<16xf32>,
      tpu.vector_store %arg13[%swap3A_145], %parallel_loop3A_132#3 {strides = array<i32>} : memref<128xf32, #tpu.memory_space<vmem>>, vector<16xf32>,
      %swap3A_147 = arith.constant 48 : index
      %swap3A_148 = tpu.vector_load %arg15[%swap3A_147] {strides = array<i32>} : memref<128xi32, #tpu.memory_space<vmem>>, vector<16xi32>,
      tpu.vector_store %arg15[%swap3A_147], %parallel_loop3A_132#11 {strides = array<i32>} : memref<128xi32, #tpu.memory_space<vmem>>, vector<16xi32>,
      %swap3A_149 = arith.constant 64 : index
      %swap3A_150 = tpu.vector_load %arg13[%swap3A_149] {strides = array<i32>} : memref<128xf32, #tpu.memory_space<vmem>>, vector<16xf32>,
      tpu.vector_store %arg13[%swap3A_149], %parallel_loop3A_132#4 {strides = array<i32>} : memref<128xf32, #tpu.memory_space<vmem>>, vector<16xf32>,
      %swap3A_151 = arith.constant 64 : index
      %swap3A_152 = tpu.vector_load %arg15[%swap3A_151] {strides = array<i32>} : memref<128xi32, #tpu.memory_space<vmem>>, vector<16xi32>,
      tpu.vector_store %arg15[%swap3A_151], %parallel_loop3A_132#12 {strides = array<i32>} : memref<128xi32, #tpu.memory_space<vmem>>, vector<16xi32>,
      %swap3A_153 = arith.constant 80 : index
      %swap3A_154 = tpu.vector_load %arg13[%swap3A_153] {strides = array<i32>} : memref<128xf32, #tpu.memory_space<vmem>>, vector<16xf32>,
      tpu.vector_store %arg13[%swap3A_153], %parallel_loop3A_132#5 {strides = array<i32>} : memref<128xf32, #tpu.memory_space<vmem>>, vector<16xf32>,
      %swap3A_155 = arith.constant 80 : index
      %swap3A_156 = tpu.vector_load %arg15[%swap3A_155] {strides = array<i32>} : memref<128xi32, #tpu.memory_space<vmem>>, vector<16xi32>,
      tpu.vector_store %arg15[%swap3A_155], %parallel_loop3A_132#13 {strides = array<i32>} : memref<128xi32, #tpu.memory_space<vmem>>, vector<16xi32>,
      %swap3A_157 = arith.constant 96 : index
      %swap3A_158 = tpu.vector_load %arg13[%swap3A_157] {strides = array<i32>} : memref<128xf32, #tpu.memory_space<vmem>>, vector<16xf32>,
      tpu.vector_store %arg13[%swap3A_157], %parallel_loop3A_132#6 {strides = array<i32>} : memref<128xf32, #tpu.memory_space<vmem>>, vector<16xf32>,
      %swap3A_159 = arith.constant 96 : index
      %swap3A_160 = tpu.vector_load %arg15[%swap3A_159] {strides = array<i32>} : memref<128xi32, #tpu.memory_space<vmem>>, vector<16xi32>,
      tpu.vector_store %arg15[%swap3A_159], %parallel_loop3A_132#14 {strides = array<i32>} : memref<128xi32, #tpu.memory_space<vmem>>, vector<16xi32>,
      %swap3A_161 = arith.constant 112 : index
      %swap3A_162 = tpu.vector_load %arg13[%swap3A_161] {strides = array<i32>} : memref<128xf32, #tpu.memory_space<vmem>>, vector<16xf32>,
      tpu.vector_store %arg13[%swap3A_161], %parallel_loop3A_132#7 {strides = array<i32>} : memref<128xf32, #tpu.memory_space<vmem>>, vector<16xf32>,
      %swap3A_163 = arith.constant 112 : index
      %swap3A_164 = tpu.vector_load %arg15[%swap3A_163] {strides = array<i32>} : memref<128xi32, #tpu.memory_space<vmem>>, vector<16xi32>,
      tpu.vector_store %arg15[%swap3A_163], %parallel_loop3A_132#15 {strides = array<i32>} : memref<128xi32, #tpu.memory_space<vmem>>, vector<16xi32>,
      %gt3A = arith.constant 0xFF800000 : f32
      %gt3A_165 = vector.broadcast %gt3A : f32 to vector<16xf32>
      %gt3A_166 = arith.cmpf ogt, %get3A_99, %gt3A_165 : vector<16xf32>
      %get3A_167 = arith.constant 0 : index
      %get3A_168 = tpu.vector_load %arg14[%get3A_167] {strides = array<i32>} : memref<128xf32, #tpu.memory_space<vmem>>, vector<16xf32>,
      %sub3A = arith.subf %get3A_99, %parallel_loop3A_132#0 : vector<16xf32>
      %exp3A = math.exp %sub3A : vector<16xf32>
      %mul3A_169 = arith.mulf %get3A_168, %exp3A : vector<16xf32>
      %jit3A = arith.constant 0.000000e+00 : f32
      %broadcast_in_dim3A_170 = vector.broadcast %jit3A : f32 to vector<16xf32>
      %select_n3A = arith.select %gt3A_166, %mul3A_169, %broadcast_in_dim3A_170 : vector<16xi1>, vector<16xf32>
      %gt3A_171 = arith.constant 0xFF800000 : f32
      %gt3A_172 = vector.broadcast %gt3A_171 : f32 to vector<16xf32>
      %gt3A_173 = arith.cmpf ogt, %get3A_101, %gt3A_172 : vector<16xf32>
      %get3A_174 = arith.constant 16 : index
      %get3A_175 = tpu.vector_load %arg14[%get3A_174] {strides = array<i32>} : memref<128xf32, #tpu.memory_space<vmem>>, vector<16xf32>,
      %sub3A_176 = arith.subf %get3A_101, %parallel_loop3A_132#1 : vector<16xf32>
      %exp3A_177 = math.exp %sub3A_176 : vector<16xf32>
      %mul3A_178 = arith.mulf %get3A_175, %exp3A_177 : vector<16xf32>
      %jit3A_179 = arith.constant 0.000000e+00 : f32
      %broadcast_in_dim3A_180 = vector.broadcast %jit3A_179 : f32 to vector<16xf32>
      %select_n3A_181 = arith.select %gt3A_173, %mul3A_178, %broadcast_in_dim3A_180 : vector<16xi1>, vector<16xf32>
      %gt3A_182 = arith.constant 0xFF800000 : f32
      %gt3A_183 = vector.broadcast %gt3A_182 : f32 to vector<16xf32>
      %gt3A_184 = arith.cmpf ogt, %get3A_103, %gt3A_183 : vector<16xf32>
      %get3A_185 = arith.constant 32 : index
      %get3A_186 = tpu.vector_load %arg14[%get3A_185] {strides = array<i32>} : memref<128xf32, #tpu.memory_space<vmem>>, vector<16xf32>,
      %sub3A_187 = arith.subf %get3A_103, %parallel_loop3A_132#2 : vector<16xf32>
      %exp3A_188 = math.exp %sub3A_187 : vector<16xf32>
      %mul3A_189 = arith.mulf %get3A_186, %exp3A_188 : vector<16xf32>
      %jit3A_190 = arith.constant 0.000000e+00 : f32
      %broadcast_in_dim3A_191 = vector.broadcast %jit3A_190 : f32 to vector<16xf32>
      %select_n3A_192 = arith.select %gt3A_184, %mul3A_189, %broadcast_in_dim3A_191 : vector<16xi1>, vector<16xf32>
      %gt3A_193 = arith.constant 0xFF800000 : f32
      %gt3A_194 = vector.broadcast %gt3A_193 : f32 to vector<16xf32>
      %gt3A_195 = arith.cmpf ogt, %get3A_105, %gt3A_194 : vector<16xf32>
      %get3A_196 = arith.constant 48 : index
      %get3A_197 = tpu.vector_load %arg14[%get3A_196] {strides = array<i32>} : memref<128xf32, #tpu.memory_space<vmem>>, vector<16xf32>,
      %sub3A_198 = arith.subf %get3A_105, %parallel_loop3A_132#3 : vector<16xf32>
      %exp3A_199 = math.exp %sub3A_198 : vector<16xf32>
      %mul3A_200 = arith.mulf %get3A_197, %exp3A_199 : vector<16xf32>
      %jit3A_201 = arith.constant 0.000000e+00 : f32
      %broadcast_in_dim3A_202 = vector.broadcast %jit3A_201 : f32 to vector<16xf32>
      %select_n3A_203 = arith.select %gt3A_195, %mul3A_200, %broadcast_in_dim3A_202 : vector<16xi1>, vector<16xf32>
      %gt3A_204 = arith.constant 0xFF800000 : f32
      %gt3A_205 = vector.broadcast %gt3A_204 : f32 to vector<16xf32>
      %gt3A_206 = arith.cmpf ogt, %get3A_107, %gt3A_205 : vector<16xf32>
      %get3A_207 = arith.constant 64 : index
      %get3A_208 = tpu.vector_load %arg14[%get3A_207] {strides = array<i32>} : memref<128xf32, #tpu.memory_space<vmem>>, vector<16xf32>,
      %sub3A_209 = arith.subf %get3A_107, %parallel_loop3A_132#4 : vector<16xf32>
      %exp3A_210 = math.exp %sub3A_209 : vector<16xf32>
      %mul3A_211 = arith.mulf %get3A_208, %exp3A_210 : vector<16xf32>
      %jit3A_212 = arith.constant 0.000000e+00 : f32
      %broadcast_in_dim3A_213 = vector.broadcast %jit3A_212 : f32 to vector<16xf32>
      %select_n3A_214 = arith.select %gt3A_206, %mul3A_211, %broadcast_in_dim3A_213 : vector<16xi1>, vector<16xf32>
      %gt3A_215 = arith.constant 0xFF800000 : f32
      %gt3A_216 = vector.broadcast %gt3A_215 : f32 to vector<16xf32>
      %gt3A_217 = arith.cmpf ogt, %get3A_109, %gt3A_216 : vector<16xf32>
      %get3A_218 = arith.constant 80 : index
      %get3A_219 = tpu.vector_load %arg14[%get3A_218] {strides = array<i32>} : memref<128xf32, #tpu.memory_space<vmem>>, vector<16xf32>,
      %sub3A_220 = arith.subf %get3A_109, %parallel_loop3A_132#5 : vector<16xf32>
      %exp3A_221 = math.exp %sub3A_220 : vector<16xf32>
      %mul3A_222 = arith.mulf %get3A_219, %exp3A_221 : vector<16xf32>
      %jit3A_223 = arith.constant 0.000000e+00 : f32
      %broadcast_in_dim3A_224 = vector.broadcast %jit3A_223 : f32 to vector<16xf32>
      %select_n3A_225 = arith.select %gt3A_217, %mul3A_222, %broadcast_in_dim3A_224 : vector<16xi1>, vector<16xf32>
      %gt3A_226 = arith.constant 0xFF800000 : f32
      %gt3A_227 = vector.broadcast %gt3A_226 : f32 to vector<16xf32>
      %gt3A_228 = arith.cmpf ogt, %get3A_111, %gt3A_227 : vector<16xf32>
      %get3A_229 = arith.constant 96 : index
      %get3A_230 = tpu.vector_load %arg14[%get3A_229] {strides = array<i32>} : memref<128xf32, #tpu.memory_space<vmem>>, vector<16xf32>,
      %sub3A_231 = arith.subf %get3A_111, %parallel_loop3A_132#6 : vector<16xf32>
      %exp3A_232 = math.exp %sub3A_231 : vector<16xf32>
      %mul3A_233 = arith.mulf %get3A_230, %exp3A_232 : vector<16xf32>
      %jit3A_234 = arith.constant 0.000000e+00 : f32
      %broadcast_in_dim3A_235 = vector.broadcast %jit3A_234 : f32 to vector<16xf32>
      %select_n3A_236 = arith.select %gt3A_228, %mul3A_233, %broadcast_in_dim3A_235 : vector<16xi1>, vector<16xf32>
      %gt3A_237 = arith.constant 0xFF800000 : f32
      %gt3A_238 = vector.broadcast %gt3A_237 : f32 to vector<16xf32>
      %gt3A_239 = arith.cmpf ogt, %get3A_113, %gt3A_238 : vector<16xf32>
      %get3A_240 = arith.constant 112 : index
      %get3A_241 = tpu.vector_load %arg14[%get3A_240] {strides = array<i32>} : memref<128xf32, #tpu.memory_space<vmem>>, vector<16xf32>,
      %sub3A_242 = arith.subf %get3A_113, %parallel_loop3A_132#7 : vector<16xf32>
      %exp3A_243 = math.exp %sub3A_242 : vector<16xf32>
      %mul3A_244 = arith.mulf %get3A_241, %exp3A_243 : vector<16xf32>
      %jit3A_245 = arith.constant 0.000000e+00 : f32
      %broadcast_in_dim3A_246 = vector.broadcast %jit3A_245 : f32 to vector<16xf32>
      %select_n3A_247 = arith.select %gt3A_239, %mul3A_244, %broadcast_in_dim3A_246 : vector<16xi1>, vector<16xf32>
      %parallel_loop3A_248 = arith.constant 0 : i32
      %parallel_loop3A_249 = arith.constant 44 : i32
      %parallel_loop3A_250 = arith.constant 1 : i32
      %parallel_loop3A_251:8 = scf.for %parallel_loop3A_471 = %parallel_loop3A_248 to %parallel_loop3A_249 step %parallel_loop3A_250 iter_args(%parallel_loop3A_472 = %select_n3A, %parallel_loop3A_473 = %select_n3A_181, %parallel_loop3A_474 = %select_n3A_192, %parallel_loop3A_475 = %select_n3A_203, %parallel_loop3A_476 = %select_n3A_214, %parallel_loop3A_477 = %select_n3A_225, %parallel_loop3A_478 = %select_n3A_236, %parallel_loop3A_479 = %select_n3A_247) -> (vector<16xf32>, vector<16xf32>, vector<16xf32>, vector<16xf32>, vector<16xf32>, vector<16xf32>, vector<16xf32>, vector<16xf32>)  : i32 {
        %parallel_loop3A_480 = arith.constant 2 : i32
        %parallel_loop3A_481 = arith.muli %parallel_loop3A_471, %parallel_loop3A_480 : i32
        %parallel_loop3A_482 = arith.constant 0 : i32
        %parallel_loop3A_483 = arith.addi %parallel_loop3A_481, %parallel_loop3A_482 : i32
        %parallel_loop3A_484 = arith.index_cast %parallel_loop3A_483 : i32 to index
        %parallel_loop3A_485 = arith.constant 0 : index
        %parallel_loop3A_486 = tpu.vector_load %arg10[%parallel_loop3A_484, %parallel_loop3A_485] {strides = array<i32>} : memref<88x128xf32, #tpu.memory_space<vmem>>, vector<16xf32>,
        %parallel_loop3A_487 = arith.subf %parallel_loop3A_486, %parallel_loop3A_132#0 : vector<16xf32>
        %parallel_loop3A_488 = math.exp %parallel_loop3A_487 : vector<16xf32>
        %parallel_loop3A_489 = arith.addf %parallel_loop3A_472, %parallel_loop3A_488 : vector<16xf32>
        %parallel_loop3A_490 = arith.index_cast %parallel_loop3A_483 : i32 to index
        %parallel_loop3A_491 = arith.constant 16 : index
        %parallel_loop3A_492 = tpu.vector_load %arg10[%parallel_loop3A_490, %parallel_loop3A_491] {strides = array<i32>} : memref<88x128xf32, #tpu.memory_space<vmem>>, vector<16xf32>,
        %parallel_loop3A_493 = arith.subf %parallel_loop3A_492, %parallel_loop3A_132#1 : vector<16xf32>
        %parallel_loop3A_494 = math.exp %parallel_loop3A_493 : vector<16xf32>
        %parallel_loop3A_495 = arith.addf %parallel_loop3A_473, %parallel_loop3A_494 : vector<16xf32>
        %parallel_loop3A_496 = arith.index_cast %parallel_loop3A_483 : i32 to index
        %parallel_loop3A_497 = arith.constant 32 : index
        %parallel_loop3A_498 = tpu.vector_load %arg10[%parallel_loop3A_496, %parallel_loop3A_497] {strides = array<i32>} : memref<88x128xf32, #tpu.memory_space<vmem>>, vector<16xf32>,
        %parallel_loop3A_499 = arith.subf %parallel_loop3A_498, %parallel_loop3A_132#2 : vector<16xf32>
        %parallel_loop3A_500 = math.exp %parallel_loop3A_499 : vector<16xf32>
        %parallel_loop3A_501 = arith.addf %parallel_loop3A_474, %parallel_loop3A_500 : vector<16xf32>
        %parallel_loop3A_502 = arith.index_cast %parallel_loop3A_483 : i32 to index
        %parallel_loop3A_503 = arith.constant 48 : index
        %parallel_loop3A_504 = tpu.vector_load %arg10[%parallel_loop3A_502, %parallel_loop3A_503] {strides = array<i32>} : memref<88x128xf32, #tpu.memory_space<vmem>>, vector<16xf32>,
        %parallel_loop3A_505 = arith.subf %parallel_loop3A_504, %parallel_loop3A_132#3 : vector<16xf32>
        %parallel_loop3A_506 = math.exp %parallel_loop3A_505 : vector<16xf32>
        %parallel_loop3A_507 = arith.addf %parallel_loop3A_475, %parallel_loop3A_506 : vector<16xf32>
        %parallel_loop3A_508 = arith.index_cast %parallel_loop3A_483 : i32 to index
        %parallel_loop3A_509 = arith.constant 64 : index
        %parallel_loop3A_510 = tpu.vector_load %arg10[%parallel_loop3A_508, %parallel_loop3A_509] {strides = array<i32>} : memref<88x128xf32, #tpu.memory_space<vmem>>, vector<16xf32>,
        %parallel_loop3A_511 = arith.subf %parallel_loop3A_510, %parallel_loop3A_132#4 : vector<16xf32>
        %parallel_loop3A_512 = math.exp %parallel_loop3A_511 : vector<16xf32>
        %parallel_loop3A_513 = arith.addf %parallel_loop3A_476, %parallel_loop3A_512 : vector<16xf32>
        %parallel_loop3A_514 = arith.index_cast %parallel_loop3A_483 : i32 to index
        %parallel_loop3A_515 = arith.constant 80 : index
        %parallel_loop3A_516 = tpu.vector_load %arg10[%parallel_loop3A_514, %parallel_loop3A_515] {strides = array<i32>} : memref<88x128xf32, #tpu.memory_space<vmem>>, vector<16xf32>,
        %parallel_loop3A_517 = arith.subf %parallel_loop3A_516, %parallel_loop3A_132#5 : vector<16xf32>
        %parallel_loop3A_518 = math.exp %parallel_loop3A_517 : vector<16xf32>
        %parallel_loop3A_519 = arith.addf %parallel_loop3A_477, %parallel_loop3A_518 : vector<16xf32>
        %parallel_loop3A_520 = arith.index_cast %parallel_loop3A_483 : i32 to index
        %parallel_loop3A_521 = arith.constant 96 : index
        %parallel_loop3A_522 = tpu.vector_load %arg10[%parallel_loop3A_520, %parallel_loop3A_521] {strides = array<i32>} : memref<88x128xf32, #tpu.memory_space<vmem>>, vector<16xf32>,
        %parallel_loop3A_523 = arith.subf %parallel_loop3A_522, %parallel_loop3A_132#6 : vector<16xf32>
        %parallel_loop3A_524 = math.exp %parallel_loop3A_523 : vector<16xf32>
        %parallel_loop3A_525 = arith.addf %parallel_loop3A_478, %parallel_loop3A_524 : vector<16xf32>
        %parallel_loop3A_526 = arith.index_cast %parallel_loop3A_483 : i32 to index
        %parallel_loop3A_527 = arith.constant 112 : index
        %parallel_loop3A_528 = tpu.vector_load %arg10[%parallel_loop3A_526, %parallel_loop3A_527] {strides = array<i32>} : memref<88x128xf32, #tpu.memory_space<vmem>>, vector<16xf32>,
        %parallel_loop3A_529 = arith.subf %parallel_loop3A_528, %parallel_loop3A_132#7 : vector<16xf32>
        %parallel_loop3A_530 = math.exp %parallel_loop3A_529 : vector<16xf32>
        %parallel_loop3A_531 = arith.addf %parallel_loop3A_479, %parallel_loop3A_530 : vector<16xf32>
        %parallel_loop3A_532 = arith.constant 2 : i32
        %parallel_loop3A_533 = arith.muli %parallel_loop3A_471, %parallel_loop3A_532 : i32
        %parallel_loop3A_534 = arith.constant 1 : i32
        %parallel_loop3A_535 = arith.addi %parallel_loop3A_533, %parallel_loop3A_534 : i32
        %parallel_loop3A_536 = arith.index_cast %parallel_loop3A_535 : i32 to index
        %parallel_loop3A_537 = arith.constant 0 : index
        %parallel_loop3A_538 = tpu.vector_load %arg10[%parallel_loop3A_536, %parallel_loop3A_537] {strides = array<i32>} : memref<88x128xf32, #tpu.memory_space<vmem>>, vector<16xf32>,
        %parallel_loop3A_539 = arith.subf %parallel_loop3A_538, %parallel_loop3A_132#0 : vector<16xf32>
        %parallel_loop3A_540 = math.exp %parallel_loop3A_539 : vector<16xf32>
        %parallel_loop3A_541 = arith.addf %parallel_loop3A_489, %parallel_loop3A_540 : vector<16xf32>
        %parallel_loop3A_542 = arith.index_cast %parallel_loop3A_535 : i32 to index
        %parallel_loop3A_543 = arith.constant 16 : index
        %parallel_loop3A_544 = tpu.vector_load %arg10[%parallel_loop3A_542, %parallel_loop3A_543] {strides = array<i32>} : memref<88x128xf32, #tpu.memory_space<vmem>>, vector<16xf32>,
        %parallel_loop3A_545 = arith.subf %parallel_loop3A_544, %parallel_loop3A_132#1 : vector<16xf32>
        %parallel_loop3A_546 = math.exp %parallel_loop3A_545 : vector<16xf32>
        %parallel_loop3A_547 = arith.addf %parallel_loop3A_495, %parallel_loop3A_546 : vector<16xf32>
        %parallel_loop3A_548 = arith.index_cast %parallel_loop3A_535 : i32 to index
        %parallel_loop3A_549 = arith.constant 32 : index
        %parallel_loop3A_550 = tpu.vector_load %arg10[%parallel_loop3A_548, %parallel_loop3A_549] {strides = array<i32>} : memref<88x128xf32, #tpu.memory_space<vmem>>, vector<16xf32>,
        %parallel_loop3A_551 = arith.subf %parallel_loop3A_550, %parallel_loop3A_132#2 : vector<16xf32>
        %parallel_loop3A_552 = math.exp %parallel_loop3A_551 : vector<16xf32>
        %parallel_loop3A_553 = arith.addf %parallel_loop3A_501, %parallel_loop3A_552 : vector<16xf32>
        %parallel_loop3A_554 = arith.index_cast %parallel_loop3A_535 : i32 to index
        %parallel_loop3A_555 = arith.constant 48 : index
        %parallel_loop3A_556 = tpu.vector_load %arg10[%parallel_loop3A_554, %parallel_loop3A_555] {strides = array<i32>} : memref<88x128xf32, #tpu.memory_space<vmem>>, vector<16xf32>,
        %parallel_loop3A_557 = arith.subf %parallel_loop3A_556, %parallel_loop3A_132#3 : vector<16xf32>
        %parallel_loop3A_558 = math.exp %parallel_loop3A_557 : vector<16xf32>
        %parallel_loop3A_559 = arith.addf %parallel_loop3A_507, %parallel_loop3A_558 : vector<16xf32>
        %parallel_loop3A_560 = arith.index_cast %parallel_loop3A_535 : i32 to index
        %parallel_loop3A_561 = arith.constant 64 : index
        %parallel_loop3A_562 = tpu.vector_load %arg10[%parallel_loop3A_560, %parallel_loop3A_561] {strides = array<i32>} : memref<88x128xf32, #tpu.memory_space<vmem>>, vector<16xf32>,
        %parallel_loop3A_563 = arith.subf %parallel_loop3A_562, %parallel_loop3A_132#4 : vector<16xf32>
        %parallel_loop3A_564 = math.exp %parallel_loop3A_563 : vector<16xf32>
        %parallel_loop3A_565 = arith.addf %parallel_loop3A_513, %parallel_loop3A_564 : vector<16xf32>
        %parallel_loop3A_566 = arith.index_cast %parallel_loop3A_535 : i32 to index
        %parallel_loop3A_567 = arith.constant 80 : index
        %parallel_loop3A_568 = tpu.vector_load %arg10[%parallel_loop3A_566, %parallel_loop3A_567] {strides = array<i32>} : memref<88x128xf32, #tpu.memory_space<vmem>>, vector<16xf32>,
        %parallel_loop3A_569 = arith.subf %parallel_loop3A_568, %parallel_loop3A_132#5 : vector<16xf32>
        %parallel_loop3A_570 = math.exp %parallel_loop3A_569 : vector<16xf32>
        %parallel_loop3A_571 = arith.addf %parallel_loop3A_519, %parallel_loop3A_570 : vector<16xf32>
        %parallel_loop3A_572 = arith.index_cast %parallel_loop3A_535 : i32 to index
        %parallel_loop3A_573 = arith.constant 96 : index
        %parallel_loop3A_574 = tpu.vector_load %arg10[%parallel_loop3A_572, %parallel_loop3A_573] {strides = array<i32>} : memref<88x128xf32, #tpu.memory_space<vmem>>, vector<16xf32>,
        %parallel_loop3A_575 = arith.subf %parallel_loop3A_574, %parallel_loop3A_132#6 : vector<16xf32>
        %parallel_loop3A_576 = math.exp %parallel_loop3A_575 : vector<16xf32>
        %parallel_loop3A_577 = arith.addf %parallel_loop3A_525, %parallel_loop3A_576 : vector<16xf32>
        %parallel_loop3A_578 = arith.index_cast %parallel_loop3A_535 : i32 to index
        %parallel_loop3A_579 = arith.constant 112 : index
        %parallel_loop3A_580 = tpu.vector_load %arg10[%parallel_loop3A_578, %parallel_loop3A_579] {strides = array<i32>} : memref<88x128xf32, #tpu.memory_space<vmem>>, vector<16xf32>,
        %parallel_loop3A_581 = arith.subf %parallel_loop3A_580, %parallel_loop3A_132#7 : vector<16xf32>
        %parallel_loop3A_582 = math.exp %parallel_loop3A_581 : vector<16xf32>
        %parallel_loop3A_583 = arith.addf %parallel_loop3A_531, %parallel_loop3A_582 : vector<16xf32>
        scf.yield %parallel_loop3A_541, %parallel_loop3A_547, %parallel_loop3A_553, %parallel_loop3A_559, %parallel_loop3A_565, %parallel_loop3A_571, %parallel_loop3A_577, %parallel_loop3A_583 : vector<16xf32>, vector<16xf32>, vector<16xf32>, vector<16xf32>, vector<16xf32>, vector<16xf32>, vector<16xf32>, vector<16xf32>
      } {sc.loop_unroll_factor = 1 : i64, sc.parallel_access}
      %swap3A_252 = arith.constant 0 : index
      %swap3A_253 = tpu.vector_load %arg14[%swap3A_252] {strides = array<i32>} : memref<128xf32, #tpu.memory_space<vmem>>, vector<16xf32>,
      tpu.vector_store %arg14[%swap3A_252], %parallel_loop3A_251#0 {strides = array<i32>} : memref<128xf32, #tpu.memory_space<vmem>>, vector<16xf32>,
      %swap3A_254 = arith.constant 16 : index
      %swap3A_255 = tpu.vector_load %arg14[%swap3A_254] {strides = array<i32>} : memref<128xf32, #tpu.memory_space<vmem>>, vector<16xf32>,
      tpu.vector_store %arg14[%swap3A_254], %parallel_loop3A_251#1 {strides = array<i32>} : memref<128xf32, #tpu.memory_space<vmem>>, vector<16xf32>,
      %swap3A_256 = arith.constant 32 : index
      %swap3A_257 = tpu.vector_load %arg14[%swap3A_256] {strides = array<i32>} : memref<128xf32, #tpu.memory_space<vmem>>, vector<16xf32>,
      tpu.vector_store %arg14[%swap3A_256], %parallel_loop3A_251#2 {strides = array<i32>} : memref<128xf32, #tpu.memory_space<vmem>>, vector<16xf32>,
      %swap3A_258 = arith.constant 48 : index
      %swap3A_259 = tpu.vector_load %arg14[%swap3A_258] {strides = array<i32>} : memref<128xf32, #tpu.memory_space<vmem>>, vector<16xf32>,
      tpu.vector_store %arg14[%swap3A_258], %parallel_loop3A_251#3 {strides = array<i32>} : memref<128xf32, #tpu.memory_space<vmem>>, vector<16xf32>,
      %swap3A_260 = arith.constant 64 : index
      %swap3A_261 = tpu.vector_load %arg14[%swap3A_260] {strides = array<i32>} : memref<128xf32, #tpu.memory_space<vmem>>, vector<16xf32>,
      tpu.vector_store %arg14[%swap3A_260], %parallel_loop3A_251#4 {strides = array<i32>} : memref<128xf32, #tpu.memory_space<vmem>>, vector<16xf32>,
      %swap3A_262 = arith.constant 80 : index
      %swap3A_263 = tpu.vector_load %arg14[%swap3A_262] {strides = array<i32>} : memref<128xf32, #tpu.memory_space<vmem>>, vector<16xf32>,
      tpu.vector_store %arg14[%swap3A_262], %parallel_loop3A_251#5 {strides = array<i32>} : memref<128xf32, #tpu.memory_space<vmem>>, vector<16xf32>,
      %swap3A_264 = arith.constant 96 : index
      %swap3A_265 = tpu.vector_load %arg14[%swap3A_264] {strides = array<i32>} : memref<128xf32, #tpu.memory_space<vmem>>, vector<16xf32>,
      tpu.vector_store %arg14[%swap3A_264], %parallel_loop3A_251#6 {strides = array<i32>} : memref<128xf32, #tpu.memory_space<vmem>>, vector<16xf32>,
      %swap3A_266 = arith.constant 112 : index
      %swap3A_267 = tpu.vector_load %arg14[%swap3A_266] {strides = array<i32>} : memref<128xf32, #tpu.memory_space<vmem>>, vector<16xf32>,
      tpu.vector_store %arg14[%swap3A_266], %parallel_loop3A_251#7 {strides = array<i32>} : memref<128xf32, #tpu.memory_space<vmem>>, vector<16xf32>,
      %get3A_268 = arith.constant 0 : index
      %get3A_269 = tpu.vector_load %arg11[%get3A_268] {strides = array<i32>} : memref<128xi32, #tpu.memory_space<vmem>>, vector<16xi32>,
      %sub3A_270 = vector.broadcast %add3A_98 : i32 to vector<16xi32>
      %sub3A_271 = arith.subi %get3A_269, %sub3A_270 : vector<16xi32>
      %ge3A = arith.constant 0 : i32
      %ge3A_272 = vector.broadcast %ge3A : i32 to vector<16xi32>
      %ge3A_273 = arith.cmpi sge, %sub3A_271, %ge3A_272 : vector<16xi32>
      %lt3A_274 = arith.constant 88 : i32
      %lt3A_275 = vector.broadcast %lt3A_274 : i32 to vector<16xi32>
      %lt3A_276 = arith.cmpi slt, %sub3A_271, %lt3A_275 : vector<16xi32>
      %and3A = arith.andi %ge3A_273, %lt3A_276 : vector<16xi1>
      %jit3A_277 = arith.constant 0 : i32
      %jit3A_278 = arith.constant 87 : i32
      %max3A = vector.broadcast %jit3A_277 : i32 to vector<16xi32>
      %max3A_279 = arith.maxsi %max3A, %sub3A_271 : vector<16xi32>
      %min3A = vector.broadcast %jit3A_278 : i32 to vector<16xi32>
      %min3A_280 = arith.minsi %min3A, %max3A_279 : vector<16xi32>
      %add3A_281 = arith.constant 0 : i32
      %add3A_282 = vector.broadcast %add3A_281 : i32 to vector<16xi32>
      %add3A_283 = arith.addi %add3A_282, %iota3A : vector<16xi32>
      %gather3A = tpu.vector_load_idx %arg10[%min3A_280, %add3A_283] : memref<88x128xf32, #tpu.memory_space<vmem>>[vector<16xi32>, vector<16xi32>], vector<16xf32>,
      %get3A_284 = arith.constant 0 : index
      %get3A_285 = tpu.vector_load %arg12[%get3A_284] {strides = array<i32>} : memref<128xf32, #tpu.memory_space<vmem>>, vector<16xf32>,
      %select_n3A_286 = arith.select %and3A, %gather3A, %get3A_285 : vector<16xi1>, vector<16xf32>
      %swap3A_287 = arith.constant 0 : index
      %swap3A_288 = tpu.vector_load %arg12[%swap3A_287] {strides = array<i32>} : memref<128xf32, #tpu.memory_space<vmem>>, vector<16xf32>,
      tpu.vector_store %arg12[%swap3A_287], %select_n3A_286 {strides = array<i32>} : memref<128xf32, #tpu.memory_space<vmem>>, vector<16xf32>,
      %get3A_289 = arith.constant 16 : index
      %get3A_290 = tpu.vector_load %arg11[%get3A_289] {strides = array<i32>} : memref<128xi32, #tpu.memory_space<vmem>>, vector<16xi32>,
      %sub3A_291 = vector.broadcast %add3A_98 : i32 to vector<16xi32>
      %sub3A_292 = arith.subi %get3A_290, %sub3A_291 : vector<16xi32>
      %ge3A_293 = arith.constant 0 : i32
      %ge3A_294 = vector.broadcast %ge3A_293 : i32 to vector<16xi32>
      %ge3A_295 = arith.cmpi sge, %sub3A_292, %ge3A_294 : vector<16xi32>
      %lt3A_296 = arith.constant 88 : i32
      %lt3A_297 = vector.broadcast %lt3A_296 : i32 to vector<16xi32>
      %lt3A_298 = arith.cmpi slt, %sub3A_292, %lt3A_297 : vector<16xi32>
      %and3A_299 = arith.andi %ge3A_295, %lt3A_298 : vector<16xi1>
      %jit3A_300 = arith.constant 0 : i32
      %jit3A_301 = arith.constant 87 : i32
      %max3A_302 = vector.broadcast %jit3A_300 : i32 to vector<16xi32>
      %max3A_303 = arith.maxsi %max3A_302, %sub3A_292 : vector<16xi32>
      %min3A_304 = vector.broadcast %jit3A_301 : i32 to vector<16xi32>
      %min3A_305 = arith.minsi %min3A_304, %max3A_303 : vector<16xi32>
      %add3A_306 = arith.constant 16 : i32
      %add3A_307 = vector.broadcast %add3A_306 : i32 to vector<16xi32>
      %add3A_308 = arith.addi %add3A_307, %iota3A : vector<16xi32>
      %gather3A_309 = tpu.vector_load_idx %arg10[%min3A_305, %add3A_308] : memref<88x128xf32, #tpu.memory_space<vmem>>[vector<16xi32>, vector<16xi32>], vector<16xf32>,
      %get3A_310 = arith.constant 16 : index
      %get3A_311 = tpu.vector_load %arg12[%get3A_310] {strides = array<i32>} : memref<128xf32, #tpu.memory_space<vmem>>, vector<16xf32>,
      %select_n3A_312 = arith.select %and3A_299, %gather3A_309, %get3A_311 : vector<16xi1>, vector<16xf32>
      %swap3A_313 = arith.constant 16 : index
      %swap3A_314 = tpu.vector_load %arg12[%swap3A_313] {strides = array<i32>} : memref<128xf32, #tpu.memory_space<vmem>>, vector<16xf32>,
      tpu.vector_store %arg12[%swap3A_313], %select_n3A_312 {strides = array<i32>} : memref<128xf32, #tpu.memory_space<vmem>>, vector<16xf32>,
      %get3A_315 = arith.constant 32 : index
      %get3A_316 = tpu.vector_load %arg11[%get3A_315] {strides = array<i32>} : memref<128xi32, #tpu.memory_space<vmem>>, vector<16xi32>,
      %sub3A_317 = vector.broadcast %add3A_98 : i32 to vector<16xi32>
      %sub3A_318 = arith.subi %get3A_316, %sub3A_317 : vector<16xi32>
      %ge3A_319 = arith.constant 0 : i32
      %ge3A_320 = vector.broadcast %ge3A_319 : i32 to vector<16xi32>
      %ge3A_321 = arith.cmpi sge, %sub3A_318, %ge3A_320 : vector<16xi32>
      %lt3A_322 = arith.constant 88 : i32
      %lt3A_323 = vector.broadcast %lt3A_322 : i32 to vector<16xi32>
      %lt3A_324 = arith.cmpi slt, %sub3A_318, %lt3A_323 : vector<16xi32>
      %and3A_325 = arith.andi %ge3A_321, %lt3A_324 : vector<16xi1>
      %jit3A_326 = arith.constant 0 : i32
      %jit3A_327 = arith.constant 87 : i32
      %max3A_328 = vector.broadcast %jit3A_326 : i32 to vector<16xi32>
      %max3A_329 = arith.maxsi %max3A_328, %sub3A_318 : vector<16xi32>
      %min3A_330 = vector.broadcast %jit3A_327 : i32 to vector<16xi32>
      %min3A_331 = arith.minsi %min3A_330, %max3A_329 : vector<16xi32>
      %add3A_332 = arith.constant 32 : i32
      %add3A_333 = vector.broadcast %add3A_332 : i32 to vector<16xi32>
      %add3A_334 = arith.addi %add3A_333, %iota3A : vector<16xi32>
      %gather3A_335 = tpu.vector_load_idx %arg10[%min3A_331, %add3A_334] : memref<88x128xf32, #tpu.memory_space<vmem>>[vector<16xi32>, vector<16xi32>], vector<16xf32>,
      %get3A_336 = arith.constant 32 : index
      %get3A_337 = tpu.vector_load %arg12[%get3A_336] {strides = array<i32>} : memref<128xf32, #tpu.memory_space<vmem>>, vector<16xf32>,
      %select_n3A_338 = arith.select %and3A_325, %gather3A_335, %get3A_337 : vector<16xi1>, vector<16xf32>
      %swap3A_339 = arith.constant 32 : index
      %swap3A_340 = tpu.vector_load %arg12[%swap3A_339] {strides = array<i32>} : memref<128xf32, #tpu.memory_space<vmem>>, vector<16xf32>,
      tpu.vector_store %arg12[%swap3A_339], %select_n3A_338 {strides = array<i32>} : memref<128xf32, #tpu.memory_space<vmem>>, vector<16xf32>,
      %get3A_341 = arith.constant 48 : index
      %get3A_342 = tpu.vector_load %arg11[%get3A_341] {strides = array<i32>} : memref<128xi32, #tpu.memory_space<vmem>>, vector<16xi32>,
      %sub3A_343 = vector.broadcast %add3A_98 : i32 to vector<16xi32>
      %sub3A_344 = arith.subi %get3A_342, %sub3A_343 : vector<16xi32>
      %ge3A_345 = arith.constant 0 : i32
      %ge3A_346 = vector.broadcast %ge3A_345 : i32 to vector<16xi32>
      %ge3A_347 = arith.cmpi sge, %sub3A_344, %ge3A_346 : vector<16xi32>
      %lt3A_348 = arith.constant 88 : i32
      %lt3A_349 = vector.broadcast %lt3A_348 : i32 to vector<16xi32>
      %lt3A_350 = arith.cmpi slt, %sub3A_344, %lt3A_349 : vector<16xi32>
      %and3A_351 = arith.andi %ge3A_347, %lt3A_350 : vector<16xi1>
      %jit3A_352 = arith.constant 0 : i32
      %jit3A_353 = arith.constant 87 : i32
      %max3A_354 = vector.broadcast %jit3A_352 : i32 to vector<16xi32>
      %max3A_355 = arith.maxsi %max3A_354, %sub3A_344 : vector<16xi32>
      %min3A_356 = vector.broadcast %jit3A_353 : i32 to vector<16xi32>
      %min3A_357 = arith.minsi %min3A_356, %max3A_355 : vector<16xi32>
      %add3A_358 = arith.constant 48 : i32
      %add3A_359 = vector.broadcast %add3A_358 : i32 to vector<16xi32>
      %add3A_360 = arith.addi %add3A_359, %iota3A : vector<16xi32>
      %gather3A_361 = tpu.vector_load_idx %arg10[%min3A_357, %add3A_360] : memref<88x128xf32, #tpu.memory_space<vmem>>[vector<16xi32>, vector<16xi32>], vector<16xf32>,
      %get3A_362 = arith.constant 48 : index
      %get3A_363 = tpu.vector_load %arg12[%get3A_362] {strides = array<i32>} : memref<128xf32, #tpu.memory_space<vmem>>, vector<16xf32>,
      %select_n3A_364 = arith.select %and3A_351, %gather3A_361, %get3A_363 : vector<16xi1>, vector<16xf32>
      %swap3A_365 = arith.constant 48 : index
      %swap3A_366 = tpu.vector_load %arg12[%swap3A_365] {strides = array<i32>} : memref<128xf32, #tpu.memory_space<vmem>>, vector<16xf32>,
      tpu.vector_store %arg12[%swap3A_365], %select_n3A_364 {strides = array<i32>} : memref<128xf32, #tpu.memory_space<vmem>>, vector<16xf32>,
      %get3A_367 = arith.constant 64 : index
      %get3A_368 = tpu.vector_load %arg11[%get3A_367] {strides = array<i32>} : memref<128xi32, #tpu.memory_space<vmem>>, vector<16xi32>,
      %sub3A_369 = vector.broadcast %add3A_98 : i32 to vector<16xi32>
      %sub3A_370 = arith.subi %get3A_368, %sub3A_369 : vector<16xi32>
      %ge3A_371 = arith.constant 0 : i32
      %ge3A_372 = vector.broadcast %ge3A_371 : i32 to vector<16xi32>
      %ge3A_373 = arith.cmpi sge, %sub3A_370, %ge3A_372 : vector<16xi32>
      %lt3A_374 = arith.constant 88 : i32
      %lt3A_375 = vector.broadcast %lt3A_374 : i32 to vector<16xi32>
      %lt3A_376 = arith.cmpi slt, %sub3A_370, %lt3A_375 : vector<16xi32>
      %and3A_377 = arith.andi %ge3A_373, %lt3A_376 : vector<16xi1>
      %jit3A_378 = arith.constant 0 : i32
      %jit3A_379 = arith.constant 87 : i32
      %max3A_380 = vector.broadcast %jit3A_378 : i32 to vector<16xi32>
      %max3A_381 = arith.maxsi %max3A_380, %sub3A_370 : vector<16xi32>
      %min3A_382 = vector.broadcast %jit3A_379 : i32 to vector<16xi32>
      %min3A_383 = arith.minsi %min3A_382, %max3A_381 : vector<16xi32>
      %add3A_384 = arith.constant 64 : i32
      %add3A_385 = vector.broadcast %add3A_384 : i32 to vector<16xi32>
      %add3A_386 = arith.addi %add3A_385, %iota3A : vector<16xi32>
      %gather3A_387 = tpu.vector_load_idx %arg10[%min3A_383, %add3A_386] : memref<88x128xf32, #tpu.memory_space<vmem>>[vector<16xi32>, vector<16xi32>], vector<16xf32>,
      %get3A_388 = arith.constant 64 : index
      %get3A_389 = tpu.vector_load %arg12[%get3A_388] {strides = array<i32>} : memref<128xf32, #tpu.memory_space<vmem>>, vector<16xf32>,
      %select_n3A_390 = arith.select %and3A_377, %gather3A_387, %get3A_389 : vector<16xi1>, vector<16xf32>
      %swap3A_391 = arith.constant 64 : index
      %swap3A_392 = tpu.vector_load %arg12[%swap3A_391] {strides = array<i32>} : memref<128xf32, #tpu.memory_space<vmem>>, vector<16xf32>,
      tpu.vector_store %arg12[%swap3A_391], %select_n3A_390 {strides = array<i32>} : memref<128xf32, #tpu.memory_space<vmem>>, vector<16xf32>,
      %get3A_393 = arith.constant 80 : index
      %get3A_394 = tpu.vector_load %arg11[%get3A_393] {strides = array<i32>} : memref<128xi32, #tpu.memory_space<vmem>>, vector<16xi32>,
      %sub3A_395 = vector.broadcast %add3A_98 : i32 to vector<16xi32>
      %sub3A_396 = arith.subi %get3A_394, %sub3A_395 : vector<16xi32>
      %ge3A_397 = arith.constant 0 : i32
      %ge3A_398 = vector.broadcast %ge3A_397 : i32 to vector<16xi32>
      %ge3A_399 = arith.cmpi sge, %sub3A_396, %ge3A_398 : vector<16xi32>
      %lt3A_400 = arith.constant 88 : i32
      %lt3A_401 = vector.broadcast %lt3A_400 : i32 to vector<16xi32>
      %lt3A_402 = arith.cmpi slt, %sub3A_396, %lt3A_401 : vector<16xi32>
      %and3A_403 = arith.andi %ge3A_399, %lt3A_402 : vector<16xi1>
      %jit3A_404 = arith.constant 0 : i32
      %jit3A_405 = arith.constant 87 : i32
      %max3A_406 = vector.broadcast %jit3A_404 : i32 to vector<16xi32>
      %max3A_407 = arith.maxsi %max3A_406, %sub3A_396 : vector<16xi32>
      %min3A_408 = vector.broadcast %jit3A_405 : i32 to vector<16xi32>
      %min3A_409 = arith.minsi %min3A_408, %max3A_407 : vector<16xi32>
      %add3A_410 = arith.constant 80 : i32
      %add3A_411 = vector.broadcast %add3A_410 : i32 to vector<16xi32>
      %add3A_412 = arith.addi %add3A_411, %iota3A : vector<16xi32>
      %gather3A_413 = tpu.vector_load_idx %arg10[%min3A_409, %add3A_412] : memref<88x128xf32, #tpu.memory_space<vmem>>[vector<16xi32>, vector<16xi32>], vector<16xf32>,
      %get3A_414 = arith.constant 80 : index
      %get3A_415 = tpu.vector_load %arg12[%get3A_414] {strides = array<i32>} : memref<128xf32, #tpu.memory_space<vmem>>, vector<16xf32>,
      %select_n3A_416 = arith.select %and3A_403, %gather3A_413, %get3A_415 : vector<16xi1>, vector<16xf32>
      %swap3A_417 = arith.constant 80 : index
      %swap3A_418 = tpu.vector_load %arg12[%swap3A_417] {strides = array<i32>} : memref<128xf32, #tpu.memory_space<vmem>>, vector<16xf32>,
      tpu.vector_store %arg12[%swap3A_417], %select_n3A_416 {strides = array<i32>} : memref<128xf32, #tpu.memory_space<vmem>>, vector<16xf32>,
      %get3A_419 = arith.constant 96 : index
      %get3A_420 = tpu.vector_load %arg11[%get3A_419] {strides = array<i32>} : memref<128xi32, #tpu.memory_space<vmem>>, vector<16xi32>,
      %sub3A_421 = vector.broadcast %add3A_98 : i32 to vector<16xi32>
      %sub3A_422 = arith.subi %get3A_420, %sub3A_421 : vector<16xi32>
      %ge3A_423 = arith.constant 0 : i32
      %ge3A_424 = vector.broadcast %ge3A_423 : i32 to vector<16xi32>
      %ge3A_425 = arith.cmpi sge, %sub3A_422, %ge3A_424 : vector<16xi32>
      %lt3A_426 = arith.constant 88 : i32
      %lt3A_427 = vector.broadcast %lt3A_426 : i32 to vector<16xi32>
      %lt3A_428 = arith.cmpi slt, %sub3A_422, %lt3A_427 : vector<16xi32>
      %and3A_429 = arith.andi %ge3A_425, %lt3A_428 : vector<16xi1>
      %jit3A_430 = arith.constant 0 : i32
      %jit3A_431 = arith.constant 87 : i32
      %max3A_432 = vector.broadcast %jit3A_430 : i32 to vector<16xi32>
      %max3A_433 = arith.maxsi %max3A_432, %sub3A_422 : vector<16xi32>
      %min3A_434 = vector.broadcast %jit3A_431 : i32 to vector<16xi32>
      %min3A_435 = arith.minsi %min3A_434, %max3A_433 : vector<16xi32>
      %add3A_436 = arith.constant 96 : i32
      %add3A_437 = vector.broadcast %add3A_436 : i32 to vector<16xi32>
      %add3A_438 = arith.addi %add3A_437, %iota3A : vector<16xi32>
      %gather3A_439 = tpu.vector_load_idx %arg10[%min3A_435, %add3A_438] : memref<88x128xf32, #tpu.memory_space<vmem>>[vector<16xi32>, vector<16xi32>], vector<16xf32>,
      %get3A_440 = arith.constant 96 : index
      %get3A_441 = tpu.vector_load %arg12[%get3A_440] {strides = array<i32>} : memref<128xf32, #tpu.memory_space<vmem>>, vector<16xf32>,
      %select_n3A_442 = arith.select %and3A_429, %gather3A_439, %get3A_441 : vector<16xi1>, vector<16xf32>
      %swap3A_443 = arith.constant 96 : index
      %swap3A_444 = tpu.vector_load %arg12[%swap3A_443] {strides = array<i32>} : memref<128xf32, #tpu.memory_space<vmem>>, vector<16xf32>,
      tpu.vector_store %arg12[%swap3A_443], %select_n3A_442 {strides = array<i32>} : memref<128xf32, #tpu.memory_space<vmem>>, vector<16xf32>,
      %get3A_445 = arith.constant 112 : index
      %get3A_446 = tpu.vector_load %arg11[%get3A_445] {strides = array<i32>} : memref<128xi32, #tpu.memory_space<vmem>>, vector<16xi32>,
      %sub3A_447 = vector.broadcast %add3A_98 : i32 to vector<16xi32>
      %sub3A_448 = arith.subi %get3A_446, %sub3A_447 : vector<16xi32>
      %ge3A_449 = arith.constant 0 : i32
      %ge3A_450 = vector.broadcast %ge3A_449 : i32 to vector<16xi32>
      %ge3A_451 = arith.cmpi sge, %sub3A_448, %ge3A_450 : vector<16xi32>
      %lt3A_452 = arith.constant 88 : i32
      %lt3A_453 = vector.broadcast %lt3A_452 : i32 to vector<16xi32>
      %lt3A_454 = arith.cmpi slt, %sub3A_448, %lt3A_453 : vector<16xi32>
      %and3A_455 = arith.andi %ge3A_451, %lt3A_454 : vector<16xi1>
      %jit3A_456 = arith.constant 0 : i32
      %jit3A_457 = arith.constant 87 : i32
      %max3A_458 = vector.broadcast %jit3A_456 : i32 to vector<16xi32>
      %max3A_459 = arith.maxsi %max3A_458, %sub3A_448 : vector<16xi32>
      %min3A_460 = vector.broadcast %jit3A_457 : i32 to vector<16xi32>
      %min3A_461 = arith.minsi %min3A_460, %max3A_459 : vector<16xi32>
      %add3A_462 = arith.constant 112 : i32
      %add3A_463 = vector.broadcast %add3A_462 : i32 to vector<16xi32>
      %add3A_464 = arith.addi %add3A_463, %iota3A : vector<16xi32>
      %gather3A_465 = tpu.vector_load_idx %arg10[%min3A_461, %add3A_464] : memref<88x128xf32, #tpu.memory_space<vmem>>[vector<16xi32>, vector<16xi32>], vector<16xf32>,
      %get3A_466 = arith.constant 112 : index
      %get3A_467 = tpu.vector_load %arg12[%get3A_466] {strides = array<i32>} : memref<128xf32, #tpu.memory_space<vmem>>, vector<16xf32>,
      %select_n3A_468 = arith.select %and3A_455, %gather3A_465, %get3A_467 : vector<16xi1>, vector<16xf32>
      %swap3A_469 = arith.constant 112 : index
      %swap3A_470 = tpu.vector_load %arg12[%swap3A_469] {strides = array<i32>} : memref<128xf32, #tpu.memory_space<vmem>>, vector<16xf32>,
      tpu.vector_store %arg12[%swap3A_469], %select_n3A_468 {strides = array<i32>} : memref<128xf32, #tpu.memory_space<vmem>>, vector<16xf32>,
    } else {
    }
    "tpu.region"() ({
      %run_scoped3A = tpu.sem_alloc : memref<!tpu.dma_semaphore, #tpu.memory_space<semaphore_mem>>
      %dma_start3A_92 = arith.constant 0 : i32
      %dma_start3A_93 = tpu.memref_slice %arg4[%add3A, %dma_start3A_92] : memref<32x128xf32, #tpu.memory_space<hbm>> -> memref<1x128xf32, #tpu.memory_space<hbm>>
      %dma_start3A_94 = tpu.memref_squeeze %dma_start3A_93 : memref<1x128xf32, #tpu.memory_space<hbm>> -> memref<128xf32, #tpu.memory_space<hbm>>
      %dma_start3A_95 = arith.constant 0 : i32
      %dma_start3A_96 = tpu.memref_slice %arg4[%add3A, %dma_start3A_95] : memref<32x128xf32, #tpu.memory_space<hbm>> -> memref<1x128xf32, #tpu.memory_space<hbm>>
      %dma_start3A_97 = tpu.memref_squeeze %dma_start3A_96 : memref<1x128xf32, #tpu.memory_space<hbm>> -> memref<128xf32, #tpu.memory_space<hbm>>
      tpu.enqueue_dma source(%arg12 : memref<128xf32, #tpu.memory_space<vmem>>) target(%dma_start3A_97 : memref<128xf32, #tpu.memory_space<hbm>>) target_semaphore(%run_scoped3A : memref<!tpu.dma_semaphore, #tpu.memory_space<semaphore_mem>>)
      %dma_wait3A = arith.constant 0 : i32
      %dma_wait3A_98 = tpu.memref_slice %arg4[%add3A, %dma_wait3A] : memref<32x128xf32, #tpu.memory_space<hbm>> -> memref<1x128xf32, #tpu.memory_space<hbm>>
      %dma_wait3A_99 = tpu.memref_squeeze %dma_wait3A_98 : memref<1x128xf32, #tpu.memory_space<hbm>> -> memref<128xf32, #tpu.memory_space<hbm>>
      %dma_wait3A_100 = arith.constant 0 : i32
      %dma_wait3A_101 = tpu.memref_slice %arg4[%add3A, %dma_wait3A_100] : memref<32x128xf32, #tpu.memory_space<hbm>> -> memref<1x128xf32, #tpu.memory_space<hbm>>
      %dma_wait3A_102 = tpu.memref_squeeze %dma_wait3A_101 : memref<1x128xf32, #tpu.memory_space<hbm>> -> memref<128xf32, #tpu.memory_space<hbm>>
      tpu.wait_dma2 semaphore(%run_scoped3A : memref<!tpu.dma_semaphore, #tpu.memory_space<semaphore_mem>>) src(%arg12 : memref<128xf32, #tpu.memory_space<vmem>>) dst(%dma_wait3A_102 : memref<128xf32, #tpu.memory_space<hbm>>)
      tpu.yield
    }) : () -> ()
    "tpu.region"() ({
      %run_scoped3A = tpu.sem_alloc : memref<!tpu.dma_semaphore, #tpu.memory_space<semaphore_mem>>
      %dma_start3A_92 = arith.constant 0 : i32
      %dma_start3A_93 = tpu.memref_slice %arg5[%add3A, %dma_start3A_92] : memref<32x128xf32, #tpu.memory_space<hbm>> -> memref<1x128xf32, #tpu.memory_space<hbm>>
      %dma_start3A_94 = tpu.memref_squeeze %dma_start3A_93 : memref<1x128xf32, #tpu.memory_space<hbm>> -> memref<128xf32, #tpu.memory_space<hbm>>
      %dma_start3A_95 = arith.constant 0 : i32
      %dma_start3A_96 = tpu.memref_slice %arg5[%add3A, %dma_start3A_95] : memref<32x128xf32, #tpu.memory_space<hbm>> -> memref<1x128xf32, #tpu.memory_space<hbm>>
      %dma_start3A_97 = tpu.memref_squeeze %dma_start3A_96 : memref<1x128xf32, #tpu.memory_space<hbm>> -> memref<128xf32, #tpu.memory_space<hbm>>
      tpu.enqueue_dma source(%arg13 : memref<128xf32, #tpu.memory_space<vmem>>) target(%dma_start3A_97 : memref<128xf32, #tpu.memory_space<hbm>>) target_semaphore(%run_scoped3A : memref<!tpu.dma_semaphore, #tpu.memory_space<semaphore_mem>>)
      %dma_wait3A = arith.constant 0 : i32
      %dma_wait3A_98 = tpu.memref_slice %arg5[%add3A, %dma_wait3A] : memref<32x128xf32, #tpu.memory_space<hbm>> -> memref<1x128xf32, #tpu.memory_space<hbm>>
      %dma_wait3A_99 = tpu.memref_squeeze %dma_wait3A_98 : memref<1x128xf32, #tpu.memory_space<hbm>> -> memref<128xf32, #tpu.memory_space<hbm>>
      %dma_wait3A_100 = arith.constant 0 : i32
      %dma_wait3A_101 = tpu.memref_slice %arg5[%add3A, %dma_wait3A_100] : memref<32x128xf32, #tpu.memory_space<hbm>> -> memref<1x128xf32, #tpu.memory_space<hbm>>
      %dma_wait3A_102 = tpu.memref_squeeze %dma_wait3A_101 : memref<1x128xf32, #tpu.memory_space<hbm>> -> memref<128xf32, #tpu.memory_space<hbm>>
      tpu.wait_dma2 semaphore(%run_scoped3A : memref<!tpu.dma_semaphore, #tpu.memory_space<semaphore_mem>>) src(%arg13 : memref<128xf32, #tpu.memory_space<vmem>>) dst(%dma_wait3A_102 : memref<128xf32, #tpu.memory_space<hbm>>)
      tpu.yield
    }) : () -> ()
    "tpu.region"() ({
      %run_scoped3A = tpu.sem_alloc : memref<!tpu.dma_semaphore, #tpu.memory_space<semaphore_mem>>
      %dma_start3A_92 = arith.constant 0 : i32
      %dma_start3A_93 = tpu.memref_slice %arg6[%add3A, %dma_start3A_92] : memref<32x128xf32, #tpu.memory_space<hbm>> -> memref<1x128xf32, #tpu.memory_space<hbm>>
      %dma_start3A_94 = tpu.memref_squeeze %dma_start3A_93 : memref<1x128xf32, #tpu.memory_space<hbm>> -> memref<128xf32, #tpu.memory_space<hbm>>
      %dma_start3A_95 = arith.constant 0 : i32
      %dma_start3A_96 = tpu.memref_slice %arg6[%add3A, %dma_start3A_95] : memref<32x128xf32, #tpu.memory_space<hbm>> -> memref<1x128xf32, #tpu.memory_space<hbm>>
      %dma_start3A_97 = tpu.memref_squeeze %dma_start3A_96 : memref<1x128xf32, #tpu.memory_space<hbm>> -> memref<128xf32, #tpu.memory_space<hbm>>
      tpu.enqueue_dma source(%arg14 : memref<128xf32, #tpu.memory_space<vmem>>) target(%dma_start3A_97 : memref<128xf32, #tpu.memory_space<hbm>>) target_semaphore(%run_scoped3A : memref<!tpu.dma_semaphore, #tpu.memory_space<semaphore_mem>>)
      %dma_wait3A = arith.constant 0 : i32
      %dma_wait3A_98 = tpu.memref_slice %arg6[%add3A, %dma_wait3A] : memref<32x128xf32, #tpu.memory_space<hbm>> -> memref<1x128xf32, #tpu.memory_space<hbm>>
      %dma_wait3A_99 = tpu.memref_squeeze %dma_wait3A_98 : memref<1x128xf32, #tpu.memory_space<hbm>> -> memref<128xf32, #tpu.memory_space<hbm>>
      %dma_wait3A_100 = arith.constant 0 : i32
      %dma_wait3A_101 = tpu.memref_slice %arg6[%add3A, %dma_wait3A_100] : memref<32x128xf32, #tpu.memory_space<hbm>> -> memref<1x128xf32, #tpu.memory_space<hbm>>
      %dma_wait3A_102 = tpu.memref_squeeze %dma_wait3A_101 : memref<1x128xf32, #tpu.memory_space<hbm>> -> memref<128xf32, #tpu.memory_space<hbm>>
      tpu.wait_dma2 semaphore(%run_scoped3A : memref<!tpu.dma_semaphore, #tpu.memory_space<semaphore_mem>>) src(%arg14 : memref<128xf32, #tpu.memory_space<vmem>>) dst(%dma_wait3A_102 : memref<128xf32, #tpu.memory_space<hbm>>)
      tpu.yield
    }) : () -> ()
    "tpu.region"() ({
      %run_scoped3A = tpu.sem_alloc : memref<!tpu.dma_semaphore, #tpu.memory_space<semaphore_mem>>
      %dma_start3A_92 = arith.constant 0 : i32
      %dma_start3A_93 = tpu.memref_slice %arg7[%add3A, %dma_start3A_92] : memref<32x128xi32, #tpu.memory_space<hbm>> -> memref<1x128xi32, #tpu.memory_space<hbm>>
      %dma_start3A_94 = tpu.memref_squeeze %dma_start3A_93 : memref<1x128xi32, #tpu.memory_space<hbm>> -> memref<128xi32, #tpu.memory_space<hbm>>
      %dma_start3A_95 = arith.constant 0 : i32
      %dma_start3A_96 = tpu.memref_slice %arg7[%add3A, %dma_start3A_95] : memref<32x128xi32, #tpu.memory_space<hbm>> -> memref<1x128xi32, #tpu.memory_space<hbm>>
      %dma_start3A_97 = tpu.memref_squeeze %dma_start3A_96 : memref<1x128xi32, #tpu.memory_space<hbm>> -> memref<128xi32, #tpu.memory_space<hbm>>
      tpu.enqueue_dma source(%arg15 : memref<128xi32, #tpu.memory_space<vmem>>) target(%dma_start3A_97 : memref<128xi32, #tpu.memory_space<hbm>>) target_semaphore(%run_scoped3A : memref<!tpu.dma_semaphore, #tpu.memory_space<semaphore_mem>>)
      %dma_wait3A = arith.constant 0 : i32
      %dma_wait3A_98 = tpu.memref_slice %arg7[%add3A, %dma_wait3A] : memref<32x128xi32, #tpu.memory_space<hbm>> -> memref<1x128xi32, #tpu.memory_space<hbm>>
      %dma_wait3A_99 = tpu.memref_squeeze %dma_wait3A_98 : memref<1x128xi32, #tpu.memory_space<hbm>> -> memref<128xi32, #tpu.memory_space<hbm>>
      %dma_wait3A_100 = arith.constant 0 : i32
      %dma_wait3A_101 = tpu.memref_slice %arg7[%add3A, %dma_wait3A_100] : memref<32x128xi32, #tpu.memory_space<hbm>> -> memref<1x128xi32, #tpu.memory_space<hbm>>
      %dma_wait3A_102 = tpu.memref_squeeze %dma_wait3A_101 : memref<1x128xi32, #tpu.memory_space<hbm>> -> memref<128xi32, #tpu.memory_space<hbm>>
      tpu.wait_dma2 semaphore(%run_scoped3A : memref<!tpu.dma_semaphore, #tpu.memory_space<semaphore_mem>>) src(%arg15 : memref<128xi32, #tpu.memory_space<vmem>>) dst(%dma_wait3A_102 : memref<128xi32, #tpu.memory_space<hbm>>)
      tpu.yield
    }) : () -> ()
    return
  }
}

module attributes {stable_mosaic.version = 14 : i64} {
  func.func @_tc_merge(%arg0: memref<32x128xf32, #tpu.memory_space<vmem>>, %arg1: memref<32x128xf32, #tpu.memory_space<vmem>>, %arg2: memref<32x128xi32, #tpu.memory_space<vmem>>, %arg3: memref<32x128xf32, #tpu.memory_space<vmem>>, %arg4: memref<1x128xf32, #tpu.memory_space<vmem>>, %arg5: memref<1x128xi32, #tpu.memory_space<vmem>>) attributes {dimension_semantics = [], scalar_prefetch = 0 : i64, scratch_operands = 0 : i64, tpu.core_type = #tpu.core_type<tc>} {
    %get3A = arith.constant 0 : index
    %get3A_0 = arith.constant 0 : index
    %get3A_1 = vector.load %arg0[%get3A, %get3A_0] : memref<32x128xf32, #tpu.memory_space<vmem>>, vector<32x128xf32>
    %reduce_max3A = arith.constant dense<0xFF800000> : vector<128xf32>
    %reduce_max3A_2 = vector.multi_reduction <maximumf>, %get3A_1, %reduce_max3A [0] : vector<32x128xf32> to vector<128xf32>
    %broadcast_in_dim3A = vector.shape_cast %reduce_max3A_2 : vector<128xf32> to vector<1x128xf32>
    %get3A_3 = arith.constant 0 : index
    %get3A_4 = arith.constant 0 : index
    %get3A_5 = vector.load %arg1[%get3A_3, %get3A_4] : memref<32x128xf32, #tpu.memory_space<vmem>>, vector<32x128xf32>
    %sub3A = vector.broadcast %broadcast_in_dim3A : vector<1x128xf32> to vector<32x128xf32>
    %sub3A_6 = arith.subf %get3A_1, %sub3A : vector<32x128xf32>
    %exp3A = math.exp %sub3A_6 : vector<32x128xf32>
    %mul3A = arith.mulf %get3A_5, %exp3A : vector<32x128xf32>
    %reduce_sum3A = arith.constant dense<0.000000e+00> : vector<128xf32>
    %reduce_sum3A_7 = vector.multi_reduction <add>, %mul3A, %reduce_sum3A [0] : vector<32x128xf32> to vector<128xf32>
    %broadcast_in_dim3A_8 = vector.shape_cast %reduce_sum3A_7 : vector<128xf32> to vector<1x128xf32>
    %get3A_9 = arith.constant 0 : index
    %get3A_10 = arith.constant 0 : index
    %get3A_11 = vector.load %arg3[%get3A_9, %get3A_10] : memref<32x128xf32, #tpu.memory_space<vmem>>, vector<32x128xf32>
    %reduce_sum3A_12 = arith.constant dense<0.000000e+00> : vector<128xf32>
    %reduce_sum3A_13 = vector.multi_reduction <add>, %get3A_11, %reduce_sum3A_12 [0] : vector<32x128xf32> to vector<128xf32>
    %broadcast_in_dim3A_14 = vector.shape_cast %reduce_sum3A_13 : vector<128xf32> to vector<1x128xf32>
    %log3A = math.log %broadcast_in_dim3A_8 : vector<1x128xf32>
    %add3A = arith.addf %broadcast_in_dim3A, %log3A : vector<1x128xf32>
    %sub3A_15 = arith.subf %broadcast_in_dim3A_14, %add3A : vector<1x128xf32>
    %swap3A = arith.constant 0 : index
    %swap3A_16 = arith.constant 0 : index
    %swap3A_17 = vector.load %arg4[%swap3A, %swap3A_16] : memref<1x128xf32, #tpu.memory_space<vmem>>, vector<1x128xf32>
    tpu.vector_store %arg4[%swap3A, %swap3A_16], %sub3A_15 {strides = array<i32>} : memref<1x128xf32, #tpu.memory_space<vmem>>, vector<1x128xf32>,
    %eq3A = vector.broadcast %broadcast_in_dim3A : vector<1x128xf32> to vector<32x128xf32>
    %eq3A_18 = arith.cmpf oeq, %get3A_1, %eq3A : vector<32x128xf32>
    %get3A_19 = arith.constant 0 : index
    %get3A_20 = arith.constant 0 : index
    %get3A_21 = vector.load %arg2[%get3A_19, %get3A_20] : memref<32x128xi32, #tpu.memory_space<vmem>>, vector<32x128xi32>
    %jit3A = arith.constant 2147483647 : i32
    %broadcast_in_dim3A_22 = vector.broadcast %jit3A : i32 to vector<32x128xi32>
    %select_n3A = arith.select %eq3A_18, %get3A_21, %broadcast_in_dim3A_22 : vector<32x128xi1>, vector<32x128xi32>
    %reduce_min3A = arith.constant dense<2147483647> : vector<128xi32>
    %reduce_min3A_23 = vector.multi_reduction <minsi>, %select_n3A, %reduce_min3A [0] : vector<32x128xi32> to vector<128xi32>
    %broadcast_in_dim3A_24 = vector.shape_cast %reduce_min3A_23 : vector<128xi32> to vector<1x128xi32>
    %swap3A_25 = arith.constant 0 : index
    %swap3A_26 = arith.constant 0 : index
    %swap3A_27 = vector.load %arg5[%swap3A_25, %swap3A_26] : memref<1x128xi32, #tpu.memory_space<vmem>>, vector<1x128xi32>
    tpu.vector_store %arg5[%swap3A_25, %swap3A_26], %broadcast_in_dim3A_24 {strides = array<i32>} : memref<1x128xi32, #tpu.memory_space<vmem>>, vector<1x128xi32>,
    return
  }
}

</mosaic_0001>

<sc_bundles>
// kernel: kernel.4.cloned.1.call-start
scs
__scs_entry_jumppad:
0x0: {  	(pc) =	sbr.rel $0x88, $3  }
0x1: {  	(tag) =	ssettag $0x0;
	lr =	simm.s32 $0x1  }
0x2: {  	[smem:$0x3F9F] =	sst lr;
	_ =	strace $0xD0000000  }
0x3: {  	_ = 	snop  }
0x4: {  	_ = 	snop  }
0x5: {  	_ = 	snop  }
0x6: {  	_ = 	snop  }
0x7: {  	_ = 	snop  }
__scs_overlays_trampoline_lowered:
0x8: {  	[smem:$0x3FAE] =	sst s0  }
0x9: {  	[smem:$0x3FAF] =	sst s1  }
0xa: {  	[smem:$0x3FB0] =	sst s2  }
0xb: {  	[smem:$0x3FB1] =	sst s3  }
0xc: {  	[smem:$0x3FB2] =	sst s4  }
0xd: {  	[smem:$0x3FB3] =	sst s5  }
0xe: {  	[smem:$0x3FB4] =	sst s6  }
0xf: {  	[smem:$0x3FB5] =	sst s7  }
0x10: {  	[smem:$0x3FB6] =	sst s8  }
0x11: {  	[smem:$0x3FB7] =	sst s9;
	s0 =	simm.s32 @!p0 $0x0  }
0x12: {  	s1 =	sld [smem:$0x3F9D];
	s0 =	simm.s32 @p0 $0x1  }
0x13: {  	[smem:$0x3FB8] =	sst s0;
	s0 =	simm.s32 @!p1 $0x0  }
0x14: {  	s2 =	sld [smem:$0x3F9C];
	s0 =	simm.s32 @p1 $0x1  }
0x15: {  	[smem:$0x3FB9] =	sst s0;
	s0 =	simm.s32 @!p2 $0x0  }
0x16: {  	s3 =	sld [smem:$0x3FDB];
	s0 =	simm.s32 @p2 $0x1  }
0x17: {  	s4 =	simm.s32 $0x1BF5;
	[smem:$0x3FBB] =	sst s0  }
0x18: {  	s0 =	sld [smem:$0x3F9E];
	_ =	swait.ge [sflag:s4], $0x0  }
0x19: {  	s7 =	sld [smem:$0x3F9F]  }
0x1a: {  	s8 =	sadd.s32 $0xFFFFE003, lr  }
0x1b: {  	s9 =	sadd.s32 $0xFFFFFEF7, lr;
	s5 =	simm.s32 $0xFFFFFFFF;
	p2 =	slt.u32 s8, $0xFFFFF086  }
0x1c: {  	p1 =	slt.u32 s9, $0xF7A;
	s5 =	simm.s32 @!p2 $0x0  }
0x1d: {  	s5 =	simm.s32 @p1 $0x1;
	p0 =	seq.s32 s7, s2  }
0x1e: {  	s7 =	smul.u32 @!p0 $0xF7A, s2;
	p2 =	seq.s32 @!p0 s5, $0x0  }
0x1f: {  	s9 =	smul.u32 $0xF7A, s1;
	s8 =	simm.s32 @!p0 $0x1BF5;
	p2 =	por !p2, p0  }
0x20: {  	[sflag:s8] =	ssyncset.s32 @!p0 $0xFFFFF086;
	s6 =	sadd.s32 @!p0 s3, s7;
	s7 =	simm.s32 @!p0 $0x108  }
0x21: {  	s3 =	sadd.s32 s3, s9;
	s6 =	sadd.s32 @!p0 $0x88, s6;
	s7 =	simm.s32 @p2 $0x1082  }
0x22: {  	[simem:s7], [sflag:s8] =	dma.local @!p0 [hbm:s6], $0xF7A  }
0x23: {  	s9 =	sor.u32 $0xD0000000, s2;
	s6 =	simm.s32 $0x108;
	_ =	swait.ge @!p0 [sflag:s8], $0x0  }
0x24: {  	s3 =	sadd.s32 $0x88, s3;
	s6 =	simm.s32 @!p1 $0x1082;
	[sflag:s4] =	ssyncset.s32 $0xFFFFF086  }
0x25: {  	[simem:s6], [sflag:s4] =	dma.local [hbm:s3], $0xF7A  }
0x26: {  	[smem:$0x3F9F] =	sst s1;
	(tag) =	ssettag s2;
	_ =	strace s9  }
0x27: {  	s1 =	sld [smem:$0x3FAF]  }
0x28: {  	s2 =	sld [smem:$0x3FB0]  }
0x29: {  	s4 =	sld [smem:$0x3FB2]  }
0x2a: {  	p0 =	seq.s32 s5, $0x0;
	s5 =	sld [smem:$0x3FB3]  }
0x2b: {  	s6 =	sld [smem:$0x3FB4]  }
0x2c: {  	s7 =	sld [smem:$0x3FB5]  }
0x2d: {  	s3 =	simm.s32 $0x108;
	s8 =	sld [smem:$0x3FB6]  }
0x2e: {  	s3 =	simm.s32 @!p0 $0x1082;
	s9 =	sld [smem:$0x3FB7]  }
0x2f: {  	lr =	sadd.s32 s0, s3;
	s0 =	sld [smem:$0x3FAE]  }
0x30: {  	s3 =	sld [smem:$0x3FB1]  }
0x31: {  	[smem:$0x3FBA] =	sst s10  }
0x32: {  	s10 =	sld [smem:$0x3FB8];
	_ =	sdelay $0x3  }
0x33: {  	p0 =	seq.s32 s10, $0x1;
	s10 =	sld [smem:$0x3FBA];
	_ =	sdelay $0x3  }
0x34: {  	[smem:$0x3FBA] =	sst s10  }
0x35: {  	s10 =	sld [smem:$0x3FB9];
	_ =	sdelay $0x3  }
0x36: {  	p1 =	seq.s32 s10, $0x1;
	s10 =	sld [smem:$0x3FBA];
	_ =	sdelay $0x3  }
0x37: {  	[smem:$0x3FBA] =	sst s10  }
0x38: {  	s10 =	sld [smem:$0x3FBB]  }
0x39: {  	_ = 	snop;
	(pc) =	sbr.ind lr, $3  }
0x3a: {  	_ = 	snop  }
0x3b: {  	_ = 	snop  }
0x3c: {  	p2 =	seq.s32 s10, $0x1;
	s10 =	sld [smem:$0x3FBA]  }
0x3d: {  	_ =	shalt  }
0x3e: {  	_ =	shalt  }
0x3f: {  	_ =	shalt  }
0x40: {  	_ =	shalt  }
0x41: {  	_ =	shalt  }
0x42: {  	_ =	shalt  }
0x43: {  	_ =	shalt  }
0x44: {  	_ =	shalt  }
0x45: {  	_ =	shalt  }
0x46: {  	_ =	shalt  }
0x47: {  	_ =	shalt  }
0x48: {  	_ =	shalt  }
0x49: {  	_ =	shalt  }
0x4a: {  	_ =	shalt  }
0x4b: {  	_ =	shalt  }
0x4c: {  	_ =	shalt  }
0x4d: {  	_ =	shalt  }
0x4e: {  	_ =	shalt  }
0x4f: {  	_ =	shalt  }
0x50: {  	_ =	shalt  }
0x51: {  	_ =	shalt  }
0x52: {  	_ =	shalt  }
0x53: {  	_ =	shalt  }
0x54: {  	_ =	shalt  }
0x55: {  	_ =	shalt  }
0x56: {  	_ =	shalt  }
0x57: {  	_ =	shalt  }
0x58: {  	_ =	shalt  }
0x59: {  	_ =	shalt  }
0x5a: {  	_ =	shalt  }
0x5b: {  	_ =	shalt  }
0x5c: {  	_ =	shalt  }
0x5d: {  	_ =	shalt  }
0x5e: {  	_ =	shalt  }
0x5f: {  	_ =	shalt  }
0x60: {  	_ =	shalt  }
0x61: {  	_ =	shalt  }
0x62: {  	_ =	shalt  }
0x63: {  	_ =	shalt  }
0x64: {  	_ =	shalt  }
0x65: {  	_ =	shalt  }
0x66: {  	_ =	shalt  }
0x67: {  	_ =	shalt  }
0x68: {  	_ =	shalt  }
0x69: {  	_ =	shalt  }
0x6a: {  	_ =	shalt  }
0x6b: {  	_ =	shalt  }
0x6c: {  	_ =	shalt  }
0x6d: {  	_ =	shalt  }
0x6e: {  	_ =	shalt  }
0x6f: {  	_ =	shalt  }
0x70: {  	_ =	shalt  }
0x71: {  	_ =	shalt  }
0x72: {  	_ =	shalt  }
0x73: {  	_ =	shalt  }
0x74: {  	_ =	shalt  }
0x75: {  	_ =	shalt  }
0x76: {  	_ =	shalt  }
0x77: {  	_ =	shalt  }
0x78: {  	_ =	shalt  }
0x79: {  	_ =	shalt  }
0x7a: {  	_ =	shalt  }
0x7b: {  	_ =	shalt  }
0x7c: {  	_ =	shalt  }
0x7d: {  	_ =	shalt  }
0x7e: {  	_ =	shalt  }
0x7f: {  	_ =	shalt  }
0x80: {  	_ =	shalt  }
0x81: {  	_ =	shalt  }
0x82: {  	_ =	shalt  }
0x83: {  	_ =	shalt  }
0x84: {  	_ =	shalt  }
0x85: {  	_ =	shalt  }
0x86: {  	_ =	shalt  }
0x87: {  	_ =	shalt  }
.Lfunc_end0:
.L_simem_size_0:
called_computation_lowered:
.L_overlay_start_0:
0x88: {  	s2 =	sld [smem:$0x3FD9]  }
0x89: {  	s3 =	sld [smem:$0x3FFE];
	_ =	sdelay $0x1  }
0x8a: {  	s1 =	srdreg.scid  }
0x8b: {  	s0 =	sand.u32 $0x1, s1  }
0x8c: {  	s17 =	sshll.u32 s0, $0xA;
	s2 =	sadd.s32 s3, s2  }
0x8d: {  	s2 =	sadd.s32 s2, s17  }
0x8e: {  	[smem:$0x3FC6] =	sst s2  }
0x8f: {  	_ = 	snop  }
0x90: {  	s2 =	sld [smem:$0x3FC9]  }
0x91: {  	s18 =	sld [smem:$0x3FC8];
	(tm) =	ssettm $0x1  }
0x92: {  	s4 =	sld [smem:$0x3FFB];
	_ =	sdelay $0x3  }
0x93: {  	_ =	strace s4  }
0x94: {  	s4 =	sld [smem:$0x3FFC];
	_ =	sdelay $0x3  }
0x95: {  	_ =	strace s4  }
0x96: {  	s4 =	sld [smem:$0x3FFD];
	_ =	sdelay $0x3  }
0x97: {  	_ =	strace s4  }
0x98: {  	_ =	strace $0x8FFFFFFF  }
0x99: {  	s19 =	sld [smem:$0x3FDB];
	_ =	sdelay $0x1  }
0x9a: {  	s5 =	simm.s32 $_scs_section_size  }
0x9b: {  	s6 =	simm.s32 $_size__tile_overlayer_lowered;
	s7 =	simm.s32 $_tile_overlayer_lowered  }
0x9c: {  	s22 =	simm.s32 $0x1BFF;
	s21 =	sshll.u32 s7, $0x1;
	s4 =	sadd.s32 s5, s19  }
0x9d: {  	s8 =	simm.s32 $0x0;
	s20 =	sshll.u32 s6, $0x1;
	s6 =	sadd.s32 s21, s4  }
0x9e: {  	[timem:s8], [sflag:s22] =	dma.local [hbm:s6], s20  }
0x9f: {  	_ =	swait.ge [sflag:s22], s20  }
0xa0: {  	s5 =	ssub.s32 $0x0, s20;
	[sflag:s22] =	ssyncset.done $0x0  }
0xa1: {  	[sflag:s22] =	ssyncadd.s32 s5;
	_ =	sdelay $0x1  }
0xa2: {  	s23 =	simm.s32 $0x1B8B  }
0xa3: {  	_ =	swait.ge [sflag:s23], $0x1  }
0xa4: {  	[sflag:s23] =	ssyncset.done $0x0  }
0xa5: {  	s25 =	simm.s32 $0x1B8E;
	s24 =	sld [smem:$0x3FFE];
	[sflag:s23] =	ssyncadd.s32 $0xFFFFFFFF  }
0xa6: {  	s26 =	simm.s32 $execute0_lowered;
	[smem:$0x3FD2] =	sst s25  }
0xa7: {  	s6 =	sshll.u32 s26, $0x1;
	_ =	strace $0x80000046;
	[dreg:$0x1] =	wrdreg $0xFFFFFFFF  }
0xa8: {  	s28 =	simm.s32 $_size_execute0_lowered;
	s4 =	sadd.s32 s4, s6;
	[dreg:$0x0] =	wrdreg $0x0  }
0xa9: {  	s6 =	sshll.u32 s28, $0x1;
	[dreg:$0x2] =	wrdreg s4  }
0xaa: {  	[dreg:$0x3] =	wrdreg s6  }
0xab: {  	[dreg:$0x4] =	wrdreg $0xC0  }
0xac: {  	_ =	task [dreg:s8], $0x5FFFF  }
0xad: {  	[dreg:$0x1] =	wrdreg $0xFFFFFFFF  }
0xae: {  	[dreg:$0x0] =	wrdreg $0x60  }
0xaf: {  	[dreg:$0x2] =	wrdreg s2  }
0xb0: {  	[dreg:$0x3] =	wrdreg s18  }
0xb1: {  	[dreg:$0x4] =	wrdreg s24  }
0xb2: {  	[dreg:$0x5] =	wrdreg $0x9  }
0xb3: {  	_ =	task.clear_ibuf [dreg:s8], $0x6FFFF;
	_ =	strace $0x90000046  }
0xb4: {  	s29 =	simm.s32 $0x9;
	_ =	strace $0x80000048  }
0xb5: {  	_ =	swait.ge [sflag:s29], $0x1  }
0xb6: {  	[sflag:s29] =	ssyncadd.s32 $0xFFFFFFFF  }
0xb7: {  	_ =	strace $0x90000048  }
0xb8: {  	_ =	sfence  }
0xb9: {  	s30 =	sld [smem:$0x0];
	_ =	sdelay $0x2  }
0xba: {  	s31 =	sshll.u32 s1, $0xD;
	s1 =	sshrl.u32 s1, $0x2  }
0xbb: {  	s3 =	sand.u32 $0x4000, s31;
	s1 =	sadd.s32 s1, s30  }
0xbc: {  	s0 =	sor.u32 s3, s0;
	s1 =	sshll.u32 s1, $0x11  }
0xbd: {  	s0 =	sor.u32 s1, s0  }
0xbe: {  	s0 =	sadd.s32 $0x8F2B, s0  }
0xbf: {  	[sflag:s0] =	ssyncadd.remote.s32 $0x1  }
0xc0: {  	_ =	sfence.sel $0xFFFF  }
0xc1: {  	[dreg:$0x0] =	wrdreg $0xFFFFFFFF;
	(pc) =	sbr.abs _section_cstart, $3  }
0xc2: {  	[dreg:$0x1] =	wrdreg $0xFFFFFFFF  }
0xc3: {  	_ =	task.clear_ibuf [dreg:s8], $0x2FFFF;
	_ =	strace $0x9FFFFFFF  }
0xc4: {  	(tm) =	ssettm $0x7FFFFFFF  }
0xc5: {  	_ =	shalt  }
tec
execute0_lowered:
.L_overlay_start_1:
0x0: {  	(tag) =	ssettag $0x1  }
0x1: {  	s1 =	rddreg [dreg:$0x0]  }
0x2: {  	s0 =	rddreg [dreg:$0x2]  }
0x3: {  	s2 =	srdreg.scid;
	s13 =	stileid.u32;
	s4 =	simm.s32 $0x0  }
0x4: {  	s21 =	simm.s32 $0x4;
	s22 =	simm.s32 $0x5C00;
	s23 =	simm.s32 $0x1  }
0x5: {  	s24 =	simm.s32 $0x2;
	s2 =	sand.u32 $0x1, s2;
	s3 =	sshll.u32 s13, $0x1  }
0x6: {  	[smem:$0x7FF] =	sst s4;
	s11 =	sadd.s32 $0x186480, s1;
	s19 =	smul.u32 $0x1870, s13  }
0x7: {  	s5 =	sor.u32 s2, s3;
	s29 =	ssub.s32 $0x2, s2;
	s2 =	smul.u32 $0xC38, s2  }
0x8: {  	s31 =	simm.s32 $0x0;
	_ =	strace $0x80000047;
	s7 =	smul.u32 $0x61C00, s5  }
0x9: {  	s3 =	sshll.u32 s5, $0x4;
	s8 =	smul.u32 $0xC380, s5;
	s9 =	sshrl.u32 s29, $0x1  }
0xa: {  	s6 =	smul.u32 $0xC38, s5;
	p0 =	seq.s32 s5, $0x1F;
	s0 =	sadd.s32 s3, s0  }
0xb: {  	s3 =	ssub.s32 s29, s9;
	s10 =	sshrl.u32 s7, $0x3;
	s30 =	sadd.s32 s1, s8  }
.Ltmp0:
0xc: {  	s9 =	sadd.s32 $0x170, s6;
	s12 =	sadd.s32 $0xB8, s6;
	(pc) =	sbr.rel .LBB2_1-.Ltmp0, $4  }
0xd: {  	s13 =	sadd.s32 $0x228, s6;
	s20 =	sadd.s32 $0xB80, s6;
	s14 =	sadd.s32 $0x1200, s0  }
0xe: {  	s15 =	sadd.s32 $0x1400, s0;
	s16 =	sadd.s32 $0x1600, s0;
	s17 =	sadd.s32 $0x1800, s0  }
0xf: {  	v1 =	vimm.f32 $-Inf;
	v2 =	vimm.s32 $0x0;
	s18 =	smax.u32 s3, $0x1;
	s0 =	sadd.s32 s2, s19;
	s10 =	sadd.s32 s1, s10  }
0x10: {  	v3 =	vimm.f32 $0.0e+00;
	v4 =	vlaneseq.u32;
	[dreg:$0x4] =	wrdreg s30;
	v0 =	vmov s20;
	s8 =	sadd.s32 $0xB80, s10;
	s10 =	sadd.s32 $0xB800, s10  }
.LBB2_23:
0x11: {  	v6 =	vshll.u32 v6, $0x7  }
0x12: {  	v5 =	vor.u32 v5, v6;
	_ =	sdelay $0x3  }
0x13: {  	v6 =	vld [tilespmem:$0xE4F0]  }
0x14: {  	v5 =	vld.idx.msk [tilespmem:v5+s2+$0x0], $0xffff;
	_ =	sdelay $0x4  }
0x15: {  	v5 =	vsel vm0, v5, v6  }
0x16: {  	s26 =	simm.s32 $0xE480;
	[tilespmem:$0xE4F0] =	vst v5  }
0x17: {  	[hbm4b:s14+s4] =	stream.linear.scatter [tilespmem:s26], [sflag:$0x4], $0x80, $0x38;
	[tilespmem:$0xE680] =	vst v63  }
0x18: {  	_ =	swait.ge [sflag:s21], $0x80  }
0x19: {  	[sflag:s21] =	ssyncset.done $0x0  }
0x1a: {  	s28 =	simm.s32 $0xE500;
	[sflag:s21] =	ssyncadd.s32 $0xFFFFFF80  }
0x1b: {  	[hbm4b:s15+s4] =	stream.linear.scatter [tilespmem:s28], [sflag:$0x4], $0x80, $0x38;
	[tilespmem:$0xE680] =	vst v63  }
0x1c: {  	_ =	swait.ge [sflag:s21], $0x80  }
0x1d: {  	[sflag:s21] =	ssyncset.done $0x0  }
0x1e: {  	s29 =	simm.s32 $0xE580;
	[sflag:s21] =	ssyncadd.s32 $0xFFFFFF80  }
0x1f: {  	[hbm4b:s16+s4] =	stream.linear.scatter [tilespmem:s29], [sflag:$0x4], $0x80, $0x38;
	[tilespmem:$0xE680] =	vst v63  }
0x20: {  	s31 =	sadd.s32 $0x1, s31;
	_ =	swait.ge [sflag:s21], $0x80  }
0x21: {  	p1 =	sne.s32 s31, s18;
	[sflag:s21] =	ssyncset.done $0x0  }
.Ltmp1:
0x22: {  	s30 =	simm.s32 $0xE600;
	[sflag:s21] =	ssyncadd.s32 $0xFFFFFF80;
	(pc) =	sbr.rel @!p1 .LBB2_24-.Ltmp1, $4  }
0x23: {  	[hbm4b:s17+s4] =	stream.linear.scatter [tilespmem:s30], [sflag:$0x4], $0x80, $0x38;
	[tilespmem:$0xE680] =	vst v63  }
0x24: {  	_ =	swait.ge [sflag:s21], $0x80  }
0x25: {  	[sflag:s21] =	ssyncset.done $0x0  }
0x26: {  	[sflag:s21] =	ssyncadd.s32 $0xFFFFFF80  }
.LBB2_1:
0x27: {  	s2 =	rddreg [dreg:$0x1];
	s3 =	simm.s32 $0xE400  }
0x28: {  	[tilespmem:s3], [sflag:$0x4] =	stream.linear.gather [hbm4b:s2+s4], $0x80, $0x38;
	[tilespmem:$0xE680] =	vst v63  }
0x29: {  	_ =	swait.ge [sflag:s21], $0x80  }
0x2a: {  	[sflag:s21] =	ssyncset.done $0x0  }
0x2b: {  	[sflag:s21] =	ssyncadd.s32 $0xFFFFFF80  }
0x2c: {  	[tilespmem:$0xE500] =	vst v1  }
0x2d: {  	[tilespmem:$0xE600] =	vst v2  }
0x2e: {  	[tilespmem:$0xE580] =	vst v3  }
0x2f: {  	[tilespmem:$0xE480] =	vst v3  }
0x30: {  	[tilespmem:$0xE510] =	vst v1  }
0x31: {  	[tilespmem:$0xE610] =	vst v2  }
0x32: {  	[tilespmem:$0xE590] =	vst v3  }
0x33: {  	[tilespmem:$0xE490] =	vst v3  }
0x34: {  	[tilespmem:$0xE520] =	vst v1  }
0x35: {  	[tilespmem:$0xE620] =	vst v2  }
0x36: {  	[tilespmem:$0xE5A0] =	vst v3  }
0x37: {  	[tilespmem:$0xE4A0] =	vst v3  }
0x38: {  	[tilespmem:$0xE530] =	vst v1  }
0x39: {  	[tilespmem:$0xE630] =	vst v2  }
0x3a: {  	[tilespmem:$0xE5B0] =	vst v3  }
0x3b: {  	[tilespmem:$0xE4B0] =	vst v3  }
0x3c: {  	[tilespmem:$0xE540] =	vst v1  }
0x3d: {  	[tilespmem:$0xE640] =	vst v2  }
0x3e: {  	[tilespmem:$0xE5C0] =	vst v3  }
0x3f: {  	[tilespmem:$0xE4C0] =	vst v3  }
0x40: {  	[tilespmem:$0xE550] =	vst v1  }
0x41: {  	[tilespmem:$0xE650] =	vst v2  }
0x42: {  	[tilespmem:$0xE5D0] =	vst v3  }
0x43: {  	[tilespmem:$0xE4D0] =	vst v3  }
0x44: {  	[tilespmem:$0xE560] =	vst v1  }
0x45: {  	[tilespmem:$0xE660] =	vst v2  }
0x46: {  	[tilespmem:$0xE5E0] =	vst v3  }
0x47: {  	[tilespmem:$0xE4E0] =	vst v3  }
0x48: {  	[tilespmem:$0xE570] =	vst v1  }
0x49: {  	[tilespmem:$0xE670] =	vst v2  }
0x4a: {  	[tilespmem:$0xE5F0] =	vst v3  }
0x4b: {  	s30 =	rddreg [dreg:$0x4];
	[tilespmem:$0xE4F0] =	vst v3  }
0x4c: {  	[tilespmem:s4], [sflag:$0x1] =	stream.linear.gather [hbm4b:s30+s4], $0x5C00, $0x38;
	[tilespmem:$0xE680] =	vst v63  }
0x4d: {  	s19 =	smov.u32 s0;
	s2 =	simm.s32 $0x0  }
0x4e: {  	[tilespmem:s22], [sflag:$0x2] =	stream.linear.gather [hbm4b:s8+s4], $0x5C00, $0x38;
	[tilespmem:$0xE680] =	vst v63  }
.LBB2_2:
0x4f: {  	_ =	swait.ge [sflag:s23], $0x5C00  }
0x50: {  	[sflag:s23] =	ssyncset.done $0x0  }
0x51: {  	[sflag:s23] =	ssyncadd.s32 $0xFFFFA400  }
0x52: {  	v20 =	vld [tilespmem:$0xE500]  }
0x53: {  	v19 =	vld [tilespmem:$0xE510]  }
0x54: {  	v18 =	vld [tilespmem:$0xE520]  }
0x55: {  	v17 =	vld [tilespmem:$0xE530]  }
0x56: {  	v16 =	vld [tilespmem:$0xE540]  }
0x57: {  	v14 =	vld [tilespmem:$0xE550]  }
0x58: {  	v13 =	vld [tilespmem:$0xE560]  }
0x59: {  	v15 =	vld [tilespmem:$0xE570]  }
0x5a: {  	v5 =	vld [tilespmem:$0xE600]  }
0x5b: {  	v6 =	vld [tilespmem:$0xE610]  }
0x5c: {  	v9 =	vld [tilespmem:$0xE620]  }
0x5d: {  	v22 =	vld [tilespmem:$0xE630]  }
0x5e: {  	v23 =	vld [tilespmem:$0xE640]  }
0x5f: {  	v12 =	vld [tilespmem:$0xE650]  }
0x60: {  	v24 =	vld [tilespmem:$0xE660]  }
0x61: {  	s30 =	simm.s32 $0x80;
	v21 =	vld [tilespmem:$0xE670]  }
0x62: {  	v8 =	vld [tilespmem:s30+$0xFFFFFF80]  }
0x63: {  	v25 =	vld [tilespmem:s30+$0xFFFFFFA0]  }
0x64: {  	v26 =	vld [tilespmem:s30+$0xFFFFFFB0]  }
0x65: {  	v29 =	vld [tilespmem:s30+$0xFFFFFFC0]  }
0x66: {  	v30 =	vld [tilespmem:s30+$0xFFFFFFD0]  }
0x67: {  	v7 =	vld [tilespmem:s30+$0x40]  }
0x68: {  	v32 =	vld [tilespmem:s30+$0x0]  }
0x69: {  	v28 =	vld [tilespmem:s30+$0xFFFFFFE0]  }
0x6a: {  	v10 =	vld [tilespmem:s30+$0x50]  }
0x6b: {  	v35 =	vld [tilespmem:s30+$0xFFFFFF90];
	vm0 =	vgt.f32 v8, v20;
	v38 =	vmax.f32 v20, v8;
	v11 =	vmax.f32 v18, v25  }
0x6c: {  	v34 =	vld [tilespmem:s30+$0x10];
	v27 =	vmax.f32 v14, v30;
	v36 =	vmax.f32 v16, v29;
	vm1 =	vgt.f32 v29, v16  }
0x6d: {  	s26 =	sadd.s32 $0x0, s19;
	v33 =	vld [tilespmem:s30+$0x30];
	vm3 =	vgt.f32 v26, v17;
	vm2 =	vgt.f32 v25, v18;
	v37 =	vmax.f32 v17, v26  }
0x6e: {  	v29 =	vld [tilespmem:s30+$0xFFFFFFF0];
	v8 =	vsel vm0, s26, v5;
	vm0 =	vgt.f32 v30, v14;
	v5 =	vmax.f32 v38, v32  }
0x6f: {  	s3 =	smul.u32 $0x170, s2;
	v30 =	vsel vm1, s26, v23;
	vm1 =	vgt.f32 v28, v13;
	v23 =	vld [tilespmem:s30+$0x60];
	v31 =	vsel vm3, s26, v22  }
0x70: {  	s29 =	simm.s32 $0x2;
	v26 =	vld [tilespmem:s30+$0x20];
	vm3 =	vgt.f32 v32, v38;
	v32 =	vmovc v19;
	v22 =	vsel vm1, s26, v24;
	vm1 =	vgt.f32 v35, v19  }
0x71: {  	s28 =	sadd.s32 $0x1, s26;
	s20 =	sadd.s32 s6, s3;
	v25 =	vld [tilespmem:s30+$0x70];
	s30 =	simm.s32 $0x180;
	v24 =	vmovc v15;
	v39 =	vsel vm1, s26, v6;
	vm1 =	vgt.f32 v7, v36;
	v6 =	vmax.f32 v27, v10;
	v38 =	vmovc v13  }
.LBB2_3:
0x72: {  	v40 =	vld [tilespmem:s30+$0xFFFFFF80];
	p1 =	sne.s32 s29, $0xB6;
	v35 =	vmax.f32 v32, v35;
	v38 =	vmax.f32 v38, v28;
	v41 =	vmax.f32 v36, v7;
	s25 =	smov.u32 s29;
	s29 =	sadd.s32 $0x2, s29  }
0x73: {  	v8 =	vsel vm3, s28, v8;
	v42 =	vld [tilespmem:s30+$0xFFFFFFA0];
	v32 =	vmax.f32 v35, v34;
	vm3 =	vgt.f32 v34, v35  }
0x74: {  	v9 =	vsel vm2, s26, v9;
	vm2 =	vgt.f32 v23, v38;
	v43 =	vld [tilespmem:s30+$0xFFFFFFB0];
	v39 =	vsel vm3, s28, v39  }
0x75: {  	v45 =	vmax.f32 v37, v33;
	vm4 =	vgt.f32 v10, v27;
	vm3 =	vgt.f32 v33, v37;
	v44 =	vld [tilespmem:s30+$0xFFFFFFC0]  }
0x76: {  	v10 =	vsel vm0, s26, v12;
	v30 =	vsel vm1, s28, v30;
	v27 =	vmax.f32 v24, v29;
	v33 =	vld [tilespmem:s30+$0xFFFFFFD0]  }
0x77: {  	s25 =	sadd.s32 s25, s19;
	v31 =	vsel vm3, s28, v31;
	v46 =	vmax.f32 v5, v40;
	vm0 =	vgt.f32 v40, v5;
	v7 =	vld [tilespmem:s30+$0x40]  }
0x78: {  	v12 =	vsel vm4, s28, v10;
	v8 =	vsel vm0, s25, v8;
	v40 =	vld [tilespmem:s30+$0x0];
	vm0 =	vgt.f32 v29, v24  }
0x79: {  	vm1 =	vgt.f32 v26, v11;
	vm3 =	vgt.f32 v25, v27;
	v24 =	vmax.f32 v27, v25;
	v28 =	vld [tilespmem:s30+$0xFFFFFFE0]  }
0x7a: {  	v22 =	vsel vm2, s28, v22;
	v25 =	vmax.f32 v11, v26;
	v5 =	vsel vm0, s26, v21;
	s26 =	smov.u32 s25;
	v10 =	vld [tilespmem:s30+$0x50]  }
0x7b: {  	v38 =	vmax.f32 v38, v23;
	v9 =	vsel vm1, s28, v9;
	v21 =	vsel vm3, s28, v5;
	v35 =	vld [tilespmem:s30+$0xFFFFFF90]  }
0x7c: {  	v11 =	vmax.f32 v25, v42;
	s28 =	sadd.s32 $0x1, s26;
	v27 =	vmax.f32 v6, v33;
	vm0 =	vgt.f32 v33, v6;
	v34 =	vld [tilespmem:s30+$0x10]  }
.Ltmp2:
0x7d: {  	v36 =	vmax.f32 v41, v44;
	vm1 =	vgt.f32 v44, v41;
	v5 =	vmax.f32 v46, v40;
	v33 =	vld [tilespmem:s30+$0x30];
	(pc) =	sbr.rel @p1 .LBB2_3-.Ltmp2, $4  }
0x7e: {  	vm3 =	vgt.f32 v43, v45;
	v30 =	vsel vm1, s26, v30;
	vm1 =	vgt.f32 v28, v38;
	v23 =	vld [tilespmem:s30+$0x60]  }
0x7f: {  	vm2 =	vgt.f32 v42, v25;
	v31 =	vsel vm3, s26, v31;
	v22 =	vsel vm1, s26, v22;
	v29 =	vld [tilespmem:s30+$0xFFFFFFF0]  }
0x80: {  	v37 =	vmax.f32 v45, v43;
	vm3 =	vgt.f32 v40, v46;
	vm1 =	vgt.f32 v35, v32;
	v26 =	vld [tilespmem:s30+$0x20]  }
0x81: {  	v6 =	vmax.f32 v27, v10;
	v39 =	vsel vm1, s26, v39;
	vm1 =	vgt.f32 v7, v36;
	v25 =	vld [tilespmem:s30+$0x70];
	s30 =	sadd.s32 $0x100, s30  }
0x82: {  	v32 =	vmax.f32 v32, v35;
	v28 =	vmax.f32 v38, v28;
	v7 =	vmax.f32 v36, v7  }
0x83: {  	v48 =	vsel vm3, s28, v8;
	v49 =	vsel vm2, s26, v9;
	v9 =	vmax.f32 v37, v33  }
0x84: {  	vm8 =	vgt.f32 v33, v37;
	v50 =	vsub.f32 v20, v5;
	v8 =	vmax.f32 v32, v34  }
0x85: {  	vm4 =	vgt.f32 v10, v27;
	v27 =	vsub.f32 v19, v8;
	v10 =	vmax.f32 v11, v26  }
0x86: {  	v12 =	vsel vm0, s26, v12;
	v33 =	vmul.f32 $1.442695020e+00, v50;
	v51 =	vsub.f32 v18, v10  }
0x87: {  	v52 =	vmax.f32 v24, v29;
	vm9 =	vgt.f32 v29, v24;
	v27 =	vmul.f32 $1.442695020e+00, v27  }
0x88: {  	v24 =	vsub.f32 v17, v9;
	(erf) = vpow2.f32 v33;
	v53 =	vmul.f32 $1.442695020e+00, v51  }
0x89: {  	vm15 =	vgt.f32 v23, v28;
	v29 =	vsub.f32 v16, v7;
	(erf) = vpow2.f32 v27  }
0x8a: {  	vm10 =	vgt.f32 v26, v11;
	v24 =	vmul.f32 $1.442695020e+00, v24;
	(erf) = vpow2.f32 v53  }
0x8b: {  	v26 =	vsel vm10, s28, v49;
	v27 =	vsel vm4, s28, v12;
	v12 =	vmax.f32 v28, v23  }
0x8c: {  	[tilespmem:$0xE500] =	vst v5;
	v28 =	vsub.f32 v13, v12;
	(erf) = vpow2.f32 v24;
	v24 =	vmul.f32 $1.442695020e+00, v29  }
0x8d: {  	[tilespmem:$0xE550] =	vst v6;
	v11 =	vmax.f32 v52, v25;
	vm11 =	vgt.f32 v25, v52;
	v25 =	vld [tilespmem:$0xE590];
	v23 =	vsub.f32 v14, v6  }
0x8e: {  	[tilespmem:$0xE620] =	vst v26;
	v26 =	vld [tilespmem:$0xE580];
	(erf) = vpow2.f32 v24;
	v24 =	vmul.f32 $1.442695020e+00, v28  }
0x8f: {  	v30 =	vsel vm1, s28, v30;
	[tilespmem:$0xE600] =	vst v48;
	v23 =	vmul.f32 $1.442695020e+00, v23;
	v29 =	vld [tilespmem:$0xE5A0]  }
0x90: {  	vm12 =	vlt.f32 v20, $-Inf;
	vm13 =	vgt.f32 v20, $-Inf;
	vm5 =	vgt.f32 v18, $-Inf;
	[tilespmem:$0xE530] =	vst v9  }
0x91: {  	vm14 =	vgt.f32 v34, v32;
	v31 =	vsel vm8, s28, v31;
	[tilespmem:$0xE540] =	vst v7;
	(erf) = vpow2.f32 v23;
	v20 =	vpop (erf)  }
0x92: {  	[tilespmem:$0xE640] =	vst v30;
	v34 =	vsel vm14, s28, v39;
	v22 =	vsel vm15, s28, v22;
	(erf) = vpow2.f32 v24;
	v24 =	vpop (erf)  }
0x93: {  	[tilespmem:$0xE510] =	vst v8;
	vm14 =	vlt.f32 v19, $-Inf;
	vm15 =	vgt.f32 v19, $-Inf;
	v19 =	vmul.f32 v25, v24;
	v24 =	vpop (erf)  }
0x94: {  	vm8 =	vlt.f32 v18, $-Inf;
	[tilespmem:$0xE630] =	vst v31;
	v20 =	vmul.f32 v26, v20;
	v26 =	vld [tilespmem:$0xE5B0];
	v18 =	vmul.f32 v29, v24  }
0x95: {  	[tilespmem:$0xE610] =	vst v34  }
0x96: {  	v21 =	vsel vm9, s26, v21;
	[tilespmem:$0xE660] =	vst v22;
	v23 =	vsub.f32 v15, v11  }
0x97: {  	vm0 =	vmor vm13, vm12;
	[tilespmem:$0xE520] =	vst v10;
	vm10 =	vmor vm5, vm8;
	v21 =	vsel vm11, s28, v21  }
0x98: {  	[tilespmem:$0xE670] =	vst v21;
	v23 =	vmul.f32 $1.442695020e+00, v23;
	v21 =	vnsel vm0, $0x0, v20;
	v20 =	vnsel vm10, $0x0, v18;
	v18 =	vpop (erf)  }
0x99: {  	vm12 =	vgt.f32 v17, $-Inf;
	v22 =	vld [tilespmem:$0xE5D0];
	[tilespmem:$0xE570] =	vst v11;
	vm11 =	vlt.f32 v17, $-Inf;
	v17 =	vmul.f32 v26, v18  }
0x9a: {  	[tilespmem:$0xE650] =	vst v27;
	(erf) = vpow2.f32 v23;
	v23 =	vld [tilespmem:$0xE5E0]  }
0x9b: {  	s29 =	simm.s32 $0x0;
	vm13 =	vlt.f32 v16, $-Inf;
	[tilespmem:$0xE560] =	vst v12;
	v25 =	vld [tilespmem:$0xE5C0]  }
0x9c: {  	vm9 =	vmor vm15, vm14;
	vm14 =	vgt.f32 v16, $-Inf;
	v30 =	vld [tilespmem:s29+$0xA0];
	vm0 =	vmor vm12, vm11;
	v16 =	vpop (erf)  }
0x9d: {  	vm8 =	vlt.f32 v14, $-Inf;
	v31 =	vld [tilespmem:s29+$0x30];
	v27 =	vnsel vm0, $0x0, v17;
	v17 =	vpop (erf)  }
0x9e: {  	v19 =	vnsel vm9, $0x0, v19;
	v24 =	vld [tilespmem:$0xE5F0];
	vm9 =	vgt.f32 v14, $-Inf;
	v14 =	vmul.f32 v22, v17;
	v17 =	vpop (erf)  }
0x9f: {  	v26 =	vld [tilespmem:s29+$0x70];
	v17 =	vmul.f32 v23, v17  }
0xa0: {  	v16 =	vmul.f32 v25, v16;
	v25 =	vld [tilespmem:s29+$0x80]  }
0xa1: {  	vm15 =	vmor vm14, vm13;
	vm11 =	vgt.f32 v13, $-Inf;
	vm10 =	vlt.f32 v13, $-Inf;
	v18 =	vld [tilespmem:s29+$0xF0]  }
0xa2: {  	vm14 =	vlt.f32 v15, $-Inf;
	vm12 =	vmor vm9, vm8;
	vm13 =	vmor vm11, vm10;
	v22 =	vld [tilespmem:s29+$0xC0]  }
0xa3: {  	v13 =	vnsel vm15, $0x0, v16;
	v23 =	vld [tilespmem:s29+$0xE0];
	v28 =	vnsel vm12, $0x0, v14;
	v14 =	vnsel vm13, $0x0, v17;
	v17 =	vpop (erf)  }
0xa4: {  	v29 =	vld [tilespmem:s29+$0x0];
	vm15 =	vgt.f32 v15, $-Inf;
	v15 =	vmul.f32 v24, v17;
	v17 =	vsub.f32 v26, v11  }
0xa5: {  	v25 =	vsub.f32 v25, v5;
	v24 =	vld [tilespmem:s29+$0xB0]  }
0xa6: {  	v30 =	vsub.f32 v30, v10;
	v26 =	vld [tilespmem:s29+$0x90];
	v17 =	vmul.f32 $1.442695020e+00, v17  }
0xa7: {  	v31 =	vsub.f32 v31, v9;
	v25 =	vmul.f32 $1.442695020e+00, v25;
	v22 =	vsub.f32 v22, v7  }
0xa8: {  	v54 =	vld [tilespmem:s29+$0x60];
	v18 =	vsub.f32 v18, v11;
	v23 =	vsub.f32 v23, v12;
	(erf) = vpow2.f32 v17  }
0xa9: {  	v17 =	vmul.f32 $1.442695020e+00, v22;
	v22 =	vsub.f32 v29, v5;
	(erf) = vpow2.f32 v25;
	v25 =	vld [tilespmem:s29+$0x50]  }
0xaa: {  	v30 =	vmul.f32 $1.442695020e+00, v30;
	v18 =	vmul.f32 $1.442695020e+00, v18;
	v29 =	vld [tilespmem:s29+$0x20];
	v24 =	vsub.f32 v24, v9  }
0xab: {  	v16 =	vld [tilespmem:s29+$0xD0];
	v55 =	vmul.f32 $1.442695020e+00, v23;
	v23 =	vsub.f32 v26, v8;
	v22 =	vmul.f32 $1.442695020e+00, v22  }
0xac: {  	s30 =	simm.s32 $0x100;
	vm0 =	vmor vm15, vm14;
	v26 =	vld [tilespmem:s29+$0x10];
	(erf) = vpow2.f32 v18;
	v18 =	vmul.f32 $1.442695020e+00, v24  }
0xad: {  	v56 =	vld [tilespmem:s30+$0xC0];
	v23 =	vmul.f32 $1.442695020e+00, v23;
	(erf) = vpow2.f32 v22;
	v22 =	vsub.f32 v54, v12  }
0xae: {  	v24 =	vld [tilespmem:s29+$0x40];
	(erf) = vpow2.f32 v18;
	v18 =	vmul.f32 $1.442695020e+00, v31;
	v25 =	vsub.f32 v25, v6  }
0xaf: {  	v31 =	vld [tilespmem:s30+$0xF0];
	(erf) = vpow2.f32 v23;
	v23 =	vsub.f32 v29, v10;
	v22 =	vmul.f32 $1.442695020e+00, v22  }
0xb0: {  	v16 =	vsub.f32 v16, v6;
	v29 =	vld [tilespmem:s30+$0x70];
	(erf) = vpow2.f32 v17;
	v25 =	vmul.f32 $1.442695020e+00, v25  }
0xb1: {  	v34 =	vld [tilespmem:s30+$0xD0];
	v17 =	vsub.f32 v26, v8;
	(erf) = vpow2.f32 v18;
	v18 =	vmul.f32 $1.442695020e+00, v23  }
0xb2: {  	v16 =	vmul.f32 $1.442695020e+00, v16;
	v15 =	vnsel vm0, $0x0, v15;
	v26 =	vld [tilespmem:s30+$0x80];
	(erf) = vpow2.f32 v22  }
0xb3: {  	v23 =	vsub.f32 v24, v7;
	v24 =	vpop (erf);
	v22 =	vld [tilespmem:s30+$0x90];
	v17 =	vmul.f32 $1.442695020e+00, v17;
	(erf) = vpow2.f32 v25  }
0xb4: {  	v15 =	vadd.f32 v24, v15;
	v24 =	vpop (erf);
	v25 =	vld [tilespmem:s30+$0xE0];
	v31 =	vsub.f32 v31, v11;
	(erf) = vpow2.f32 v18  }
0xb5: {  	v58 =	vld [tilespmem:s30+$0x60];
	v23 =	vmul.f32 $1.442695020e+00, v23;
	v29 =	vsub.f32 v29, v11;
	v18 =	vpop (erf);
	(erf) = vpow2.f32 v30  }
0xb6: {  	v61 =	vld [tilespmem:s30+$0xB0];
	v31 =	vmul.f32 $1.442695020e+00, v31;
	v15 =	vadd.f32 v18, v15;
	v18 =	vpop (erf);
	(erf) = vpow2.f32 v16  }
0xb7: {  	v30 =	vld [tilespmem:s30+$0xA0];
	v16 =	vsub.f32 v26, v5;
	(erf) = vpow2.f32 v17;
	v57 =	vpop (erf);
	v17 =	vadd.f32 v18, v21  }
0xb8: {  	v26 =	vld [tilespmem:s30+$0x0];
	v29 =	vmul.f32 $1.442695020e+00, v29;
	v21 =	vsub.f32 v56, v7;
	v22 =	vsub.f32 v22, v8;
	v59 =	vpop (erf)  }
0xb9: {  	v41 =	vld [tilespmem:s30+$0x30];
	(erf) = vpow2.f32 v23;
	v16 =	vmul.f32 $1.442695020e+00, v16;
	v25 =	vsub.f32 v25, v12;
	v18 =	vpop (erf)  }
0xba: {  	v60 =	vld [tilespmem:s30+$0x20];
	(erf) = vpow2.f32 v29;
	v23 =	vmul.f32 $1.442695020e+00, v21;
	v17 =	vadd.f32 v24, v17;
	v24 =	vpop (erf)  }
0xbb: {  	v21 =	vsub.f32 v34, v6;
	(erf) = vpow2.f32 v16;
	v40 =	vadd.f32 v24, v27;
	v24 =	vpop (erf)  }
0xbc: {  	v62 =	vld [tilespmem:s30+$0x10];
	v34 =	vmul.f32 $1.442695020e+00, v22;
	v22 =	vsub.f32 v61, v9;
	(erf) = vpow2.f32 v55;
	v42 =	vpop (erf)  }
0xbd: {  	v43 =	vld [tilespmem:s30+$0x40];
	v29 =	vsub.f32 v30, v10;
	v30 =	vsub.f32 v26, v5;
	(erf) = vpow2.f32 v31;
	v26 =	vpop (erf)  }
0xbe: {  	v63 =	vsub.f32 v58, v12;
	v36 =	vsub.f32 v41, v9;
	v16 =	vmul.f32 $1.442695020e+00, v25;
	v27 =	vpop (erf)  }
0xbf: {  	v37 =	vmul.f32 $1.442695020e+00, v22;
	v31 =	vsub.f32 v60, v10;
	v25 =	vmul.f32 $1.442695020e+00, v29;
	v44 =	vpop (erf)  }
0xc0: {  	v35 =	vld [tilespmem:s30+$0x50];
	v29 =	vmul.f32 $1.442695020e+00, v63;
	v42 =	vadd.f32 v42, v28;
	v22 =	vadd.f32 v57, v40;
	v28 =	vpop (erf)  }
0xc1: {  	v26 =	vadd.f32 v26, v20;
	v20 =	vmul.f32 $1.442695020e+00, v30;
	v19 =	vadd.f32 v28, v19  }
0xc2: {  	v30 =	vsub.f32 v62, v8;
	v32 =	vmul.f32 $1.442695020e+00, v31;
	v31 =	vsub.f32 v43, v7;
	v33 =	vpop (erf)  }
0xc3: {  	s26 =	simm.s32 $0x800;
	(erf) = vpow2.f32 v20;
	v28 =	vpop (erf);
	v20 =	vadd.f32 v59, v19;
	v19 =	vadd.f32 v44, v42  }
.LBB2_5:
0xc4: {  	s28 =	sshra.s32 s26, $0x2;
	p1 =	sne.s32 s26, $0x16C00;
	s26 =	sadd.s32 $0x400, s26;
	v36 =	vmul.f32 $1.442695020e+00, v36;
	v38 =	vpop (erf);
	(erf) = vpow2.f32 v37;
	v14 =	vadd.f32 v24, v14  }
0xc5: {  	v26 =	vadd.f32 v27, v26;
	v24 =	vld [tilespmem:s28+$0xF0];
	v35 =	vsub.f32 v35, v6;
	(erf) = vpow2.f32 v34;
	v27 =	vpop (erf)  }
0xc6: {  	v15 =	vadd.f32 v28, v15;
	v13 =	vadd.f32 v33, v13;
	v34 =	vld [tilespmem:s28+$0x70];
	(erf) = vpow2.f32 v23;
	v23 =	vpop (erf)  }
0xc7: {  	v14 =	vadd.f32 v27, v14;
	v28 =	vld [tilespmem:s28+$0x80];
	v33 =	vmul.f32 $1.442695020e+00, v35;
	(erf) = vpow2.f32 v36  }
0xc8: {  	v13 =	vadd.f32 v18, v13;
	v15 =	vadd.f32 v23, v15;
	v27 =	vld [tilespmem:s28+$0xC0];
	(erf) = vpow2.f32 v29  }
0xc9: {  	v18 =	vmul.f32 $1.442695020e+00, v30;
	v29 =	vld [tilespmem:s28+$0x90];
	(erf) = vpow2.f32 v33  }
0xca: {  	v21 =	vmul.f32 $1.442695020e+00, v21;
	v23 =	vld [tilespmem:s28+$0xE0];
	v35 =	vsub.f32 v24, v11;
	(erf) = vpow2.f32 v32  }
0xcb: {  	v31 =	vmul.f32 $1.442695020e+00, v31;
	v30 =	vsub.f32 v34, v11;
	v32 =	vld [tilespmem:s28+$0xD0];
	(erf) = vpow2.f32 v25  }
0xcc: {  	v25 =	vsub.f32 v28, v5;
	v28 =	vld [tilespmem:s28+$0xA0];
	v33 =	vmul.f32 $1.442695020e+00, v35;
	v24 =	vpop (erf);
	(erf) = vpow2.f32 v21  }
0xcd: {  	v34 =	vld [tilespmem:s28+$0x0];
	v21 =	vmul.f32 $1.442695020e+00, v30;
	v17 =	vadd.f32 v24, v17;
	(erf) = vpow2.f32 v18;
	v39 =	vpop (erf)  }
0xce: {  	v35 =	vsub.f32 v27, v7;
	v30 =	vld [tilespmem:s28+$0x60];
	(erf) = vpow2.f32 v31;
	v40 =	vpop (erf)  }
0xcf: {  	v25 =	vmul.f32 $1.442695020e+00, v25;
	v27 =	vld [tilespmem:s28+$0x20];
	v31 =	vsub.f32 v23, v12;
	(erf) = vpow2.f32 v21;
	v18 =	vpop (erf)  }
0xd0: {  	v23 =	vmul.f32 $1.442695020e+00, v35;
	v17 =	vadd.f32 v38, v17;
	v36 =	vld [tilespmem:s28+$0xB0];
	v21 =	vsub.f32 v32, v6;
	v24 =	vpop (erf)  }
0xd1: {  	v32 =	vld [tilespmem:s28+$0x10];
	v28 =	vsub.f32 v28, v10;
	(erf) = vpow2.f32 v25;
	v22 =	vadd.f32 v24, v22;
	v24 =	vpop (erf)  }
0xd2: {  	v35 =	vsub.f32 v34, v5;
	v37 =	vld [tilespmem:s28+$0x30];
	v38 =	vpop (erf);
	(erf) = vpow2.f32 v16;
	v16 =	vmul.f32 $1.442695020e+00, v31  }
0xd3: {  	v34 =	vsub.f32 v29, v8;
	v31 =	vld [tilespmem:s28+$0x40];
	v30 =	vsub.f32 v30, v12;
	(erf) = vpow2.f32 v33;
	v29 =	vpop (erf)  }
0xd4: {  	v25 =	vmul.f32 $1.442695020e+00, v28;
	v43 =	vsub.f32 v27, v10;
	v26 =	vadd.f32 v29, v26;
	v27 =	vpop (erf)  }
.Ltmp3:
0xd5: {  	v19 =	vadd.f32 v38, v19;
	v34 =	vmul.f32 $1.442695020e+00, v34;
	v29 =	vmul.f32 $1.442695020e+00, v30;
	v38 =	vpop (erf);
	(pc) =	sbr.rel @p1 .LBB2_5-.Ltmp3, $4  }
0xd6: {  	v41 =	vmul.f32 $1.442695020e+00, v35;
	v44 =	vsub.f32 v36, v9;
	v30 =	vsub.f32 v32, v8;
	v35 =	vld [tilespmem:s28+$0x50];
	v42 =	vpop (erf)  }
0xd7: {  	v32 =	vmul.f32 $1.442695020e+00, v43;
	v36 =	vsub.f32 v37, v9;
	v20 =	vadd.f32 v42, v20;
	v33 =	vpop (erf)  }
0xd8: {  	v22 =	vadd.f32 v39, v22;
	v37 =	vmul.f32 $1.442695020e+00, v44;
	v31 =	vsub.f32 v31, v7;
	v28 =	vpop (erf)  }
0xd9: {  	v19 =	vadd.f32 v38, v19;
	(erf) = vpow2.f32 v41;
	v20 =	vadd.f32 v40, v20  }
0xda: {  	_ = 	snop  }
0xdb: {  	(erf) = vpow2.f32 v37;
	v6 =	vsub.f32 v35, v6  }
0xdc: {  	v5 =	vmul.f32 $1.442695020e+00, v36;
	(erf) = vpow2.f32 v34  }
0xdd: {  	(erf) = vpow2.f32 v23;
	v6 =	vmul.f32 $1.442695020e+00, v6  }
0xde: {  	(erf) = vpow2.f32 v5  }
0xdf: {  	(erf) = vpow2.f32 v29  }
0xe0: {  	v5 =	vpop (erf);
	(erf) = vpow2.f32 v6  }
0xe1: {  	v7 =	vmul.f32 $1.442695020e+00, v21;
	v6 =	vpop (erf);
	(erf) = vpow2.f32 v32  }
0xe2: {  	v9 =	vmul.f32 $1.442695020e+00, v30;
	v8 =	vpop (erf);
	(erf) = vpow2.f32 v25  }
0xe3: {  	v10 =	vpop (erf);
	(erf) = vpow2.f32 v7  }
0xe4: {  	(erf) = vpow2.f32 v9;
	v9 =	vmul.f32 $1.442695020e+00, v31  }
0xe5: {  	v7 =	vpop (erf)  }
0xe6: {  	v11 =	vpop (erf);
	(erf) = vpow2.f32 v9  }
0xe7: {  	v12 =	vpop (erf)  }
0xe8: {  	v9 =	vpop (erf)  }
0xe9: {  	v14 =	vadd.f32 v24, v14;
	v29 =	vld [tilespmem:$0xE400];
	v21 =	vpop (erf)  }
0xea: {  	v24 =	vadd.f32 v27, v26;
	v10 =	vadd.f32 v10, v17;
	v23 =	vpop (erf)  }
0xeb: {  	v13 =	vadd.f32 v33, v13;
	(erf) = vpow2.f32 v16;
	v25 =	vpop (erf)  }
0xec: {  	v5 =	vadd.f32 v5, v10;
	v16 =	vpop (erf);
	v10 =	vadd.f32 v25, v24  }
0xed: {  	v13 =	vadd.f32 v18, v13;
	v17 =	vmov s20;
	v9 =	vadd.f32 v9, v22;
	v26 =	vpop (erf)  }
0xee: {  	v6 =	vadd.f32 v6, v14;
	v18 =	vsub.s32 v29, v17;
	v14 =	vpop (erf);
	v10 =	vadd.f32 v16, v10  }
0xef: {  	vm0 =	vgt.s32 v18, $0x0;
	[tilespmem:$0xE580] =	vst v5;
	v7 =	vadd.f32 v7, v9;
	v14 =	vadd.f32 v14, v20;
	v20 =	vpop (erf)  }
0xf0: {  	v5 =	vnsel vm0, $0x0, v18;
	v13 =	vadd.f32 v20, v13;
	[tilespmem:$0xE5A0] =	vst v10;
	v10 =	vadd.f32 v28, v15  }
0xf1: {  	v5 =	vmin.u32 v5, $0xB7;
	v11 =	vadd.f32 v11, v14  }
0xf2: {  	v5 =	vshll.u32 v5, $0x7;
	v9 =	vld [tilespmem:$0xE410];
	[tilespmem:$0xE5B0] =	vst v7;
	v14 =	vadd.f32 v23, v19;
	v7 =	vadd.f32 v8, v10  }
0xf3: {  	v6 =	vadd.f32 v21, v6;
	v5 =	vor.u32 v4, v5;
	[tilespmem:$0xE590] =	vst v11;
	v11 =	vadd.f32 v12, v13  }
0xf4: {  	v12 =	vadd.f32 v26, v14;
	v13 =	vpop (erf);
	[tilespmem:$0xE5F0] =	vst v7  }
0xf5: {  	v6 =	vadd.f32 v13, v6;
	[tilespmem:$0xE5C0] =	vst v11  }
0xf6: {  	[tilespmem:$0xE5D0] =	vst v12  }
0xf7: {  	v8 =	vld [tilespmem:$0xE480];
	[tilespmem:$0xE5E0] =	vst v6;
	v6 =	vsub.s32 v9, v17  }
0xf8: {  	vm0 =	vgt.s32 v6, $0x0;
	v5 =	vld.idx.msk [tilespmem:v5+s4+$0x0], $0xffff  }
0xf9: {  	v9 =	vld [tilespmem:$0xE420];
	v7 =	vnsel vm0, $0x0, v6  }
0xfa: {  	v7 =	vmin.u32 v7, $0xB7  }
0xfb: {  	v11 =	vor.u32 $0x10, v4;
	v7 =	vshll.u32 v7, $0x7  }
0xfc: {  	vm0 =	vlt.u32 v18, $0xB8;
	v7 =	vor.u32 v11, v7  }
0xfd: {  	v5 =	vsel vm0, v5, v8  }
0xfe: {  	[tilespmem:$0xE480] =	vst v5;
	v5 =	vsub.s32 v9, v17  }
0xff: {  	v12 =	vld [tilespmem:$0xE430];
	vm0 =	vgt.s32 v5, $0x0  }
0x100: {  	v8 =	vld [tilespmem:$0xE490];
	v9 =	vnsel vm0, $0x0, v5  }
0x101: {  	v7 =	vld.idx.msk [tilespmem:v7+s4+$0x0], $0xffff;
	v9 =	vmin.u32 v9, $0xB7  }
0x102: {  	v10 =	vor.u32 $0x20, v4;
	v9 =	vshll.u32 v9, $0x7  }
0x103: {  	v9 =	vor.u32 v10, v9;
	_ =	sdelay $0x1  }
0x104: {  	vm0 =	vlt.u32 v6, $0xB8  }
0x105: {  	v6 =	vsel vm0, v7, v8;
	v7 =	vsub.s32 v12, v17  }
0x106: {  	v12 =	vld [tilespmem:$0xE4A0];
	[tilespmem:$0xE490] =	vst v6;
	vm0 =	vgt.s32 v7, $0x0  }
0x107: {  	v6 =	vld.idx.msk [tilespmem:v9+s4+$0x0], $0xffff;
	v8 =	vnsel vm0, $0x0, v7  }
0x108: {  	v13 =	vld [tilespmem:$0xE440];
	v8 =	vmin.u32 v8, $0xB7  }
0x109: {  	v9 =	vor.u32 $0x30, v4;
	v8 =	vshll.u32 v8, $0x7  }
0x10a: {  	v8 =	vor.u32 v9, v8  }
0x10b: {  	vm0 =	vlt.u32 v5, $0xB8  }
0x10c: {  	v5 =	vsel vm0, v6, v12  }
0x10d: {  	v12 =	vld [tilespmem:$0xE4B0];
	[tilespmem:$0xE4A0] =	vst v5;
	v5 =	vsub.s32 v13, v17  }
0x10e: {  	v13 =	vld [tilespmem:$0xE450];
	vm0 =	vgt.s32 v5, $0x0  }
0x10f: {  	v6 =	vld.idx.msk [tilespmem:v8+s4+$0x0], $0xffff;
	v8 =	vnsel vm0, $0x0, v5  }
0x110: {  	v8 =	vmin.u32 v8, $0xB7  }
0x111: {  	v14 =	vshll.u32 v8, $0x7;
	v8 =	vor.u32 $0x40, v4  }
0x112: {  	v14 =	vor.u32 v8, v14  }
0x113: {  	vm0 =	vlt.u32 v7, $0xB8  }
0x114: {  	v6 =	vsel vm0, v6, v12;
	v12 =	vsub.s32 v13, v17  }
0x115: {  	v15 =	vld [tilespmem:$0xE460];
	vm0 =	vgt.s32 v12, $0x0  }
0x116: {  	v13 =	vld [tilespmem:$0xE4C0];
	[tilespmem:$0xE4B0] =	vst v6;
	v7 =	vnsel vm0, $0x0, v12  }
0x117: {  	v6 =	vld.idx.msk [tilespmem:v14+s4+$0x0], $0xffff;
	v7 =	vmin.u32 v7, $0xB7  }
0x118: {  	v14 =	vshll.u32 v7, $0x7;
	v7 =	vor.u32 $0x50, v4  }
0x119: {  	v14 =	vor.u32 v7, v14;
	_ =	sdelay $0x1  }
0x11a: {  	vm0 =	vlt.u32 v5, $0xB8  }
0x11b: {  	v5 =	vsel vm0, v6, v13;
	v13 =	vsub.s32 v15, v17  }
0x11c: {  	v15 =	vld [tilespmem:$0xE470];
	[tilespmem:$0xE4C0] =	vst v5;
	vm0 =	vgt.s32 v13, $0x0  }
0x11d: {  	v5 =	vld.idx.msk [tilespmem:v14+s4+$0x0], $0xffff;
	v6 =	vnsel vm0, $0x0, v13  }
0x11e: {  	v14 =	vld [tilespmem:$0xE4D0];
	v6 =	vmin.u32 v6, $0xB7  }
0x11f: {  	v16 =	vshll.u32 v6, $0x7;
	v6 =	vor.u32 $0x60, v4  }
0x120: {  	v16 =	vor.u32 v6, v16;
	_ =	sdelay $0x1  }
0x121: {  	vm0 =	vlt.u32 v12, $0xB8;
	v12 =	vsub.s32 v15, v17  }
0x122: {  	v5 =	vsel vm0, v5, v14;
	vm0 =	vgt.s32 v12, $0x0  }
0x123: {  	v15 =	vld [tilespmem:$0xE4E0];
	[tilespmem:$0xE4D0] =	vst v5;
	v5 =	vnsel vm0, $0x0, v12  }
0x124: {  	v5 =	vmin.u32 v5, $0xB7;
	v14 =	vld.idx.msk [tilespmem:v16+s4+$0x0], $0xffff  }
0x125: {  	v16 =	vshll.u32 v5, $0x7;
	v5 =	vor.u32 $0x70, v4  }
0x126: {  	v16 =	vor.u32 v5, v16;
	_ =	sdelay $0x1  }
0x127: {  	vm0 =	vlt.u32 v13, $0xB8  }
0x128: {  	v13 =	vsel vm0, v14, v15  }
0x129: {  	v14 =	vld [tilespmem:$0xE4F0];
	[tilespmem:$0xE4E0] =	vst v13  }
0x12a: {  	v13 =	vld.idx.msk [tilespmem:v16+s4+$0x0], $0xffff;
	_ =	sdelay $0x2  }
0x12b: {  	p1 =	seq.s32 s2, $0x7  }
0x12c: {  	p2 =	seq.s32 @p1 s5, $0x1F;
	vm0 =	vlt.u32 v12, $0xB8  }
0x12d: {  	p3 =	por !p2, !p1;
	v12 =	vsel vm0, v13, v14  }
0x12e: {  	p2 =	por p2, !p1;
	s25 =	simm.s32 @!p3 $0xB800;
	s20 =	simm.s32 @!p3 $0x0;
	[tilespmem:$0xE4F0] =	vst v12  }
0x12f: {  	[tilespmem:s25], [sflag:$0x3] =	stream.linear.gather @!p3 [hbm4b:s11+s20], $0x2C00, $0x38;
	[tilespmem:$0xE680] =	vst v63  }
0x130: {  	s20 =	simm.s32 @!p2 $0x0  }
0x131: {  	[tilespmem:s20], [sflag:$0x1] =	stream.linear.gather @!p2 [hbm4b:s10+s20], $0x5C00, $0x38;
	[tilespmem:$0xE680] =	vst v63  }
0x132: {  	s20 =	sadd.s32 @!p1 s3, s9  }
0x133: {  	s20 =	sshll.u32 @!p1 s20, $0x4  }
0x134: {  	s25 =	simm.s32 @!p1 $0x0;
	s20 =	sadd.s32 @!p1 s1, s20  }
0x135: {  	[tilespmem:s25], [sflag:$0x1] =	stream.linear.gather @!p1 [hbm4b:s20+s25], $0x5C00, $0x38;
	[tilespmem:$0xE680] =	vst v63  }
0x136: {  	_ =	swait.ge [sflag:s24], $0x5C00  }
0x137: {  	[sflag:s24] =	ssyncset.done $0x0  }
0x138: {  	[sflag:s24] =	ssyncadd.s32 $0xFFFFA400  }
0x139: {  	v27 =	vld [tilespmem:$0xE500]  }
0x13a: {  	v26 =	vld [tilespmem:$0xE510]  }
0x13b: {  	v25 =	vld [tilespmem:$0xE520]  }
0x13c: {  	v24 =	vld [tilespmem:$0xE530]  }
0x13d: {  	v23 =	vld [tilespmem:$0xE540]  }
0x13e: {  	v22 =	vld [tilespmem:$0xE550]  }
0x13f: {  	v20 =	vld [tilespmem:$0xE560]  }
0x140: {  	v21 =	vld [tilespmem:$0xE570]  }
0x141: {  	v12 =	vld [tilespmem:$0xE600]  }
0x142: {  	v14 =	vld [tilespmem:$0xE610]  }
0x143: {  	v17 =	vld [tilespmem:$0xE620]  }
0x144: {  	v13 =	vld [tilespmem:$0xE630]  }
0x145: {  	v30 =	vld [tilespmem:$0xE640]  }
0x146: {  	v18 =	vld [tilespmem:$0xE650]  }
0x147: {  	v31 =	vld [tilespmem:$0xE660]  }
0x148: {  	s7 =	simm.s32 $0x5C80;
	v19 =	vld [tilespmem:$0xE670]  }
0x149: {  	v28 =	vld [tilespmem:s7+$0xFFFFFF80]  }
0x14a: {  	v15 =	vld [tilespmem:s7+$0x10]  }
0x14b: {  	v59 =	vld [tilespmem:s7+$0xFFFFFF90]  }
0x14c: {  	v16 =	vld [tilespmem:s7+$0xFFFFFFA0]  }
0x14d: {  	v60 =	vld [tilespmem:s7+$0xFFFFFFB0]  }
0x14e: {  	v61 =	vld [tilespmem:s7+$0xFFFFFFC0]  }
0x14f: {  	v43 =	vld [tilespmem:s7+$0xFFFFFFE0]  }
0x150: {  	v29 =	vld [tilespmem:s7+$0x0]  }
0x151: {  	v62 =	vld [tilespmem:s7+$0xFFFFFFD0]  }
0x152: {  	v37 =	vld [tilespmem:s7+$0x30];
	v63 =	vmax.f32 v27, v28;
	vm0 =	vgt.f32 v28, v27  }
0x153: {  	s26 =	sadd.s32 $0xFFFFFF48, s19;
	v41 =	vld [tilespmem:s7+$0x60];
	v28 =	vmax.f32 v23, v61;
	vm1 =	vgt.f32 v61, v23;
	v40 =	vmax.f32 v24, v60  }
0x154: {  	s28 =	sadd.s32 $0x170, s26;
	v44 =	vld [tilespmem:s7+$0x20];
	vm2 =	vgt.f32 v60, v24;
	v45 =	vmax.f32 v25, v16;
	v47 =	vmax.f32 v20, v43  }
0x155: {  	v42 =	vld [tilespmem:s7+$0xFFFFFFF0];
	v46 =	vmax.f32 v26, v59;
	vm3 =	vgt.f32 v59, v26;
	v38 =	vsel vm0, s28, v12  }
0x156: {  	v36 =	vmax.f32 v22, v62;
	v12 =	vmax.f32 v63, v29;
	vm0 =	vgt.f32 v29, v63;
	v29 =	vld [tilespmem:s7+$0x50]  }
0x157: {  	s26 =	sadd.s32 $0x171, s26;
	v34 =	vld [tilespmem:s7+$0x40];
	v39 =	vmovc v25;
	v48 =	vsel vm2, s28, v13;
	vm2 =	vgt.f32 v15, v46;
	vm4 =	vgt.f32 v37, v40  }
0x158: {  	s29 =	simm.s32 $0xFFFFFF4A;
	s30 =	simm.s32 $0x5D80;
	s20 =	sadd.s32 s3, s12;
	v32 =	vld [tilespmem:s7+$0x70];
	v35 =	vmovc v21;
	v13 =	vmax.f32 v47, v41;
	v33 =	vsel vm0, s26, v38;
	vm0 =	vgt.f32 v62, v22;
	v38 =	vmovc v20  }
.LBB2_7:
0x159: {  	v49 =	vld [tilespmem:s30+$0xFFFFFF80];
	p2 =	sne.s32 s29, $0xFFFFFFFE;
	v14 =	vsel vm3, s28, v14;
	vm5 =	vgt.f32 v43, v38;
	v48 =	vsel vm4, s26, v48;
	v38 =	vmovc v13;
	s25 =	smov.u32 s29;
	s29 =	sadd.s32 $0x2, s29  }
0x15a: {  	vm3 =	vgt.f32 v16, v39;
	v43 =	vld [tilespmem:s30+$0x10];
	v14 =	vsel vm2, s26, v14;
	vm2 =	vgt.f32 v41, v47  }
0x15b: {  	v30 =	vsel vm1, s28, v30;
	vm1 =	vgt.f32 v29, v36;
	v39 =	vmax.f32 v45, v44;
	v50 =	vld [tilespmem:s30+$0xFFFFFF90]  }
0x15c: {  	v31 =	vsel vm5, s28, v31;
	v41 =	vmax.f32 v35, v42;
	v16 =	vld [tilespmem:s30+$0xFFFFFFA0];
	vm4 =	vgt.f32 v34, v28  }
0x15d: {  	v51 =	vmax.f32 v46, v15;
	s25 =	sadd.s32 s25, s19;
	vm5 =	vgt.f32 v44, v45;
	v44 =	vmax.f32 v40, v37;
	v47 =	vld [tilespmem:s30+$0x0]  }
0x15e: {  	s7 =	sadd.s32 $0x170, s25;
	v37 =	vmax.f32 v12, v49;
	vm6 =	vgt.f32 v49, v12;
	v45 =	vld [tilespmem:s30+$0xFFFFFFB0];
	v12 =	vsel vm0, s28, v18  }
0x15f: {  	v30 =	vsel vm4, s26, v30;
	vm0 =	vgt.f32 v42, v35;
	v33 =	vsel vm6, s7, v33;
	v40 =	vld [tilespmem:s30+$0xFFFFFFC0];
	v15 =	vmovc v43  }
0x160: {  	v17 =	vsel vm3, s28, v17;
	s25 =	sadd.s32 $0x171, s25;
	v35 =	vmax.f32 v41, v32;
	v19 =	vsel vm0, s28, v19;
	s28 =	smov.u32 s7;
	v49 =	vld [tilespmem:s30+$0xFFFFFFD0]  }
0x161: {  	v36 =	vmax.f32 v36, v29;
	v18 =	vsel vm1, s26, v12;
	vm0 =	vgt.f32 v32, v41;
	v43 =	vld [tilespmem:s30+$0xFFFFFFE0]  }
0x162: {  	v17 =	vsel vm5, s26, v17;
	v31 =	vsel vm2, s26, v31;
	v29 =	vmax.f32 v28, v34;
	v41 =	vld [tilespmem:s30+$0x60]  }
0x163: {  	v19 =	vsel vm0, s26, v19;
	s26 =	smov.u32 s25;
	v12 =	vmax.f32 v37, v47;
	vm2 =	vgt.f32 v47, v37;
	v37 =	vld [tilespmem:s30+$0x30]  }
.Ltmp4:
0x164: {  	v33 =	vsel vm2, s26, v33;
	v28 =	vmax.f32 v29, v40;
	vm1 =	vgt.f32 v40, v29;
	v29 =	vld [tilespmem:s30+$0x50];
	(pc) =	sbr.rel @p2 .LBB2_7-.Ltmp4, $4  }
0x165: {  	vm2 =	vgt.f32 v45, v44;
	v40 =	vmax.f32 v44, v45;
	vm0 =	vgt.f32 v49, v36;
	v44 =	vld [tilespmem:s30+$0x20]  }
0x166: {  	v45 =	vmax.f32 v39, v16;
	v48 =	vsel vm2, s28, v48;
	v47 =	vmax.f32 v13, v43;
	v42 =	vld [tilespmem:s30+$0xFFFFFFF0]  }
0x167: {  	v46 =	vmax.f32 v51, v50;
	vm3 =	vgt.f32 v50, v51;
	v36 =	vmax.f32 v36, v49;
	v34 =	vld [tilespmem:s30+$0x40]  }
0x168: {  	vm2 =	vgt.f32 v15, v46;
	v13 =	vmax.f32 v47, v41;
	vm4 =	vgt.f32 v37, v40;
	v32 =	vld [tilespmem:s30+$0x70];
	s30 =	sadd.s32 $0x100, s30  }
0x169: {  	v14 =	vsel vm3, s28, v14;
	vm13 =	vgt.f32 v16, v39  }
0x16a: {  	vm15 =	vgt.f32 v29, v36;
	v15 =	vmax.f32 v46, v15;
	v59 =	vsub.f32 v27, v12  }
0x16b: {  	v16 =	vmax.f32 v40, v37;
	v63 =	vsel vm0, s28, v18;
	v57 =	vsel vm2, s26, v14  }
0x16c: {  	v14 =	vmax.f32 v45, v44;
	vm5 =	vgt.f32 v44, v45;
	v60 =	vsub.f32 v26, v15  }
0x16d: {  	v44 =	vsel vm13, s28, v17;
	v61 =	vmul.f32 $1.442695020e+00, v59;
	v62 =	vsub.f32 v25, v14  }
0x16e: {  	v45 =	vsub.f32 v24, v16;
	v58 =	vmax.f32 v35, v42;
	v18 =	vmul.f32 $1.442695020e+00, v60  }
0x16f: {  	vm9 =	vgt.f32 v42, v35;
	(erf) = vpow2.f32 v61;
	v42 =	vmul.f32 $1.442695020e+00, v62  }
0x170: {  	v17 =	vmax.f32 v36, v29;
	(erf) = vpow2.f32 v18;
	v18 =	vmax.f32 v28, v34  }
0x171: {  	v29 =	vmul.f32 $1.442695020e+00, v45;
	(erf) = vpow2.f32 v42;
	v46 =	vsub.f32 v23, v18  }
0x172: {  	v49 =	vsub.f32 v20, v13;
	vm8 =	vgt.f32 v34, v28  }
0x173: {  	v28 =	vsel vm5, s26, v44;
	(erf) = vpow2.f32 v29;
	v29 =	vmul.f32 $1.442695020e+00, v46  }
0x174: {  	[tilespmem:$0xE620] =	vst v28;
	v28 =	vsub.f32 v22, v17  }
0x175: {  	vm12 =	vgt.f32 v43, v38;
	[tilespmem:$0xE500] =	vst v12;
	v51 =	vld [tilespmem:$0xE590];
	(erf) = vpow2.f32 v29;
	v29 =	vmul.f32 $1.442695020e+00, v49  }
0x176: {  	v56 =	vsel vm4, s26, v48;
	vm14 =	vgt.f32 v41, v47;
	[tilespmem:$0xE600] =	vst v33;
	v52 =	vld [tilespmem:$0xE5A0];
	v28 =	vmul.f32 $1.442695020e+00, v28  }
0x177: {  	v30 =	vsel vm1, s28, v30;
	vm11 =	vlt.f32 v27, $-Inf;
	[tilespmem:$0xE560] =	vst v13;
	v31 =	vsel vm12, s28, v31  }
0x178: {  	v48 =	vld [tilespmem:$0xE580];
	[tilespmem:$0xE510] =	vst v15;
	v50 =	vsel vm15, s26, v63;
	vm12 =	vgt.f32 v27, $-Inf;
	(erf) = vpow2.f32 v28;
	v27 =	vpop (erf)  }
0x179: {  	[tilespmem:$0xE530] =	vst v16;
	vm13 =	vlt.f32 v26, $-Inf;
	v31 =	vsel vm14, s26, v31;
	(erf) = vpow2.f32 v29;
	v29 =	vpop (erf)  }
0x17a: {  	[tilespmem:$0xE630] =	vst v56;
	vm14 =	vgt.f32 v26, $-Inf;
	v30 =	vsel vm8, s26, v30;
	v26 =	vmul.f32 v51, v29;
	v29 =	vpop (erf)  }
0x17b: {  	vm15 =	vlt.f32 v25, $-Inf;
	vm8 =	vgt.f32 v25, $-Inf;
	[tilespmem:$0xE640] =	vst v30;
	v30 =	vld [tilespmem:$0xE5B0];
	v25 =	vmul.f32 v52, v29  }
0x17c: {  	[tilespmem:$0xE610] =	vst v57;
	v47 =	vsel vm9, s28, v19;
	v19 =	vmax.f32 v58, v32  }
0x17d: {  	[tilespmem:$0xE520] =	vst v14;
	vm10 =	vgt.f32 v32, v58;
	v28 =	vsub.f32 v21, v19;
	v27 =	vmul.f32 v48, v27  }
0x17e: {  	[tilespmem:$0xE550] =	vst v17;
	vm0 =	vmor vm12, vm11;
	v53 =	vsel vm10, s26, v47;
	vm10 =	vmor vm8, vm15  }
0x17f: {  	[tilespmem:$0xE660] =	vst v31;
	v28 =	vmul.f32 $1.442695020e+00, v28;
	v31 =	vnsel vm0, $0x0, v27;
	v27 =	vnsel vm10, $0x0, v25;
	v25 =	vpop (erf)  }
0x180: {  	[tilespmem:$0xE650] =	vst v50;
	vm11 =	vlt.f32 v24, $-Inf;
	vm12 =	vgt.f32 v24, $-Inf;
	v29 =	vld [tilespmem:$0xE5D0];
	v24 =	vmul.f32 v30, v25  }
0x181: {  	[tilespmem:$0xE570] =	vst v19;
	(erf) = vpow2.f32 v28;
	v28 =	vld [tilespmem:$0xE5E0]  }
0x182: {  	v54 =	vld [tilespmem:$0xE5C0];
	vm9 =	vmor vm14, vm13;
	[tilespmem:$0xE540] =	vst v18  }
0x183: {  	v55 =	vld [tilespmem:$0xE5F0];
	s29 =	simm.s32 $0x0;
	vm13 =	vlt.f32 v23, $-Inf;
	vm14 =	vgt.f32 v23, $-Inf;
	[tilespmem:$0xE670] =	vst v53;
	vm0 =	vmor vm12, vm11;
	v23 =	vpop (erf)  }
0x184: {  	vm8 =	vlt.f32 v22, $-Inf;
	v56 =	vld [tilespmem:s29+$0x5C80];
	v34 =	vnsel vm0, $0x0, v24;
	v24 =	vpop (erf)  }
0x185: {  	v58 =	vld [tilespmem:s29+$0x5CA0];
	v26 =	vnsel vm9, $0x0, v26;
	vm9 =	vgt.f32 v22, $-Inf;
	v22 =	vmul.f32 v29, v24;
	v24 =	vpop (erf)  }
0x186: {  	v30 =	vld [tilespmem:s29+$0x5C70];
	v24 =	vmul.f32 v28, v24  }
0x187: {  	vm15 =	vmor vm14, vm13;
	vm14 =	vlt.f32 v21, $-Inf;
	v25 =	vld [tilespmem:s29+$0x5CF0]  }
0x188: {  	vm11 =	vgt.f32 v20, $-Inf;
	vm10 =	vlt.f32 v20, $-Inf;
	v23 =	vmul.f32 v54, v23;
	v29 =	vld [tilespmem:s29+$0x5CC0]  }
0x189: {  	v32 =	vsub.f32 v56, v12;
	vm12 =	vmor vm9, vm8;
	vm13 =	vmor vm11, vm10;
	v28 =	vld [tilespmem:s29+$0x5CE0]  }
0x18a: {  	v36 =	vld [tilespmem:s29+$0x5C00];
	v20 =	vnsel vm15, $0x0, v23;
	v35 =	vnsel vm12, $0x0, v22;
	v22 =	vnsel vm13, $0x0, v24;
	v24 =	vpop (erf)  }
0x18b: {  	vm15 =	vgt.f32 v21, $-Inf;
	v21 =	vmul.f32 v55, v24;
	v24 =	vsub.f32 v30, v19;
	v30 =	vld [tilespmem:s29+$0x5CB0]  }
0x18c: {  	v57 =	vld [tilespmem:s29+$0x5C90];
	v37 =	vsub.f32 v58, v14  }
0x18d: {  	v59 =	vld [tilespmem:s29+$0x5C50];
	v32 =	vmul.f32 $1.442695020e+00, v32;
	v29 =	vsub.f32 v29, v18;
	v24 =	vmul.f32 $1.442695020e+00, v24  }
0x18e: {  	v38 =	vld [tilespmem:s29+$0x5C30];
	v37 =	vmul.f32 $1.442695020e+00, v37;
	v25 =	vsub.f32 v25, v19;
	v28 =	vsub.f32 v28, v13  }
0x18f: {  	v39 =	vld [tilespmem:s29+$0x5C60];
	(erf) = vpow2.f32 v24;
	v24 =	vmul.f32 $1.442695020e+00, v29;
	v29 =	vsub.f32 v36, v12  }
0x190: {  	v60 =	vld [tilespmem:s29+$0x5C20];
	v25 =	vmul.f32 $1.442695020e+00, v25;
	v61 =	vmul.f32 $1.442695020e+00, v28;
	v30 =	vsub.f32 v30, v16  }
0x191: {  	v28 =	vsub.f32 v57, v15;
	(erf) = vpow2.f32 v32;
	v29 =	vmul.f32 $1.442695020e+00, v29  }
0x192: {  	v45 =	vld [tilespmem:s29+$0x5C10];
	v32 =	vsub.f32 v59, v17;
	(erf) = vpow2.f32 v25;
	v25 =	vmul.f32 $1.442695020e+00, v30  }
0x193: {  	v38 =	vsub.f32 v38, v16;
	v23 =	vld [tilespmem:s29+$0x5CD0];
	v28 =	vmul.f32 $1.442695020e+00, v28;
	(erf) = vpow2.f32 v29  }
0x194: {  	s30 =	simm.s32 $0x100;
	v30 =	vld [tilespmem:s29+$0x5C40];
	v32 =	vmul.f32 $1.442695020e+00, v32;
	v29 =	vsub.f32 v39, v13;
	(erf) = vpow2.f32 v25  }
0x195: {  	v47 =	vld [tilespmem:s30+$0x5C70];
	v25 =	vmul.f32 $1.442695020e+00, v38;
	(erf) = vpow2.f32 v28;
	v28 =	vsub.f32 v60, v14  }
0x196: {  	v53 =	vld [tilespmem:s30+$0x5C00];
	v29 =	vmul.f32 $1.442695020e+00, v29;
	(erf) = vpow2.f32 v24  }
0x197: {  	v46 =	vld [tilespmem:s30+$0x5CF0];
	vm0 =	vmor vm15, vm14;
	(erf) = vpow2.f32 v25;
	v25 =	vmul.f32 $1.442695020e+00, v28  }
0x198: {  	v49 =	vld [tilespmem:s30+$0x5CC0];
	v23 =	vsub.f32 v23, v17;
	v21 =	vnsel vm0, $0x0, v21;
	(erf) = vpow2.f32 v29  }
0x199: {  	v48 =	vld [tilespmem:s30+$0x5C80];
	v24 =	vsub.f32 v45, v15;
	v28 =	vsub.f32 v30, v18;
	v30 =	vpop (erf);
	(erf) = vpow2.f32 v32  }
0x19a: {  	v52 =	vld [tilespmem:s30+$0x5CA0];
	v23 =	vmul.f32 $1.442695020e+00, v23;
	v21 =	vadd.f32 v30, v21;
	v50 =	vpop (erf);
	(erf) = vpow2.f32 v25  }
0x19b: {  	v54 =	vld [tilespmem:s30+$0x5C60];
	v24 =	vmul.f32 $1.442695020e+00, v24;
	v25 =	vpop (erf);
	(erf) = vpow2.f32 v37  }
0x19c: {  	v36 =	vsub.f32 v47, v19;
	v30 =	vld [tilespmem:s30+$0x5CE0];
	v21 =	vadd.f32 v25, v21;
	v25 =	vpop (erf);
	(erf) = vpow2.f32 v23  }
0x19d: {  	v63 =	vld [tilespmem:s30+$0x5C10];
	(erf) = vpow2.f32 v24;
	v24 =	vadd.f32 v25, v31;
	v31 =	vsub.f32 v49, v18  }
0x19e: {  	v58 =	vsub.f32 v53, v12;
	v29 =	vld [tilespmem:s30+$0x5C90];
	v28 =	vmul.f32 $1.442695020e+00, v28;
	v23 =	vsub.f32 v48, v12;
	v42 =	vpop (erf)  }
0x19f: {  	v51 =	vld [tilespmem:s30+$0x5CD0];
	v56 =	vsub.f32 v52, v14;
	v36 =	vmul.f32 $1.442695020e+00, v36;
	v38 =	vsub.f32 v46, v19;
	v45 =	vpop (erf)  }
0x1a0: {  	v46 =	vld [tilespmem:s30+$0x5CB0];
	v60 =	vsub.f32 v54, v13;
	(erf) = vpow2.f32 v28;
	v23 =	vmul.f32 $1.442695020e+00, v23;
	v25 =	vpop (erf)  }
0x1a1: {  	v55 =	vld [tilespmem:s30+$0x5C20];
	v62 =	vsub.f32 v30, v13;
	(erf) = vpow2.f32 v36;
	v30 =	vmul.f32 $1.442695020e+00, v31;
	v31 =	vpop (erf)  }
0x1a2: {  	v38 =	vmul.f32 $1.442695020e+00, v38;
	(erf) = vpow2.f32 v23;
	v57 =	vadd.f32 v31, v34;
	v31 =	vpop (erf)  }
0x1a3: {  	v32 =	vmul.f32 $1.442695020e+00, v56;
	v49 =	vld [tilespmem:s30+$0x5C30];
	v29 =	vsub.f32 v29, v15;
	(erf) = vpow2.f32 v61;
	v59 =	vpop (erf)  }
0x1a4: {  	v37 =	vsub.f32 v63, v15;
	v24 =	vadd.f32 v50, v24;
	v50 =	vld [tilespmem:s30+$0x5C40];
	(erf) = vpow2.f32 v38;
	v61 =	vpop (erf)  }
0x1a5: {  	v28 =	vsub.f32 v51, v17;
	v41 =	vmul.f32 $1.442695020e+00, v29;
	v29 =	vsub.f32 v46, v16;
	v34 =	vpop (erf)  }
0x1a6: {  	v36 =	vmul.f32 $1.442695020e+00, v60;
	v23 =	vmul.f32 $1.442695020e+00, v62;
	v62 =	vsub.f32 v55, v14;
	v52 =	vpop (erf)  }
0x1a7: {  	v44 =	vmul.f32 $1.442695020e+00, v29;
	v51 =	vadd.f32 v59, v35;
	v29 =	vadd.f32 v42, v57;
	v42 =	vld [tilespmem:s30+$0x5C50];
	v63 =	vpop (erf)  }
0x1a8: {  	v33 =	vadd.f32 v61, v27;
	v27 =	vmul.f32 $1.442695020e+00, v58;
	v26 =	vadd.f32 v63, v26  }
0x1a9: {  	v39 =	vmul.f32 $1.442695020e+00, v62;
	v43 =	vsub.f32 v49, v16;
	v38 =	vsub.f32 v50, v18;
	v40 =	vpop (erf)  }
0x1aa: {  	s26 =	simm.s32 $0x800;
	(erf) = vpow2.f32 v27;
	v35 =	vpop (erf);
	v27 =	vadd.f32 v45, v26;
	v26 =	vadd.f32 v52, v51  }
.LBB2_9:
0x1ab: {  	s28 =	sshra.s32 s26, $0x2;
	p2 =	sne.s32 s26, $0x16C00;
	s26 =	sadd.s32 $0x400, s26;
	v43 =	vmul.f32 $1.442695020e+00, v43;
	v45 =	vpop (erf);
	(erf) = vpow2.f32 v44;
	v22 =	vadd.f32 v31, v22  }
0x1ac: {  	v33 =	vadd.f32 v34, v33;
	v31 =	vld [tilespmem:s28+$0x5CF0];
	v42 =	vsub.f32 v42, v17;
	(erf) = vpow2.f32 v41;
	v34 =	vpop (erf)  }
0x1ad: {  	v21 =	vadd.f32 v35, v21;
	v20 =	vadd.f32 v40, v20;
	v41 =	vld [tilespmem:s28+$0x5C70];
	(erf) = vpow2.f32 v30;
	v30 =	vpop (erf)  }
0x1ae: {  	v22 =	vadd.f32 v34, v22;
	v35 =	vld [tilespmem:s28+$0x5C80];
	v40 =	vmul.f32 $1.442695020e+00, v42;
	(erf) = vpow2.f32 v43  }
0x1af: {  	v20 =	vadd.f32 v25, v20;
	v21 =	vadd.f32 v30, v21;
	v34 =	vld [tilespmem:s28+$0x5CC0];
	(erf) = vpow2.f32 v36  }
0x1b0: {  	v25 =	vmul.f32 $1.442695020e+00, v37;
	v36 =	vld [tilespmem:s28+$0x5C90];
	(erf) = vpow2.f32 v40  }
0x1b1: {  	v28 =	vmul.f32 $1.442695020e+00, v28;
	v30 =	vld [tilespmem:s28+$0x5CE0];
	v42 =	vsub.f32 v31, v19;
	(erf) = vpow2.f32 v39  }
0x1b2: {  	v38 =	vmul.f32 $1.442695020e+00, v38;
	v37 =	vsub.f32 v41, v19;
	v39 =	vld [tilespmem:s28+$0x5CD0];
	(erf) = vpow2.f32 v32  }
0x1b3: {  	v32 =	vsub.f32 v35, v12;
	v35 =	vld [tilespmem:s28+$0x5CA0];
	v40 =	vmul.f32 $1.442695020e+00, v42;
	v31 =	vpop (erf);
	(erf) = vpow2.f32 v28  }
0x1b4: {  	v41 =	vld [tilespmem:s28+$0x5C00];
	v28 =	vmul.f32 $1.442695020e+00, v37;
	v24 =	vadd.f32 v31, v24;
	(erf) = vpow2.f32 v25;
	v46 =	vpop (erf)  }
0x1b5: {  	v42 =	vsub.f32 v34, v18;
	v37 =	vld [tilespmem:s28+$0x5C60];
	(erf) = vpow2.f32 v38;
	v47 =	vpop (erf)  }
0x1b6: {  	v32 =	vmul.f32 $1.442695020e+00, v32;
	v34 =	vld [tilespmem:s28+$0x5C20];
	v38 =	vsub.f32 v30, v13;
	(erf) = vpow2.f32 v28;
	v25 =	vpop (erf)  }
0x1b7: {  	v30 =	vmul.f32 $1.442695020e+00, v42;
	v24 =	vadd.f32 v45, v24;
	v43 =	vld [tilespmem:s28+$0x5CB0];
	v28 =	vsub.f32 v39, v17;
	v31 =	vpop (erf)  }
0x1b8: {  	v39 =	vld [tilespmem:s28+$0x5C10];
	v35 =	vsub.f32 v35, v14;
	(erf) = vpow2.f32 v32;
	v29 =	vadd.f32 v31, v29;
	v31 =	vpop (erf)  }
0x1b9: {  	v42 =	vsub.f32 v41, v12;
	v44 =	vld [tilespmem:s28+$0x5C30];
	v45 =	vpop (erf);
	(erf) = vpow2.f32 v23;
	v23 =	vmul.f32 $1.442695020e+00, v38  }
0x1ba: {  	v41 =	vsub.f32 v36, v15;
	v38 =	vld [tilespmem:s28+$0x5C40];
	v37 =	vsub.f32 v37, v13;
	(erf) = vpow2.f32 v40;
	v36 =	vpop (erf)  }
0x1bb: {  	v32 =	vmul.f32 $1.442695020e+00, v35;
	v50 =	vsub.f32 v34, v14;
	v33 =	vadd.f32 v36, v33;
	v34 =	vpop (erf)  }
.Ltmp5:
0x1bc: {  	v26 =	vadd.f32 v45, v26;
	v41 =	vmul.f32 $1.442695020e+00, v41;
	v36 =	vmul.f32 $1.442695020e+00, v37;
	v45 =	vpop (erf);
	(pc) =	sbr.rel @p2 .LBB2_9-.Ltmp5, $4  }
0x1bd: {  	v48 =	vmul.f32 $1.442695020e+00, v42;
	v51 =	vsub.f32 v43, v16;
	v37 =	vsub.f32 v39, v15;
	v42 =	vld [tilespmem:s28+$0x5C50];
	v49 =	vpop (erf)  }
0x1be: {  	v39 =	vmul.f32 $1.442695020e+00, v50;
	v43 =	vsub.f32 v44, v16;
	v27 =	vadd.f32 v49, v27;
	v40 =	vpop (erf)  }
0x1bf: {  	v29 =	vadd.f32 v46, v29;
	v44 =	vmul.f32 $1.442695020e+00, v51;
	v38 =	vsub.f32 v38, v18;
	v35 =	vpop (erf)  }
0x1c0: {  	v26 =	vadd.f32 v45, v26;
	(erf) = vpow2.f32 v48;
	v27 =	vadd.f32 v47, v27  }
0x1c1: {  	(erf) = vpow2.f32 v44  }
0x1c2: {  	v12 =	vmul.f32 $1.442695020e+00, v43;
	v13 =	vsub.f32 v42, v17;
	(erf) = vpow2.f32 v41  }
0x1c3: {  	(erf) = vpow2.f32 v30  }
0x1c4: {  	v13 =	vmul.f32 $1.442695020e+00, v13;
	(erf) = vpow2.f32 v12  }
0x1c5: {  	(erf) = vpow2.f32 v36  }
0x1c6: {  	v46 =	vpop (erf);
	(erf) = vpow2.f32 v13  }
0x1c7: {  	v14 =	vmul.f32 $1.442695020e+00, v28;
	v47 =	vpop (erf);
	(erf) = vpow2.f32 v39  }
0x1c8: {  	v16 =	vmul.f32 $1.442695020e+00, v37;
	v15 =	vpop (erf);
	(erf) = vpow2.f32 v32  }
0x1c9: {  	v48 =	vpop (erf);
	(erf) = vpow2.f32 v14  }
0x1ca: {  	v50 =	vmul.f32 $1.442695020e+00, v38;
	(erf) = vpow2.f32 v16;
	v49 =	vpop (erf)  }
0x1cb: {  	v18 =	vpop (erf)  }
0x1cc: {  	(erf) = vpow2.f32 v50;
	v19 =	vpop (erf)  }
0x1cd: {  	v55 =	vld [tilespmem:$0xE400];
	v51 =	vpop (erf)  }
0x1ce: {  	v20 =	vadd.f32 v40, v20;
	v52 =	vpop (erf)  }
0x1cf: {  	v22 =	vadd.f32 v31, v22;
	v31 =	vadd.f32 v35, v21;
	v53 =	vpop (erf);
	(erf) = vpow2.f32 v23  }
0x1d0: {  	v57 =	vadd.f32 v34, v33;
	v20 =	vadd.f32 v25, v20;
	v54 =	vpop (erf)  }
0x1d1: {  	v34 =	vadd.f32 v15, v31;
	v17 =	vadd.f32 v48, v24;
	v24 =	vmov s20;
	v56 =	vpop (erf)  }
0x1d2: {  	v13 =	vadd.f32 v47, v22;
	v61 =	vsub.s32 v55, v24;
	v16 =	vadd.f32 v51, v29;
	v58 =	vpop (erf)  }
0x1d3: {  	v12 =	vadd.f32 v46, v17;
	vm0 =	vgt.s32 v61, $0x0;
	v60 =	vadd.f32 v54, v57;
	v59 =	vpop (erf)  }
0x1d4: {  	[tilespmem:$0xE5F0] =	vst v34;
	v63 =	vnsel vm0, $0x0, v61;
	v29 =	vld [tilespmem:$0xE410];
	v14 =	vadd.f32 v49, v16;
	v22 =	vadd.f32 v59, v27  }
0x1d5: {  	[tilespmem:$0xE580] =	vst v12;
	v12 =	vmin.u32 v63, $0xB7;
	v17 =	vadd.f32 v56, v60;
	v62 =	vpop (erf);
	v27 =	vadd.f32 v53, v26  }
0x1d6: {  	v12 =	vshll.u32 v12, $0x7;
	[tilespmem:$0xE5B0] =	vst v14;
	v20 =	vadd.f32 v62, v20;
	v18 =	vadd.f32 v18, v22  }
0x1d7: {  	v13 =	vadd.f32 v52, v13;
	v12 =	vor.u32 v4, v12;
	[tilespmem:$0xE5A0] =	vst v17;
	v32 =	vadd.f32 v58, v27  }
0x1d8: {  	v30 =	vadd.f32 v19, v20;
	[tilespmem:$0xE590] =	vst v18;
	v33 =	vpop (erf)  }
0x1d9: {  	v35 =	vsub.s32 v29, v24;
	[tilespmem:$0xE5D0] =	vst v32;
	v13 =	vadd.f32 v33, v13  }
0x1da: {  	v37 =	vld [tilespmem:$0xE480];
	vm13 =	vgt.s32 v35, $0x0;
	[tilespmem:$0xE5C0] =	vst v30  }
0x1db: {  	v38 =	vld [tilespmem:$0xE420];
	v36 =	vnsel vm13, $0x0, v35;
	[tilespmem:$0xE5E0] =	vst v13  }
0x1dc: {  	v14 =	vmin.u32 v36, $0xB7;
	v12 =	vld.idx.msk [tilespmem:v12+s22+$0x0], $0xffff  }
0x1dd: {  	v14 =	vshll.u32 v14, $0x7  }
0x1de: {  	v14 =	vor.u32 v11, v14;
	_ =	sdelay $0x1  }
0x1df: {  	v39 =	vsub.s32 v38, v24;
	vm14 =	vlt.u32 v61, $0xB8  }
0x1e0: {  	v40 =	vld [tilespmem:$0xE490];
	vm15 =	vgt.s32 v39, $0x0;
	v12 =	vsel vm14, v12, v37  }
0x1e1: {  	v41 =	vld [tilespmem:$0xE430];
	v16 =	vnsel vm15, $0x0, v39;
	[tilespmem:$0xE480] =	vst v12  }
0x1e2: {  	v16 =	vmin.u32 v16, $0xB7;
	v14 =	vld.idx.msk [tilespmem:v14+s22+$0x0], $0xffff  }
0x1e3: {  	v16 =	vshll.u32 v16, $0x7  }
0x1e4: {  	v16 =	vor.u32 v10, v16;
	_ =	sdelay $0x1  }
0x1e5: {  	v42 =	vsub.s32 v41, v24;
	vm4 =	vlt.u32 v35, $0xB8  }
0x1e6: {  	v44 =	vld [tilespmem:$0xE4A0];
	vm5 =	vgt.s32 v42, $0x0;
	v13 =	vsel vm4, v14, v40  }
0x1e7: {  	v45 =	vld [tilespmem:$0xE440];
	v43 =	vnsel vm5, $0x0, v42;
	[tilespmem:$0xE490] =	vst v13  }
0x1e8: {  	v15 =	vmin.u32 v43, $0xB7;
	v13 =	vld.idx.msk [tilespmem:v16+s22+$0x0], $0xffff  }
0x1e9: {  	v15 =	vshll.u32 v15, $0x7  }
0x1ea: {  	v15 =	vor.u32 v9, v15;
	_ =	sdelay $0x1  }
0x1eb: {  	vm6 =	vlt.u32 v39, $0xB8;
	v46 =	vsub.s32 v45, v24  }
0x1ec: {  	v48 =	vld [tilespmem:$0xE4B0];
	vm7 =	vgt.s32 v46, $0x0;
	v12 =	vsel vm6, v13, v44  }
0x1ed: {  	v50 =	vld [tilespmem:$0xE450];
	v49 =	vnsel vm7, $0x0, v46;
	[tilespmem:$0xE4A0] =	vst v12  }
0x1ee: {  	v16 =	vmin.u32 v49, $0xB7;
	v47 =	vld.idx.msk [tilespmem:v15+s22+$0x0], $0xffff  }
0x1ef: {  	v16 =	vshll.u32 v16, $0x7  }
0x1f0: {  	v16 =	vor.u32 v8, v16;
	_ =	sdelay $0x1  }
0x1f1: {  	vm8 =	vlt.u32 v42, $0xB8;
	v51 =	vsub.s32 v50, v24  }
0x1f2: {  	vm9 =	vgt.s32 v51, $0x0;
	v54 =	vld [tilespmem:$0xE460];
	v13 =	vsel vm8, v47, v48  }
0x1f3: {  	v52 =	vnsel vm9, $0x0, v51;
	v53 =	vld [tilespmem:$0xE4C0];
	[tilespmem:$0xE4B0] =	vst v13  }
0x1f4: {  	v15 =	vmin.u32 v52, $0xB7;
	v13 =	vld.idx.msk [tilespmem:v16+s22+$0x0], $0xffff  }
0x1f5: {  	v15 =	vshll.u32 v15, $0x7  }
0x1f6: {  	v15 =	vor.u32 v7, v15;
	_ =	sdelay $0x1  }
0x1f7: {  	vm10 =	vlt.u32 v46, $0xB8;
	v55 =	vsub.s32 v54, v24  }
0x1f8: {  	v57 =	vld [tilespmem:$0xE4D0];
	vm11 =	vgt.s32 v55, $0x0;
	v12 =	vsel vm10, v13, v53  }
0x1f9: {  	v59 =	vld [tilespmem:$0xE470];
	v58 =	vnsel vm11, $0x0, v55;
	[tilespmem:$0xE4C0] =	vst v12  }
0x1fa: {  	v16 =	vmin.u32 v58, $0xB7;
	v56 =	vld.idx.msk [tilespmem:v15+s22+$0x0], $0xffff  }
0x1fb: {  	v16 =	vshll.u32 v16, $0x7  }
0x1fc: {  	v16 =	vor.u32 v6, v16;
	_ =	sdelay $0x1  }
0x1fd: {  	vm12 =	vlt.u32 v51, $0xB8;
	v60 =	vsub.s32 v59, v24  }
0x1fe: {  	vm13 =	vgt.s32 v60, $0x0;
	v13 =	vsel vm12, v56, v57  }
0x1ff: {  	v62 =	vld [tilespmem:$0xE4E0];
	v61 =	vnsel vm13, $0x0, v60;
	[tilespmem:$0xE4D0] =	vst v13  }
0x200: {  	v15 =	vmin.u32 v61, $0xB7;
	v13 =	vld.idx.msk [tilespmem:v16+s22+$0x0], $0xffff  }
0x201: {  	v15 =	vshll.u32 v15, $0x7  }
0x202: {  	v15 =	vor.u32 v5, v15;
	_ =	sdelay $0x1  }
0x203: {  	vm14 =	vlt.u32 v55, $0xB8  }
0x204: {  	v12 =	vsel vm14, v13, v62  }
0x205: {  	v63 =	vld [tilespmem:$0xE4F0];
	[tilespmem:$0xE4E0] =	vst v12  }
0x206: {  	v12 =	vld.idx.msk [tilespmem:v15+s22+$0x0], $0xffff;
	_ =	sdelay $0x1  }
.Ltmp6:
0x207: {  	_ = 	snop;
	(pc) =	sbr.rel @p1 .LBB2_12-.Ltmp6, $4  }
0x208: {  	_ = 	snop  }
0x209: {  	vm15 =	vlt.u32 v60, $0xB8  }
0x20a: {  	v12 =	vsel vm15, v12, v63  }
0x20b: {  	[tilespmem:$0xE4F0] =	vst v12  }
.Ltmp7:
0x20c: {  	(pc) =	sbr.rel .LBB2_2-.Ltmp7, $4  }
0x20d: {  	s3 =	sadd.s32 s3, s13  }
0x20e: {  	s3 =	sshll.u32 s3, $0x4  }
0x20f: {  	s2 =	sadd.s32 $0x1, s2;
	s19 =	sadd.s32 $0x170, s19;
	s3 =	sadd.s32 s1, s3  }
0x210: {  	[tilespmem:s22], [sflag:$0x2] =	stream.linear.gather [hbm4b:s3+s4], $0x5C00, $0x38;
	[tilespmem:$0xE680] =	vst v63  }
.LBB2_12:
.Ltmp8:
0x211: {  	(pc) =	sbr.rel @!p0 .LBB2_13-.Ltmp8, $1  }
0x212: {  	_ =	sdelay $0x3  }
0x213: {  	s2 =	simm.s32 $0x3  }
0x214: {  	_ =	swait.ge [sflag:s2], $0x2C00  }
0x215: {  	[sflag:s2] =	ssyncset.done $0x0  }
0x216: {  	[sflag:s2] =	ssyncadd.s32 $0xFFFFD400  }
0x217: {  	v27 =	vld [tilespmem:$0xE500]  }
0x218: {  	v26 =	vld [tilespmem:$0xE510]  }
0x219: {  	v25 =	vld [tilespmem:$0xE520]  }
0x21a: {  	v24 =	vld [tilespmem:$0xE530]  }
0x21b: {  	v23 =	vld [tilespmem:$0xE540]  }
0x21c: {  	v22 =	vld [tilespmem:$0xE550]  }
0x21d: {  	v20 =	vld [tilespmem:$0xE560]  }
0x21e: {  	v21 =	vld [tilespmem:$0xE570]  }
0x21f: {  	v12 =	vld [tilespmem:$0xE600]  }
0x220: {  	v14 =	vld [tilespmem:$0xE610]  }
0x221: {  	v17 =	vld [tilespmem:$0xE620]  }
0x222: {  	v13 =	vld [tilespmem:$0xE630]  }
0x223: {  	v30 =	vld [tilespmem:$0xE640]  }
0x224: {  	v18 =	vld [tilespmem:$0xE650]  }
0x225: {  	v31 =	vld [tilespmem:$0xE660]  }
0x226: {  	s7 =	simm.s32 $0xB880;
	v19 =	vld [tilespmem:$0xE670]  }
0x227: {  	v28 =	vld [tilespmem:s7+$0xFFFFFF80]  }
0x228: {  	v15 =	vld [tilespmem:s7+$0x10]  }
0x229: {  	v32 =	vld [tilespmem:s7+$0xFFFFFF90]  }
0x22a: {  	v16 =	vld [tilespmem:s7+$0xFFFFFFA0]  }
0x22b: {  	v34 =	vld [tilespmem:s7+$0xFFFFFFB0]  }
0x22c: {  	v33 =	vld [tilespmem:s7+$0xFFFFFFC0]  }
0x22d: {  	v43 =	vld [tilespmem:s7+$0xFFFFFFE0]  }
0x22e: {  	v29 =	vld [tilespmem:s7+$0x0]  }
0x22f: {  	v35 =	vld [tilespmem:s7+$0xFFFFFFD0]  }
0x230: {  	v37 =	vld [tilespmem:s7+$0x30];
	v36 =	vmax.f32 v27, v28;
	vm0 =	vgt.f32 v28, v27  }
0x231: {  	s30 =	sadd.s32 $0xFFFFFFA8, s0;
	v41 =	vld [tilespmem:s7+$0x60];
	v28 =	vmax.f32 v23, v33;
	vm1 =	vgt.f32 v33, v23;
	v40 =	vmax.f32 v24, v34  }
0x232: {  	s3 =	sadd.s32 $0xBD8, s30;
	v44 =	vld [tilespmem:s7+$0x20];
	vm2 =	vgt.f32 v34, v24;
	v45 =	vmax.f32 v25, v16;
	v47 =	vmax.f32 v20, v43  }
0x233: {  	v42 =	vld [tilespmem:s7+$0xFFFFFFF0];
	v46 =	vmax.f32 v26, v32;
	vm3 =	vgt.f32 v32, v26;
	v38 =	vsel vm0, s3, v12  }
0x234: {  	v12 =	vmax.f32 v36, v29;
	vm0 =	vgt.f32 v29, v36;
	v29 =	vld [tilespmem:s7+$0x50];
	v48 =	vsel vm2, s3, v13  }
0x235: {  	s2 =	sadd.s32 $0xBD9, s30;
	v34 =	vld [tilespmem:s7+$0x40];
	v39 =	vmovc v25;
	v36 =	vmax.f32 v22, v35;
	vm2 =	vgt.f32 v15, v46;
	vm4 =	vgt.f32 v37, v40  }
0x236: {  	s19 =	simm.s32 $0xFFFFFFAA;
	s20 =	simm.s32 $0xB980;
	v32 =	vld [tilespmem:s7+$0x70];
	v13 =	vmax.f32 v47, v41;
	v33 =	vsel vm0, s2, v38;
	vm0 =	vgt.f32 v35, v22;
	v35 =	vmovc v21;
	v38 =	vmovc v20  }
.LBB2_19:
0x237: {  	v49 =	vld [tilespmem:s20+$0xFFFFFF80];
	p1 =	sne.s32 s19, $0xFFFFFFFE;
	v14 =	vsel vm3, s3, v14;
	vm5 =	vgt.f32 v43, v38;
	v48 =	vsel vm4, s2, v48;
	v38 =	vmovc v13;
	s7 =	smov.u32 s19;
	s19 =	sadd.s32 $0x2, s19  }
0x238: {  	vm3 =	vgt.f32 v16, v39;
	v43 =	vld [tilespmem:s20+$0x10];
	v14 =	vsel vm2, s2, v14;
	vm2 =	vgt.f32 v41, v47  }
0x239: {  	v30 =	vsel vm1, s3, v30;
	vm1 =	vgt.f32 v29, v36;
	v39 =	vmax.f32 v45, v44;
	v50 =	vld [tilespmem:s20+$0xFFFFFF90]  }
0x23a: {  	v31 =	vsel vm5, s3, v31;
	v41 =	vmax.f32 v35, v42;
	v16 =	vld [tilespmem:s20+$0xFFFFFFA0];
	vm4 =	vgt.f32 v34, v28  }
0x23b: {  	v51 =	vmax.f32 v46, v15;
	s7 =	sadd.s32 s7, s0;
	vm5 =	vgt.f32 v44, v45;
	v44 =	vmax.f32 v40, v37;
	v47 =	vld [tilespmem:s20+$0x0]  }
0x23c: {  	s25 =	sadd.s32 $0xBD8, s7;
	v37 =	vmax.f32 v12, v49;
	vm6 =	vgt.f32 v49, v12;
	v45 =	vld [tilespmem:s20+$0xFFFFFFB0];
	v12 =	vsel vm0, s3, v18  }
0x23d: {  	v30 =	vsel vm4, s2, v30;
	vm0 =	vgt.f32 v42, v35;
	v33 =	vsel vm6, s25, v33;
	v40 =	vld [tilespmem:s20+$0xFFFFFFC0];
	v15 =	vmovc v43  }
0x23e: {  	v17 =	vsel vm3, s3, v17;
	s7 =	sadd.s32 $0xBD9, s7;
	v35 =	vmax.f32 v41, v32;
	v19 =	vsel vm0, s3, v19;
	s3 =	smov.u32 s25;
	v49 =	vld [tilespmem:s20+$0xFFFFFFD0]  }
0x23f: {  	v36 =	vmax.f32 v36, v29;
	v18 =	vsel vm1, s2, v12;
	vm0 =	vgt.f32 v32, v41;
	v43 =	vld [tilespmem:s20+$0xFFFFFFE0]  }
0x240: {  	v17 =	vsel vm5, s2, v17;
	v31 =	vsel vm2, s2, v31;
	v29 =	vmax.f32 v28, v34;
	v41 =	vld [tilespmem:s20+$0x60]  }
0x241: {  	v19 =	vsel vm0, s2, v19;
	s2 =	smov.u32 s7;
	v12 =	vmax.f32 v37, v47;
	vm2 =	vgt.f32 v47, v37;
	v37 =	vld [tilespmem:s20+$0x30]  }
.Ltmp9:
0x242: {  	v33 =	vsel vm2, s2, v33;
	v28 =	vmax.f32 v29, v40;
	vm1 =	vgt.f32 v40, v29;
	v29 =	vld [tilespmem:s20+$0x50];
	(pc) =	sbr.rel @p1 .LBB2_19-.Ltmp9, $4  }
0x243: {  	vm2 =	vgt.f32 v45, v44;
	v40 =	vmax.f32 v44, v45;
	vm0 =	vgt.f32 v49, v36;
	v44 =	vld [tilespmem:s20+$0x20]  }
0x244: {  	v45 =	vmax.f32 v39, v16;
	v48 =	vsel vm2, s3, v48;
	v47 =	vmax.f32 v13, v43;
	v42 =	vld [tilespmem:s20+$0xFFFFFFF0]  }
0x245: {  	v46 =	vmax.f32 v51, v50;
	vm3 =	vgt.f32 v50, v51;
	v36 =	vmax.f32 v36, v49;
	v34 =	vld [tilespmem:s20+$0x40]  }
0x246: {  	vm2 =	vgt.f32 v15, v46;
	v13 =	vmax.f32 v47, v41;
	vm4 =	vgt.f32 v37, v40;
	v32 =	vld [tilespmem:s20+$0x70];
	s20 =	sadd.s32 $0x100, s20  }
0x247: {  	v14 =	vsel vm3, s3, v14;
	vm13 =	vgt.f32 v16, v39  }
0x248: {  	vm15 =	vgt.f32 v29, v36;
	v15 =	vmax.f32 v46, v15;
	v59 =	vsub.f32 v27, v12  }
0x249: {  	v16 =	vmax.f32 v40, v37;
	v63 =	vsel vm0, s3, v18;
	v57 =	vsel vm2, s2, v14  }
0x24a: {  	v14 =	vmax.f32 v45, v44;
	vm5 =	vgt.f32 v44, v45;
	v60 =	vsub.f32 v26, v15  }
0x24b: {  	v44 =	vsel vm13, s3, v17;
	v61 =	vmul.f32 $1.442695020e+00, v59;
	v62 =	vsub.f32 v25, v14  }
0x24c: {  	v45 =	vsub.f32 v24, v16;
	v58 =	vmax.f32 v35, v42;
	v18 =	vmul.f32 $1.442695020e+00, v60  }
0x24d: {  	vm9 =	vgt.f32 v42, v35;
	(erf) = vpow2.f32 v61;
	v42 =	vmul.f32 $1.442695020e+00, v62  }
0x24e: {  	v17 =	vmax.f32 v36, v29;
	(erf) = vpow2.f32 v18;
	v18 =	vmax.f32 v28, v34  }
0x24f: {  	v29 =	vmul.f32 $1.442695020e+00, v45;
	(erf) = vpow2.f32 v42;
	v46 =	vsub.f32 v23, v18  }
0x250: {  	v49 =	vsub.f32 v20, v13;
	vm8 =	vgt.f32 v34, v28  }
0x251: {  	v28 =	vsel vm5, s2, v44;
	(erf) = vpow2.f32 v29;
	v29 =	vmul.f32 $1.442695020e+00, v46  }
0x252: {  	[tilespmem:$0xE620] =	vst v28;
	v28 =	vsub.f32 v22, v17  }
0x253: {  	vm12 =	vgt.f32 v43, v38;
	[tilespmem:$0xE500] =	vst v12;
	v51 =	vld [tilespmem:$0xE590];
	(erf) = vpow2.f32 v29;
	v29 =	vmul.f32 $1.442695020e+00, v49  }
0x254: {  	v56 =	vsel vm4, s2, v48;
	vm14 =	vgt.f32 v41, v47;
	[tilespmem:$0xE600] =	vst v33;
	v52 =	vld [tilespmem:$0xE5A0];
	v28 =	vmul.f32 $1.442695020e+00, v28  }
0x255: {  	v30 =	vsel vm1, s3, v30;
	vm11 =	vlt.f32 v27, $-Inf;
	[tilespmem:$0xE560] =	vst v13;
	v31 =	vsel vm12, s3, v31  }
0x256: {  	v48 =	vld [tilespmem:$0xE580];
	[tilespmem:$0xE510] =	vst v15;
	v50 =	vsel vm15, s2, v63;
	vm12 =	vgt.f32 v27, $-Inf;
	(erf) = vpow2.f32 v28;
	v27 =	vpop (erf)  }
0x257: {  	[tilespmem:$0xE530] =	vst v16;
	vm13 =	vlt.f32 v26, $-Inf;
	v31 =	vsel vm14, s2, v31;
	(erf) = vpow2.f32 v29;
	v29 =	vpop (erf)  }
0x258: {  	[tilespmem:$0xE630] =	vst v56;
	vm14 =	vgt.f32 v26, $-Inf;
	v30 =	vsel vm8, s2, v30;
	v26 =	vmul.f32 v51, v29;
	v29 =	vpop (erf)  }
0x259: {  	vm15 =	vlt.f32 v25, $-Inf;
	vm8 =	vgt.f32 v25, $-Inf;
	[tilespmem:$0xE640] =	vst v30;
	v30 =	vld [tilespmem:$0xE5B0];
	v25 =	vmul.f32 v52, v29  }
0x25a: {  	[tilespmem:$0xE610] =	vst v57;
	v47 =	vsel vm9, s3, v19;
	v19 =	vmax.f32 v58, v32  }
0x25b: {  	[tilespmem:$0xE520] =	vst v14;
	vm10 =	vgt.f32 v32, v58;
	v28 =	vsub.f32 v21, v19;
	v27 =	vmul.f32 v48, v27  }
0x25c: {  	[tilespmem:$0xE550] =	vst v17;
	vm0 =	vmor vm12, vm11;
	v53 =	vsel vm10, s2, v47;
	vm10 =	vmor vm8, vm15  }
0x25d: {  	[tilespmem:$0xE660] =	vst v31;
	v28 =	vmul.f32 $1.442695020e+00, v28;
	v31 =	vnsel vm0, $0x0, v27;
	v27 =	vnsel vm10, $0x0, v25;
	v25 =	vpop (erf)  }
0x25e: {  	[tilespmem:$0xE650] =	vst v50;
	vm11 =	vlt.f32 v24, $-Inf;
	vm12 =	vgt.f32 v24, $-Inf;
	v29 =	vld [tilespmem:$0xE5D0];
	v24 =	vmul.f32 v30, v25  }
0x25f: {  	[tilespmem:$0xE570] =	vst v19;
	(erf) = vpow2.f32 v28;
	v28 =	vld [tilespmem:$0xE5E0]  }
0x260: {  	v54 =	vld [tilespmem:$0xE5C0];
	vm9 =	vmor vm14, vm13;
	[tilespmem:$0xE540] =	vst v18  }
0x261: {  	v55 =	vld [tilespmem:$0xE5F0];
	s29 =	simm.s32 $0x0;
	vm13 =	vlt.f32 v23, $-Inf;
	vm14 =	vgt.f32 v23, $-Inf;
	[tilespmem:$0xE670] =	vst v53;
	vm0 =	vmor vm12, vm11;
	v23 =	vpop (erf)  }
0x262: {  	vm8 =	vlt.f32 v22, $-Inf;
	v56 =	vld [tilespmem:s29+$0xB880];
	v34 =	vnsel vm0, $0x0, v24;
	v24 =	vpop (erf)  }
0x263: {  	v58 =	vld [tilespmem:s29+$0xB8A0];
	v26 =	vnsel vm9, $0x0, v26;
	vm9 =	vgt.f32 v22, $-Inf;
	v22 =	vmul.f32 v29, v24;
	v24 =	vpop (erf)  }
0x264: {  	v30 =	vld [tilespmem:s29+$0xB870];
	v24 =	vmul.f32 v28, v24  }
0x265: {  	vm15 =	vmor vm14, vm13;
	vm14 =	vlt.f32 v21, $-Inf;
	v25 =	vld [tilespmem:s29+$0xB8F0]  }
0x266: {  	vm11 =	vgt.f32 v20, $-Inf;
	vm10 =	vlt.f32 v20, $-Inf;
	v23 =	vmul.f32 v54, v23;
	v29 =	vld [tilespmem:s29+$0xB8C0]  }
0x267: {  	v32 =	vsub.f32 v56, v12;
	vm12 =	vmor vm9, vm8;
	vm13 =	vmor vm11, vm10;
	v28 =	vld [tilespmem:s29+$0xB8E0]  }
0x268: {  	v36 =	vld [tilespmem:s29+$0xB800];
	v20 =	vnsel vm15, $0x0, v23;
	v35 =	vnsel vm12, $0x0, v22;
	v22 =	vnsel vm13, $0x0, v24;
	v24 =	vpop (erf)  }
0x269: {  	vm15 =	vgt.f32 v21, $-Inf;
	v21 =	vmul.f32 v55, v24;
	v24 =	vsub.f32 v30, v19;
	v30 =	vld [tilespmem:s29+$0xB8B0]  }
0x26a: {  	v57 =	vld [tilespmem:s29+$0xB890];
	v37 =	vsub.f32 v58, v14  }
0x26b: {  	v59 =	vld [tilespmem:s29+$0xB850];
	v32 =	vmul.f32 $1.442695020e+00, v32;
	v29 =	vsub.f32 v29, v18;
	v24 =	vmul.f32 $1.442695020e+00, v24  }
0x26c: {  	v38 =	vld [tilespmem:s29+$0xB830];
	v37 =	vmul.f32 $1.442695020e+00, v37;
	v25 =	vsub.f32 v25, v19;
	v28 =	vsub.f32 v28, v13  }
0x26d: {  	v39 =	vld [tilespmem:s29+$0xB860];
	(erf) = vpow2.f32 v24;
	v24 =	vmul.f32 $1.442695020e+00, v29;
	v29 =	vsub.f32 v36, v12  }
0x26e: {  	v60 =	vld [tilespmem:s29+$0xB820];
	v25 =	vmul.f32 $1.442695020e+00, v25;
	v61 =	vmul.f32 $1.442695020e+00, v28;
	v30 =	vsub.f32 v30, v16  }
0x26f: {  	v28 =	vsub.f32 v57, v15;
	(erf) = vpow2.f32 v32;
	v29 =	vmul.f32 $1.442695020e+00, v29  }
0x270: {  	v45 =	vld [tilespmem:s29+$0xB810];
	v32 =	vsub.f32 v59, v17;
	(erf) = vpow2.f32 v25;
	v25 =	vmul.f32 $1.442695020e+00, v30  }
0x271: {  	v38 =	vsub.f32 v38, v16;
	v23 =	vld [tilespmem:s29+$0xB8D0];
	v28 =	vmul.f32 $1.442695020e+00, v28;
	(erf) = vpow2.f32 v29  }
0x272: {  	s30 =	simm.s32 $0x100;
	v30 =	vld [tilespmem:s29+$0xB840];
	v32 =	vmul.f32 $1.442695020e+00, v32;
	v29 =	vsub.f32 v39, v13;
	(erf) = vpow2.f32 v25  }
0x273: {  	v47 =	vld [tilespmem:s30+$0xB870];
	v25 =	vmul.f32 $1.442695020e+00, v38;
	(erf) = vpow2.f32 v28;
	v28 =	vsub.f32 v60, v14  }
0x274: {  	v53 =	vld [tilespmem:s30+$0xB800];
	v29 =	vmul.f32 $1.442695020e+00, v29;
	(erf) = vpow2.f32 v24  }
0x275: {  	v63 =	vld [tilespmem:s30+$0xB810];
	vm0 =	vmor vm15, vm14;
	(erf) = vpow2.f32 v25;
	v25 =	vmul.f32 $1.442695020e+00, v28  }
0x276: {  	v49 =	vld [tilespmem:s30+$0xB8C0];
	v23 =	vsub.f32 v23, v17;
	v21 =	vnsel vm0, $0x0, v21;
	(erf) = vpow2.f32 v29  }
0x277: {  	v48 =	vld [tilespmem:s30+$0xB880];
	v24 =	vsub.f32 v45, v15;
	v28 =	vsub.f32 v30, v18;
	v30 =	vpop (erf);
	(erf) = vpow2.f32 v32  }
0x278: {  	v52 =	vld [tilespmem:s30+$0xB8A0];
	v23 =	vmul.f32 $1.442695020e+00, v23;
	v21 =	vadd.f32 v30, v21;
	v50 =	vpop (erf);
	(erf) = vpow2.f32 v25  }
0x279: {  	v46 =	vld [tilespmem:s30+$0xB8F0];
	v58 =	vsub.f32 v53, v12;
	v24 =	vmul.f32 $1.442695020e+00, v24;
	v25 =	vpop (erf);
	(erf) = vpow2.f32 v37  }
0x27a: {  	v36 =	vsub.f32 v47, v19;
	v30 =	vld [tilespmem:s30+$0xB8E0];
	v21 =	vadd.f32 v25, v21;
	v25 =	vpop (erf);
	(erf) = vpow2.f32 v23  }
0x27b: {  	v54 =	vld [tilespmem:s30+$0xB860];
	(erf) = vpow2.f32 v24;
	v24 =	vadd.f32 v25, v31;
	v31 =	vsub.f32 v49, v18  }
0x27c: {  	v29 =	vld [tilespmem:s30+$0xB890];
	v28 =	vmul.f32 $1.442695020e+00, v28;
	v23 =	vsub.f32 v48, v12;
	v42 =	vpop (erf)  }
0x27d: {  	v51 =	vld [tilespmem:s30+$0xB8D0];
	v56 =	vsub.f32 v52, v14;
	v52 =	vmul.f32 $1.442695020e+00, v58;
	v36 =	vmul.f32 $1.442695020e+00, v36;
	v45 =	vpop (erf)  }
0x27e: {  	v38 =	vsub.f32 v46, v19;
	v46 =	vld [tilespmem:s30+$0xB8B0];
	(erf) = vpow2.f32 v28;
	v23 =	vmul.f32 $1.442695020e+00, v23;
	v25 =	vpop (erf)  }
0x27f: {  	v55 =	vld [tilespmem:s30+$0xB820];
	v62 =	vsub.f32 v30, v13;
	(erf) = vpow2.f32 v36;
	v30 =	vmul.f32 $1.442695020e+00, v31;
	v31 =	vpop (erf)  }
0x280: {  	v38 =	vmul.f32 $1.442695020e+00, v38;
	(erf) = vpow2.f32 v23;
	v57 =	vadd.f32 v31, v34;
	v31 =	vpop (erf)  }
0x281: {  	v60 =	vsub.f32 v54, v13;
	v49 =	vld [tilespmem:s30+$0xB830];
	v29 =	vsub.f32 v29, v15;
	(erf) = vpow2.f32 v61;
	v59 =	vpop (erf)  }
0x282: {  	v32 =	vmul.f32 $1.442695020e+00, v56;
	v24 =	vadd.f32 v50, v24;
	v50 =	vld [tilespmem:s30+$0xB840];
	(erf) = vpow2.f32 v38;
	v61 =	vpop (erf)  }
0x283: {  	v37 =	vsub.f32 v63, v15;
	v41 =	vmul.f32 $1.442695020e+00, v29;
	v29 =	vsub.f32 v46, v16;
	v34 =	vpop (erf)  }
0x284: {  	v28 =	vsub.f32 v51, v17;
	v23 =	vmul.f32 $1.442695020e+00, v62;
	v62 =	vsub.f32 v55, v14;
	v51 =	vpop (erf)  }
0x285: {  	v44 =	vmul.f32 $1.442695020e+00, v29;
	v29 =	vadd.f32 v42, v57;
	v42 =	vld [tilespmem:s30+$0xB850];
	v33 =	vadd.f32 v61, v27;
	v63 =	vpop (erf)  }
0x286: {  	v36 =	vmul.f32 $1.442695020e+00, v60;
	v27 =	vadd.f32 v59, v35;
	v26 =	vadd.f32 v63, v26  }
0x287: {  	v39 =	vmul.f32 $1.442695020e+00, v62;
	v43 =	vsub.f32 v49, v16;
	v38 =	vsub.f32 v50, v18;
	v40 =	vpop (erf)  }
0x288: {  	s2 =	simm.s32 $0x800;
	(erf) = vpow2.f32 v52;
	v27 =	vadd.f32 v51, v27;
	v35 =	vpop (erf);
	v26 =	vadd.f32 v45, v26  }
.LBB2_21:
0x289: {  	s3 =	sshra.s32 s2, $0x2;
	p1 =	sne.s32 s2, $0xAC00;
	s2 =	sadd.s32 $0x400, s2;
	v43 =	vmul.f32 $1.442695020e+00, v43;
	v45 =	vpop (erf);
	(erf) = vpow2.f32 v44;
	v22 =	vadd.f32 v31, v22  }
0x28a: {  	v33 =	vadd.f32 v34, v33;
	v31 =	vld [tilespmem:s3+$0xB8F0];
	v42 =	vsub.f32 v42, v17;
	(erf) = vpow2.f32 v41;
	v34 =	vpop (erf)  }
0x28b: {  	v21 =	vadd.f32 v35, v21;
	v20 =	vadd.f32 v40, v20;
	v41 =	vld [tilespmem:s3+$0xB870];
	(erf) = vpow2.f32 v30;
	v30 =	vpop (erf)  }
0x28c: {  	v22 =	vadd.f32 v34, v22;
	v35 =	vld [tilespmem:s3+$0xB880];
	v40 =	vmul.f32 $1.442695020e+00, v42;
	(erf) = vpow2.f32 v43  }
0x28d: {  	v20 =	vadd.f32 v25, v20;
	v21 =	vadd.f32 v30, v21;
	v34 =	vld [tilespmem:s3+$0xB8C0];
	(erf) = vpow2.f32 v36  }
0x28e: {  	v25 =	vmul.f32 $1.442695020e+00, v37;
	v36 =	vld [tilespmem:s3+$0xB890];
	(erf) = vpow2.f32 v40  }
0x28f: {  	v28 =	vmul.f32 $1.442695020e+00, v28;
	v30 =	vld [tilespmem:s3+$0xB8E0];
	v42 =	vsub.f32 v31, v19;
	(erf) = vpow2.f32 v39  }
0x290: {  	v38 =	vmul.f32 $1.442695020e+00, v38;
	v37 =	vsub.f32 v41, v19;
	v39 =	vld [tilespmem:s3+$0xB8D0];
	(erf) = vpow2.f32 v32  }
0x291: {  	v32 =	vsub.f32 v35, v12;
	v35 =	vld [tilespmem:s3+$0xB8A0];
	v40 =	vmul.f32 $1.442695020e+00, v42;
	v31 =	vpop (erf);
	(erf) = vpow2.f32 v28  }
0x292: {  	v41 =	vld [tilespmem:s3+$0xB800];
	v28 =	vmul.f32 $1.442695020e+00, v37;
	v24 =	vadd.f32 v31, v24;
	(erf) = vpow2.f32 v25;
	v46 =	vpop (erf)  }
0x293: {  	v42 =	vsub.f32 v34, v18;
	v37 =	vld [tilespmem:s3+$0xB860];
	(erf) = vpow2.f32 v38;
	v47 =	vpop (erf)  }
0x294: {  	v32 =	vmul.f32 $1.442695020e+00, v32;
	v34 =	vld [tilespmem:s3+$0xB820];
	v38 =	vsub.f32 v30, v13;
	(erf) = vpow2.f32 v28;
	v25 =	vpop (erf)  }
0x295: {  	v30 =	vmul.f32 $1.442695020e+00, v42;
	v24 =	vadd.f32 v45, v24;
	v43 =	vld [tilespmem:s3+$0xB8B0];
	v28 =	vsub.f32 v39, v17;
	v31 =	vpop (erf)  }
0x296: {  	v39 =	vld [tilespmem:s3+$0xB810];
	v35 =	vsub.f32 v35, v14;
	(erf) = vpow2.f32 v32;
	v29 =	vadd.f32 v31, v29;
	v31 =	vpop (erf)  }
0x297: {  	v42 =	vsub.f32 v41, v12;
	v44 =	vld [tilespmem:s3+$0xB830];
	v45 =	vpop (erf);
	(erf) = vpow2.f32 v23;
	v23 =	vmul.f32 $1.442695020e+00, v38  }
0x298: {  	v41 =	vsub.f32 v36, v15;
	v38 =	vld [tilespmem:s3+$0xB840];
	v37 =	vsub.f32 v37, v13;
	(erf) = vpow2.f32 v40;
	v36 =	vpop (erf)  }
0x299: {  	v32 =	vmul.f32 $1.442695020e+00, v35;
	v50 =	vsub.f32 v34, v14;
	v33 =	vadd.f32 v36, v33;
	v34 =	vpop (erf)  }
.Ltmp10:
0x29a: {  	v27 =	vadd.f32 v45, v27;
	v41 =	vmul.f32 $1.442695020e+00, v41;
	v36 =	vmul.f32 $1.442695020e+00, v37;
	v45 =	vpop (erf);
	(pc) =	sbr.rel @p1 .LBB2_21-.Ltmp10, $4  }
0x29b: {  	v48 =	vmul.f32 $1.442695020e+00, v42;
	v51 =	vsub.f32 v43, v16;
	v37 =	vsub.f32 v39, v15;
	v42 =	vld [tilespmem:s3+$0xB850];
	v49 =	vpop (erf)  }
0x29c: {  	v39 =	vmul.f32 $1.442695020e+00, v50;
	v43 =	vsub.f32 v44, v16;
	v26 =	vadd.f32 v49, v26;
	v40 =	vpop (erf)  }
0x29d: {  	v29 =	vadd.f32 v46, v29;
	v44 =	vmul.f32 $1.442695020e+00, v51;
	v38 =	vsub.f32 v38, v18;
	v35 =	vpop (erf)  }
0x29e: {  	v27 =	vadd.f32 v45, v27;
	(erf) = vpow2.f32 v48;
	v26 =	vadd.f32 v47, v26  }
0x29f: {  	(erf) = vpow2.f32 v44  }
0x2a0: {  	v12 =	vmul.f32 $1.442695020e+00, v43;
	v13 =	vsub.f32 v42, v17;
	(erf) = vpow2.f32 v41  }
0x2a1: {  	(erf) = vpow2.f32 v30  }
0x2a2: {  	v13 =	vmul.f32 $1.442695020e+00, v13;
	(erf) = vpow2.f32 v12  }
0x2a3: {  	(erf) = vpow2.f32 v36  }
0x2a4: {  	v48 =	vpop (erf);
	(erf) = vpow2.f32 v13  }
0x2a5: {  	v49 =	vpop (erf)  }
0x2a6: {  	v14 =	vmul.f32 $1.442695020e+00, v28;
	v15 =	vpop (erf);
	(erf) = vpow2.f32 v39  }
0x2a7: {  	v16 =	vmul.f32 $1.442695020e+00, v37;
	(erf) = vpow2.f32 v32;
	v50 =	vpop (erf)  }
0x2a8: {  	v52 =	vmul.f32 $1.442695020e+00, v38;
	(erf) = vpow2.f32 v14;
	v51 =	vpop (erf)  }
0x2a9: {  	(erf) = vpow2.f32 v16;
	v18 =	vpop (erf)  }
0x2aa: {  	(erf) = vpow2.f32 v52;
	v19 =	vpop (erf)  }
0x2ab: {  	v57 =	vld [tilespmem:$0xE400];
	v53 =	vpop (erf)  }
0x2ac: {  	v20 =	vadd.f32 v40, v20;
	v54 =	vpop (erf)  }
0x2ad: {  	v22 =	vadd.f32 v31, v22;
	v38 =	vadd.f32 v35, v21;
	v55 =	vpop (erf);
	(erf) = vpow2.f32 v23  }
0x2ae: {  	v59 =	vadd.f32 v34, v33;
	v20 =	vadd.f32 v25, v20  }
0x2af: {  	v41 =	vadd.f32 v15, v38;
	v17 =	vadd.f32 v50, v24;
	v56 =	vpop (erf)  }
0x2b0: {  	v13 =	vadd.f32 v49, v22;
	v63 =	vsub.s32 v57, v0;
	v16 =	vadd.f32 v53, v29;
	v58 =	vpop (erf)  }
0x2b1: {  	vm0 =	vgt.s32 v63, $0x0;
	v12 =	vadd.f32 v48, v17;
	v62 =	vadd.f32 v56, v59;
	v60 =	vpop (erf)  }
0x2b2: {  	v37 =	vld [tilespmem:$0xE410];
	[tilespmem:$0xE5F0] =	vst v41;
	v32 =	vnsel vm0, $0x0, v63;
	v34 =	vadd.f32 v55, v27;
	v14 =	vadd.f32 v51, v16;
	v61 =	vpop (erf)  }
0x2b3: {  	[tilespmem:$0xE580] =	vst v12;
	v12 =	vmin.u32 v32, $0x57;
	v17 =	vadd.f32 v58, v62;
	v22 =	vadd.f32 v61, v26;
	v31 =	vpop (erf)  }
0x2b4: {  	v12 =	vshll.u32 v12, $0x7;
	[tilespmem:$0xE5B0] =	vst v14;
	v39 =	vadd.f32 v60, v34;
	v20 =	vadd.f32 v31, v20  }
0x2b5: {  	v13 =	vadd.f32 v54, v13;
	v12 =	vor.u32 v4, v12;
	[tilespmem:$0xE5A0] =	vst v17;
	v18 =	vadd.f32 v18, v22  }
0x2b6: {  	[tilespmem:$0xE5D0] =	vst v39;
	v36 =	vadd.f32 v19, v20;
	v40 =	vpop (erf)  }
0x2b7: {  	v42 =	vsub.s32 v37, v0;
	[tilespmem:$0xE590] =	vst v18;
	v13 =	vadd.f32 v40, v13  }
0x2b8: {  	v43 =	vld [tilespmem:$0xE480];
	vm0 =	vgt.s32 v42, $0x0;
	[tilespmem:$0xE5C0] =	vst v36  }
0x2b9: {  	s2 =	simm.s32 $0xB800;
	v45 =	vld [tilespmem:$0xE420];
	v44 =	vnsel vm0, $0x0, v42;
	[tilespmem:$0xE5E0] =	vst v13  }
0x2ba: {  	v15 =	vmin.u32 v44, $0x57;
	v12 =	vld.idx.msk [tilespmem:v12+s2+$0x0], $0xffff  }
0x2bb: {  	v15 =	vshll.u32 v15, $0x7  }
0x2bc: {  	v11 =	vor.u32 v11, v15;
	_ =	sdelay $0x1  }
0x2bd: {  	v46 =	vsub.s32 v45, v0;
	vm0 =	vlt.u32 v63, $0x58  }
0x2be: {  	v49 =	vld [tilespmem:$0xE430];
	v12 =	vsel vm0, v12, v43;
	vm0 =	vgt.s32 v46, $0x0  }
0x2bf: {  	v48 =	vld [tilespmem:$0xE490];
	[tilespmem:$0xE480] =	vst v12;
	v47 =	vnsel vm0, $0x0, v46  }
0x2c0: {  	v11 =	vld.idx.msk [tilespmem:v11+s2+$0x0], $0xffff;
	v12 =	vmin.u32 v47, $0x57  }
0x2c1: {  	v12 =	vshll.u32 v12, $0x7  }
0x2c2: {  	v10 =	vor.u32 v10, v12;
	_ =	sdelay $0x1  }
0x2c3: {  	v50 =	vsub.s32 v49, v0;
	vm0 =	vlt.u32 v42, $0x58  }
0x2c4: {  	v53 =	vld [tilespmem:$0xE440];
	v11 =	vsel vm0, v11, v48;
	vm0 =	vgt.s32 v50, $0x0  }
0x2c5: {  	v51 =	vld [tilespmem:$0xE4A0];
	[tilespmem:$0xE490] =	vst v11;
	v52 =	vnsel vm0, $0x0, v50  }
0x2c6: {  	v10 =	vld.idx.msk [tilespmem:v10+s2+$0x0], $0xffff;
	v13 =	vmin.u32 v52, $0x57  }
0x2c7: {  	v13 =	vshll.u32 v13, $0x7  }
0x2c8: {  	v9 =	vor.u32 v9, v13;
	_ =	sdelay $0x1  }
0x2c9: {  	v54 =	vsub.s32 v53, v0;
	vm0 =	vlt.u32 v46, $0x58  }
0x2ca: {  	v57 =	vld [tilespmem:$0xE450];
	v10 =	vsel vm0, v10, v51;
	vm0 =	vgt.s32 v54, $0x0  }
0x2cb: {  	v56 =	vld [tilespmem:$0xE4B0];
	[tilespmem:$0xE4A0] =	vst v10;
	v55 =	vnsel vm0, $0x0, v54  }
0x2cc: {  	v9 =	vld.idx.msk [tilespmem:v9+s2+$0x0], $0xffff;
	v10 =	vmin.u32 v55, $0x57  }
0x2cd: {  	v10 =	vshll.u32 v10, $0x7  }
0x2ce: {  	v8 =	vor.u32 v8, v10;
	_ =	sdelay $0x1  }
0x2cf: {  	v58 =	vsub.s32 v57, v0;
	vm0 =	vlt.u32 v50, $0x58  }
0x2d0: {  	v59 =	vld [tilespmem:$0xE4C0];
	v9 =	vsel vm0, v9, v56;
	vm0 =	vgt.s32 v58, $0x0  }
0x2d1: {  	v61 =	vld [tilespmem:$0xE460];
	[tilespmem:$0xE4B0] =	vst v9;
	v60 =	vnsel vm0, $0x0, v58  }
0x2d2: {  	v8 =	vld.idx.msk [tilespmem:v8+s2+$0x0], $0xffff;
	v11 =	vmin.u32 v60, $0x57  }
0x2d3: {  	v11 =	vshll.u32 v11, $0x7  }
0x2d4: {  	v7 =	vor.u32 v7, v11;
	_ =	sdelay $0x1  }
0x2d5: {  	vm0 =	vlt.u32 v54, $0x58  }
0x2d6: {  	v62 =	vsub.s32 v61, v0;
	v8 =	vsel vm0, v8, v59  }
0x2d7: {  	v63 =	vld [tilespmem:$0xE4D0];
	vm0 =	vgt.s32 v62, $0x0;
	[tilespmem:$0xE4C0] =	vst v8  }
0x2d8: {  	v8 =	vnsel vm0, $0x0, v62;
	v7 =	vld.idx.msk [tilespmem:v7+s2+$0x0], $0xffff  }
0x2d9: {  	v8 =	vmin.u32 v8, $0x57  }
0x2da: {  	v8 =	vshll.u32 v8, $0x7  }
0x2db: {  	v6 =	vor.u32 v6, v8  }
0x2dc: {  	vm0 =	vlt.u32 v58, $0x58  }
0x2dd: {  	v7 =	vsel vm0, v7, v63  }
0x2de: {  	[tilespmem:$0xE4D0] =	vst v7;
	v7 =	vld [tilespmem:$0xE470]  }
0x2df: {  	v8 =	vld [tilespmem:$0xE4E0]  }
0x2e0: {  	v6 =	vld.idx.msk [tilespmem:v6+s2+$0x0], $0xffff;
	_ =	sdelay $0x1  }
.Ltmp11:
0x2e1: {  	_ = 	snop;
	(pc) =	sbr.rel .LBB2_23-.Ltmp11, $4  }
0x2e2: {  	v7 =	vsub.s32 v7, v0  }
0x2e3: {  	vm0 =	vlt.u32 v62, $0x58;
	vm1 =	vgt.s32 v7, $0x0  }
0x2e4: {  	v6 =	vsel vm0, v6, v8;
	v8 =	vnsel vm1, $0x0, v7  }
0x2e5: {  	vm0 =	vlt.u32 v7, $0x58;
	[tilespmem:$0xE4E0] =	vst v6;
	v6 =	vmin.u32 v8, $0x57  }
.LBB2_13:
0x2e6: {  	_ =	swait.ge [sflag:s23], $0x5C00  }
0x2e7: {  	[sflag:s23] =	ssyncset.done $0x0  }
0x2e8: {  	[sflag:s23] =	ssyncadd.s32 $0xFFFFA400  }
0x2e9: {  	v27 =	vld [tilespmem:$0xE500]  }
0x2ea: {  	v26 =	vld [tilespmem:$0xE510]  }
0x2eb: {  	v25 =	vld [tilespmem:$0xE520]  }
0x2ec: {  	v24 =	vld [tilespmem:$0xE530]  }
0x2ed: {  	v23 =	vld [tilespmem:$0xE540]  }
0x2ee: {  	v22 =	vld [tilespmem:$0xE550]  }
0x2ef: {  	v20 =	vld [tilespmem:$0xE560]  }
0x2f0: {  	v21 =	vld [tilespmem:$0xE570]  }
0x2f1: {  	v12 =	vld [tilespmem:$0xE600]  }
0x2f2: {  	v14 =	vld [tilespmem:$0xE610]  }
0x2f3: {  	v17 =	vld [tilespmem:$0xE620]  }
0x2f4: {  	v13 =	vld [tilespmem:$0xE630]  }
0x2f5: {  	v30 =	vld [tilespmem:$0xE640]  }
0x2f6: {  	v18 =	vld [tilespmem:$0xE650]  }
0x2f7: {  	v31 =	vld [tilespmem:$0xE660]  }
0x2f8: {  	s7 =	simm.s32 $0x80;
	v19 =	vld [tilespmem:$0xE670]  }
0x2f9: {  	v28 =	vld [tilespmem:s7+$0xFFFFFF80]  }
0x2fa: {  	v15 =	vld [tilespmem:s7+$0x10]  }
0x2fb: {  	v32 =	vld [tilespmem:s7+$0xFFFFFF90]  }
0x2fc: {  	v16 =	vld [tilespmem:s7+$0xFFFFFFA0]  }
0x2fd: {  	v34 =	vld [tilespmem:s7+$0xFFFFFFB0]  }
0x2fe: {  	v33 =	vld [tilespmem:s7+$0xFFFFFFC0]  }
0x2ff: {  	v43 =	vld [tilespmem:s7+$0xFFFFFFE0]  }
0x300: {  	v29 =	vld [tilespmem:s7+$0x0]  }
0x301: {  	v35 =	vld [tilespmem:s7+$0xFFFFFFD0]  }
0x302: {  	v37 =	vld [tilespmem:s7+$0x30];
	v36 =	vmax.f32 v27, v28;
	vm0 =	vgt.f32 v28, v27  }
0x303: {  	s2 =	sadd.s32 $0xFFFFFF48, s0;
	v41 =	vld [tilespmem:s7+$0x60];
	v28 =	vmax.f32 v23, v33;
	vm1 =	vgt.f32 v33, v23;
	v40 =	vmax.f32 v24, v34  }
0x304: {  	s3 =	sadd.s32 $0xC38, s2;
	v44 =	vld [tilespmem:s7+$0x20];
	vm2 =	vgt.f32 v34, v24;
	v45 =	vmax.f32 v25, v16;
	v47 =	vmax.f32 v20, v43  }
0x305: {  	v42 =	vld [tilespmem:s7+$0xFFFFFFF0];
	v46 =	vmax.f32 v26, v32;
	vm3 =	vgt.f32 v32, v26;
	v38 =	vsel vm0, s3, v12  }
0x306: {  	v12 =	vmax.f32 v36, v29;
	vm0 =	vgt.f32 v29, v36;
	v29 =	vld [tilespmem:s7+$0x50];
	v48 =	vsel vm2, s3, v13  }
0x307: {  	s2 =	sadd.s32 $0xC39, s2;
	v34 =	vld [tilespmem:s7+$0x40];
	v39 =	vmovc v25;
	v36 =	vmax.f32 v22, v35;
	vm2 =	vgt.f32 v15, v46;
	vm4 =	vgt.f32 v37, v40  }
0x308: {  	s19 =	simm.s32 $0xFFFFFF4A;
	s20 =	simm.s32 $0x180;
	v32 =	vld [tilespmem:s7+$0x70];
	v13 =	vmax.f32 v47, v41;
	v33 =	vsel vm0, s2, v38;
	vm0 =	vgt.f32 v35, v22;
	v35 =	vmovc v21;
	v38 =	vmovc v20  }
.LBB2_14:
0x309: {  	v49 =	vld [tilespmem:s20+$0xFFFFFF80];
	p1 =	sne.s32 s19, $0xFFFFFFFE;
	v14 =	vsel vm3, s3, v14;
	vm5 =	vgt.f32 v43, v38;
	v48 =	vsel vm4, s2, v48;
	v38 =	vmovc v13;
	s7 =	smov.u32 s19;
	s19 =	sadd.s32 $0x2, s19  }
0x30a: {  	vm3 =	vgt.f32 v16, v39;
	v43 =	vld [tilespmem:s20+$0x10];
	v14 =	vsel vm2, s2, v14;
	vm2 =	vgt.f32 v41, v47  }
0x30b: {  	v30 =	vsel vm1, s3, v30;
	vm1 =	vgt.f32 v29, v36;
	v39 =	vmax.f32 v45, v44;
	v50 =	vld [tilespmem:s20+$0xFFFFFF90]  }
0x30c: {  	v31 =	vsel vm5, s3, v31;
	v41 =	vmax.f32 v35, v42;
	v16 =	vld [tilespmem:s20+$0xFFFFFFA0];
	vm4 =	vgt.f32 v34, v28  }
0x30d: {  	v51 =	vmax.f32 v46, v15;
	s7 =	sadd.s32 s7, s0;
	vm5 =	vgt.f32 v44, v45;
	v44 =	vmax.f32 v40, v37;
	v47 =	vld [tilespmem:s20+$0x0]  }
0x30e: {  	s25 =	sadd.s32 $0xC38, s7;
	v37 =	vmax.f32 v12, v49;
	vm6 =	vgt.f32 v49, v12;
	v45 =	vld [tilespmem:s20+$0xFFFFFFB0];
	v12 =	vsel vm0, s3, v18  }
0x30f: {  	v30 =	vsel vm4, s2, v30;
	vm0 =	vgt.f32 v42, v35;
	v33 =	vsel vm6, s25, v33;
	v40 =	vld [tilespmem:s20+$0xFFFFFFC0];
	v15 =	vmovc v43  }
0x310: {  	v17 =	vsel vm3, s3, v17;
	s7 =	sadd.s32 $0xC39, s7;
	v35 =	vmax.f32 v41, v32;
	v19 =	vsel vm0, s3, v19;
	s3 =	smov.u32 s25;
	v49 =	vld [tilespmem:s20+$0xFFFFFFD0]  }
0x311: {  	v36 =	vmax.f32 v36, v29;
	v18 =	vsel vm1, s2, v12;
	vm0 =	vgt.f32 v32, v41;
	v43 =	vld [tilespmem:s20+$0xFFFFFFE0]  }
0x312: {  	v17 =	vsel vm5, s2, v17;
	v31 =	vsel vm2, s2, v31;
	v29 =	vmax.f32 v28, v34;
	v41 =	vld [tilespmem:s20+$0x60]  }
0x313: {  	v19 =	vsel vm0, s2, v19;
	s2 =	smov.u32 s7;
	v12 =	vmax.f32 v37, v47;
	vm2 =	vgt.f32 v47, v37;
	v37 =	vld [tilespmem:s20+$0x30]  }
.Ltmp12:
0x314: {  	v33 =	vsel vm2, s2, v33;
	v28 =	vmax.f32 v29, v40;
	vm1 =	vgt.f32 v40, v29;
	v29 =	vld [tilespmem:s20+$0x50];
	(pc) =	sbr.rel @p1 .LBB2_14-.Ltmp12, $4  }
0x315: {  	vm2 =	vgt.f32 v45, v44;
	v40 =	vmax.f32 v44, v45;
	vm0 =	vgt.f32 v49, v36;
	v44 =	vld [tilespmem:s20+$0x20]  }
0x316: {  	v45 =	vmax.f32 v39, v16;
	v48 =	vsel vm2, s3, v48;
	v47 =	vmax.f32 v13, v43;
	v42 =	vld [tilespmem:s20+$0xFFFFFFF0]  }
0x317: {  	v46 =	vmax.f32 v51, v50;
	vm3 =	vgt.f32 v50, v51;
	v36 =	vmax.f32 v36, v49;
	v34 =	vld [tilespmem:s20+$0x40]  }
0x318: {  	vm2 =	vgt.f32 v15, v46;
	v13 =	vmax.f32 v47, v41;
	vm4 =	vgt.f32 v37, v40;
	v32 =	vld [tilespmem:s20+$0x70];
	s20 =	sadd.s32 $0x100, s20  }
0x319: {  	v14 =	vsel vm3, s3, v14;
	vm13 =	vgt.f32 v16, v39  }
0x31a: {  	vm15 =	vgt.f32 v29, v36;
	v15 =	vmax.f32 v46, v15;
	v59 =	vsub.f32 v27, v12  }
0x31b: {  	v16 =	vmax.f32 v40, v37;
	v63 =	vsel vm0, s3, v18;
	v57 =	vsel vm2, s2, v14  }
0x31c: {  	v14 =	vmax.f32 v45, v44;
	vm5 =	vgt.f32 v44, v45;
	v60 =	vsub.f32 v26, v15  }
0x31d: {  	v44 =	vsel vm13, s3, v17;
	v61 =	vmul.f32 $1.442695020e+00, v59;
	v62 =	vsub.f32 v25, v14  }
0x31e: {  	v45 =	vsub.f32 v24, v16;
	v58 =	vmax.f32 v35, v42;
	v18 =	vmul.f32 $1.442695020e+00, v60  }
0x31f: {  	vm9 =	vgt.f32 v42, v35;
	(erf) = vpow2.f32 v61;
	v42 =	vmul.f32 $1.442695020e+00, v62  }
0x320: {  	v17 =	vmax.f32 v36, v29;
	(erf) = vpow2.f32 v18;
	v18 =	vmax.f32 v28, v34  }
0x321: {  	v29 =	vmul.f32 $1.442695020e+00, v45;
	(erf) = vpow2.f32 v42;
	v46 =	vsub.f32 v23, v18  }
0x322: {  	v49 =	vsub.f32 v20, v13;
	vm8 =	vgt.f32 v34, v28  }
0x323: {  	v28 =	vsel vm5, s2, v44;
	(erf) = vpow2.f32 v29;
	v29 =	vmul.f32 $1.442695020e+00, v46  }
0x324: {  	[tilespmem:$0xE620] =	vst v28;
	v28 =	vsub.f32 v22, v17  }
0x325: {  	vm12 =	vgt.f32 v43, v38;
	[tilespmem:$0xE500] =	vst v12;
	v51 =	vld [tilespmem:$0xE590];
	(erf) = vpow2.f32 v29;
	v29 =	vmul.f32 $1.442695020e+00, v49  }
0x326: {  	v56 =	vsel vm4, s2, v48;
	vm14 =	vgt.f32 v41, v47;
	[tilespmem:$0xE600] =	vst v33;
	v52 =	vld [tilespmem:$0xE5A0];
	v28 =	vmul.f32 $1.442695020e+00, v28  }
0x327: {  	v30 =	vsel vm1, s3, v30;
	vm11 =	vlt.f32 v27, $-Inf;
	[tilespmem:$0xE560] =	vst v13;
	v31 =	vsel vm12, s3, v31  }
0x328: {  	v48 =	vld [tilespmem:$0xE580];
	[tilespmem:$0xE510] =	vst v15;
	v50 =	vsel vm15, s2, v63;
	vm12 =	vgt.f32 v27, $-Inf;
	(erf) = vpow2.f32 v28;
	v27 =	vpop (erf)  }
0x329: {  	[tilespmem:$0xE530] =	vst v16;
	vm13 =	vlt.f32 v26, $-Inf;
	v31 =	vsel vm14, s2, v31;
	(erf) = vpow2.f32 v29;
	v29 =	vpop (erf)  }
0x32a: {  	[tilespmem:$0xE630] =	vst v56;
	vm14 =	vgt.f32 v26, $-Inf;
	v30 =	vsel vm8, s2, v30;
	v26 =	vmul.f32 v51, v29;
	v29 =	vpop (erf)  }
0x32b: {  	vm15 =	vlt.f32 v25, $-Inf;
	vm8 =	vgt.f32 v25, $-Inf;
	[tilespmem:$0xE640] =	vst v30;
	v30 =	vld [tilespmem:$0xE5B0];
	v25 =	vmul.f32 v52, v29  }
0x32c: {  	[tilespmem:$0xE610] =	vst v57;
	v47 =	vsel vm9, s3, v19;
	v19 =	vmax.f32 v58, v32  }
0x32d: {  	[tilespmem:$0xE520] =	vst v14;
	vm10 =	vgt.f32 v32, v58;
	v28 =	vsub.f32 v21, v19;
	v27 =	vmul.f32 v48, v27  }
0x32e: {  	[tilespmem:$0xE550] =	vst v17;
	vm0 =	vmor vm12, vm11;
	v53 =	vsel vm10, s2, v47;
	vm10 =	vmor vm8, vm15  }
0x32f: {  	[tilespmem:$0xE660] =	vst v31;
	v28 =	vmul.f32 $1.442695020e+00, v28;
	v31 =	vnsel vm0, $0x0, v27;
	v27 =	vnsel vm10, $0x0, v25;
	v25 =	vpop (erf)  }
0x330: {  	[tilespmem:$0xE650] =	vst v50;
	vm11 =	vlt.f32 v24, $-Inf;
	vm12 =	vgt.f32 v24, $-Inf;
	v29 =	vld [tilespmem:$0xE5D0];
	v24 =	vmul.f32 v30, v25  }
0x331: {  	[tilespmem:$0xE570] =	vst v19;
	(erf) = vpow2.f32 v28;
	v28 =	vld [tilespmem:$0xE5E0]  }
0x332: {  	v54 =	vld [tilespmem:$0xE5C0];
	vm9 =	vmor vm14, vm13;
	[tilespmem:$0xE540] =	vst v18  }
0x333: {  	v55 =	vld [tilespmem:$0xE5F0];
	s29 =	simm.s32 $0x0;
	vm13 =	vlt.f32 v23, $-Inf;
	vm14 =	vgt.f32 v23, $-Inf;
	[tilespmem:$0xE670] =	vst v53;
	vm0 =	vmor vm12, vm11;
	v23 =	vpop (erf)  }
0x334: {  	vm8 =	vlt.f32 v22, $-Inf;
	v56 =	vld [tilespmem:s29+$0x80];
	v34 =	vnsel vm0, $0x0, v24;
	v24 =	vpop (erf)  }
0x335: {  	v58 =	vld [tilespmem:s29+$0xA0];
	v26 =	vnsel vm9, $0x0, v26;
	vm9 =	vgt.f32 v22, $-Inf;
	v22 =	vmul.f32 v29, v24;
	v24 =	vpop (erf)  }
0x336: {  	v30 =	vld [tilespmem:s29+$0x70];
	v24 =	vmul.f32 v28, v24  }
0x337: {  	vm15 =	vmor vm14, vm13;
	vm14 =	vlt.f32 v21, $-Inf;
	v25 =	vld [tilespmem:s29+$0xF0]  }
0x338: {  	vm11 =	vgt.f32 v20, $-Inf;
	vm10 =	vlt.f32 v20, $-Inf;
	v23 =	vmul.f32 v54, v23;
	v29 =	vld [tilespmem:s29+$0xC0]  }
0x339: {  	v32 =	vsub.f32 v56, v12;
	vm12 =	vmor vm9, vm8;
	vm13 =	vmor vm11, vm10;
	v28 =	vld [tilespmem:s29+$0xE0]  }
0x33a: {  	v36 =	vld [tilespmem:s29+$0x0];
	v20 =	vnsel vm15, $0x0, v23;
	v35 =	vnsel vm12, $0x0, v22;
	v22 =	vnsel vm13, $0x0, v24;
	v24 =	vpop (erf)  }
0x33b: {  	vm15 =	vgt.f32 v21, $-Inf;
	v21 =	vmul.f32 v55, v24;
	v24 =	vsub.f32 v30, v19;
	v30 =	vld [tilespmem:s29+$0xB0]  }
0x33c: {  	v57 =	vld [tilespmem:s29+$0x90];
	v37 =	vsub.f32 v58, v14  }
0x33d: {  	v59 =	vld [tilespmem:s29+$0x50];
	v32 =	vmul.f32 $1.442695020e+00, v32;
	v29 =	vsub.f32 v29, v18;
	v24 =	vmul.f32 $1.442695020e+00, v24  }
0x33e: {  	v38 =	vld [tilespmem:s29+$0x30];
	v37 =	vmul.f32 $1.442695020e+00, v37;
	v25 =	vsub.f32 v25, v19;
	v28 =	vsub.f32 v28, v13  }
0x33f: {  	v39 =	vld [tilespmem:s29+$0x60];
	(erf) = vpow2.f32 v24;
	v24 =	vmul.f32 $1.442695020e+00, v29;
	v29 =	vsub.f32 v36, v12  }
0x340: {  	v60 =	vld [tilespmem:s29+$0x20];
	v25 =	vmul.f32 $1.442695020e+00, v25;
	v61 =	vmul.f32 $1.442695020e+00, v28;
	v30 =	vsub.f32 v30, v16  }
0x341: {  	v28 =	vsub.f32 v57, v15;
	(erf) = vpow2.f32 v32;
	v29 =	vmul.f32 $1.442695020e+00, v29  }
0x342: {  	v45 =	vld [tilespmem:s29+$0x10];
	v32 =	vsub.f32 v59, v17;
	(erf) = vpow2.f32 v25;
	v25 =	vmul.f32 $1.442695020e+00, v30  }
0x343: {  	v38 =	vsub.f32 v38, v16;
	v23 =	vld [tilespmem:s29+$0xD0];
	v28 =	vmul.f32 $1.442695020e+00, v28;
	(erf) = vpow2.f32 v29  }
0x344: {  	s30 =	simm.s32 $0x100;
	v30 =	vld [tilespmem:s29+$0x40];
	v32 =	vmul.f32 $1.442695020e+00, v32;
	v29 =	vsub.f32 v39, v13;
	(erf) = vpow2.f32 v25  }
0x345: {  	v47 =	vld [tilespmem:s30+$0x70];
	v25 =	vmul.f32 $1.442695020e+00, v38;
	(erf) = vpow2.f32 v28;
	v28 =	vsub.f32 v60, v14  }
0x346: {  	v53 =	vld [tilespmem:s30+$0x0];
	v29 =	vmul.f32 $1.442695020e+00, v29;
	(erf) = vpow2.f32 v24  }
0x347: {  	v63 =	vld [tilespmem:s30+$0x10];
	vm0 =	vmor vm15, vm14;
	(erf) = vpow2.f32 v25;
	v25 =	vmul.f32 $1.442695020e+00, v28  }
0x348: {  	v49 =	vld [tilespmem:s30+$0xC0];
	v23 =	vsub.f32 v23, v17;
	v21 =	vnsel vm0, $0x0, v21;
	(erf) = vpow2.f32 v29  }
0x349: {  	v48 =	vld [tilespmem:s30+$0x80];
	v24 =	vsub.f32 v45, v15;
	v28 =	vsub.f32 v30, v18;
	v30 =	vpop (erf);
	(erf) = vpow2.f32 v32  }
0x34a: {  	v52 =	vld [tilespmem:s30+$0xA0];
	v23 =	vmul.f32 $1.442695020e+00, v23;
	v21 =	vadd.f32 v30, v21;
	v50 =	vpop (erf);
	(erf) = vpow2.f32 v25  }
0x34b: {  	v46 =	vld [tilespmem:s30+$0xF0];
	v58 =	vsub.f32 v53, v12;
	v24 =	vmul.f32 $1.442695020e+00, v24;
	v25 =	vpop (erf);
	(erf) = vpow2.f32 v37  }
0x34c: {  	v36 =	vsub.f32 v47, v19;
	v30 =	vld [tilespmem:s30+$0xE0];
	v21 =	vadd.f32 v25, v21;
	v25 =	vpop (erf);
	(erf) = vpow2.f32 v23  }
0x34d: {  	v54 =	vld [tilespmem:s30+$0x60];
	(erf) = vpow2.f32 v24;
	v24 =	vadd.f32 v25, v31;
	v31 =	vsub.f32 v49, v18  }
0x34e: {  	v29 =	vld [tilespmem:s30+$0x90];
	v28 =	vmul.f32 $1.442695020e+00, v28;
	v23 =	vsub.f32 v48, v12;
	v42 =	vpop (erf)  }
0x34f: {  	v51 =	vld [tilespmem:s30+$0xD0];
	v56 =	vsub.f32 v52, v14;
	v52 =	vmul.f32 $1.442695020e+00, v58;
	v36 =	vmul.f32 $1.442695020e+00, v36;
	v45 =	vpop (erf)  }
0x350: {  	v38 =	vsub.f32 v46, v19;
	v46 =	vld [tilespmem:s30+$0xB0];
	(erf) = vpow2.f32 v28;
	v23 =	vmul.f32 $1.442695020e+00, v23;
	v25 =	vpop (erf)  }
0x351: {  	v55 =	vld [tilespmem:s30+$0x20];
	v62 =	vsub.f32 v30, v13;
	(erf) = vpow2.f32 v36;
	v30 =	vmul.f32 $1.442695020e+00, v31;
	v31 =	vpop (erf)  }
0x352: {  	v38 =	vmul.f32 $1.442695020e+00, v38;
	(erf) = vpow2.f32 v23;
	v57 =	vadd.f32 v31, v34;
	v31 =	vpop (erf)  }
0x353: {  	v60 =	vsub.f32 v54, v13;
	v49 =	vld [tilespmem:s30+$0x30];
	v29 =	vsub.f32 v29, v15;
	(erf) = vpow2.f32 v61;
	v59 =	vpop (erf)  }
0x354: {  	v32 =	vmul.f32 $1.442695020e+00, v56;
	v24 =	vadd.f32 v50, v24;
	v50 =	vld [tilespmem:s30+$0x40];
	(erf) = vpow2.f32 v38;
	v61 =	vpop (erf)  }
0x355: {  	v37 =	vsub.f32 v63, v15;
	v41 =	vmul.f32 $1.442695020e+00, v29;
	v29 =	vsub.f32 v46, v16;
	v34 =	vpop (erf)  }
0x356: {  	v28 =	vsub.f32 v51, v17;
	v23 =	vmul.f32 $1.442695020e+00, v62;
	v62 =	vsub.f32 v55, v14;
	v51 =	vpop (erf)  }
0x357: {  	v44 =	vmul.f32 $1.442695020e+00, v29;
	v29 =	vadd.f32 v42, v57;
	v42 =	vld [tilespmem:s30+$0x50];
	v33 =	vadd.f32 v61, v27;
	v63 =	vpop (erf)  }
0x358: {  	v36 =	vmul.f32 $1.442695020e+00, v60;
	v27 =	vadd.f32 v59, v35;
	v26 =	vadd.f32 v63, v26  }
0x359: {  	v39 =	vmul.f32 $1.442695020e+00, v62;
	v43 =	vsub.f32 v49, v16;
	v38 =	vsub.f32 v50, v18;
	v40 =	vpop (erf)  }
0x35a: {  	s2 =	simm.s32 $0x800;
	(erf) = vpow2.f32 v52;
	v27 =	vadd.f32 v51, v27;
	v35 =	vpop (erf);
	v26 =	vadd.f32 v45, v26  }
.LBB2_16:
0x35b: {  	s3 =	sshra.s32 s2, $0x2;
	p1 =	sne.s32 s2, $0x16C00;
	s2 =	sadd.s32 $0x400, s2;
	v43 =	vmul.f32 $1.442695020e+00, v43;
	v45 =	vpop (erf);
	(erf) = vpow2.f32 v44;
	v22 =	vadd.f32 v31, v22  }
0x35c: {  	v33 =	vadd.f32 v34, v33;
	v31 =	vld [tilespmem:s3+$0xF0];
	v42 =	vsub.f32 v42, v17;
	(erf) = vpow2.f32 v41;
	v34 =	vpop (erf)  }
0x35d: {  	v21 =	vadd.f32 v35, v21;
	v20 =	vadd.f32 v40, v20;
	v41 =	vld [tilespmem:s3+$0x70];
	(erf) = vpow2.f32 v30;
	v30 =	vpop (erf)  }
0x35e: {  	v22 =	vadd.f32 v34, v22;
	v35 =	vld [tilespmem:s3+$0x80];
	v40 =	vmul.f32 $1.442695020e+00, v42;
	(erf) = vpow2.f32 v43  }
0x35f: {  	v20 =	vadd.f32 v25, v20;
	v21 =	vadd.f32 v30, v21;
	v34 =	vld [tilespmem:s3+$0xC0];
	(erf) = vpow2.f32 v36  }
0x360: {  	v25 =	vmul.f32 $1.442695020e+00, v37;
	v36 =	vld [tilespmem:s3+$0x90];
	(erf) = vpow2.f32 v40  }
0x361: {  	v28 =	vmul.f32 $1.442695020e+00, v28;
	v30 =	vld [tilespmem:s3+$0xE0];
	v42 =	vsub.f32 v31, v19;
	(erf) = vpow2.f32 v39  }
0x362: {  	v38 =	vmul.f32 $1.442695020e+00, v38;
	v37 =	vsub.f32 v41, v19;
	v39 =	vld [tilespmem:s3+$0xD0];
	(erf) = vpow2.f32 v32  }
0x363: {  	v32 =	vsub.f32 v35, v12;
	v35 =	vld [tilespmem:s3+$0xA0];
	v40 =	vmul.f32 $1.442695020e+00, v42;
	v31 =	vpop (erf);
	(erf) = vpow2.f32 v28  }
0x364: {  	v41 =	vld [tilespmem:s3+$0x0];
	v28 =	vmul.f32 $1.442695020e+00, v37;
	v24 =	vadd.f32 v31, v24;
	(erf) = vpow2.f32 v25;
	v46 =	vpop (erf)  }
0x365: {  	v42 =	vsub.f32 v34, v18;
	v37 =	vld [tilespmem:s3+$0x60];
	(erf) = vpow2.f32 v38;
	v47 =	vpop (erf)  }
0x366: {  	v32 =	vmul.f32 $1.442695020e+00, v32;
	v34 =	vld [tilespmem:s3+$0x20];
	v38 =	vsub.f32 v30, v13;
	(erf) = vpow2.f32 v28;
	v25 =	vpop (erf)  }
0x367: {  	v30 =	vmul.f32 $1.442695020e+00, v42;
	v24 =	vadd.f32 v45, v24;
	v43 =	vld [tilespmem:s3+$0xB0];
	v28 =	vsub.f32 v39, v17;
	v31 =	vpop (erf)  }
0x368: {  	v39 =	vld [tilespmem:s3+$0x10];
	v35 =	vsub.f32 v35, v14;
	(erf) = vpow2.f32 v32;
	v29 =	vadd.f32 v31, v29;
	v31 =	vpop (erf)  }
0x369: {  	v42 =	vsub.f32 v41, v12;
	v44 =	vld [tilespmem:s3+$0x30];
	v45 =	vpop (erf);
	(erf) = vpow2.f32 v23;
	v23 =	vmul.f32 $1.442695020e+00, v38  }
0x36a: {  	v41 =	vsub.f32 v36, v15;
	v38 =	vld [tilespmem:s3+$0x40];
	v37 =	vsub.f32 v37, v13;
	(erf) = vpow2.f32 v40;
	v36 =	vpop (erf)  }
0x36b: {  	v32 =	vmul.f32 $1.442695020e+00, v35;
	v50 =	vsub.f32 v34, v14;
	v33 =	vadd.f32 v36, v33;
	v34 =	vpop (erf)  }
.Ltmp13:
0x36c: {  	v27 =	vadd.f32 v45, v27;
	v41 =	vmul.f32 $1.442695020e+00, v41;
	v36 =	vmul.f32 $1.442695020e+00, v37;
	v45 =	vpop (erf);
	(pc) =	sbr.rel @p1 .LBB2_16-.Ltmp13, $4  }
0x36d: {  	v48 =	vmul.f32 $1.442695020e+00, v42;
	v51 =	vsub.f32 v43, v16;
	v37 =	vsub.f32 v39, v15;
	v42 =	vld [tilespmem:s3+$0x50];
	v49 =	vpop (erf)  }
0x36e: {  	v39 =	vmul.f32 $1.442695020e+00, v50;
	v43 =	vsub.f32 v44, v16;
	v26 =	vadd.f32 v49, v26;
	v40 =	vpop (erf)  }
0x36f: {  	v29 =	vadd.f32 v46, v29;
	v44 =	vmul.f32 $1.442695020e+00, v51;
	v38 =	vsub.f32 v38, v18;
	v35 =	vpop (erf)  }
0x370: {  	v27 =	vadd.f32 v45, v27;
	(erf) = vpow2.f32 v48;
	v26 =	vadd.f32 v47, v26  }
0x371: {  	(erf) = vpow2.f32 v44  }
0x372: {  	v12 =	vmul.f32 $1.442695020e+00, v43;
	v13 =	vsub.f32 v42, v17;
	(erf) = vpow2.f32 v41  }
0x373: {  	(erf) = vpow2.f32 v30  }
0x374: {  	v13 =	vmul.f32 $1.442695020e+00, v13;
	(erf) = vpow2.f32 v12  }
0x375: {  	(erf) = vpow2.f32 v36  }
0x376: {  	v48 =	vpop (erf);
	(erf) = vpow2.f32 v13  }
0x377: {  	v49 =	vpop (erf)  }
0x378: {  	v14 =	vmul.f32 $1.442695020e+00, v28;
	v15 =	vpop (erf);
	(erf) = vpow2.f32 v39  }
0x379: {  	v16 =	vmul.f32 $1.442695020e+00, v37;
	(erf) = vpow2.f32 v32;
	v50 =	vpop (erf)  }
0x37a: {  	v52 =	vmul.f32 $1.442695020e+00, v38;
	(erf) = vpow2.f32 v14;
	v51 =	vpop (erf)  }
0x37b: {  	(erf) = vpow2.f32 v16;
	v18 =	vpop (erf)  }
0x37c: {  	(erf) = vpow2.f32 v52;
	v19 =	vpop (erf)  }
0x37d: {  	v57 =	vld [tilespmem:$0xE400];
	v53 =	vpop (erf)  }
0x37e: {  	v20 =	vadd.f32 v40, v20;
	v54 =	vpop (erf)  }
0x37f: {  	v22 =	vadd.f32 v31, v22;
	v38 =	vadd.f32 v35, v21;
	v55 =	vpop (erf);
	(erf) = vpow2.f32 v23  }
0x380: {  	v59 =	vadd.f32 v34, v33;
	v20 =	vadd.f32 v25, v20  }
0x381: {  	v41 =	vadd.f32 v15, v38;
	v17 =	vadd.f32 v50, v24;
	v56 =	vpop (erf)  }
0x382: {  	v13 =	vadd.f32 v49, v22;
	v63 =	vsub.s32 v57, v0;
	v16 =	vadd.f32 v53, v29;
	v58 =	vpop (erf)  }
0x383: {  	vm0 =	vgt.s32 v63, $0x0;
	v12 =	vadd.f32 v48, v17;
	v62 =	vadd.f32 v56, v59;
	v60 =	vpop (erf)  }
0x384: {  	v37 =	vld [tilespmem:$0xE410];
	[tilespmem:$0xE5F0] =	vst v41;
	v32 =	vnsel vm0, $0x0, v63;
	v34 =	vadd.f32 v55, v27;
	v14 =	vadd.f32 v51, v16;
	v61 =	vpop (erf)  }
0x385: {  	[tilespmem:$0xE580] =	vst v12;
	v12 =	vmin.u32 v32, $0xB7;
	v17 =	vadd.f32 v58, v62;
	v22 =	vadd.f32 v61, v26;
	v31 =	vpop (erf)  }
0x386: {  	v12 =	vshll.u32 v12, $0x7;
	[tilespmem:$0xE5B0] =	vst v14;
	v39 =	vadd.f32 v60, v34;
	v20 =	vadd.f32 v31, v20  }
0x387: {  	v13 =	vadd.f32 v54, v13;
	v12 =	vor.u32 v4, v12;
	[tilespmem:$0xE5A0] =	vst v17;
	v18 =	vadd.f32 v18, v22  }
0x388: {  	[tilespmem:$0xE5D0] =	vst v39;
	v36 =	vadd.f32 v19, v20;
	v40 =	vpop (erf)  }
0x389: {  	v42 =	vsub.s32 v37, v0;
	[tilespmem:$0xE590] =	vst v18;
	v13 =	vadd.f32 v40, v13  }
0x38a: {  	v43 =	vld [tilespmem:$0xE480];
	vm0 =	vgt.s32 v42, $0x0;
	[tilespmem:$0xE5C0] =	vst v36  }
0x38b: {  	s2 =	simm.s32 $0x0;
	v45 =	vld [tilespmem:$0xE420];
	v44 =	vnsel vm0, $0x0, v42;
	[tilespmem:$0xE5E0] =	vst v13  }
0x38c: {  	v15 =	vmin.u32 v44, $0xB7;
	v12 =	vld.idx.msk [tilespmem:v12+s2+$0x0], $0xffff  }
0x38d: {  	v15 =	vshll.u32 v15, $0x7  }
0x38e: {  	v11 =	vor.u32 v11, v15;
	_ =	sdelay $0x1  }
0x38f: {  	v46 =	vsub.s32 v45, v0;
	vm0 =	vlt.u32 v63, $0xB8  }
0x390: {  	v49 =	vld [tilespmem:$0xE430];
	v12 =	vsel vm0, v12, v43;
	vm0 =	vgt.s32 v46, $0x0  }
0x391: {  	v48 =	vld [tilespmem:$0xE490];
	[tilespmem:$0xE480] =	vst v12;
	v47 =	vnsel vm0, $0x0, v46  }
0x392: {  	v11 =	vld.idx.msk [tilespmem:v11+s2+$0x0], $0xffff;
	v12 =	vmin.u32 v47, $0xB7  }
0x393: {  	v12 =	vshll.u32 v12, $0x7  }
0x394: {  	v10 =	vor.u32 v10, v12;
	_ =	sdelay $0x1  }
0x395: {  	v50 =	vsub.s32 v49, v0;
	vm0 =	vlt.u32 v42, $0xB8  }
0x396: {  	v53 =	vld [tilespmem:$0xE440];
	v11 =	vsel vm0, v11, v48;
	vm0 =	vgt.s32 v50, $0x0  }
0x397: {  	v51 =	vld [tilespmem:$0xE4A0];
	[tilespmem:$0xE490] =	vst v11;
	v52 =	vnsel vm0, $0x0, v50  }
0x398: {  	v10 =	vld.idx.msk [tilespmem:v10+s2+$0x0], $0xffff;
	v13 =	vmin.u32 v52, $0xB7  }
0x399: {  	v13 =	vshll.u32 v13, $0x7  }
0x39a: {  	v9 =	vor.u32 v9, v13;
	_ =	sdelay $0x1  }
0x39b: {  	v54 =	vsub.s32 v53, v0;
	vm0 =	vlt.u32 v46, $0xB8  }
0x39c: {  	v57 =	vld [tilespmem:$0xE450];
	v10 =	vsel vm0, v10, v51;
	vm0 =	vgt.s32 v54, $0x0  }
0x39d: {  	v56 =	vld [tilespmem:$0xE4B0];
	[tilespmem:$0xE4A0] =	vst v10;
	v55 =	vnsel vm0, $0x0, v54  }
0x39e: {  	v9 =	vld.idx.msk [tilespmem:v9+s2+$0x0], $0xffff;
	v10 =	vmin.u32 v55, $0xB7  }
0x39f: {  	v10 =	vshll.u32 v10, $0x7  }
0x3a0: {  	v8 =	vor.u32 v8, v10;
	_ =	sdelay $0x1  }
0x3a1: {  	v58 =	vsub.s32 v57, v0;
	vm0 =	vlt.u32 v50, $0xB8  }
0x3a2: {  	v59 =	vld [tilespmem:$0xE4C0];
	v9 =	vsel vm0, v9, v56;
	vm0 =	vgt.s32 v58, $0x0  }
0x3a3: {  	v61 =	vld [tilespmem:$0xE460];
	[tilespmem:$0xE4B0] =	vst v9;
	v60 =	vnsel vm0, $0x0, v58  }
0x3a4: {  	v8 =	vld.idx.msk [tilespmem:v8+s2+$0x0], $0xffff;
	v11 =	vmin.u32 v60, $0xB7  }
0x3a5: {  	v11 =	vshll.u32 v11, $0x7  }
0x3a6: {  	v7 =	vor.u32 v7, v11;
	_ =	sdelay $0x1  }
0x3a7: {  	vm0 =	vlt.u32 v54, $0xB8  }
0x3a8: {  	v62 =	vsub.s32 v61, v0;
	v8 =	vsel vm0, v8, v59  }
0x3a9: {  	v63 =	vld [tilespmem:$0xE4D0];
	vm0 =	vgt.s32 v62, $0x0;
	[tilespmem:$0xE4C0] =	vst v8  }
0x3aa: {  	v8 =	vnsel vm0, $0x0, v62;
	v7 =	vld.idx.msk [tilespmem:v7+s2+$0x0], $0xffff  }
0x3ab: {  	v8 =	vmin.u32 v8, $0xB7  }
0x3ac: {  	v8 =	vshll.u32 v8, $0x7  }
0x3ad: {  	v6 =	vor.u32 v6, v8  }
0x3ae: {  	vm0 =	vlt.u32 v58, $0xB8  }
0x3af: {  	v7 =	vsel vm0, v7, v63  }
0x3b0: {  	[tilespmem:$0xE4D0] =	vst v7;
	v7 =	vld [tilespmem:$0xE470]  }
0x3b1: {  	v8 =	vld [tilespmem:$0xE4E0]  }
0x3b2: {  	v6 =	vld.idx.msk [tilespmem:v6+s2+$0x0], $0xffff;
	_ =	sdelay $0x1  }
.Ltmp14:
0x3b3: {  	_ = 	snop;
	(pc) =	sbr.rel .LBB2_23-.Ltmp14, $4  }
0x3b4: {  	v7 =	vsub.s32 v7, v0  }
0x3b5: {  	vm0 =	vlt.u32 v62, $0xB8;
	vm1 =	vgt.s32 v7, $0x0  }
0x3b6: {  	v6 =	vsel vm0, v6, v8;
	v8 =	vnsel vm1, $0x0, v7  }
0x3b7: {  	vm0 =	vlt.u32 v7, $0xB8;
	[tilespmem:$0xE4E0] =	vst v6;
	v6 =	vmin.u32 v8, $0xB7  }
.LBB2_24:
0x3b8: {  	_ =	sfence.sel $0x180000  }
0x3b9: {  	[bflag:$0x0] =	sbarrier.arrive $0xFFFF  }
0x3ba: {  	_ =	strace $0x90000047  }
0x3bb: {  	s0 =	stileid.u32;
	[bflag:$0x2] =	sbarrier.arrive $0xFFFF  }
0x3bc: {  	p0 =	sne.s32 s0, $0x0;
	s0 =	rddreg [dreg:$0x3]  }
0x3bd: {  	s0 =	sadd.s32 @!p0 $0x100000, s0  }
0x3be: {  	[sflag:s0] =	ssyncadd.tile.s32 @!p0 $0x1;
	_ =	shalt  }
.Lfunc_end2:
_tile_overlayer_lowered:
.L_overlay_start_2:
0x3bf: {  	(tag) =	ssettag $0x2  }
0x3c0: {  	s0 =	rddreg [dreg:$0x0];
	s2 =	stileid.u32  }
0x3c1: {  	s1 =	rddreg [dreg:$0x1];
	p0 =	sne.s32 s2, $0x0  }
0x3c2: {  	s3 =	rddreg [dreg:$0x2];
	[bflag:$0x3] =	sbarrier.arrive $0xFFFF;
	s2 =	simm.s32 @!p0 $0x1C04  }
0x3c3: {  	[timem:s3], [sflag:s2] =	dma.local @!p0 [hbm:s0], s1  }
0x3c4: {  	s0 =	simm.s32 @!p0 $0x4  }
0x3c5: {  	_ =	swait.ge @!p0 [sflag:s0], s1  }
0x3c6: {  	s1 =	ssub.s32 @!p0 $0x0, s1;
	[sflag:s0] =	ssyncset.done @!p0 $0x0  }
0x3c7: {  	[sflag:s0] =	ssyncadd.s32 @!p0 s1  }
0x3c8: {  	[bflag:$0x3] =	sbarrier.arrive $0xFFFF  }
0x3c9: {  	_ =	shalt  }

</sc_bundles>
